<compile_context>
chip_gen: v7x
topology: tpu7x:2x2x1
jax: 0.10.2.dev20260603
libtpu: 0.0.44.dev20260713+nightly
codegen_flags: <defaults>
</compile_context>

<pallas_src>
import functools

import jax
import jax.numpy as jnp
from jax import lax
from jax.experimental import pallas as pl
from jax.experimental.pallas import tpu as pltpu
from jax.experimental.pallas import tpu_sc as plsc

NC = 2
NS = 16
L = 16
D = 128
C = 128
NBUF = 4
RU = 8


@functools.partial(jax.jit, static_argnums=(0, 1))
def _sc_joint_embedding(batch, seq, idx_t, tok, seg, pos):
    nw = NC * NS
    n_chunks = seq
    half = seq // 2
    mesh = plsc.VectorSubcoreMesh(core_axis_name="c", subcore_axis_name="s")

    @functools.partial(
        pl.kernel,
        out_type=jax.ShapeDtypeStruct((batch, seq, D), jnp.float32),
        mesh=mesh,
        scratch_types=[
            pltpu.VMEM((seq, D), jnp.float32),
            pltpu.VMEM((2, D), jnp.float32),
            pltpu.VMEM((seq, C), jnp.int32),
            pltpu.VMEM((NBUF, C, D), jnp.float32),
            [pltpu.SemaphoreType.DMA] * NBUF,
            [pltpu.SemaphoreType.DMA] * NBUF,
        ],
    )
    def k(idx_hbm, tok_hbm, seg_hbm, pos_hbm, out_hbm,
          posb, segv, idxa, rows, gsem, ssem):
        wid = lax.axis_index("s") * NC + lax.axis_index("c")
        wb = wid * C

        pltpu.sync_copy(idx_hbm.at[pl.ds(0, seq), pl.ds(wb, C)], idxa)
        pltpu.sync_copy(pos_hbm.at[pl.ds(0, seq)], posb)
        pltpu.sync_copy(seg_hbm.at[pl.ds(0, 2)], segv)

        def gat_copy(t, b):
            return pltpu.make_async_copy(
                tok_hbm.at[idxa.at[t]], rows.at[b], gsem[b])

        def scat_copy(t, b):
            return pltpu.make_async_copy(
                rows.at[b], out_hbm.at[pl.ds(wb, C), t], ssem[b])

        for t in range(NBUF - 2):
            gat_copy(t, t).start()

        def group(g, carry):
            for b in range(NBUF):
                j = g * NBUF + b
                tg = j + NBUF - 2
                bg = (b + NBUF - 2) % NBUF

                @pl.when(tg < n_chunks)
                def _():
                    @pl.when(j >= 2)
                    def _():
                        scat_copy(j - 2, bg).wait()
                    gat_copy(tg, bg).start()

                gat_copy(j, b).wait()

                srow = jnp.where(j > half, 1, 0)
                bias_c = [posb[j, pl.ds(c * L, L)] + segv[srow, pl.ds(c * L, L)]
                          for c in range(D // L)]

                def add_bias(r, inner):
                    base = r * RU
                    for k in range(RU):
                        for c in range(D // L):
                            plsc.addupdate(
                                rows.at[b, base + k, pl.ds(c * L, L)],
                                bias_c[c])
                    return inner
                lax.fori_loop(0, C // RU, add_bias, 0)

                scat_copy(j, b).start()
            return carry

        lax.fori_loop(0, n_chunks // NBUF, group, 0)

        for b in range(NBUF):
            scat_copy(n_chunks - NBUF + b, b).wait()

    return k(idx_t, tok, seg, pos)


def kernel(input_tensor, token_emb, segment_emb, positional_emb):
    b, s = input_tensor.shape
    idx_t = input_tensor.T
    return _sc_joint_embedding(b, s, idx_t, token_emb,
                               segment_emb, positional_emb)

# --- scband reference (transcript-rebuilt; emitter-appended) ---
"""Pipeline reference for scband-joint-embedding-45457933861071 (READ-ONLY COPY).

The authoritative reference and input builder live on the scoring server;
editing this copy changes nothing except your own understanding.
"""

import jax, jax.numpy as jnp
import numpy as np

VOCAB = 100000
SIZE = 128
BATCH = 4096
SEQ = 200

def setup_inputs(seed: int = 0) -> dict:
    key = jax.random.key(seed)
    k1, k2, k3, k4 = jax.random.split(key, 4)
    input_tensor = jax.random.randint(k1, (BATCH, SEQ), 0, VOCAB, dtype=jnp.int32)
    token_emb = jax.random.normal(k2, (VOCAB, SIZE), dtype=jnp.float32) * 0.02
    segment_emb = jax.random.normal(k3, (VOCAB, SIZE), dtype=jnp.float32) * 0.02
    positional_emb = jax.random.normal(k4, (VOCAB, SIZE), dtype=jnp.float32) * 0.02
    return {"input_tensor": input_tensor, "token_emb": token_emb, "segment_emb": segment_emb, "positional_emb": positional_emb}

def reference(input_tensor, token_emb, segment_emb, positional_emb):
    sentence_size = input_tensor.shape[-1]
    segment_tensor = jnp.zeros_like(input_tensor)
    segment_tensor = segment_tensor.at[:, sentence_size // 2 + 1:].set(1)
    pos_tensor = jnp.broadcast_to(jnp.arange(sentence_size, dtype=input_tensor.dtype), input_tensor.shape)
    output = jnp.take(token_emb, input_tensor, axis=0) + jnp.take(segment_emb, segment_tensor, axis=0) + jnp.take(positional_emb, pos_tensor, axis=0)
    return output

if __name__ == "__main__":
    import jax
    _d = setup_inputs()
    print(jax.jit(kernel)(*tuple(_d.values())))

</pallas_src>

<mosaic_0001>
#map = affine_map<(d0, d1) -> (0, 0)>
#map1 = affine_map<(d0, d1) -> (0, 0, 0)>
module attributes {stable_mosaic.version = 14 : i64} {
  func.func @k(%arg0: i32, %arg1: i32, %arg2: memref<200x4096xi32, #tpu.memory_space<hbm>>, %arg3: memref<100000x128xf32, #tpu.memory_space<hbm>>, %arg4: memref<100000x128xf32, #tpu.memory_space<hbm>>, %arg5: memref<100000x128xf32, #tpu.memory_space<hbm>>, %arg6: memref<4096x200x128xf32, #tpu.memory_space<hbm>>, %arg7: memref<200x128xf32, #tpu.memory_space<vmem>>, %arg8: memref<2x128xf32, #tpu.memory_space<vmem>>, %arg9: memref<200x128xi32, #tpu.memory_space<vmem>>, %arg10: memref<4x128x128xf32, #tpu.memory_space<vmem>>, %arg11: memref<!tpu.dma_semaphore, #tpu.memory_space<semaphore_mem>>, %arg12: memref<!tpu.dma_semaphore, #tpu.memory_space<semaphore_mem>>, %arg13: memref<!tpu.dma_semaphore, #tpu.memory_space<semaphore_mem>>, %arg14: memref<!tpu.dma_semaphore, #tpu.memory_space<semaphore_mem>>, %arg15: memref<!tpu.dma_semaphore, #tpu.memory_space<semaphore_mem>>, %arg16: memref<!tpu.dma_semaphore, #tpu.memory_space<semaphore_mem>>, %arg17: memref<!tpu.dma_semaphore, #tpu.memory_space<semaphore_mem>>, %arg18: memref<!tpu.dma_semaphore, #tpu.memory_space<semaphore_mem>>) attributes {dimension_semantics = [#tpu.dimension_semantics<core_parallel>, #tpu.dimension_semantics<subcore_parallel>], iteration_bounds = array<i64: 2, 16>, scalar_prefetch = 0 : i64, scratch_operands = 12 : i64, tpu.core_type = #tpu.core_type<sc_vector_subcore>, window_params = [{transform_indices = #map}, {transform_indices = #map}, {transform_indices = #map}, {transform_indices = #map}, {transform_indices = #map1}]} {
    %mul3A = arith.constant 2 : i32
    %mul3A_0 = arith.muli %arg1, %mul3A : i32
    %add3A = arith.addi %mul3A_0, %arg0 : i32
    %mul3A_1 = arith.constant 128 : i32
    %mul3A_2 = arith.muli %add3A, %mul3A_1 : i32
    "tpu.region"() ({
      %run_scoped3A = tpu.sem_alloc : memref<!tpu.dma_semaphore, #tpu.memory_space<semaphore_mem>>
      %dma_start3A_94 = arith.constant 0 : i32
      %dma_start3A_95 = tpu.memref_slice %arg2[%dma_start3A_94, %mul3A_2] : memref<200x4096xi32, #tpu.memory_space<hbm>> -> memref<200x128xi32, #tpu.memory_space<hbm>>
      %dma_start3A_96 = arith.constant 0 : i32
      %dma_start3A_97 = tpu.memref_slice %arg2[%dma_start3A_96, %mul3A_2] : memref<200x4096xi32, #tpu.memory_space<hbm>> -> memref<200x128xi32, #tpu.memory_space<hbm>>
      tpu.enqueue_dma source(%dma_start3A_97 : memref<200x128xi32, #tpu.memory_space<hbm>>) target(%arg9 : memref<200x128xi32, #tpu.memory_space<vmem>>) target_semaphore(%run_scoped3A : memref<!tpu.dma_semaphore, #tpu.memory_space<semaphore_mem>>)
      %dma_wait3A_98 = arith.constant 0 : i32
      %dma_wait3A_99 = tpu.memref_slice %arg2[%dma_wait3A_98, %mul3A_2] : memref<200x4096xi32, #tpu.memory_space<hbm>> -> memref<200x128xi32, #tpu.memory_space<hbm>>
      %dma_wait3A_100 = arith.constant 0 : i32
      %dma_wait3A_101 = tpu.memref_slice %arg2[%dma_wait3A_100, %mul3A_2] : memref<200x4096xi32, #tpu.memory_space<hbm>> -> memref<200x128xi32, #tpu.memory_space<hbm>>
      tpu.wait_dma2 semaphore(%run_scoped3A : memref<!tpu.dma_semaphore, #tpu.memory_space<semaphore_mem>>) src(%dma_wait3A_101 : memref<200x128xi32, #tpu.memory_space<hbm>>) dst(%arg9 : memref<200x128xi32, #tpu.memory_space<vmem>>)
      tpu.yield
    }) : () -> ()
    "tpu.region"() ({
      %run_scoped3A = tpu.sem_alloc : memref<!tpu.dma_semaphore, #tpu.memory_space<semaphore_mem>>
      %dma_start3A_94 = arith.constant 0 : i32
      %dma_start3A_95 = arith.constant 0 : i32
      %dma_start3A_96 = tpu.memref_slice %arg5[%dma_start3A_94, %dma_start3A_95] : memref<100000x128xf32, #tpu.memory_space<hbm>> -> memref<200x128xf32, #tpu.memory_space<hbm>>
      %dma_start3A_97 = arith.constant 0 : i32
      %dma_start3A_98 = arith.constant 0 : i32
      %dma_start3A_99 = tpu.memref_slice %arg5[%dma_start3A_97, %dma_start3A_98] : memref<100000x128xf32, #tpu.memory_space<hbm>> -> memref<200x128xf32, #tpu.memory_space<hbm>>
      tpu.enqueue_dma source(%dma_start3A_99 : memref<200x128xf32, #tpu.memory_space<hbm>>) target(%arg7 : memref<200x128xf32, #tpu.memory_space<vmem>>) target_semaphore(%run_scoped3A : memref<!tpu.dma_semaphore, #tpu.memory_space<semaphore_mem>>)
      %dma_wait3A_100 = arith.constant 0 : i32
      %dma_wait3A_101 = arith.constant 0 : i32
      %dma_wait3A_102 = tpu.memref_slice %arg5[%dma_wait3A_100, %dma_wait3A_101] : memref<100000x128xf32, #tpu.memory_space<hbm>> -> memref<200x128xf32, #tpu.memory_space<hbm>>
      %dma_wait3A_103 = arith.constant 0 : i32
      %dma_wait3A_104 = arith.constant 0 : i32
      %dma_wait3A_105 = tpu.memref_slice %arg5[%dma_wait3A_103, %dma_wait3A_104] : memref<100000x128xf32, #tpu.memory_space<hbm>> -> memref<200x128xf32, #tpu.memory_space<hbm>>
      tpu.wait_dma2 semaphore(%run_scoped3A : memref<!tpu.dma_semaphore, #tpu.memory_space<semaphore_mem>>) src(%dma_wait3A_105 : memref<200x128xf32, #tpu.memory_space<hbm>>) dst(%arg7 : memref<200x128xf32, #tpu.memory_space<vmem>>)
      tpu.yield
    }) : () -> ()
    "tpu.region"() ({
      %run_scoped3A = tpu.sem_alloc : memref<!tpu.dma_semaphore, #tpu.memory_space<semaphore_mem>>
      %dma_start3A_94 = arith.constant 0 : i32
      %dma_start3A_95 = arith.constant 0 : i32
      %dma_start3A_96 = tpu.memref_slice %arg4[%dma_start3A_94, %dma_start3A_95] : memref<100000x128xf32, #tpu.memory_space<hbm>> -> memref<2x128xf32, #tpu.memory_space<hbm>>
      %dma_start3A_97 = arith.constant 0 : i32
      %dma_start3A_98 = arith.constant 0 : i32
      %dma_start3A_99 = tpu.memref_slice %arg4[%dma_start3A_97, %dma_start3A_98] : memref<100000x128xf32, #tpu.memory_space<hbm>> -> memref<2x128xf32, #tpu.memory_space<hbm>>
      tpu.enqueue_dma source(%dma_start3A_99 : memref<2x128xf32, #tpu.memory_space<hbm>>) target(%arg8 : memref<2x128xf32, #tpu.memory_space<vmem>>) target_semaphore(%run_scoped3A : memref<!tpu.dma_semaphore, #tpu.memory_space<semaphore_mem>>)
      %dma_wait3A_100 = arith.constant 0 : i32
      %dma_wait3A_101 = arith.constant 0 : i32
      %dma_wait3A_102 = tpu.memref_slice %arg4[%dma_wait3A_100, %dma_wait3A_101] : memref<100000x128xf32, #tpu.memory_space<hbm>> -> memref<2x128xf32, #tpu.memory_space<hbm>>
      %dma_wait3A_103 = arith.constant 0 : i32
      %dma_wait3A_104 = arith.constant 0 : i32
      %dma_wait3A_105 = tpu.memref_slice %arg4[%dma_wait3A_103, %dma_wait3A_104] : memref<100000x128xf32, #tpu.memory_space<hbm>> -> memref<2x128xf32, #tpu.memory_space<hbm>>
      tpu.wait_dma2 semaphore(%run_scoped3A : memref<!tpu.dma_semaphore, #tpu.memory_space<semaphore_mem>>) src(%dma_wait3A_105 : memref<2x128xf32, #tpu.memory_space<hbm>>) dst(%arg8 : memref<2x128xf32, #tpu.memory_space<vmem>>)
      tpu.yield
    }) : () -> ()
    %dma_start3A = arith.constant 0 : i32
    %dma_start3A_3 = arith.constant 0 : i32
    %dma_start3A_4 = arith.constant 0 : i32
    %dma_start3A_5 = arith.constant 0 : i32
    %dma_start3A_6 = tpu.memref_slice %arg10[%dma_start3A_3, %dma_start3A_4, %dma_start3A_5] : memref<4x128x128xf32, #tpu.memory_space<vmem>> -> memref<1x128x128xf32, #tpu.memory_space<vmem>>
    %dma_start3A_7 = tpu.memref_squeeze %dma_start3A_6 : memref<1x128x128xf32, #tpu.memory_space<vmem>> -> memref<128x128xf32, #tpu.memory_space<vmem>>
    %dma_start3A_8 = arith.constant 0 : i32
    %dma_start3A_9 = tpu.memref_slice %arg9[%dma_start3A, %dma_start3A_8] : memref<200x128xi32, #tpu.memory_space<vmem>> -> memref<1x128xi32, #tpu.memory_space<vmem>>
    %dma_start3A_10 = tpu.memref_squeeze %dma_start3A_9 : memref<1x128xi32, #tpu.memory_space<vmem>> -> memref<128xi32, #tpu.memory_space<vmem>>
    %dma_start3A_11 = arith.constant 0 : i32
    %dma_start3A_12 = arith.constant 0 : i32
    %dma_start3A_13 = tpu.memref_slice %arg3[%dma_start3A_11, %dma_start3A_12] : memref<100000x128xf32, #tpu.memory_space<hbm>> -> memref<100000x128xf32, #tpu.memory_space<hbm>>
    tpu.enqueue_indirect_dma source(%dma_start3A_13 : memref<100000x128xf32, #tpu.memory_space<hbm>>) target(%dma_start3A_7 : memref<128x128xf32, #tpu.memory_space<vmem>>) offsets(%dma_start3A_10 : memref<128xi32, #tpu.memory_space<vmem>>) semaphore(%arg11 : memref<!tpu.dma_semaphore, #tpu.memory_space<semaphore_mem>>)
    %dma_start3A_14 = arith.constant 1 : i32
    %dma_start3A_15 = arith.constant 1 : i32
    %dma_start3A_16 = arith.constant 0 : i32
    %dma_start3A_17 = arith.constant 0 : i32
    %dma_start3A_18 = tpu.memref_slice %arg10[%dma_start3A_15, %dma_start3A_16, %dma_start3A_17] : memref<4x128x128xf32, #tpu.memory_space<vmem>> -> memref<1x128x128xf32, #tpu.memory_space<vmem>>
    %dma_start3A_19 = tpu.memref_squeeze %dma_start3A_18 : memref<1x128x128xf32, #tpu.memory_space<vmem>> -> memref<128x128xf32, #tpu.memory_space<vmem>>
    %dma_start3A_20 = arith.constant 0 : i32
    %dma_start3A_21 = tpu.memref_slice %arg9[%dma_start3A_14, %dma_start3A_20] : memref<200x128xi32, #tpu.memory_space<vmem>> -> memref<1x128xi32, #tpu.memory_space<vmem>>
    %dma_start3A_22 = tpu.memref_squeeze %dma_start3A_21 : memref<1x128xi32, #tpu.memory_space<vmem>> -> memref<128xi32, #tpu.memory_space<vmem>>
    %dma_start3A_23 = arith.constant 0 : i32
    %dma_start3A_24 = arith.constant 0 : i32
    %dma_start3A_25 = tpu.memref_slice %arg3[%dma_start3A_23, %dma_start3A_24] : memref<100000x128xf32, #tpu.memory_space<hbm>> -> memref<100000x128xf32, #tpu.memory_space<hbm>>
    tpu.enqueue_indirect_dma source(%dma_start3A_25 : memref<100000x128xf32, #tpu.memory_space<hbm>>) target(%dma_start3A_19 : memref<128x128xf32, #tpu.memory_space<vmem>>) offsets(%dma_start3A_22 : memref<128xi32, #tpu.memory_space<vmem>>) semaphore(%arg12 : memref<!tpu.dma_semaphore, #tpu.memory_space<semaphore_mem>>)
    %scan3A = arith.constant 0 : i32
    %scan3A_26 = arith.constant 0 : i32
    %scan3A_27 = arith.constant 50 : i32
    %scan3A_28 = arith.addi %scan3A_26, %scan3A_27 : i32
    %scan3A_29 = arith.constant 1 : i32
    scf.for %scan3A_94 = %scan3A_26 to %scan3A_28 step %scan3A_29  : i32 {
      %mul3A_95 = arith.constant 4 : i32
      %mul3A_96 = arith.muli %scan3A_94, %mul3A_95 : i32
      %add3A_97 = arith.constant 0 : i32
      %add3A_98 = arith.addi %mul3A_96, %add3A_97 : i32
      %add3A_99 = arith.constant 4 : i32
      %add3A_100 = arith.addi %add3A_98, %add3A_99 : i32
      %sub3A = arith.constant 2 : i32
      %sub3A_101 = arith.subi %add3A_100, %sub3A : i32
      %lt3A = arith.constant 200 : i32
      %lt3A_102 = arith.cmpi slt, %sub3A_101, %lt3A : i32
      %convert_element_type3A = arith.extui %lt3A_102 : i1 to i32
      %cond3A = arith.constant 0 : i32
      %cond3A_103 = arith.cmpi ne, %convert_element_type3A, %cond3A : i32
      scf.if %cond3A_103 {
        %ge3A = arith.constant 2 : i32
        %ge3A_575 = arith.cmpi sge, %add3A_98, %ge3A : i32
        %convert_element_type3A_576 = arith.extui %ge3A_575 : i1 to i32
        %cond3A_577 = arith.constant 0 : i32
        %cond3A_578 = arith.cmpi ne, %convert_element_type3A_576, %cond3A_577 : i32
        scf.if %cond3A_578 {
          %sub3A_590 = arith.constant 2 : i32
          %sub3A_591 = arith.subi %add3A_98, %sub3A_590 : i32
          %dma_wait3A_592 = arith.constant 2 : i32
          %dma_wait3A_593 = arith.constant 0 : i32
          %dma_wait3A_594 = arith.constant 0 : i32
          %dma_wait3A_595 = tpu.memref_slice %arg10[%dma_wait3A_592, %dma_wait3A_593, %dma_wait3A_594] : memref<4x128x128xf32, #tpu.memory_space<vmem>> -> memref<1x128x128xf32, #tpu.memory_space<vmem>>
          %dma_wait3A_596 = tpu.memref_squeeze %dma_wait3A_595 : memref<1x128x128xf32, #tpu.memory_space<vmem>> -> memref<128x128xf32, #tpu.memory_space<vmem>>
          %dma_wait3A_597 = arith.constant 0 : i32
          %dma_wait3A_598 = tpu.memref_slice %arg6[%mul3A_2, %sub3A_591, %dma_wait3A_597] : memref<4096x200x128xf32, #tpu.memory_space<hbm>> -> memref<128x1x128xf32, #tpu.memory_space<hbm>>
          %dma_wait3A_599 = tpu.memref_squeeze %dma_wait3A_598 : memref<128x1x128xf32, #tpu.memory_space<hbm>> -> memref<128x128xf32, #tpu.memory_space<hbm>>
          %dma_wait3A_600 = arith.constant 0 : i32
          %dma_wait3A_601 = tpu.memref_slice %arg6[%mul3A_2, %sub3A_591, %dma_wait3A_600] : memref<4096x200x128xf32, #tpu.memory_space<hbm>> -> memref<128x1x128xf32, #tpu.memory_space<hbm>>
          %dma_wait3A_602 = tpu.memref_squeeze %dma_wait3A_601 : memref<128x1x128xf32, #tpu.memory_space<hbm>> -> memref<128x128xf32, #tpu.memory_space<hbm>>
          %dma_wait3A_603 = arith.constant 0 : i32
          %dma_wait3A_604 = arith.constant 0 : i32
          %dma_wait3A_605 = tpu.memref_slice %arg10[%dma_wait3A_592, %dma_wait3A_603, %dma_wait3A_604] : memref<4x128x128xf32, #tpu.memory_space<vmem>> -> memref<1x128x128xf32, #tpu.memory_space<vmem>>
          %dma_wait3A_606 = tpu.memref_squeeze %dma_wait3A_605 : memref<1x128x128xf32, #tpu.memory_space<vmem>> -> memref<128x128xf32, #tpu.memory_space<vmem>>
          tpu.wait_dma2 semaphore(%arg17 : memref<!tpu.dma_semaphore, #tpu.memory_space<semaphore_mem>>) src(%dma_wait3A_606 : memref<128x128xf32, #tpu.memory_space<vmem>>) dst(%dma_wait3A_602 : memref<128x128xf32, #tpu.memory_space<hbm>>)
        } else {
        }
        %dma_start3A_579 = arith.constant 2 : i32
        %dma_start3A_580 = arith.constant 0 : i32
        %dma_start3A_581 = arith.constant 0 : i32
        %dma_start3A_582 = tpu.memref_slice %arg10[%dma_start3A_579, %dma_start3A_580, %dma_start3A_581] : memref<4x128x128xf32, #tpu.memory_space<vmem>> -> memref<1x128x128xf32, #tpu.memory_space<vmem>>
        %dma_start3A_583 = tpu.memref_squeeze %dma_start3A_582 : memref<1x128x128xf32, #tpu.memory_space<vmem>> -> memref<128x128xf32, #tpu.memory_space<vmem>>
        %dma_start3A_584 = arith.constant 0 : i32
        %dma_start3A_585 = tpu.memref_slice %arg9[%sub3A_101, %dma_start3A_584] : memref<200x128xi32, #tpu.memory_space<vmem>> -> memref<1x128xi32, #tpu.memory_space<vmem>>
        %dma_start3A_586 = tpu.memref_squeeze %dma_start3A_585 : memref<1x128xi32, #tpu.memory_space<vmem>> -> memref<128xi32, #tpu.memory_space<vmem>>
        %dma_start3A_587 = arith.constant 0 : i32
        %dma_start3A_588 = arith.constant 0 : i32
        %dma_start3A_589 = tpu.memref_slice %arg3[%dma_start3A_587, %dma_start3A_588] : memref<100000x128xf32, #tpu.memory_space<hbm>> -> memref<100000x128xf32, #tpu.memory_space<hbm>>
        tpu.enqueue_indirect_dma source(%dma_start3A_589 : memref<100000x128xf32, #tpu.memory_space<hbm>>) target(%dma_start3A_583 : memref<128x128xf32, #tpu.memory_space<vmem>>) offsets(%dma_start3A_586 : memref<128xi32, #tpu.memory_space<vmem>>) semaphore(%arg13 : memref<!tpu.dma_semaphore, #tpu.memory_space<semaphore_mem>>)
      } else {
      }
      %dma_wait3A_104 = arith.constant 0 : i32
      %dma_wait3A_105 = arith.constant 0 : i32
      %dma_wait3A_106 = arith.constant 0 : i32
      %dma_wait3A_107 = tpu.memref_slice %arg10[%dma_wait3A_104, %dma_wait3A_105, %dma_wait3A_106] : memref<4x128x128xf32, #tpu.memory_space<vmem>> -> memref<1x128x128xf32, #tpu.memory_space<vmem>>
      %dma_wait3A_108 = tpu.memref_squeeze %dma_wait3A_107 : memref<1x128x128xf32, #tpu.memory_space<vmem>> -> memref<128x128xf32, #tpu.memory_space<vmem>>
      %dma_wait3A_109 = arith.constant 0 : i32
      %dma_wait3A_110 = tpu.memref_slice %arg9[%add3A_98, %dma_wait3A_109] : memref<200x128xi32, #tpu.memory_space<vmem>> -> memref<1x128xi32, #tpu.memory_space<vmem>>
      %dma_wait3A_111 = tpu.memref_squeeze %dma_wait3A_110 : memref<1x128xi32, #tpu.memory_space<vmem>> -> memref<128xi32, #tpu.memory_space<vmem>>
      %dma_wait3A_112 = arith.constant 0 : i32
      %dma_wait3A_113 = arith.constant 0 : i32
      %dma_wait3A_114 = tpu.memref_slice %arg3[%dma_wait3A_112, %dma_wait3A_113] : memref<100000x128xf32, #tpu.memory_space<hbm>> -> memref<100000x128xf32, #tpu.memory_space<hbm>>
      tpu.wait_indirect_dma semaphore(%arg11 : memref<!tpu.dma_semaphore, #tpu.memory_space<semaphore_mem>>) src(%dma_wait3A_114 : memref<100000x128xf32, #tpu.memory_space<hbm>>) dst(%dma_wait3A_108 : memref<128x128xf32, #tpu.memory_space<vmem>>)
      %gt3A = arith.constant 100 : i32
      %gt3A_115 = arith.cmpi sgt, %add3A_98, %gt3A : i32
      %jit3A = arith.constant 1 : i32
      %jit3A_116 = arith.constant 0 : i32
      %select_n3A = arith.select %gt3A_115, %jit3A, %jit3A_116 : i32
      %get3A = arith.index_cast %add3A_98 : i32 to index
      %get3A_117 = arith.constant 0 : index
      %get3A_118 = tpu.vector_load %arg7[%get3A, %get3A_117] {strides = array<i32>} : memref<200x128xf32, #tpu.memory_space<vmem>>, vector<1x16xf32>,
      %get3A_119 = vector.shape_cast %get3A_118 : vector<1x16xf32> to vector<16xf32>
      %get3A_120 = arith.index_cast %select_n3A : i32 to index
      %get3A_121 = arith.constant 0 : index
      %get3A_122 = tpu.vector_load %arg8[%get3A_120, %get3A_121] {strides = array<i32>} : memref<2x128xf32, #tpu.memory_space<vmem>>, vector<1x16xf32>,
      %get3A_123 = vector.shape_cast %get3A_122 : vector<1x16xf32> to vector<16xf32>
      %add3A_124 = arith.addf %get3A_119, %get3A_123 : vector<16xf32>
      %get3A_125 = arith.index_cast %add3A_98 : i32 to index
      %get3A_126 = arith.constant 16 : index
      %get3A_127 = tpu.vector_load %arg7[%get3A_125, %get3A_126] {strides = array<i32>} : memref<200x128xf32, #tpu.memory_space<vmem>>, vector<1x16xf32>,
      %get3A_128 = vector.shape_cast %get3A_127 : vector<1x16xf32> to vector<16xf32>
      %get3A_129 = arith.index_cast %select_n3A : i32 to index
      %get3A_130 = arith.constant 16 : index
      %get3A_131 = tpu.vector_load %arg8[%get3A_129, %get3A_130] {strides = array<i32>} : memref<2x128xf32, #tpu.memory_space<vmem>>, vector<1x16xf32>,
      %get3A_132 = vector.shape_cast %get3A_131 : vector<1x16xf32> to vector<16xf32>
      %add3A_133 = arith.addf %get3A_128, %get3A_132 : vector<16xf32>
      %get3A_134 = arith.index_cast %add3A_98 : i32 to index
      %get3A_135 = arith.constant 32 : index
      %get3A_136 = tpu.vector_load %arg7[%get3A_134, %get3A_135] {strides = array<i32>} : memref<200x128xf32, #tpu.memory_space<vmem>>, vector<1x16xf32>,
      %get3A_137 = vector.shape_cast %get3A_136 : vector<1x16xf32> to vector<16xf32>
      %get3A_138 = arith.index_cast %select_n3A : i32 to index
      %get3A_139 = arith.constant 32 : index
      %get3A_140 = tpu.vector_load %arg8[%get3A_138, %get3A_139] {strides = array<i32>} : memref<2x128xf32, #tpu.memory_space<vmem>>, vector<1x16xf32>,
      %get3A_141 = vector.shape_cast %get3A_140 : vector<1x16xf32> to vector<16xf32>
      %add3A_142 = arith.addf %get3A_137, %get3A_141 : vector<16xf32>
      %get3A_143 = arith.index_cast %add3A_98 : i32 to index
      %get3A_144 = arith.constant 48 : index
      %get3A_145 = tpu.vector_load %arg7[%get3A_143, %get3A_144] {strides = array<i32>} : memref<200x128xf32, #tpu.memory_space<vmem>>, vector<1x16xf32>,
      %get3A_146 = vector.shape_cast %get3A_145 : vector<1x16xf32> to vector<16xf32>
      %get3A_147 = arith.index_cast %select_n3A : i32 to index
      %get3A_148 = arith.constant 48 : index
      %get3A_149 = tpu.vector_load %arg8[%get3A_147, %get3A_148] {strides = array<i32>} : memref<2x128xf32, #tpu.memory_space<vmem>>, vector<1x16xf32>,
      %get3A_150 = vector.shape_cast %get3A_149 : vector<1x16xf32> to vector<16xf32>
      %add3A_151 = arith.addf %get3A_146, %get3A_150 : vector<16xf32>
      %get3A_152 = arith.index_cast %add3A_98 : i32 to index
      %get3A_153 = arith.constant 64 : index
      %get3A_154 = tpu.vector_load %arg7[%get3A_152, %get3A_153] {strides = array<i32>} : memref<200x128xf32, #tpu.memory_space<vmem>>, vector<1x16xf32>,
      %get3A_155 = vector.shape_cast %get3A_154 : vector<1x16xf32> to vector<16xf32>
      %get3A_156 = arith.index_cast %select_n3A : i32 to index
      %get3A_157 = arith.constant 64 : index
      %get3A_158 = tpu.vector_load %arg8[%get3A_156, %get3A_157] {strides = array<i32>} : memref<2x128xf32, #tpu.memory_space<vmem>>, vector<1x16xf32>,
      %get3A_159 = vector.shape_cast %get3A_158 : vector<1x16xf32> to vector<16xf32>
      %add3A_160 = arith.addf %get3A_155, %get3A_159 : vector<16xf32>
      %get3A_161 = arith.index_cast %add3A_98 : i32 to index
      %get3A_162 = arith.constant 80 : index
      %get3A_163 = tpu.vector_load %arg7[%get3A_161, %get3A_162] {strides = array<i32>} : memref<200x128xf32, #tpu.memory_space<vmem>>, vector<1x16xf32>,
      %get3A_164 = vector.shape_cast %get3A_163 : vector<1x16xf32> to vector<16xf32>
      %get3A_165 = arith.index_cast %select_n3A : i32 to index
      %get3A_166 = arith.constant 80 : index
      %get3A_167 = tpu.vector_load %arg8[%get3A_165, %get3A_166] {strides = array<i32>} : memref<2x128xf32, #tpu.memory_space<vmem>>, vector<1x16xf32>,
      %get3A_168 = vector.shape_cast %get3A_167 : vector<1x16xf32> to vector<16xf32>
      %add3A_169 = arith.addf %get3A_164, %get3A_168 : vector<16xf32>
      %get3A_170 = arith.index_cast %add3A_98 : i32 to index
      %get3A_171 = arith.constant 96 : index
      %get3A_172 = tpu.vector_load %arg7[%get3A_170, %get3A_171] {strides = array<i32>} : memref<200x128xf32, #tpu.memory_space<vmem>>, vector<1x16xf32>,
      %get3A_173 = vector.shape_cast %get3A_172 : vector<1x16xf32> to vector<16xf32>
      %get3A_174 = arith.index_cast %select_n3A : i32 to index
      %get3A_175 = arith.constant 96 : index
      %get3A_176 = tpu.vector_load %arg8[%get3A_174, %get3A_175] {strides = array<i32>} : memref<2x128xf32, #tpu.memory_space<vmem>>, vector<1x16xf32>,
      %get3A_177 = vector.shape_cast %get3A_176 : vector<1x16xf32> to vector<16xf32>
      %add3A_178 = arith.addf %get3A_173, %get3A_177 : vector<16xf32>
      %get3A_179 = arith.index_cast %add3A_98 : i32 to index
      %get3A_180 = arith.constant 112 : index
      %get3A_181 = tpu.vector_load %arg7[%get3A_179, %get3A_180] {strides = array<i32>} : memref<200x128xf32, #tpu.memory_space<vmem>>, vector<1x16xf32>,
      %get3A_182 = vector.shape_cast %get3A_181 : vector<1x16xf32> to vector<16xf32>
      %get3A_183 = arith.index_cast %select_n3A : i32 to index
      %get3A_184 = arith.constant 112 : index
      %get3A_185 = tpu.vector_load %arg8[%get3A_183, %get3A_184] {strides = array<i32>} : memref<2x128xf32, #tpu.memory_space<vmem>>, vector<1x16xf32>,
      %get3A_186 = vector.shape_cast %get3A_185 : vector<1x16xf32> to vector<16xf32>
      %add3A_187 = arith.addf %get3A_182, %get3A_186 : vector<16xf32>
      %scan3A_188 = arith.constant 0 : i32
      %scan3A_189 = arith.constant 0 : i32
      %scan3A_190 = arith.constant 16 : i32
      %scan3A_191 = arith.addi %scan3A_189, %scan3A_190 : i32
      %scan3A_192 = arith.constant 1 : i32
      scf.for %scan3A_575 = %scan3A_189 to %scan3A_191 step %scan3A_192  : i32 {
        %mul3A_576 = arith.constant 8 : i32
        %mul3A_577 = arith.muli %scan3A_575, %mul3A_576 : i32
        %add3A_578 = arith.constant 0 : i32
        %add3A_579 = arith.addi %mul3A_577, %add3A_578 : i32
        %swap3A = arith.constant 0 : i32
        %swap3A_580 = arith.index_cast %swap3A : i32 to index
        %swap3A_581 = arith.index_cast %add3A_579 : i32 to index
        %swap3A_582 = arith.constant 0 : index
        %swap3A_583 = tpu.vector_load %arg10[%swap3A_580, %swap3A_581, %swap3A_582] {strides = array<i32>} : memref<4x128x128xf32, #tpu.memory_space<vmem>>, vector<1x1x16xf32>,
        %swap3A_584 = vector.shape_cast %swap3A_583 : vector<1x1x16xf32> to vector<16xf32>
        %swap3A_585 = vector.shape_cast %add3A_124 : vector<16xf32> to vector<1x1x16xf32>
        tpu.vector_store %arg10[%swap3A_580, %swap3A_581, %swap3A_582], %swap3A_585 {add = true, strides = array<i32>} : memref<4x128x128xf32, #tpu.memory_space<vmem>>, vector<1x1x16xf32>,
        %add3A_586 = arith.constant 0 : i32
        %add3A_587 = arith.addi %mul3A_577, %add3A_586 : i32
        %swap3A_588 = arith.constant 0 : i32
        %swap3A_589 = arith.index_cast %swap3A_588 : i32 to index
        %swap3A_590 = arith.index_cast %add3A_587 : i32 to index
        %swap3A_591 = arith.constant 16 : index
        %swap3A_592 = tpu.vector_load %arg10[%swap3A_589, %swap3A_590, %swap3A_591] {strides = array<i32>} : memref<4x128x128xf32, #tpu.memory_space<vmem>>, vector<1x1x16xf32>,
        %swap3A_593 = vector.shape_cast %swap3A_592 : vector<1x1x16xf32> to vector<16xf32>
        %swap3A_594 = vector.shape_cast %add3A_133 : vector<16xf32> to vector<1x1x16xf32>
        tpu.vector_store %arg10[%swap3A_589, %swap3A_590, %swap3A_591], %swap3A_594 {add = true, strides = array<i32>} : memref<4x128x128xf32, #tpu.memory_space<vmem>>, vector<1x1x16xf32>,
        %add3A_595 = arith.constant 0 : i32
        %add3A_596 = arith.addi %mul3A_577, %add3A_595 : i32
        %swap3A_597 = arith.constant 0 : i32
        %swap3A_598 = arith.index_cast %swap3A_597 : i32 to index
        %swap3A_599 = arith.index_cast %add3A_596 : i32 to index
        %swap3A_600 = arith.constant 32 : index
        %swap3A_601 = tpu.vector_load %arg10[%swap3A_598, %swap3A_599, %swap3A_600] {strides = array<i32>} : memref<4x128x128xf32, #tpu.memory_space<vmem>>, vector<1x1x16xf32>,
        %swap3A_602 = vector.shape_cast %swap3A_601 : vector<1x1x16xf32> to vector<16xf32>
        %swap3A_603 = vector.shape_cast %add3A_142 : vector<16xf32> to vector<1x1x16xf32>
        tpu.vector_store %arg10[%swap3A_598, %swap3A_599, %swap3A_600], %swap3A_603 {add = true, strides = array<i32>} : memref<4x128x128xf32, #tpu.memory_space<vmem>>, vector<1x1x16xf32>,
        %add3A_604 = arith.constant 0 : i32
        %add3A_605 = arith.addi %mul3A_577, %add3A_604 : i32
        %swap3A_606 = arith.constant 0 : i32
        %swap3A_607 = arith.index_cast %swap3A_606 : i32 to index
        %swap3A_608 = arith.index_cast %add3A_605 : i32 to index
        %swap3A_609 = arith.constant 48 : index
        %swap3A_610 = tpu.vector_load %arg10[%swap3A_607, %swap3A_608, %swap3A_609] {strides = array<i32>} : memref<4x128x128xf32, #tpu.memory_space<vmem>>, vector<1x1x16xf32>,
        %swap3A_611 = vector.shape_cast %swap3A_610 : vector<1x1x16xf32> to vector<16xf32>
        %swap3A_612 = vector.shape_cast %add3A_151 : vector<16xf32> to vector<1x1x16xf32>
        tpu.vector_store %arg10[%swap3A_607, %swap3A_608, %swap3A_609], %swap3A_612 {add = true, strides = array<i32>} : memref<4x128x128xf32, #tpu.memory_space<vmem>>, vector<1x1x16xf32>,
        %add3A_613 = arith.constant 0 : i32
        %add3A_614 = arith.addi %mul3A_577, %add3A_613 : i32
        %swap3A_615 = arith.constant 0 : i32
        %swap3A_616 = arith.index_cast %swap3A_615 : i32 to index
        %swap3A_617 = arith.index_cast %add3A_614 : i32 to index
        %swap3A_618 = arith.constant 64 : index
        %swap3A_619 = tpu.vector_load %arg10[%swap3A_616, %swap3A_617, %swap3A_618] {strides = array<i32>} : memref<4x128x128xf32, #tpu.memory_space<vmem>>, vector<1x1x16xf32>,
        %swap3A_620 = vector.shape_cast %swap3A_619 : vector<1x1x16xf32> to vector<16xf32>
        %swap3A_621 = vector.shape_cast %add3A_160 : vector<16xf32> to vector<1x1x16xf32>
        tpu.vector_store %arg10[%swap3A_616, %swap3A_617, %swap3A_618], %swap3A_621 {add = true, strides = array<i32>} : memref<4x128x128xf32, #tpu.memory_space<vmem>>, vector<1x1x16xf32>,
        %add3A_622 = arith.constant 0 : i32
        %add3A_623 = arith.addi %mul3A_577, %add3A_622 : i32
        %swap3A_624 = arith.constant 0 : i32
        %swap3A_625 = arith.index_cast %swap3A_624 : i32 to index
        %swap3A_626 = arith.index_cast %add3A_623 : i32 to index
        %swap3A_627 = arith.constant 80 : index
        %swap3A_628 = tpu.vector_load %arg10[%swap3A_625, %swap3A_626, %swap3A_627] {strides = array<i32>} : memref<4x128x128xf32, #tpu.memory_space<vmem>>, vector<1x1x16xf32>,
        %swap3A_629 = vector.shape_cast %swap3A_628 : vector<1x1x16xf32> to vector<16xf32>
        %swap3A_630 = vector.shape_cast %add3A_169 : vector<16xf32> to vector<1x1x16xf32>
        tpu.vector_store %arg10[%swap3A_625, %swap3A_626, %swap3A_627], %swap3A_630 {add = true, strides = array<i32>} : memref<4x128x128xf32, #tpu.memory_space<vmem>>, vector<1x1x16xf32>,
        %add3A_631 = arith.constant 0 : i32
        %add3A_632 = arith.addi %mul3A_577, %add3A_631 : i32
        %swap3A_633 = arith.constant 0 : i32
        %swap3A_634 = arith.index_cast %swap3A_633 : i32 to index
        %swap3A_635 = arith.index_cast %add3A_632 : i32 to index
        %swap3A_636 = arith.constant 96 : index
        %swap3A_637 = tpu.vector_load %arg10[%swap3A_634, %swap3A_635, %swap3A_636] {strides = array<i32>} : memref<4x128x128xf32, #tpu.memory_space<vmem>>, vector<1x1x16xf32>,
        %swap3A_638 = vector.shape_cast %swap3A_637 : vector<1x1x16xf32> to vector<16xf32>
        %swap3A_639 = vector.shape_cast %add3A_178 : vector<16xf32> to vector<1x1x16xf32>
        tpu.vector_store %arg10[%swap3A_634, %swap3A_635, %swap3A_636], %swap3A_639 {add = true, strides = array<i32>} : memref<4x128x128xf32, #tpu.memory_space<vmem>>, vector<1x1x16xf32>,
        %add3A_640 = arith.constant 0 : i32
        %add3A_641 = arith.addi %mul3A_577, %add3A_640 : i32
        %swap3A_642 = arith.constant 0 : i32
        %swap3A_643 = arith.index_cast %swap3A_642 : i32 to index
        %swap3A_644 = arith.index_cast %add3A_641 : i32 to index
        %swap3A_645 = arith.constant 112 : index
        %swap3A_646 = tpu.vector_load %arg10[%swap3A_643, %swap3A_644, %swap3A_645] {strides = array<i32>} : memref<4x128x128xf32, #tpu.memory_space<vmem>>, vector<1x1x16xf32>,
        %swap3A_647 = vector.shape_cast %swap3A_646 : vector<1x1x16xf32> to vector<16xf32>
        %swap3A_648 = vector.shape_cast %add3A_187 : vector<16xf32> to vector<1x1x16xf32>
        tpu.vector_store %arg10[%swap3A_643, %swap3A_644, %swap3A_645], %swap3A_648 {add = true, strides = array<i32>} : memref<4x128x128xf32, #tpu.memory_space<vmem>>, vector<1x1x16xf32>,
        %add3A_649 = arith.constant 1 : i32
        %add3A_650 = arith.addi %mul3A_577, %add3A_649 : i32
        %swap3A_651 = arith.constant 0 : i32
        %swap3A_652 = arith.index_cast %swap3A_651 : i32 to index
        %swap3A_653 = arith.index_cast %add3A_650 : i32 to index
        %swap3A_654 = arith.constant 0 : index
        %swap3A_655 = tpu.vector_load %arg10[%swap3A_652, %swap3A_653, %swap3A_654] {strides = array<i32>} : memref<4x128x128xf32, #tpu.memory_space<vmem>>, vector<1x1x16xf32>,
        %swap3A_656 = vector.shape_cast %swap3A_655 : vector<1x1x16xf32> to vector<16xf32>
        %swap3A_657 = vector.shape_cast %add3A_124 : vector<16xf32> to vector<1x1x16xf32>
        tpu.vector_store %arg10[%swap3A_652, %swap3A_653, %swap3A_654], %swap3A_657 {add = true, strides = array<i32>} : memref<4x128x128xf32, #tpu.memory_space<vmem>>, vector<1x1x16xf32>,
        %add3A_658 = arith.constant 1 : i32
        %add3A_659 = arith.addi %mul3A_577, %add3A_658 : i32
        %swap3A_660 = arith.constant 0 : i32
        %swap3A_661 = arith.index_cast %swap3A_660 : i32 to index
        %swap3A_662 = arith.index_cast %add3A_659 : i32 to index
        %swap3A_663 = arith.constant 16 : index
        %swap3A_664 = tpu.vector_load %arg10[%swap3A_661, %swap3A_662, %swap3A_663] {strides = array<i32>} : memref<4x128x128xf32, #tpu.memory_space<vmem>>, vector<1x1x16xf32>,
        %swap3A_665 = vector.shape_cast %swap3A_664 : vector<1x1x16xf32> to vector<16xf32>
        %swap3A_666 = vector.shape_cast %add3A_133 : vector<16xf32> to vector<1x1x16xf32>
        tpu.vector_store %arg10[%swap3A_661, %swap3A_662, %swap3A_663], %swap3A_666 {add = true, strides = array<i32>} : memref<4x128x128xf32, #tpu.memory_space<vmem>>, vector<1x1x16xf32>,
        %add3A_667 = arith.constant 1 : i32
        %add3A_668 = arith.addi %mul3A_577, %add3A_667 : i32
        %swap3A_669 = arith.constant 0 : i32
        %swap3A_670 = arith.index_cast %swap3A_669 : i32 to index
        %swap3A_671 = arith.index_cast %add3A_668 : i32 to index
        %swap3A_672 = arith.constant 32 : index
        %swap3A_673 = tpu.vector_load %arg10[%swap3A_670, %swap3A_671, %swap3A_672] {strides = array<i32>} : memref<4x128x128xf32, #tpu.memory_space<vmem>>, vector<1x1x16xf32>,
        %swap3A_674 = vector.shape_cast %swap3A_673 : vector<1x1x16xf32> to vector<16xf32>
        %swap3A_675 = vector.shape_cast %add3A_142 : vector<16xf32> to vector<1x1x16xf32>
        tpu.vector_store %arg10[%swap3A_670, %swap3A_671, %swap3A_672], %swap3A_675 {add = true, strides = array<i32>} : memref<4x128x128xf32, #tpu.memory_space<vmem>>, vector<1x1x16xf32>,
        %add3A_676 = arith.constant 1 : i32
        %add3A_677 = arith.addi %mul3A_577, %add3A_676 : i32
        %swap3A_678 = arith.constant 0 : i32
        %swap3A_679 = arith.index_cast %swap3A_678 : i32 to index
        %swap3A_680 = arith.index_cast %add3A_677 : i32 to index
        %swap3A_681 = arith.constant 48 : index
        %swap3A_682 = tpu.vector_load %arg10[%swap3A_679, %swap3A_680, %swap3A_681] {strides = array<i32>} : memref<4x128x128xf32, #tpu.memory_space<vmem>>, vector<1x1x16xf32>,
        %swap3A_683 = vector.shape_cast %swap3A_682 : vector<1x1x16xf32> to vector<16xf32>
        %swap3A_684 = vector.shape_cast %add3A_151 : vector<16xf32> to vector<1x1x16xf32>
        tpu.vector_store %arg10[%swap3A_679, %swap3A_680, %swap3A_681], %swap3A_684 {add = true, strides = array<i32>} : memref<4x128x128xf32, #tpu.memory_space<vmem>>, vector<1x1x16xf32>,
        %add3A_685 = arith.constant 1 : i32
        %add3A_686 = arith.addi %mul3A_577, %add3A_685 : i32
        %swap3A_687 = arith.constant 0 : i32
        %swap3A_688 = arith.index_cast %swap3A_687 : i32 to index
        %swap3A_689 = arith.index_cast %add3A_686 : i32 to index
        %swap3A_690 = arith.constant 64 : index
        %swap3A_691 = tpu.vector_load %arg10[%swap3A_688, %swap3A_689, %swap3A_690] {strides = array<i32>} : memref<4x128x128xf32, #tpu.memory_space<vmem>>, vector<1x1x16xf32>,
        %swap3A_692 = vector.shape_cast %swap3A_691 : vector<1x1x16xf32> to vector<16xf32>
        %swap3A_693 = vector.shape_cast %add3A_160 : vector<16xf32> to vector<1x1x16xf32>
        tpu.vector_store %arg10[%swap3A_688, %swap3A_689, %swap3A_690], %swap3A_693 {add = true, strides = array<i32>} : memref<4x128x128xf32, #tpu.memory_space<vmem>>, vector<1x1x16xf32>,
        %add3A_694 = arith.constant 1 : i32
        %add3A_695 = arith.addi %mul3A_577, %add3A_694 : i32
        %swap3A_696 = arith.constant 0 : i32
        %swap3A_697 = arith.index_cast %swap3A_696 : i32 to index
        %swap3A_698 = arith.index_cast %add3A_695 : i32 to index
        %swap3A_699 = arith.constant 80 : index
        %swap3A_700 = tpu.vector_load %arg10[%swap3A_697, %swap3A_698, %swap3A_699] {strides = array<i32>} : memref<4x128x128xf32, #tpu.memory_space<vmem>>, vector<1x1x16xf32>,
        %swap3A_701 = vector.shape_cast %swap3A_700 : vector<1x1x16xf32> to vector<16xf32>
        %swap3A_702 = vector.shape_cast %add3A_169 : vector<16xf32> to vector<1x1x16xf32>
        tpu.vector_store %arg10[%swap3A_697, %swap3A_698, %swap3A_699], %swap3A_702 {add = true, strides = array<i32>} : memref<4x128x128xf32, #tpu.memory_space<vmem>>, vector<1x1x16xf32>,
        %add3A_703 = arith.constant 1 : i32
        %add3A_704 = arith.addi %mul3A_577, %add3A_703 : i32
        %swap3A_705 = arith.constant 0 : i32
        %swap3A_706 = arith.index_cast %swap3A_705 : i32 to index
        %swap3A_707 = arith.index_cast %add3A_704 : i32 to index
        %swap3A_708 = arith.constant 96 : index
        %swap3A_709 = tpu.vector_load %arg10[%swap3A_706, %swap3A_707, %swap3A_708] {strides = array<i32>} : memref<4x128x128xf32, #tpu.memory_space<vmem>>, vector<1x1x16xf32>,
        %swap3A_710 = vector.shape_cast %swap3A_709 : vector<1x1x16xf32> to vector<16xf32>
        %swap3A_711 = vector.shape_cast %add3A_178 : vector<16xf32> to vector<1x1x16xf32>
        tpu.vector_store %arg10[%swap3A_706, %swap3A_707, %swap3A_708], %swap3A_711 {add = true, strides = array<i32>} : memref<4x128x128xf32, #tpu.memory_space<vmem>>, vector<1x1x16xf32>,
        %add3A_712 = arith.constant 1 : i32
        %add3A_713 = arith.addi %mul3A_577, %add3A_712 : i32
        %swap3A_714 = arith.constant 0 : i32
        %swap3A_715 = arith.index_cast %swap3A_714 : i32 to index
        %swap3A_716 = arith.index_cast %add3A_713 : i32 to index
        %swap3A_717 = arith.constant 112 : index
        %swap3A_718 = tpu.vector_load %arg10[%swap3A_715, %swap3A_716, %swap3A_717] {strides = array<i32>} : memref<4x128x128xf32, #tpu.memory_space<vmem>>, vector<1x1x16xf32>,
        %swap3A_719 = vector.shape_cast %swap3A_718 : vector<1x1x16xf32> to vector<16xf32>
        %swap3A_720 = vector.shape_cast %add3A_187 : vector<16xf32> to vector<1x1x16xf32>
        tpu.vector_store %arg10[%swap3A_715, %swap3A_716, %swap3A_717], %swap3A_720 {add = true, strides = array<i32>} : memref<4x128x128xf32, #tpu.memory_space<vmem>>, vector<1x1x16xf32>,
        %add3A_721 = arith.constant 2 : i32
        %add3A_722 = arith.addi %mul3A_577, %add3A_721 : i32
        %swap3A_723 = arith.constant 0 : i32
        %swap3A_724 = arith.index_cast %swap3A_723 : i32 to index
        %swap3A_725 = arith.index_cast %add3A_722 : i32 to index
        %swap3A_726 = arith.constant 0 : index
        %swap3A_727 = tpu.vector_load %arg10[%swap3A_724, %swap3A_725, %swap3A_726] {strides = array<i32>} : memref<4x128x128xf32, #tpu.memory_space<vmem>>, vector<1x1x16xf32>,
        %swap3A_728 = vector.shape_cast %swap3A_727 : vector<1x1x16xf32> to vector<16xf32>
        %swap3A_729 = vector.shape_cast %add3A_124 : vector<16xf32> to vector<1x1x16xf32>
        tpu.vector_store %arg10[%swap3A_724, %swap3A_725, %swap3A_726], %swap3A_729 {add = true, strides = array<i32>} : memref<4x128x128xf32, #tpu.memory_space<vmem>>, vector<1x1x16xf32>,
        %add3A_730 = arith.constant 2 : i32
        %add3A_731 = arith.addi %mul3A_577, %add3A_730 : i32
        %swap3A_732 = arith.constant 0 : i32
        %swap3A_733 = arith.index_cast %swap3A_732 : i32 to index
        %swap3A_734 = arith.index_cast %add3A_731 : i32 to index
        %swap3A_735 = arith.constant 16 : index
        %swap3A_736 = tpu.vector_load %arg10[%swap3A_733, %swap3A_734, %swap3A_735] {strides = array<i32>} : memref<4x128x128xf32, #tpu.memory_space<vmem>>, vector<1x1x16xf32>,
        %swap3A_737 = vector.shape_cast %swap3A_736 : vector<1x1x16xf32> to vector<16xf32>
        %swap3A_738 = vector.shape_cast %add3A_133 : vector<16xf32> to vector<1x1x16xf32>
        tpu.vector_store %arg10[%swap3A_733, %swap3A_734, %swap3A_735], %swap3A_738 {add = true, strides = array<i32>} : memref<4x128x128xf32, #tpu.memory_space<vmem>>, vector<1x1x16xf32>,
        %add3A_739 = arith.constant 2 : i32
        %add3A_740 = arith.addi %mul3A_577, %add3A_739 : i32
        %swap3A_741 = arith.constant 0 : i32
        %swap3A_742 = arith.index_cast %swap3A_741 : i32 to index
        %swap3A_743 = arith.index_cast %add3A_740 : i32 to index
        %swap3A_744 = arith.constant 32 : index
        %swap3A_745 = tpu.vector_load %arg10[%swap3A_742, %swap3A_743, %swap3A_744] {strides = array<i32>} : memref<4x128x128xf32, #tpu.memory_space<vmem>>, vector<1x1x16xf32>,
        %swap3A_746 = vector.shape_cast %swap3A_745 : vector<1x1x16xf32> to vector<16xf32>
        %swap3A_747 = vector.shape_cast %add3A_142 : vector<16xf32> to vector<1x1x16xf32>
        tpu.vector_store %arg10[%swap3A_742, %swap3A_743, %swap3A_744], %swap3A_747 {add = true, strides = array<i32>} : memref<4x128x128xf32, #tpu.memory_space<vmem>>, vector<1x1x16xf32>,
        %add3A_748 = arith.constant 2 : i32
        %add3A_749 = arith.addi %mul3A_577, %add3A_748 : i32
        %swap3A_750 = arith.constant 0 : i32
        %swap3A_751 = arith.index_cast %swap3A_750 : i32 to index
        %swap3A_752 = arith.index_cast %add3A_749 : i32 to index
        %swap3A_753 = arith.constant 48 : index
        %swap3A_754 = tpu.vector_load %arg10[%swap3A_751, %swap3A_752, %swap3A_753] {strides = array<i32>} : memref<4x128x128xf32, #tpu.memory_space<vmem>>, vector<1x1x16xf32>,
        %swap3A_755 = vector.shape_cast %swap3A_754 : vector<1x1x16xf32> to vector<16xf32>
        %swap3A_756 = vector.shape_cast %add3A_151 : vector<16xf32> to vector<1x1x16xf32>
        tpu.vector_store %arg10[%swap3A_751, %swap3A_752, %swap3A_753], %swap3A_756 {add = true, strides = array<i32>} : memref<4x128x128xf32, #tpu.memory_space<vmem>>, vector<1x1x16xf32>,
        %add3A_757 = arith.constant 2 : i32
        %add3A_758 = arith.addi %mul3A_577, %add3A_757 : i32
        %swap3A_759 = arith.constant 0 : i32
        %swap3A_760 = arith.index_cast %swap3A_759 : i32 to index
        %swap3A_761 = arith.index_cast %add3A_758 : i32 to index
        %swap3A_762 = arith.constant 64 : index
        %swap3A_763 = tpu.vector_load %arg10[%swap3A_760, %swap3A_761, %swap3A_762] {strides = array<i32>} : memref<4x128x128xf32, #tpu.memory_space<vmem>>, vector<1x1x16xf32>,
        %swap3A_764 = vector.shape_cast %swap3A_763 : vector<1x1x16xf32> to vector<16xf32>
        %swap3A_765 = vector.shape_cast %add3A_160 : vector<16xf32> to vector<1x1x16xf32>
        tpu.vector_store %arg10[%swap3A_760, %swap3A_761, %swap3A_762], %swap3A_765 {add = true, strides = array<i32>} : memref<4x128x128xf32, #tpu.memory_space<vmem>>, vector<1x1x16xf32>,
        %add3A_766 = arith.constant 2 : i32
        %add3A_767 = arith.addi %mul3A_577, %add3A_766 : i32
        %swap3A_768 = arith.constant 0 : i32
        %swap3A_769 = arith.index_cast %swap3A_768 : i32 to index
        %swap3A_770 = arith.index_cast %add3A_767 : i32 to index
        %swap3A_771 = arith.constant 80 : index
        %swap3A_772 = tpu.vector_load %arg10[%swap3A_769, %swap3A_770, %swap3A_771] {strides = array<i32>} : memref<4x128x128xf32, #tpu.memory_space<vmem>>, vector<1x1x16xf32>,
        %swap3A_773 = vector.shape_cast %swap3A_772 : vector<1x1x16xf32> to vector<16xf32>
        %swap3A_774 = vector.shape_cast %add3A_169 : vector<16xf32> to vector<1x1x16xf32>
        tpu.vector_store %arg10[%swap3A_769, %swap3A_770, %swap3A_771], %swap3A_774 {add = true, strides = array<i32>} : memref<4x128x128xf32, #tpu.memory_space<vmem>>, vector<1x1x16xf32>,
        %add3A_775 = arith.constant 2 : i32
        %add3A_776 = arith.addi %mul3A_577, %add3A_775 : i32
        %swap3A_777 = arith.constant 0 : i32
        %swap3A_778 = arith.index_cast %swap3A_777 : i32 to index
        %swap3A_779 = arith.index_cast %add3A_776 : i32 to index
        %swap3A_780 = arith.constant 96 : index
        %swap3A_781 = tpu.vector_load %arg10[%swap3A_778, %swap3A_779, %swap3A_780] {strides = array<i32>} : memref<4x128x128xf32, #tpu.memory_space<vmem>>, vector<1x1x16xf32>,
        %swap3A_782 = vector.shape_cast %swap3A_781 : vector<1x1x16xf32> to vector<16xf32>
        %swap3A_783 = vector.shape_cast %add3A_178 : vector<16xf32> to vector<1x1x16xf32>
        tpu.vector_store %arg10[%swap3A_778, %swap3A_779, %swap3A_780], %swap3A_783 {add = true, strides = array<i32>} : memref<4x128x128xf32, #tpu.memory_space<vmem>>, vector<1x1x16xf32>,
        %add3A_784 = arith.constant 2 : i32
        %add3A_785 = arith.addi %mul3A_577, %add3A_784 : i32
        %swap3A_786 = arith.constant 0 : i32
        %swap3A_787 = arith.index_cast %swap3A_786 : i32 to index
        %swap3A_788 = arith.index_cast %add3A_785 : i32 to index
        %swap3A_789 = arith.constant 112 : index
        %swap3A_790 = tpu.vector_load %arg10[%swap3A_787, %swap3A_788, %swap3A_789] {strides = array<i32>} : memref<4x128x128xf32, #tpu.memory_space<vmem>>, vector<1x1x16xf32>,
        %swap3A_791 = vector.shape_cast %swap3A_790 : vector<1x1x16xf32> to vector<16xf32>
        %swap3A_792 = vector.shape_cast %add3A_187 : vector<16xf32> to vector<1x1x16xf32>
        tpu.vector_store %arg10[%swap3A_787, %swap3A_788, %swap3A_789], %swap3A_792 {add = true, strides = array<i32>} : memref<4x128x128xf32, #tpu.memory_space<vmem>>, vector<1x1x16xf32>,
        %add3A_793 = arith.constant 3 : i32
        %add3A_794 = arith.addi %mul3A_577, %add3A_793 : i32
        %swap3A_795 = arith.constant 0 : i32
        %swap3A_796 = arith.index_cast %swap3A_795 : i32 to index
        %swap3A_797 = arith.index_cast %add3A_794 : i32 to index
        %swap3A_798 = arith.constant 0 : index
        %swap3A_799 = tpu.vector_load %arg10[%swap3A_796, %swap3A_797, %swap3A_798] {strides = array<i32>} : memref<4x128x128xf32, #tpu.memory_space<vmem>>, vector<1x1x16xf32>,
        %swap3A_800 = vector.shape_cast %swap3A_799 : vector<1x1x16xf32> to vector<16xf32>
        %swap3A_801 = vector.shape_cast %add3A_124 : vector<16xf32> to vector<1x1x16xf32>
        tpu.vector_store %arg10[%swap3A_796, %swap3A_797, %swap3A_798], %swap3A_801 {add = true, strides = array<i32>} : memref<4x128x128xf32, #tpu.memory_space<vmem>>, vector<1x1x16xf32>,
        %add3A_802 = arith.constant 3 : i32
        %add3A_803 = arith.addi %mul3A_577, %add3A_802 : i32
        %swap3A_804 = arith.constant 0 : i32
        %swap3A_805 = arith.index_cast %swap3A_804 : i32 to index
        %swap3A_806 = arith.index_cast %add3A_803 : i32 to index
        %swap3A_807 = arith.constant 16 : index
        %swap3A_808 = tpu.vector_load %arg10[%swap3A_805, %swap3A_806, %swap3A_807] {strides = array<i32>} : memref<4x128x128xf32, #tpu.memory_space<vmem>>, vector<1x1x16xf32>,
        %swap3A_809 = vector.shape_cast %swap3A_808 : vector<1x1x16xf32> to vector<16xf32>
        %swap3A_810 = vector.shape_cast %add3A_133 : vector<16xf32> to vector<1x1x16xf32>
        tpu.vector_store %arg10[%swap3A_805, %swap3A_806, %swap3A_807], %swap3A_810 {add = true, strides = array<i32>} : memref<4x128x128xf32, #tpu.memory_space<vmem>>, vector<1x1x16xf32>,
        %add3A_811 = arith.constant 3 : i32
        %add3A_812 = arith.addi %mul3A_577, %add3A_811 : i32
        %swap3A_813 = arith.constant 0 : i32
        %swap3A_814 = arith.index_cast %swap3A_813 : i32 to index
        %swap3A_815 = arith.index_cast %add3A_812 : i32 to index
        %swap3A_816 = arith.constant 32 : index
        %swap3A_817 = tpu.vector_load %arg10[%swap3A_814, %swap3A_815, %swap3A_816] {strides = array<i32>} : memref<4x128x128xf32, #tpu.memory_space<vmem>>, vector<1x1x16xf32>,
        %swap3A_818 = vector.shape_cast %swap3A_817 : vector<1x1x16xf32> to vector<16xf32>
        %swap3A_819 = vector.shape_cast %add3A_142 : vector<16xf32> to vector<1x1x16xf32>
        tpu.vector_store %arg10[%swap3A_814, %swap3A_815, %swap3A_816], %swap3A_819 {add = true, strides = array<i32>} : memref<4x128x128xf32, #tpu.memory_space<vmem>>, vector<1x1x16xf32>,
        %add3A_820 = arith.constant 3 : i32
        %add3A_821 = arith.addi %mul3A_577, %add3A_820 : i32
        %swap3A_822 = arith.constant 0 : i32
        %swap3A_823 = arith.index_cast %swap3A_822 : i32 to index
        %swap3A_824 = arith.index_cast %add3A_821 : i32 to index
        %swap3A_825 = arith.constant 48 : index
        %swap3A_826 = tpu.vector_load %arg10[%swap3A_823, %swap3A_824, %swap3A_825] {strides = array<i32>} : memref<4x128x128xf32, #tpu.memory_space<vmem>>, vector<1x1x16xf32>,
        %swap3A_827 = vector.shape_cast %swap3A_826 : vector<1x1x16xf32> to vector<16xf32>
        %swap3A_828 = vector.shape_cast %add3A_151 : vector<16xf32> to vector<1x1x16xf32>
        tpu.vector_store %arg10[%swap3A_823, %swap3A_824, %swap3A_825], %swap3A_828 {add = true, strides = array<i32>} : memref<4x128x128xf32, #tpu.memory_space<vmem>>, vector<1x1x16xf32>,
        %add3A_829 = arith.constant 3 : i32
        %add3A_830 = arith.addi %mul3A_577, %add3A_829 : i32
        %swap3A_831 = arith.constant 0 : i32
        %swap3A_832 = arith.index_cast %swap3A_831 : i32 to index
        %swap3A_833 = arith.index_cast %add3A_830 : i32 to index
        %swap3A_834 = arith.constant 64 : index
        %swap3A_835 = tpu.vector_load %arg10[%swap3A_832, %swap3A_833, %swap3A_834] {strides = array<i32>} : memref<4x128x128xf32, #tpu.memory_space<vmem>>, vector<1x1x16xf32>,
        %swap3A_836 = vector.shape_cast %swap3A_835 : vector<1x1x16xf32> to vector<16xf32>
        %swap3A_837 = vector.shape_cast %add3A_160 : vector<16xf32> to vector<1x1x16xf32>
        tpu.vector_store %arg10[%swap3A_832, %swap3A_833, %swap3A_834], %swap3A_837 {add = true, strides = array<i32>} : memref<4x128x128xf32, #tpu.memory_space<vmem>>, vector<1x1x16xf32>,
        %add3A_838 = arith.constant 3 : i32
        %add3A_839 = arith.addi %mul3A_577, %add3A_838 : i32
        %swap3A_840 = arith.constant 0 : i32
        %swap3A_841 = arith.index_cast %swap3A_840 : i32 to index
        %swap3A_842 = arith.index_cast %add3A_839 : i32 to index
        %swap3A_843 = arith.constant 80 : index
        %swap3A_844 = tpu.vector_load %arg10[%swap3A_841, %swap3A_842, %swap3A_843] {strides = array<i32>} : memref<4x128x128xf32, #tpu.memory_space<vmem>>, vector<1x1x16xf32>,
        %swap3A_845 = vector.shape_cast %swap3A_844 : vector<1x1x16xf32> to vector<16xf32>
        %swap3A_846 = vector.shape_cast %add3A_169 : vector<16xf32> to vector<1x1x16xf32>
        tpu.vector_store %arg10[%swap3A_841, %swap3A_842, %swap3A_843], %swap3A_846 {add = true, strides = array<i32>} : memref<4x128x128xf32, #tpu.memory_space<vmem>>, vector<1x1x16xf32>,
        %add3A_847 = arith.constant 3 : i32
        %add3A_848 = arith.addi %mul3A_577, %add3A_847 : i32
        %swap3A_849 = arith.constant 0 : i32
        %swap3A_850 = arith.index_cast %swap3A_849 : i32 to index
        %swap3A_851 = arith.index_cast %add3A_848 : i32 to index
        %swap3A_852 = arith.constant 96 : index
        %swap3A_853 = tpu.vector_load %arg10[%swap3A_850, %swap3A_851, %swap3A_852] {strides = array<i32>} : memref<4x128x128xf32, #tpu.memory_space<vmem>>, vector<1x1x16xf32>,
        %swap3A_854 = vector.shape_cast %swap3A_853 : vector<1x1x16xf32> to vector<16xf32>
        %swap3A_855 = vector.shape_cast %add3A_178 : vector<16xf32> to vector<1x1x16xf32>
        tpu.vector_store %arg10[%swap3A_850, %swap3A_851, %swap3A_852], %swap3A_855 {add = true, strides = array<i32>} : memref<4x128x128xf32, #tpu.memory_space<vmem>>, vector<1x1x16xf32>,
        %add3A_856 = arith.constant 3 : i32
        %add3A_857 = arith.addi %mul3A_577, %add3A_856 : i32
        %swap3A_858 = arith.constant 0 : i32
        %swap3A_859 = arith.index_cast %swap3A_858 : i32 to index
        %swap3A_860 = arith.index_cast %add3A_857 : i32 to index
        %swap3A_861 = arith.constant 112 : index
        %swap3A_862 = tpu.vector_load %arg10[%swap3A_859, %swap3A_860, %swap3A_861] {strides = array<i32>} : memref<4x128x128xf32, #tpu.memory_space<vmem>>, vector<1x1x16xf32>,
        %swap3A_863 = vector.shape_cast %swap3A_862 : vector<1x1x16xf32> to vector<16xf32>
        %swap3A_864 = vector.shape_cast %add3A_187 : vector<16xf32> to vector<1x1x16xf32>
        tpu.vector_store %arg10[%swap3A_859, %swap3A_860, %swap3A_861], %swap3A_864 {add = true, strides = array<i32>} : memref<4x128x128xf32, #tpu.memory_space<vmem>>, vector<1x1x16xf32>,
        %add3A_865 = arith.constant 4 : i32
        %add3A_866 = arith.addi %mul3A_577, %add3A_865 : i32
        %swap3A_867 = arith.constant 0 : i32
        %swap3A_868 = arith.index_cast %swap3A_867 : i32 to index
        %swap3A_869 = arith.index_cast %add3A_866 : i32 to index
        %swap3A_870 = arith.constant 0 : index
        %swap3A_871 = tpu.vector_load %arg10[%swap3A_868, %swap3A_869, %swap3A_870] {strides = array<i32>} : memref<4x128x128xf32, #tpu.memory_space<vmem>>, vector<1x1x16xf32>,
        %swap3A_872 = vector.shape_cast %swap3A_871 : vector<1x1x16xf32> to vector<16xf32>
        %swap3A_873 = vector.shape_cast %add3A_124 : vector<16xf32> to vector<1x1x16xf32>
        tpu.vector_store %arg10[%swap3A_868, %swap3A_869, %swap3A_870], %swap3A_873 {add = true, strides = array<i32>} : memref<4x128x128xf32, #tpu.memory_space<vmem>>, vector<1x1x16xf32>,
        %add3A_874 = arith.constant 4 : i32
        %add3A_875 = arith.addi %mul3A_577, %add3A_874 : i32
        %swap3A_876 = arith.constant 0 : i32
        %swap3A_877 = arith.index_cast %swap3A_876 : i32 to index
        %swap3A_878 = arith.index_cast %add3A_875 : i32 to index
        %swap3A_879 = arith.constant 16 : index
        %swap3A_880 = tpu.vector_load %arg10[%swap3A_877, %swap3A_878, %swap3A_879] {strides = array<i32>} : memref<4x128x128xf32, #tpu.memory_space<vmem>>, vector<1x1x16xf32>,
        %swap3A_881 = vector.shape_cast %swap3A_880 : vector<1x1x16xf32> to vector<16xf32>
        %swap3A_882 = vector.shape_cast %add3A_133 : vector<16xf32> to vector<1x1x16xf32>
        tpu.vector_store %arg10[%swap3A_877, %swap3A_878, %swap3A_879], %swap3A_882 {add = true, strides = array<i32>} : memref<4x128x128xf32, #tpu.memory_space<vmem>>, vector<1x1x16xf32>,
        %add3A_883 = arith.constant 4 : i32
        %add3A_884 = arith.addi %mul3A_577, %add3A_883 : i32
        %swap3A_885 = arith.constant 0 : i32
        %swap3A_886 = arith.index_cast %swap3A_885 : i32 to index
        %swap3A_887 = arith.index_cast %add3A_884 : i32 to index
        %swap3A_888 = arith.constant 32 : index
        %swap3A_889 = tpu.vector_load %arg10[%swap3A_886, %swap3A_887, %swap3A_888] {strides = array<i32>} : memref<4x128x128xf32, #tpu.memory_space<vmem>>, vector<1x1x16xf32>,
        %swap3A_890 = vector.shape_cast %swap3A_889 : vector<1x1x16xf32> to vector<16xf32>
        %swap3A_891 = vector.shape_cast %add3A_142 : vector<16xf32> to vector<1x1x16xf32>
        tpu.vector_store %arg10[%swap3A_886, %swap3A_887, %swap3A_888], %swap3A_891 {add = true, strides = array<i32>} : memref<4x128x128xf32, #tpu.memory_space<vmem>>, vector<1x1x16xf32>,
        %add3A_892 = arith.constant 4 : i32
        %add3A_893 = arith.addi %mul3A_577, %add3A_892 : i32
        %swap3A_894 = arith.constant 0 : i32
        %swap3A_895 = arith.index_cast %swap3A_894 : i32 to index
        %swap3A_896 = arith.index_cast %add3A_893 : i32 to index
        %swap3A_897 = arith.constant 48 : index
        %swap3A_898 = tpu.vector_load %arg10[%swap3A_895, %swap3A_896, %swap3A_897] {strides = array<i32>} : memref<4x128x128xf32, #tpu.memory_space<vmem>>, vector<1x1x16xf32>,
        %swap3A_899 = vector.shape_cast %swap3A_898 : vector<1x1x16xf32> to vector<16xf32>
        %swap3A_900 = vector.shape_cast %add3A_151 : vector<16xf32> to vector<1x1x16xf32>
        tpu.vector_store %arg10[%swap3A_895, %swap3A_896, %swap3A_897], %swap3A_900 {add = true, strides = array<i32>} : memref<4x128x128xf32, #tpu.memory_space<vmem>>, vector<1x1x16xf32>,
        %add3A_901 = arith.constant 4 : i32
        %add3A_902 = arith.addi %mul3A_577, %add3A_901 : i32
        %swap3A_903 = arith.constant 0 : i32
        %swap3A_904 = arith.index_cast %swap3A_903 : i32 to index
        %swap3A_905 = arith.index_cast %add3A_902 : i32 to index
        %swap3A_906 = arith.constant 64 : index
        %swap3A_907 = tpu.vector_load %arg10[%swap3A_904, %swap3A_905, %swap3A_906] {strides = array<i32>} : memref<4x128x128xf32, #tpu.memory_space<vmem>>, vector<1x1x16xf32>,
        %swap3A_908 = vector.shape_cast %swap3A_907 : vector<1x1x16xf32> to vector<16xf32>
        %swap3A_909 = vector.shape_cast %add3A_160 : vector<16xf32> to vector<1x1x16xf32>
        tpu.vector_store %arg10[%swap3A_904, %swap3A_905, %swap3A_906], %swap3A_909 {add = true, strides = array<i32>} : memref<4x128x128xf32, #tpu.memory_space<vmem>>, vector<1x1x16xf32>,
        %add3A_910 = arith.constant 4 : i32
        %add3A_911 = arith.addi %mul3A_577, %add3A_910 : i32
        %swap3A_912 = arith.constant 0 : i32
        %swap3A_913 = arith.index_cast %swap3A_912 : i32 to index
        %swap3A_914 = arith.index_cast %add3A_911 : i32 to index
        %swap3A_915 = arith.constant 80 : index
        %swap3A_916 = tpu.vector_load %arg10[%swap3A_913, %swap3A_914, %swap3A_915] {strides = array<i32>} : memref<4x128x128xf32, #tpu.memory_space<vmem>>, vector<1x1x16xf32>,
        %swap3A_917 = vector.shape_cast %swap3A_916 : vector<1x1x16xf32> to vector<16xf32>
        %swap3A_918 = vector.shape_cast %add3A_169 : vector<16xf32> to vector<1x1x16xf32>
        tpu.vector_store %arg10[%swap3A_913, %swap3A_914, %swap3A_915], %swap3A_918 {add = true, strides = array<i32>} : memref<4x128x128xf32, #tpu.memory_space<vmem>>, vector<1x1x16xf32>,
        %add3A_919 = arith.constant 4 : i32
        %add3A_920 = arith.addi %mul3A_577, %add3A_919 : i32
        %swap3A_921 = arith.constant 0 : i32
        %swap3A_922 = arith.index_cast %swap3A_921 : i32 to index
        %swap3A_923 = arith.index_cast %add3A_920 : i32 to index
        %swap3A_924 = arith.constant 96 : index
        %swap3A_925 = tpu.vector_load %arg10[%swap3A_922, %swap3A_923, %swap3A_924] {strides = array<i32>} : memref<4x128x128xf32, #tpu.memory_space<vmem>>, vector<1x1x16xf32>,
        %swap3A_926 = vector.shape_cast %swap3A_925 : vector<1x1x16xf32> to vector<16xf32>
        %swap3A_927 = vector.shape_cast %add3A_178 : vector<16xf32> to vector<1x1x16xf32>
        tpu.vector_store %arg10[%swap3A_922, %swap3A_923, %swap3A_924], %swap3A_927 {add = true, strides = array<i32>} : memref<4x128x128xf32, #tpu.memory_space<vmem>>, vector<1x1x16xf32>,
        %add3A_928 = arith.constant 4 : i32
        %add3A_929 = arith.addi %mul3A_577, %add3A_928 : i32
        %swap3A_930 = arith.constant 0 : i32
        %swap3A_931 = arith.index_cast %swap3A_930 : i32 to index
        %swap3A_932 = arith.index_cast %add3A_929 : i32 to index
        %swap3A_933 = arith.constant 112 : index
        %swap3A_934 = tpu.vector_load %arg10[%swap3A_931, %swap3A_932, %swap3A_933] {strides = array<i32>} : memref<4x128x128xf32, #tpu.memory_space<vmem>>, vector<1x1x16xf32>,
        %swap3A_935 = vector.shape_cast %swap3A_934 : vector<1x1x16xf32> to vector<16xf32>
        %swap3A_936 = vector.shape_cast %add3A_187 : vector<16xf32> to vector<1x1x16xf32>
        tpu.vector_store %arg10[%swap3A_931, %swap3A_932, %swap3A_933], %swap3A_936 {add = true, strides = array<i32>} : memref<4x128x128xf32, #tpu.memory_space<vmem>>, vector<1x1x16xf32>,
        %add3A_937 = arith.constant 5 : i32
        %add3A_938 = arith.addi %mul3A_577, %add3A_937 : i32
        %swap3A_939 = arith.constant 0 : i32
        %swap3A_940 = arith.index_cast %swap3A_939 : i32 to index
        %swap3A_941 = arith.index_cast %add3A_938 : i32 to index
        %swap3A_942 = arith.constant 0 : index
        %swap3A_943 = tpu.vector_load %arg10[%swap3A_940, %swap3A_941, %swap3A_942] {strides = array<i32>} : memref<4x128x128xf32, #tpu.memory_space<vmem>>, vector<1x1x16xf32>,
        %swap3A_944 = vector.shape_cast %swap3A_943 : vector<1x1x16xf32> to vector<16xf32>
        %swap3A_945 = vector.shape_cast %add3A_124 : vector<16xf32> to vector<1x1x16xf32>
        tpu.vector_store %arg10[%swap3A_940, %swap3A_941, %swap3A_942], %swap3A_945 {add = true, strides = array<i32>} : memref<4x128x128xf32, #tpu.memory_space<vmem>>, vector<1x1x16xf32>,
        %add3A_946 = arith.constant 5 : i32
        %add3A_947 = arith.addi %mul3A_577, %add3A_946 : i32
        %swap3A_948 = arith.constant 0 : i32
        %swap3A_949 = arith.index_cast %swap3A_948 : i32 to index
        %swap3A_950 = arith.index_cast %add3A_947 : i32 to index
        %swap3A_951 = arith.constant 16 : index
        %swap3A_952 = tpu.vector_load %arg10[%swap3A_949, %swap3A_950, %swap3A_951] {strides = array<i32>} : memref<4x128x128xf32, #tpu.memory_space<vmem>>, vector<1x1x16xf32>,
        %swap3A_953 = vector.shape_cast %swap3A_952 : vector<1x1x16xf32> to vector<16xf32>
        %swap3A_954 = vector.shape_cast %add3A_133 : vector<16xf32> to vector<1x1x16xf32>
        tpu.vector_store %arg10[%swap3A_949, %swap3A_950, %swap3A_951], %swap3A_954 {add = true, strides = array<i32>} : memref<4x128x128xf32, #tpu.memory_space<vmem>>, vector<1x1x16xf32>,
        %add3A_955 = arith.constant 5 : i32
        %add3A_956 = arith.addi %mul3A_577, %add3A_955 : i32
        %swap3A_957 = arith.constant 0 : i32
        %swap3A_958 = arith.index_cast %swap3A_957 : i32 to index
        %swap3A_959 = arith.index_cast %add3A_956 : i32 to index
        %swap3A_960 = arith.constant 32 : index
        %swap3A_961 = tpu.vector_load %arg10[%swap3A_958, %swap3A_959, %swap3A_960] {strides = array<i32>} : memref<4x128x128xf32, #tpu.memory_space<vmem>>, vector<1x1x16xf32>,
        %swap3A_962 = vector.shape_cast %swap3A_961 : vector<1x1x16xf32> to vector<16xf32>
        %swap3A_963 = vector.shape_cast %add3A_142 : vector<16xf32> to vector<1x1x16xf32>
        tpu.vector_store %arg10[%swap3A_958, %swap3A_959, %swap3A_960], %swap3A_963 {add = true, strides = array<i32>} : memref<4x128x128xf32, #tpu.memory_space<vmem>>, vector<1x1x16xf32>,
        %add3A_964 = arith.constant 5 : i32
        %add3A_965 = arith.addi %mul3A_577, %add3A_964 : i32
        %swap3A_966 = arith.constant 0 : i32
        %swap3A_967 = arith.index_cast %swap3A_966 : i32 to index
        %swap3A_968 = arith.index_cast %add3A_965 : i32 to index
        %swap3A_969 = arith.constant 48 : index
        %swap3A_970 = tpu.vector_load %arg10[%swap3A_967, %swap3A_968, %swap3A_969] {strides = array<i32>} : memref<4x128x128xf32, #tpu.memory_space<vmem>>, vector<1x1x16xf32>,
        %swap3A_971 = vector.shape_cast %swap3A_970 : vector<1x1x16xf32> to vector<16xf32>
        %swap3A_972 = vector.shape_cast %add3A_151 : vector<16xf32> to vector<1x1x16xf32>
        tpu.vector_store %arg10[%swap3A_967, %swap3A_968, %swap3A_969], %swap3A_972 {add = true, strides = array<i32>} : memref<4x128x128xf32, #tpu.memory_space<vmem>>, vector<1x1x16xf32>,
        %add3A_973 = arith.constant 5 : i32
        %add3A_974 = arith.addi %mul3A_577, %add3A_973 : i32
        %swap3A_975 = arith.constant 0 : i32
        %swap3A_976 = arith.index_cast %swap3A_975 : i32 to index
        %swap3A_977 = arith.index_cast %add3A_974 : i32 to index
        %swap3A_978 = arith.constant 64 : index
        %swap3A_979 = tpu.vector_load %arg10[%swap3A_976, %swap3A_977, %swap3A_978] {strides = array<i32>} : memref<4x128x128xf32, #tpu.memory_space<vmem>>, vector<1x1x16xf32>,
        %swap3A_980 = vector.shape_cast %swap3A_979 : vector<1x1x16xf32> to vector<16xf32>
        %swap3A_981 = vector.shape_cast %add3A_160 : vector<16xf32> to vector<1x1x16xf32>
        tpu.vector_store %arg10[%swap3A_976, %swap3A_977, %swap3A_978], %swap3A_981 {add = true, strides = array<i32>} : memref<4x128x128xf32, #tpu.memory_space<vmem>>, vector<1x1x16xf32>,
        %add3A_982 = arith.constant 5 : i32
        %add3A_983 = arith.addi %mul3A_577, %add3A_982 : i32
        %swap3A_984 = arith.constant 0 : i32
        %swap3A_985 = arith.index_cast %swap3A_984 : i32 to index
        %swap3A_986 = arith.index_cast %add3A_983 : i32 to index
        %swap3A_987 = arith.constant 80 : index
        %swap3A_988 = tpu.vector_load %arg10[%swap3A_985, %swap3A_986, %swap3A_987] {strides = array<i32>} : memref<4x128x128xf32, #tpu.memory_space<vmem>>, vector<1x1x16xf32>,
        %swap3A_989 = vector.shape_cast %swap3A_988 : vector<1x1x16xf32> to vector<16xf32>
        %swap3A_990 = vector.shape_cast %add3A_169 : vector<16xf32> to vector<1x1x16xf32>
        tpu.vector_store %arg10[%swap3A_985, %swap3A_986, %swap3A_987], %swap3A_990 {add = true, strides = array<i32>} : memref<4x128x128xf32, #tpu.memory_space<vmem>>, vector<1x1x16xf32>,
        %add3A_991 = arith.constant 5 : i32
        %add3A_992 = arith.addi %mul3A_577, %add3A_991 : i32
        %swap3A_993 = arith.constant 0 : i32
        %swap3A_994 = arith.index_cast %swap3A_993 : i32 to index
        %swap3A_995 = arith.index_cast %add3A_992 : i32 to index
        %swap3A_996 = arith.constant 96 : index
        %swap3A_997 = tpu.vector_load %arg10[%swap3A_994, %swap3A_995, %swap3A_996] {strides = array<i32>} : memref<4x128x128xf32, #tpu.memory_space<vmem>>, vector<1x1x16xf32>,
        %swap3A_998 = vector.shape_cast %swap3A_997 : vector<1x1x16xf32> to vector<16xf32>
        %swap3A_999 = vector.shape_cast %add3A_178 : vector<16xf32> to vector<1x1x16xf32>
        tpu.vector_store %arg10[%swap3A_994, %swap3A_995, %swap3A_996], %swap3A_999 {add = true, strides = array<i32>} : memref<4x128x128xf32, #tpu.memory_space<vmem>>, vector<1x1x16xf32>,
        %add3A_1000 = arith.constant 5 : i32
        %add3A_1001 = arith.addi %mul3A_577, %add3A_1000 : i32
        %swap3A_1002 = arith.constant 0 : i32
        %swap3A_1003 = arith.index_cast %swap3A_1002 : i32 to index
        %swap3A_1004 = arith.index_cast %add3A_1001 : i32 to index
        %swap3A_1005 = arith.constant 112 : index
        %swap3A_1006 = tpu.vector_load %arg10[%swap3A_1003, %swap3A_1004, %swap3A_1005] {strides = array<i32>} : memref<4x128x128xf32, #tpu.memory_space<vmem>>, vector<1x1x16xf32>,
        %swap3A_1007 = vector.shape_cast %swap3A_1006 : vector<1x1x16xf32> to vector<16xf32>
        %swap3A_1008 = vector.shape_cast %add3A_187 : vector<16xf32> to vector<1x1x16xf32>
        tpu.vector_store %arg10[%swap3A_1003, %swap3A_1004, %swap3A_1005], %swap3A_1008 {add = true, strides = array<i32>} : memref<4x128x128xf32, #tpu.memory_space<vmem>>, vector<1x1x16xf32>,
        %add3A_1009 = arith.constant 6 : i32
        %add3A_1010 = arith.addi %mul3A_577, %add3A_1009 : i32
        %swap3A_1011 = arith.constant 0 : i32
        %swap3A_1012 = arith.index_cast %swap3A_1011 : i32 to index
        %swap3A_1013 = arith.index_cast %add3A_1010 : i32 to index
        %swap3A_1014 = arith.constant 0 : index
        %swap3A_1015 = tpu.vector_load %arg10[%swap3A_1012, %swap3A_1013, %swap3A_1014] {strides = array<i32>} : memref<4x128x128xf32, #tpu.memory_space<vmem>>, vector<1x1x16xf32>,
        %swap3A_1016 = vector.shape_cast %swap3A_1015 : vector<1x1x16xf32> to vector<16xf32>
        %swap3A_1017 = vector.shape_cast %add3A_124 : vector<16xf32> to vector<1x1x16xf32>
        tpu.vector_store %arg10[%swap3A_1012, %swap3A_1013, %swap3A_1014], %swap3A_1017 {add = true, strides = array<i32>} : memref<4x128x128xf32, #tpu.memory_space<vmem>>, vector<1x1x16xf32>,
        %add3A_1018 = arith.constant 6 : i32
        %add3A_1019 = arith.addi %mul3A_577, %add3A_1018 : i32
        %swap3A_1020 = arith.constant 0 : i32
        %swap3A_1021 = arith.index_cast %swap3A_1020 : i32 to index
        %swap3A_1022 = arith.index_cast %add3A_1019 : i32 to index
        %swap3A_1023 = arith.constant 16 : index
        %swap3A_1024 = tpu.vector_load %arg10[%swap3A_1021, %swap3A_1022, %swap3A_1023] {strides = array<i32>} : memref<4x128x128xf32, #tpu.memory_space<vmem>>, vector<1x1x16xf32>,
        %swap3A_1025 = vector.shape_cast %swap3A_1024 : vector<1x1x16xf32> to vector<16xf32>
        %swap3A_1026 = vector.shape_cast %add3A_133 : vector<16xf32> to vector<1x1x16xf32>
        tpu.vector_store %arg10[%swap3A_1021, %swap3A_1022, %swap3A_1023], %swap3A_1026 {add = true, strides = array<i32>} : memref<4x128x128xf32, #tpu.memory_space<vmem>>, vector<1x1x16xf32>,
        %add3A_1027 = arith.constant 6 : i32
        %add3A_1028 = arith.addi %mul3A_577, %add3A_1027 : i32
        %swap3A_1029 = arith.constant 0 : i32
        %swap3A_1030 = arith.index_cast %swap3A_1029 : i32 to index
        %swap3A_1031 = arith.index_cast %add3A_1028 : i32 to index
        %swap3A_1032 = arith.constant 32 : index
        %swap3A_1033 = tpu.vector_load %arg10[%swap3A_1030, %swap3A_1031, %swap3A_1032] {strides = array<i32>} : memref<4x128x128xf32, #tpu.memory_space<vmem>>, vector<1x1x16xf32>,
        %swap3A_1034 = vector.shape_cast %swap3A_1033 : vector<1x1x16xf32> to vector<16xf32>
        %swap3A_1035 = vector.shape_cast %add3A_142 : vector<16xf32> to vector<1x1x16xf32>
        tpu.vector_store %arg10[%swap3A_1030, %swap3A_1031, %swap3A_1032], %swap3A_1035 {add = true, strides = array<i32>} : memref<4x128x128xf32, #tpu.memory_space<vmem>>, vector<1x1x16xf32>,
        %add3A_1036 = arith.constant 6 : i32
        %add3A_1037 = arith.addi %mul3A_577, %add3A_1036 : i32
        %swap3A_1038 = arith.constant 0 : i32
        %swap3A_1039 = arith.index_cast %swap3A_1038 : i32 to index
        %swap3A_1040 = arith.index_cast %add3A_1037 : i32 to index
        %swap3A_1041 = arith.constant 48 : index
        %swap3A_1042 = tpu.vector_load %arg10[%swap3A_1039, %swap3A_1040, %swap3A_1041] {strides = array<i32>} : memref<4x128x128xf32, #tpu.memory_space<vmem>>, vector<1x1x16xf32>,
        %swap3A_1043 = vector.shape_cast %swap3A_1042 : vector<1x1x16xf32> to vector<16xf32>
        %swap3A_1044 = vector.shape_cast %add3A_151 : vector<16xf32> to vector<1x1x16xf32>
        tpu.vector_store %arg10[%swap3A_1039, %swap3A_1040, %swap3A_1041], %swap3A_1044 {add = true, strides = array<i32>} : memref<4x128x128xf32, #tpu.memory_space<vmem>>, vector<1x1x16xf32>,
        %add3A_1045 = arith.constant 6 : i32
        %add3A_1046 = arith.addi %mul3A_577, %add3A_1045 : i32
        %swap3A_1047 = arith.constant 0 : i32
        %swap3A_1048 = arith.index_cast %swap3A_1047 : i32 to index
        %swap3A_1049 = arith.index_cast %add3A_1046 : i32 to index
        %swap3A_1050 = arith.constant 64 : index
        %swap3A_1051 = tpu.vector_load %arg10[%swap3A_1048, %swap3A_1049, %swap3A_1050] {strides = array<i32>} : memref<4x128x128xf32, #tpu.memory_space<vmem>>, vector<1x1x16xf32>,
        %swap3A_1052 = vector.shape_cast %swap3A_1051 : vector<1x1x16xf32> to vector<16xf32>
        %swap3A_1053 = vector.shape_cast %add3A_160 : vector<16xf32> to vector<1x1x16xf32>
        tpu.vector_store %arg10[%swap3A_1048, %swap3A_1049, %swap3A_1050], %swap3A_1053 {add = true, strides = array<i32>} : memref<4x128x128xf32, #tpu.memory_space<vmem>>, vector<1x1x16xf32>,
        %add3A_1054 = arith.constant 6 : i32
        %add3A_1055 = arith.addi %mul3A_577, %add3A_1054 : i32
        %swap3A_1056 = arith.constant 0 : i32
        %swap3A_1057 = arith.index_cast %swap3A_1056 : i32 to index
        %swap3A_1058 = arith.index_cast %add3A_1055 : i32 to index
        %swap3A_1059 = arith.constant 80 : index
        %swap3A_1060 = tpu.vector_load %arg10[%swap3A_1057, %swap3A_1058, %swap3A_1059] {strides = array<i32>} : memref<4x128x128xf32, #tpu.memory_space<vmem>>, vector<1x1x16xf32>,
        %swap3A_1061 = vector.shape_cast %swap3A_1060 : vector<1x1x16xf32> to vector<16xf32>
        %swap3A_1062 = vector.shape_cast %add3A_169 : vector<16xf32> to vector<1x1x16xf32>
        tpu.vector_store %arg10[%swap3A_1057, %swap3A_1058, %swap3A_1059], %swap3A_1062 {add = true, strides = array<i32>} : memref<4x128x128xf32, #tpu.memory_space<vmem>>, vector<1x1x16xf32>,
        %add3A_1063 = arith.constant 6 : i32
        %add3A_1064 = arith.addi %mul3A_577, %add3A_1063 : i32
        %swap3A_1065 = arith.constant 0 : i32
        %swap3A_1066 = arith.index_cast %swap3A_1065 : i32 to index
        %swap3A_1067 = arith.index_cast %add3A_1064 : i32 to index
        %swap3A_1068 = arith.constant 96 : index
        %swap3A_1069 = tpu.vector_load %arg10[%swap3A_1066, %swap3A_1067, %swap3A_1068] {strides = array<i32>} : memref<4x128x128xf32, #tpu.memory_space<vmem>>, vector<1x1x16xf32>,
        %swap3A_1070 = vector.shape_cast %swap3A_1069 : vector<1x1x16xf32> to vector<16xf32>
        %swap3A_1071 = vector.shape_cast %add3A_178 : vector<16xf32> to vector<1x1x16xf32>
        tpu.vector_store %arg10[%swap3A_1066, %swap3A_1067, %swap3A_1068], %swap3A_1071 {add = true, strides = array<i32>} : memref<4x128x128xf32, #tpu.memory_space<vmem>>, vector<1x1x16xf32>,
        %add3A_1072 = arith.constant 6 : i32
        %add3A_1073 = arith.addi %mul3A_577, %add3A_1072 : i32
        %swap3A_1074 = arith.constant 0 : i32
        %swap3A_1075 = arith.index_cast %swap3A_1074 : i32 to index
        %swap3A_1076 = arith.index_cast %add3A_1073 : i32 to index
        %swap3A_1077 = arith.constant 112 : index
        %swap3A_1078 = tpu.vector_load %arg10[%swap3A_1075, %swap3A_1076, %swap3A_1077] {strides = array<i32>} : memref<4x128x128xf32, #tpu.memory_space<vmem>>, vector<1x1x16xf32>,
        %swap3A_1079 = vector.shape_cast %swap3A_1078 : vector<1x1x16xf32> to vector<16xf32>
        %swap3A_1080 = vector.shape_cast %add3A_187 : vector<16xf32> to vector<1x1x16xf32>
        tpu.vector_store %arg10[%swap3A_1075, %swap3A_1076, %swap3A_1077], %swap3A_1080 {add = true, strides = array<i32>} : memref<4x128x128xf32, #tpu.memory_space<vmem>>, vector<1x1x16xf32>,
        %add3A_1081 = arith.constant 7 : i32
        %add3A_1082 = arith.addi %mul3A_577, %add3A_1081 : i32
        %swap3A_1083 = arith.constant 0 : i32
        %swap3A_1084 = arith.index_cast %swap3A_1083 : i32 to index
        %swap3A_1085 = arith.index_cast %add3A_1082 : i32 to index
        %swap3A_1086 = arith.constant 0 : index
        %swap3A_1087 = tpu.vector_load %arg10[%swap3A_1084, %swap3A_1085, %swap3A_1086] {strides = array<i32>} : memref<4x128x128xf32, #tpu.memory_space<vmem>>, vector<1x1x16xf32>,
        %swap3A_1088 = vector.shape_cast %swap3A_1087 : vector<1x1x16xf32> to vector<16xf32>
        %swap3A_1089 = vector.shape_cast %add3A_124 : vector<16xf32> to vector<1x1x16xf32>
        tpu.vector_store %arg10[%swap3A_1084, %swap3A_1085, %swap3A_1086], %swap3A_1089 {add = true, strides = array<i32>} : memref<4x128x128xf32, #tpu.memory_space<vmem>>, vector<1x1x16xf32>,
        %add3A_1090 = arith.constant 7 : i32
        %add3A_1091 = arith.addi %mul3A_577, %add3A_1090 : i32
        %swap3A_1092 = arith.constant 0 : i32
        %swap3A_1093 = arith.index_cast %swap3A_1092 : i32 to index
        %swap3A_1094 = arith.index_cast %add3A_1091 : i32 to index
        %swap3A_1095 = arith.constant 16 : index
        %swap3A_1096 = tpu.vector_load %arg10[%swap3A_1093, %swap3A_1094, %swap3A_1095] {strides = array<i32>} : memref<4x128x128xf32, #tpu.memory_space<vmem>>, vector<1x1x16xf32>,
        %swap3A_1097 = vector.shape_cast %swap3A_1096 : vector<1x1x16xf32> to vector<16xf32>
        %swap3A_1098 = vector.shape_cast %add3A_133 : vector<16xf32> to vector<1x1x16xf32>
        tpu.vector_store %arg10[%swap3A_1093, %swap3A_1094, %swap3A_1095], %swap3A_1098 {add = true, strides = array<i32>} : memref<4x128x128xf32, #tpu.memory_space<vmem>>, vector<1x1x16xf32>,
        %add3A_1099 = arith.constant 7 : i32
        %add3A_1100 = arith.addi %mul3A_577, %add3A_1099 : i32
        %swap3A_1101 = arith.constant 0 : i32
        %swap3A_1102 = arith.index_cast %swap3A_1101 : i32 to index
        %swap3A_1103 = arith.index_cast %add3A_1100 : i32 to index
        %swap3A_1104 = arith.constant 32 : index
        %swap3A_1105 = tpu.vector_load %arg10[%swap3A_1102, %swap3A_1103, %swap3A_1104] {strides = array<i32>} : memref<4x128x128xf32, #tpu.memory_space<vmem>>, vector<1x1x16xf32>,
        %swap3A_1106 = vector.shape_cast %swap3A_1105 : vector<1x1x16xf32> to vector<16xf32>
        %swap3A_1107 = vector.shape_cast %add3A_142 : vector<16xf32> to vector<1x1x16xf32>
        tpu.vector_store %arg10[%swap3A_1102, %swap3A_1103, %swap3A_1104], %swap3A_1107 {add = true, strides = array<i32>} : memref<4x128x128xf32, #tpu.memory_space<vmem>>, vector<1x1x16xf32>,
        %add3A_1108 = arith.constant 7 : i32
        %add3A_1109 = arith.addi %mul3A_577, %add3A_1108 : i32
        %swap3A_1110 = arith.constant 0 : i32
        %swap3A_1111 = arith.index_cast %swap3A_1110 : i32 to index
        %swap3A_1112 = arith.index_cast %add3A_1109 : i32 to index
        %swap3A_1113 = arith.constant 48 : index
        %swap3A_1114 = tpu.vector_load %arg10[%swap3A_1111, %swap3A_1112, %swap3A_1113] {strides = array<i32>} : memref<4x128x128xf32, #tpu.memory_space<vmem>>, vector<1x1x16xf32>,
        %swap3A_1115 = vector.shape_cast %swap3A_1114 : vector<1x1x16xf32> to vector<16xf32>
        %swap3A_1116 = vector.shape_cast %add3A_151 : vector<16xf32> to vector<1x1x16xf32>
        tpu.vector_store %arg10[%swap3A_1111, %swap3A_1112, %swap3A_1113], %swap3A_1116 {add = true, strides = array<i32>} : memref<4x128x128xf32, #tpu.memory_space<vmem>>, vector<1x1x16xf32>,
        %add3A_1117 = arith.constant 7 : i32
        %add3A_1118 = arith.addi %mul3A_577, %add3A_1117 : i32
        %swap3A_1119 = arith.constant 0 : i32
        %swap3A_1120 = arith.index_cast %swap3A_1119 : i32 to index
        %swap3A_1121 = arith.index_cast %add3A_1118 : i32 to index
        %swap3A_1122 = arith.constant 64 : index
        %swap3A_1123 = tpu.vector_load %arg10[%swap3A_1120, %swap3A_1121, %swap3A_1122] {strides = array<i32>} : memref<4x128x128xf32, #tpu.memory_space<vmem>>, vector<1x1x16xf32>,
        %swap3A_1124 = vector.shape_cast %swap3A_1123 : vector<1x1x16xf32> to vector<16xf32>
        %swap3A_1125 = vector.shape_cast %add3A_160 : vector<16xf32> to vector<1x1x16xf32>
        tpu.vector_store %arg10[%swap3A_1120, %swap3A_1121, %swap3A_1122], %swap3A_1125 {add = true, strides = array<i32>} : memref<4x128x128xf32, #tpu.memory_space<vmem>>, vector<1x1x16xf32>,
        %add3A_1126 = arith.constant 7 : i32
        %add3A_1127 = arith.addi %mul3A_577, %add3A_1126 : i32
        %swap3A_1128 = arith.constant 0 : i32
        %swap3A_1129 = arith.index_cast %swap3A_1128 : i32 to index
        %swap3A_1130 = arith.index_cast %add3A_1127 : i32 to index
        %swap3A_1131 = arith.constant 80 : index
        %swap3A_1132 = tpu.vector_load %arg10[%swap3A_1129, %swap3A_1130, %swap3A_1131] {strides = array<i32>} : memref<4x128x128xf32, #tpu.memory_space<vmem>>, vector<1x1x16xf32>,
        %swap3A_1133 = vector.shape_cast %swap3A_1132 : vector<1x1x16xf32> to vector<16xf32>
        %swap3A_1134 = vector.shape_cast %add3A_169 : vector<16xf32> to vector<1x1x16xf32>
        tpu.vector_store %arg10[%swap3A_1129, %swap3A_1130, %swap3A_1131], %swap3A_1134 {add = true, strides = array<i32>} : memref<4x128x128xf32, #tpu.memory_space<vmem>>, vector<1x1x16xf32>,
        %add3A_1135 = arith.constant 7 : i32
        %add3A_1136 = arith.addi %mul3A_577, %add3A_1135 : i32
        %swap3A_1137 = arith.constant 0 : i32
        %swap3A_1138 = arith.index_cast %swap3A_1137 : i32 to index
        %swap3A_1139 = arith.index_cast %add3A_1136 : i32 to index
        %swap3A_1140 = arith.constant 96 : index
        %swap3A_1141 = tpu.vector_load %arg10[%swap3A_1138, %swap3A_1139, %swap3A_1140] {strides = array<i32>} : memref<4x128x128xf32, #tpu.memory_space<vmem>>, vector<1x1x16xf32>,
        %swap3A_1142 = vector.shape_cast %swap3A_1141 : vector<1x1x16xf32> to vector<16xf32>
        %swap3A_1143 = vector.shape_cast %add3A_178 : vector<16xf32> to vector<1x1x16xf32>
        tpu.vector_store %arg10[%swap3A_1138, %swap3A_1139, %swap3A_1140], %swap3A_1143 {add = true, strides = array<i32>} : memref<4x128x128xf32, #tpu.memory_space<vmem>>, vector<1x1x16xf32>,
        %add3A_1144 = arith.constant 7 : i32
        %add3A_1145 = arith.addi %mul3A_577, %add3A_1144 : i32
        %swap3A_1146 = arith.constant 0 : i32
        %swap3A_1147 = arith.index_cast %swap3A_1146 : i32 to index
        %swap3A_1148 = arith.index_cast %add3A_1145 : i32 to index
        %swap3A_1149 = arith.constant 112 : index
        %swap3A_1150 = tpu.vector_load %arg10[%swap3A_1147, %swap3A_1148, %swap3A_1149] {strides = array<i32>} : memref<4x128x128xf32, #tpu.memory_space<vmem>>, vector<1x1x16xf32>,
        %swap3A_1151 = vector.shape_cast %swap3A_1150 : vector<1x1x16xf32> to vector<16xf32>
        %swap3A_1152 = vector.shape_cast %add3A_187 : vector<16xf32> to vector<1x1x16xf32>
        tpu.vector_store %arg10[%swap3A_1147, %swap3A_1148, %swap3A_1149], %swap3A_1152 {add = true, strides = array<i32>} : memref<4x128x128xf32, #tpu.memory_space<vmem>>, vector<1x1x16xf32>,
      }
      %scan3A_193 = arith.constant 16 : i32
      %dma_start3A_194 = arith.constant 0 : i32
      %dma_start3A_195 = arith.constant 0 : i32
      %dma_start3A_196 = arith.constant 0 : i32
      %dma_start3A_197 = tpu.memref_slice %arg10[%dma_start3A_194, %dma_start3A_195, %dma_start3A_196] : memref<4x128x128xf32, #tpu.memory_space<vmem>> -> memref<1x128x128xf32, #tpu.memory_space<vmem>>
      %dma_start3A_198 = tpu.memref_squeeze %dma_start3A_197 : memref<1x128x128xf32, #tpu.memory_space<vmem>> -> memref<128x128xf32, #tpu.memory_space<vmem>>
      %dma_start3A_199 = arith.constant 0 : i32
      %dma_start3A_200 = tpu.memref_slice %arg6[%mul3A_2, %add3A_98, %dma_start3A_199] : memref<4096x200x128xf32, #tpu.memory_space<hbm>> -> memref<128x1x128xf32, #tpu.memory_space<hbm>>
      %dma_start3A_201 = tpu.memref_squeeze %dma_start3A_200 : memref<128x1x128xf32, #tpu.memory_space<hbm>> -> memref<128x128xf32, #tpu.memory_space<hbm>>
      %dma_start3A_202 = arith.constant 0 : i32
      %dma_start3A_203 = tpu.memref_slice %arg6[%mul3A_2, %add3A_98, %dma_start3A_202] : memref<4096x200x128xf32, #tpu.memory_space<hbm>> -> memref<128x1x128xf32, #tpu.memory_space<hbm>>
      %dma_start3A_204 = tpu.memref_squeeze %dma_start3A_203 : memref<128x1x128xf32, #tpu.memory_space<hbm>> -> memref<128x128xf32, #tpu.memory_space<hbm>>
      %dma_start3A_205 = arith.constant 0 : i32
      %dma_start3A_206 = arith.constant 0 : i32
      %dma_start3A_207 = tpu.memref_slice %arg10[%dma_start3A_194, %dma_start3A_205, %dma_start3A_206] : memref<4x128x128xf32, #tpu.memory_space<vmem>> -> memref<1x128x128xf32, #tpu.memory_space<vmem>>
      %dma_start3A_208 = tpu.memref_squeeze %dma_start3A_207 : memref<1x128x128xf32, #tpu.memory_space<vmem>> -> memref<128x128xf32, #tpu.memory_space<vmem>>
      tpu.enqueue_dma source(%dma_start3A_208 : memref<128x128xf32, #tpu.memory_space<vmem>>) target(%dma_start3A_204 : memref<128x128xf32, #tpu.memory_space<hbm>>) target_semaphore(%arg15 : memref<!tpu.dma_semaphore, #tpu.memory_space<semaphore_mem>>)
      %mul3A_209 = arith.constant 4 : i32
      %mul3A_210 = arith.muli %scan3A_94, %mul3A_209 : i32
      %add3A_211 = arith.constant 1 : i32
      %add3A_212 = arith.addi %mul3A_210, %add3A_211 : i32
      %add3A_213 = arith.constant 4 : i32
      %add3A_214 = arith.addi %add3A_212, %add3A_213 : i32
      %sub3A_215 = arith.constant 2 : i32
      %sub3A_216 = arith.subi %add3A_214, %sub3A_215 : i32
      %lt3A_217 = arith.constant 200 : i32
      %lt3A_218 = arith.cmpi slt, %sub3A_216, %lt3A_217 : i32
      %convert_element_type3A_219 = arith.extui %lt3A_218 : i1 to i32
      %cond3A_220 = arith.constant 0 : i32
      %cond3A_221 = arith.cmpi ne, %convert_element_type3A_219, %cond3A_220 : i32
      scf.if %cond3A_221 {
        %ge3A = arith.constant 2 : i32
        %ge3A_575 = arith.cmpi sge, %add3A_212, %ge3A : i32
        %convert_element_type3A_576 = arith.extui %ge3A_575 : i1 to i32
        %cond3A_577 = arith.constant 0 : i32
        %cond3A_578 = arith.cmpi ne, %convert_element_type3A_576, %cond3A_577 : i32
        scf.if %cond3A_578 {
          %sub3A_590 = arith.constant 2 : i32
          %sub3A_591 = arith.subi %add3A_212, %sub3A_590 : i32
          %dma_wait3A_592 = arith.constant 3 : i32
          %dma_wait3A_593 = arith.constant 0 : i32
          %dma_wait3A_594 = arith.constant 0 : i32
          %dma_wait3A_595 = tpu.memref_slice %arg10[%dma_wait3A_592, %dma_wait3A_593, %dma_wait3A_594] : memref<4x128x128xf32, #tpu.memory_space<vmem>> -> memref<1x128x128xf32, #tpu.memory_space<vmem>>
          %dma_wait3A_596 = tpu.memref_squeeze %dma_wait3A_595 : memref<1x128x128xf32, #tpu.memory_space<vmem>> -> memref<128x128xf32, #tpu.memory_space<vmem>>
          %dma_wait3A_597 = arith.constant 0 : i32
          %dma_wait3A_598 = tpu.memref_slice %arg6[%mul3A_2, %sub3A_591, %dma_wait3A_597] : memref<4096x200x128xf32, #tpu.memory_space<hbm>> -> memref<128x1x128xf32, #tpu.memory_space<hbm>>
          %dma_wait3A_599 = tpu.memref_squeeze %dma_wait3A_598 : memref<128x1x128xf32, #tpu.memory_space<hbm>> -> memref<128x128xf32, #tpu.memory_space<hbm>>
          %dma_wait3A_600 = arith.constant 0 : i32
          %dma_wait3A_601 = tpu.memref_slice %arg6[%mul3A_2, %sub3A_591, %dma_wait3A_600] : memref<4096x200x128xf32, #tpu.memory_space<hbm>> -> memref<128x1x128xf32, #tpu.memory_space<hbm>>
          %dma_wait3A_602 = tpu.memref_squeeze %dma_wait3A_601 : memref<128x1x128xf32, #tpu.memory_space<hbm>> -> memref<128x128xf32, #tpu.memory_space<hbm>>
          %dma_wait3A_603 = arith.constant 0 : i32
          %dma_wait3A_604 = arith.constant 0 : i32
          %dma_wait3A_605 = tpu.memref_slice %arg10[%dma_wait3A_592, %dma_wait3A_603, %dma_wait3A_604] : memref<4x128x128xf32, #tpu.memory_space<vmem>> -> memref<1x128x128xf32, #tpu.memory_space<vmem>>
          %dma_wait3A_606 = tpu.memref_squeeze %dma_wait3A_605 : memref<1x128x128xf32, #tpu.memory_space<vmem>> -> memref<128x128xf32, #tpu.memory_space<vmem>>
          tpu.wait_dma2 semaphore(%arg18 : memref<!tpu.dma_semaphore, #tpu.memory_space<semaphore_mem>>) src(%dma_wait3A_606 : memref<128x128xf32, #tpu.memory_space<vmem>>) dst(%dma_wait3A_602 : memref<128x128xf32, #tpu.memory_space<hbm>>)
        } else {
        }
        %dma_start3A_579 = arith.constant 3 : i32
        %dma_start3A_580 = arith.constant 0 : i32
        %dma_start3A_581 = arith.constant 0 : i32
        %dma_start3A_582 = tpu.memref_slice %arg10[%dma_start3A_579, %dma_start3A_580, %dma_start3A_581] : memref<4x128x128xf32, #tpu.memory_space<vmem>> -> memref<1x128x128xf32, #tpu.memory_space<vmem>>
        %dma_start3A_583 = tpu.memref_squeeze %dma_start3A_582 : memref<1x128x128xf32, #tpu.memory_space<vmem>> -> memref<128x128xf32, #tpu.memory_space<vmem>>
        %dma_start3A_584 = arith.constant 0 : i32
        %dma_start3A_585 = tpu.memref_slice %arg9[%sub3A_216, %dma_start3A_584] : memref<200x128xi32, #tpu.memory_space<vmem>> -> memref<1x128xi32, #tpu.memory_space<vmem>>
        %dma_start3A_586 = tpu.memref_squeeze %dma_start3A_585 : memref<1x128xi32, #tpu.memory_space<vmem>> -> memref<128xi32, #tpu.memory_space<vmem>>
        %dma_start3A_587 = arith.constant 0 : i32
        %dma_start3A_588 = arith.constant 0 : i32
        %dma_start3A_589 = tpu.memref_slice %arg3[%dma_start3A_587, %dma_start3A_588] : memref<100000x128xf32, #tpu.memory_space<hbm>> -> memref<100000x128xf32, #tpu.memory_space<hbm>>
        tpu.enqueue_indirect_dma source(%dma_start3A_589 : memref<100000x128xf32, #tpu.memory_space<hbm>>) target(%dma_start3A_583 : memref<128x128xf32, #tpu.memory_space<vmem>>) offsets(%dma_start3A_586 : memref<128xi32, #tpu.memory_space<vmem>>) semaphore(%arg14 : memref<!tpu.dma_semaphore, #tpu.memory_space<semaphore_mem>>)
      } else {
      }
      %dma_wait3A_222 = arith.constant 1 : i32
      %dma_wait3A_223 = arith.constant 0 : i32
      %dma_wait3A_224 = arith.constant 0 : i32
      %dma_wait3A_225 = tpu.memref_slice %arg10[%dma_wait3A_222, %dma_wait3A_223, %dma_wait3A_224] : memref<4x128x128xf32, #tpu.memory_space<vmem>> -> memref<1x128x128xf32, #tpu.memory_space<vmem>>
      %dma_wait3A_226 = tpu.memref_squeeze %dma_wait3A_225 : memref<1x128x128xf32, #tpu.memory_space<vmem>> -> memref<128x128xf32, #tpu.memory_space<vmem>>
      %dma_wait3A_227 = arith.constant 0 : i32
      %dma_wait3A_228 = tpu.memref_slice %arg9[%add3A_212, %dma_wait3A_227] : memref<200x128xi32, #tpu.memory_space<vmem>> -> memref<1x128xi32, #tpu.memory_space<vmem>>
      %dma_wait3A_229 = tpu.memref_squeeze %dma_wait3A_228 : memref<1x128xi32, #tpu.memory_space<vmem>> -> memref<128xi32, #tpu.memory_space<vmem>>
      %dma_wait3A_230 = arith.constant 0 : i32
      %dma_wait3A_231 = arith.constant 0 : i32
      %dma_wait3A_232 = tpu.memref_slice %arg3[%dma_wait3A_230, %dma_wait3A_231] : memref<100000x128xf32, #tpu.memory_space<hbm>> -> memref<100000x128xf32, #tpu.memory_space<hbm>>
      tpu.wait_indirect_dma semaphore(%arg12 : memref<!tpu.dma_semaphore, #tpu.memory_space<semaphore_mem>>) src(%dma_wait3A_232 : memref<100000x128xf32, #tpu.memory_space<hbm>>) dst(%dma_wait3A_226 : memref<128x128xf32, #tpu.memory_space<vmem>>)
      %gt3A_233 = arith.constant 100 : i32
      %gt3A_234 = arith.cmpi sgt, %add3A_212, %gt3A_233 : i32
      %jit3A_235 = arith.constant 1 : i32
      %jit3A_236 = arith.constant 0 : i32
      %select_n3A_237 = arith.select %gt3A_234, %jit3A_235, %jit3A_236 : i32
      %get3A_238 = arith.index_cast %add3A_212 : i32 to index
      %get3A_239 = arith.constant 0 : index
      %get3A_240 = tpu.vector_load %arg7[%get3A_238, %get3A_239] {strides = array<i32>} : memref<200x128xf32, #tpu.memory_space<vmem>>, vector<1x16xf32>,
      %get3A_241 = vector.shape_cast %get3A_240 : vector<1x16xf32> to vector<16xf32>
      %get3A_242 = arith.index_cast %select_n3A_237 : i32 to index
      %get3A_243 = arith.constant 0 : index
      %get3A_244 = tpu.vector_load %arg8[%get3A_242, %get3A_243] {strides = array<i32>} : memref<2x128xf32, #tpu.memory_space<vmem>>, vector<1x16xf32>,
      %get3A_245 = vector.shape_cast %get3A_244 : vector<1x16xf32> to vector<16xf32>
      %add3A_246 = arith.addf %get3A_241, %get3A_245 : vector<16xf32>
      %get3A_247 = arith.index_cast %add3A_212 : i32 to index
      %get3A_248 = arith.constant 16 : index
      %get3A_249 = tpu.vector_load %arg7[%get3A_247, %get3A_248] {strides = array<i32>} : memref<200x128xf32, #tpu.memory_space<vmem>>, vector<1x16xf32>,
      %get3A_250 = vector.shape_cast %get3A_249 : vector<1x16xf32> to vector<16xf32>
      %get3A_251 = arith.index_cast %select_n3A_237 : i32 to index
      %get3A_252 = arith.constant 16 : index
      %get3A_253 = tpu.vector_load %arg8[%get3A_251, %get3A_252] {strides = array<i32>} : memref<2x128xf32, #tpu.memory_space<vmem>>, vector<1x16xf32>,
      %get3A_254 = vector.shape_cast %get3A_253 : vector<1x16xf32> to vector<16xf32>
      %add3A_255 = arith.addf %get3A_250, %get3A_254 : vector<16xf32>
      %get3A_256 = arith.index_cast %add3A_212 : i32 to index
      %get3A_257 = arith.constant 32 : index
      %get3A_258 = tpu.vector_load %arg7[%get3A_256, %get3A_257] {strides = array<i32>} : memref<200x128xf32, #tpu.memory_space<vmem>>, vector<1x16xf32>,
      %get3A_259 = vector.shape_cast %get3A_258 : vector<1x16xf32> to vector<16xf32>
      %get3A_260 = arith.index_cast %select_n3A_237 : i32 to index
      %get3A_261 = arith.constant 32 : index
      %get3A_262 = tpu.vector_load %arg8[%get3A_260, %get3A_261] {strides = array<i32>} : memref<2x128xf32, #tpu.memory_space<vmem>>, vector<1x16xf32>,
      %get3A_263 = vector.shape_cast %get3A_262 : vector<1x16xf32> to vector<16xf32>
      %add3A_264 = arith.addf %get3A_259, %get3A_263 : vector<16xf32>
      %get3A_265 = arith.index_cast %add3A_212 : i32 to index
      %get3A_266 = arith.constant 48 : index
      %get3A_267 = tpu.vector_load %arg7[%get3A_265, %get3A_266] {strides = array<i32>} : memref<200x128xf32, #tpu.memory_space<vmem>>, vector<1x16xf32>,
      %get3A_268 = vector.shape_cast %get3A_267 : vector<1x16xf32> to vector<16xf32>
      %get3A_269 = arith.index_cast %select_n3A_237 : i32 to index
      %get3A_270 = arith.constant 48 : index
      %get3A_271 = tpu.vector_load %arg8[%get3A_269, %get3A_270] {strides = array<i32>} : memref<2x128xf32, #tpu.memory_space<vmem>>, vector<1x16xf32>,
      %get3A_272 = vector.shape_cast %get3A_271 : vector<1x16xf32> to vector<16xf32>
      %add3A_273 = arith.addf %get3A_268, %get3A_272 : vector<16xf32>
      %get3A_274 = arith.index_cast %add3A_212 : i32 to index
      %get3A_275 = arith.constant 64 : index
      %get3A_276 = tpu.vector_load %arg7[%get3A_274, %get3A_275] {strides = array<i32>} : memref<200x128xf32, #tpu.memory_space<vmem>>, vector<1x16xf32>,
      %get3A_277 = vector.shape_cast %get3A_276 : vector<1x16xf32> to vector<16xf32>
      %get3A_278 = arith.index_cast %select_n3A_237 : i32 to index
      %get3A_279 = arith.constant 64 : index
      %get3A_280 = tpu.vector_load %arg8[%get3A_278, %get3A_279] {strides = array<i32>} : memref<2x128xf32, #tpu.memory_space<vmem>>, vector<1x16xf32>,
      %get3A_281 = vector.shape_cast %get3A_280 : vector<1x16xf32> to vector<16xf32>
      %add3A_282 = arith.addf %get3A_277, %get3A_281 : vector<16xf32>
      %get3A_283 = arith.index_cast %add3A_212 : i32 to index
      %get3A_284 = arith.constant 80 : index
      %get3A_285 = tpu.vector_load %arg7[%get3A_283, %get3A_284] {strides = array<i32>} : memref<200x128xf32, #tpu.memory_space<vmem>>, vector<1x16xf32>,
      %get3A_286 = vector.shape_cast %get3A_285 : vector<1x16xf32> to vector<16xf32>
      %get3A_287 = arith.index_cast %select_n3A_237 : i32 to index
      %get3A_288 = arith.constant 80 : index
      %get3A_289 = tpu.vector_load %arg8[%get3A_287, %get3A_288] {strides = array<i32>} : memref<2x128xf32, #tpu.memory_space<vmem>>, vector<1x16xf32>,
      %get3A_290 = vector.shape_cast %get3A_289 : vector<1x16xf32> to vector<16xf32>
      %add3A_291 = arith.addf %get3A_286, %get3A_290 : vector<16xf32>
      %get3A_292 = arith.index_cast %add3A_212 : i32 to index
      %get3A_293 = arith.constant 96 : index
      %get3A_294 = tpu.vector_load %arg7[%get3A_292, %get3A_293] {strides = array<i32>} : memref<200x128xf32, #tpu.memory_space<vmem>>, vector<1x16xf32>,
      %get3A_295 = vector.shape_cast %get3A_294 : vector<1x16xf32> to vector<16xf32>
      %get3A_296 = arith.index_cast %select_n3A_237 : i32 to index
      %get3A_297 = arith.constant 96 : index
      %get3A_298 = tpu.vector_load %arg8[%get3A_296, %get3A_297] {strides = array<i32>} : memref<2x128xf32, #tpu.memory_space<vmem>>, vector<1x16xf32>,
      %get3A_299 = vector.shape_cast %get3A_298 : vector<1x16xf32> to vector<16xf32>
      %add3A_300 = arith.addf %get3A_295, %get3A_299 : vector<16xf32>
      %get3A_301 = arith.index_cast %add3A_212 : i32 to index
      %get3A_302 = arith.constant 112 : index
      %get3A_303 = tpu.vector_load %arg7[%get3A_301, %get3A_302] {strides = array<i32>} : memref<200x128xf32, #tpu.memory_space<vmem>>, vector<1x16xf32>,
      %get3A_304 = vector.shape_cast %get3A_303 : vector<1x16xf32> to vector<16xf32>
      %get3A_305 = arith.index_cast %select_n3A_237 : i32 to index
      %get3A_306 = arith.constant 112 : index
      %get3A_307 = tpu.vector_load %arg8[%get3A_305, %get3A_306] {strides = array<i32>} : memref<2x128xf32, #tpu.memory_space<vmem>>, vector<1x16xf32>,
      %get3A_308 = vector.shape_cast %get3A_307 : vector<1x16xf32> to vector<16xf32>
      %add3A_309 = arith.addf %get3A_304, %get3A_308 : vector<16xf32>
      %scan3A_310 = arith.constant 0 : i32
      %scan3A_311 = arith.constant 0 : i32
      %scan3A_312 = arith.constant 16 : i32
      %scan3A_313 = arith.addi %scan3A_311, %scan3A_312 : i32
      %scan3A_314 = arith.constant 1 : i32
      scf.for %scan3A_575 = %scan3A_311 to %scan3A_313 step %scan3A_314  : i32 {
        %mul3A_576 = arith.constant 8 : i32
        %mul3A_577 = arith.muli %scan3A_575, %mul3A_576 : i32
        %add3A_578 = arith.constant 0 : i32
        %add3A_579 = arith.addi %mul3A_577, %add3A_578 : i32
        %swap3A = arith.constant 1 : i32
        %swap3A_580 = arith.index_cast %swap3A : i32 to index
        %swap3A_581 = arith.index_cast %add3A_579 : i32 to index
        %swap3A_582 = arith.constant 0 : index
        %swap3A_583 = tpu.vector_load %arg10[%swap3A_580, %swap3A_581, %swap3A_582] {strides = array<i32>} : memref<4x128x128xf32, #tpu.memory_space<vmem>>, vector<1x1x16xf32>,
        %swap3A_584 = vector.shape_cast %swap3A_583 : vector<1x1x16xf32> to vector<16xf32>
        %swap3A_585 = vector.shape_cast %add3A_246 : vector<16xf32> to vector<1x1x16xf32>
        tpu.vector_store %arg10[%swap3A_580, %swap3A_581, %swap3A_582], %swap3A_585 {add = true, strides = array<i32>} : memref<4x128x128xf32, #tpu.memory_space<vmem>>, vector<1x1x16xf32>,
        %add3A_586 = arith.constant 0 : i32
        %add3A_587 = arith.addi %mul3A_577, %add3A_586 : i32
        %swap3A_588 = arith.constant 1 : i32
        %swap3A_589 = arith.index_cast %swap3A_588 : i32 to index
        %swap3A_590 = arith.index_cast %add3A_587 : i32 to index
        %swap3A_591 = arith.constant 16 : index
        %swap3A_592 = tpu.vector_load %arg10[%swap3A_589, %swap3A_590, %swap3A_591] {strides = array<i32>} : memref<4x128x128xf32, #tpu.memory_space<vmem>>, vector<1x1x16xf32>,
        %swap3A_593 = vector.shape_cast %swap3A_592 : vector<1x1x16xf32> to vector<16xf32>
        %swap3A_594 = vector.shape_cast %add3A_255 : vector<16xf32> to vector<1x1x16xf32>
        tpu.vector_store %arg10[%swap3A_589, %swap3A_590, %swap3A_591], %swap3A_594 {add = true, strides = array<i32>} : memref<4x128x128xf32, #tpu.memory_space<vmem>>, vector<1x1x16xf32>,
        %add3A_595 = arith.constant 0 : i32
        %add3A_596 = arith.addi %mul3A_577, %add3A_595 : i32
        %swap3A_597 = arith.constant 1 : i32
        %swap3A_598 = arith.index_cast %swap3A_597 : i32 to index
        %swap3A_599 = arith.index_cast %add3A_596 : i32 to index
        %swap3A_600 = arith.constant 32 : index
        %swap3A_601 = tpu.vector_load %arg10[%swap3A_598, %swap3A_599, %swap3A_600] {strides = array<i32>} : memref<4x128x128xf32, #tpu.memory_space<vmem>>, vector<1x1x16xf32>,
        %swap3A_602 = vector.shape_cast %swap3A_601 : vector<1x1x16xf32> to vector<16xf32>
        %swap3A_603 = vector.shape_cast %add3A_264 : vector<16xf32> to vector<1x1x16xf32>
        tpu.vector_store %arg10[%swap3A_598, %swap3A_599, %swap3A_600], %swap3A_603 {add = true, strides = array<i32>} : memref<4x128x128xf32, #tpu.memory_space<vmem>>, vector<1x1x16xf32>,
        %add3A_604 = arith.constant 0 : i32
        %add3A_605 = arith.addi %mul3A_577, %add3A_604 : i32
        %swap3A_606 = arith.constant 1 : i32
        %swap3A_607 = arith.index_cast %swap3A_606 : i32 to index
        %swap3A_608 = arith.index_cast %add3A_605 : i32 to index
        %swap3A_609 = arith.constant 48 : index
        %swap3A_610 = tpu.vector_load %arg10[%swap3A_607, %swap3A_608, %swap3A_609] {strides = array<i32>} : memref<4x128x128xf32, #tpu.memory_space<vmem>>, vector<1x1x16xf32>,
        %swap3A_611 = vector.shape_cast %swap3A_610 : vector<1x1x16xf32> to vector<16xf32>
        %swap3A_612 = vector.shape_cast %add3A_273 : vector<16xf32> to vector<1x1x16xf32>
        tpu.vector_store %arg10[%swap3A_607, %swap3A_608, %swap3A_609], %swap3A_612 {add = true, strides = array<i32>} : memref<4x128x128xf32, #tpu.memory_space<vmem>>, vector<1x1x16xf32>,
        %add3A_613 = arith.constant 0 : i32
        %add3A_614 = arith.addi %mul3A_577, %add3A_613 : i32
        %swap3A_615 = arith.constant 1 : i32
        %swap3A_616 = arith.index_cast %swap3A_615 : i32 to index
        %swap3A_617 = arith.index_cast %add3A_614 : i32 to index
        %swap3A_618 = arith.constant 64 : index
        %swap3A_619 = tpu.vector_load %arg10[%swap3A_616, %swap3A_617, %swap3A_618] {strides = array<i32>} : memref<4x128x128xf32, #tpu.memory_space<vmem>>, vector<1x1x16xf32>,
        %swap3A_620 = vector.shape_cast %swap3A_619 : vector<1x1x16xf32> to vector<16xf32>
        %swap3A_621 = vector.shape_cast %add3A_282 : vector<16xf32> to vector<1x1x16xf32>
        tpu.vector_store %arg10[%swap3A_616, %swap3A_617, %swap3A_618], %swap3A_621 {add = true, strides = array<i32>} : memref<4x128x128xf32, #tpu.memory_space<vmem>>, vector<1x1x16xf32>,
        %add3A_622 = arith.constant 0 : i32
        %add3A_623 = arith.addi %mul3A_577, %add3A_622 : i32
        %swap3A_624 = arith.constant 1 : i32
        %swap3A_625 = arith.index_cast %swap3A_624 : i32 to index
        %swap3A_626 = arith.index_cast %add3A_623 : i32 to index
        %swap3A_627 = arith.constant 80 : index
        %swap3A_628 = tpu.vector_load %arg10[%swap3A_625, %swap3A_626, %swap3A_627] {strides = array<i32>} : memref<4x128x128xf32, #tpu.memory_space<vmem>>, vector<1x1x16xf32>,
        %swap3A_629 = vector.shape_cast %swap3A_628 : vector<1x1x16xf32> to vector<16xf32>
        %swap3A_630 = vector.shape_cast %add3A_291 : vector<16xf32> to vector<1x1x16xf32>
        tpu.vector_store %arg10[%swap3A_625, %swap3A_626, %swap3A_627], %swap3A_630 {add = true, strides = array<i32>} : memref<4x128x128xf32, #tpu.memory_space<vmem>>, vector<1x1x16xf32>,
        %add3A_631 = arith.constant 0 : i32
        %add3A_632 = arith.addi %mul3A_577, %add3A_631 : i32
        %swap3A_633 = arith.constant 1 : i32
        %swap3A_634 = arith.index_cast %swap3A_633 : i32 to index
        %swap3A_635 = arith.index_cast %add3A_632 : i32 to index
        %swap3A_636 = arith.constant 96 : index
        %swap3A_637 = tpu.vector_load %arg10[%swap3A_634, %swap3A_635, %swap3A_636] {strides = array<i32>} : memref<4x128x128xf32, #tpu.memory_space<vmem>>, vector<1x1x16xf32>,
        %swap3A_638 = vector.shape_cast %swap3A_637 : vector<1x1x16xf32> to vector<16xf32>
        %swap3A_639 = vector.shape_cast %add3A_300 : vector<16xf32> to vector<1x1x16xf32>
        tpu.vector_store %arg10[%swap3A_634, %swap3A_635, %swap3A_636], %swap3A_639 {add = true, strides = array<i32>} : memref<4x128x128xf32, #tpu.memory_space<vmem>>, vector<1x1x16xf32>,
        %add3A_640 = arith.constant 0 : i32
        %add3A_641 = arith.addi %mul3A_577, %add3A_640 : i32
        %swap3A_642 = arith.constant 1 : i32
        %swap3A_643 = arith.index_cast %swap3A_642 : i32 to index
        %swap3A_644 = arith.index_cast %add3A_641 : i32 to index
        %swap3A_645 = arith.constant 112 : index
        %swap3A_646 = tpu.vector_load %arg10[%swap3A_643, %swap3A_644, %swap3A_645] {strides = array<i32>} : memref<4x128x128xf32, #tpu.memory_space<vmem>>, vector<1x1x16xf32>,
        %swap3A_647 = vector.shape_cast %swap3A_646 : vector<1x1x16xf32> to vector<16xf32>
        %swap3A_648 = vector.shape_cast %add3A_309 : vector<16xf32> to vector<1x1x16xf32>
        tpu.vector_store %arg10[%swap3A_643, %swap3A_644, %swap3A_645], %swap3A_648 {add = true, strides = array<i32>} : memref<4x128x128xf32, #tpu.memory_space<vmem>>, vector<1x1x16xf32>,
        %add3A_649 = arith.constant 1 : i32
        %add3A_650 = arith.addi %mul3A_577, %add3A_649 : i32
        %swap3A_651 = arith.constant 1 : i32
        %swap3A_652 = arith.index_cast %swap3A_651 : i32 to index
        %swap3A_653 = arith.index_cast %add3A_650 : i32 to index
        %swap3A_654 = arith.constant 0 : index
        %swap3A_655 = tpu.vector_load %arg10[%swap3A_652, %swap3A_653, %swap3A_654] {strides = array<i32>} : memref<4x128x128xf32, #tpu.memory_space<vmem>>, vector<1x1x16xf32>,
        %swap3A_656 = vector.shape_cast %swap3A_655 : vector<1x1x16xf32> to vector<16xf32>
        %swap3A_657 = vector.shape_cast %add3A_246 : vector<16xf32> to vector<1x1x16xf32>
        tpu.vector_store %arg10[%swap3A_652, %swap3A_653, %swap3A_654], %swap3A_657 {add = true, strides = array<i32>} : memref<4x128x128xf32, #tpu.memory_space<vmem>>, vector<1x1x16xf32>,
        %add3A_658 = arith.constant 1 : i32
        %add3A_659 = arith.addi %mul3A_577, %add3A_658 : i32
        %swap3A_660 = arith.constant 1 : i32
        %swap3A_661 = arith.index_cast %swap3A_660 : i32 to index
        %swap3A_662 = arith.index_cast %add3A_659 : i32 to index
        %swap3A_663 = arith.constant 16 : index
        %swap3A_664 = tpu.vector_load %arg10[%swap3A_661, %swap3A_662, %swap3A_663] {strides = array<i32>} : memref<4x128x128xf32, #tpu.memory_space<vmem>>, vector<1x1x16xf32>,
        %swap3A_665 = vector.shape_cast %swap3A_664 : vector<1x1x16xf32> to vector<16xf32>
        %swap3A_666 = vector.shape_cast %add3A_255 : vector<16xf32> to vector<1x1x16xf32>
        tpu.vector_store %arg10[%swap3A_661, %swap3A_662, %swap3A_663], %swap3A_666 {add = true, strides = array<i32>} : memref<4x128x128xf32, #tpu.memory_space<vmem>>, vector<1x1x16xf32>,
        %add3A_667 = arith.constant 1 : i32
        %add3A_668 = arith.addi %mul3A_577, %add3A_667 : i32
        %swap3A_669 = arith.constant 1 : i32
        %swap3A_670 = arith.index_cast %swap3A_669 : i32 to index
        %swap3A_671 = arith.index_cast %add3A_668 : i32 to index
        %swap3A_672 = arith.constant 32 : index
        %swap3A_673 = tpu.vector_load %arg10[%swap3A_670, %swap3A_671, %swap3A_672] {strides = array<i32>} : memref<4x128x128xf32, #tpu.memory_space<vmem>>, vector<1x1x16xf32>,
        %swap3A_674 = vector.shape_cast %swap3A_673 : vector<1x1x16xf32> to vector<16xf32>
        %swap3A_675 = vector.shape_cast %add3A_264 : vector<16xf32> to vector<1x1x16xf32>
        tpu.vector_store %arg10[%swap3A_670, %swap3A_671, %swap3A_672], %swap3A_675 {add = true, strides = array<i32>} : memref<4x128x128xf32, #tpu.memory_space<vmem>>, vector<1x1x16xf32>,
        %add3A_676 = arith.constant 1 : i32
        %add3A_677 = arith.addi %mul3A_577, %add3A_676 : i32
        %swap3A_678 = arith.constant 1 : i32
        %swap3A_679 = arith.index_cast %swap3A_678 : i32 to index
        %swap3A_680 = arith.index_cast %add3A_677 : i32 to index
        %swap3A_681 = arith.constant 48 : index
        %swap3A_682 = tpu.vector_load %arg10[%swap3A_679, %swap3A_680, %swap3A_681] {strides = array<i32>} : memref<4x128x128xf32, #tpu.memory_space<vmem>>, vector<1x1x16xf32>,
        %swap3A_683 = vector.shape_cast %swap3A_682 : vector<1x1x16xf32> to vector<16xf32>
        %swap3A_684 = vector.shape_cast %add3A_273 : vector<16xf32> to vector<1x1x16xf32>
        tpu.vector_store %arg10[%swap3A_679, %swap3A_680, %swap3A_681], %swap3A_684 {add = true, strides = array<i32>} : memref<4x128x128xf32, #tpu.memory_space<vmem>>, vector<1x1x16xf32>,
        %add3A_685 = arith.constant 1 : i32
        %add3A_686 = arith.addi %mul3A_577, %add3A_685 : i32
        %swap3A_687 = arith.constant 1 : i32
        %swap3A_688 = arith.index_cast %swap3A_687 : i32 to index
        %swap3A_689 = arith.index_cast %add3A_686 : i32 to index
        %swap3A_690 = arith.constant 64 : index
        %swap3A_691 = tpu.vector_load %arg10[%swap3A_688, %swap3A_689, %swap3A_690] {strides = array<i32>} : memref<4x128x128xf32, #tpu.memory_space<vmem>>, vector<1x1x16xf32>,
        %swap3A_692 = vector.shape_cast %swap3A_691 : vector<1x1x16xf32> to vector<16xf32>
        %swap3A_693 = vector.shape_cast %add3A_282 : vector<16xf32> to vector<1x1x16xf32>
        tpu.vector_store %arg10[%swap3A_688, %swap3A_689, %swap3A_690], %swap3A_693 {add = true, strides = array<i32>} : memref<4x128x128xf32, #tpu.memory_space<vmem>>, vector<1x1x16xf32>,
        %add3A_694 = arith.constant 1 : i32
        %add3A_695 = arith.addi %mul3A_577, %add3A_694 : i32
        %swap3A_696 = arith.constant 1 : i32
        %swap3A_697 = arith.index_cast %swap3A_696 : i32 to index
        %swap3A_698 = arith.index_cast %add3A_695 : i32 to index
        %swap3A_699 = arith.constant 80 : index
        %swap3A_700 = tpu.vector_load %arg10[%swap3A_697, %swap3A_698, %swap3A_699] {strides = array<i32>} : memref<4x128x128xf32, #tpu.memory_space<vmem>>, vector<1x1x16xf32>,
        %swap3A_701 = vector.shape_cast %swap3A_700 : vector<1x1x16xf32> to vector<16xf32>
        %swap3A_702 = vector.shape_cast %add3A_291 : vector<16xf32> to vector<1x1x16xf32>
        tpu.vector_store %arg10[%swap3A_697, %swap3A_698, %swap3A_699], %swap3A_702 {add = true, strides = array<i32>} : memref<4x128x128xf32, #tpu.memory_space<vmem>>, vector<1x1x16xf32>,
        %add3A_703 = arith.constant 1 : i32
        %add3A_704 = arith.addi %mul3A_577, %add3A_703 : i32
        %swap3A_705 = arith.constant 1 : i32
        %swap3A_706 = arith.index_cast %swap3A_705 : i32 to index
        %swap3A_707 = arith.index_cast %add3A_704 : i32 to index
        %swap3A_708 = arith.constant 96 : index
        %swap3A_709 = tpu.vector_load %arg10[%swap3A_706, %swap3A_707, %swap3A_708] {strides = array<i32>} : memref<4x128x128xf32, #tpu.memory_space<vmem>>, vector<1x1x16xf32>,
        %swap3A_710 = vector.shape_cast %swap3A_709 : vector<1x1x16xf32> to vector<16xf32>
        %swap3A_711 = vector.shape_cast %add3A_300 : vector<16xf32> to vector<1x1x16xf32>
        tpu.vector_store %arg10[%swap3A_706, %swap3A_707, %swap3A_708], %swap3A_711 {add = true, strides = array<i32>} : memref<4x128x128xf32, #tpu.memory_space<vmem>>, vector<1x1x16xf32>,
        %add3A_712 = arith.constant 1 : i32
        %add3A_713 = arith.addi %mul3A_577, %add3A_712 : i32
        %swap3A_714 = arith.constant 1 : i32
        %swap3A_715 = arith.index_cast %swap3A_714 : i32 to index
        %swap3A_716 = arith.index_cast %add3A_713 : i32 to index
        %swap3A_717 = arith.constant 112 : index
        %swap3A_718 = tpu.vector_load %arg10[%swap3A_715, %swap3A_716, %swap3A_717] {strides = array<i32>} : memref<4x128x128xf32, #tpu.memory_space<vmem>>, vector<1x1x16xf32>,
        %swap3A_719 = vector.shape_cast %swap3A_718 : vector<1x1x16xf32> to vector<16xf32>
        %swap3A_720 = vector.shape_cast %add3A_309 : vector<16xf32> to vector<1x1x16xf32>
        tpu.vector_store %arg10[%swap3A_715, %swap3A_716, %swap3A_717], %swap3A_720 {add = true, strides = array<i32>} : memref<4x128x128xf32, #tpu.memory_space<vmem>>, vector<1x1x16xf32>,
        %add3A_721 = arith.constant 2 : i32
        %add3A_722 = arith.addi %mul3A_577, %add3A_721 : i32
        %swap3A_723 = arith.constant 1 : i32
        %swap3A_724 = arith.index_cast %swap3A_723 : i32 to index
        %swap3A_725 = arith.index_cast %add3A_722 : i32 to index
        %swap3A_726 = arith.constant 0 : index
        %swap3A_727 = tpu.vector_load %arg10[%swap3A_724, %swap3A_725, %swap3A_726] {strides = array<i32>} : memref<4x128x128xf32, #tpu.memory_space<vmem>>, vector<1x1x16xf32>,
        %swap3A_728 = vector.shape_cast %swap3A_727 : vector<1x1x16xf32> to vector<16xf32>
        %swap3A_729 = vector.shape_cast %add3A_246 : vector<16xf32> to vector<1x1x16xf32>
        tpu.vector_store %arg10[%swap3A_724, %swap3A_725, %swap3A_726], %swap3A_729 {add = true, strides = array<i32>} : memref<4x128x128xf32, #tpu.memory_space<vmem>>, vector<1x1x16xf32>,
        %add3A_730 = arith.constant 2 : i32
        %add3A_731 = arith.addi %mul3A_577, %add3A_730 : i32
        %swap3A_732 = arith.constant 1 : i32
        %swap3A_733 = arith.index_cast %swap3A_732 : i32 to index
        %swap3A_734 = arith.index_cast %add3A_731 : i32 to index
        %swap3A_735 = arith.constant 16 : index
        %swap3A_736 = tpu.vector_load %arg10[%swap3A_733, %swap3A_734, %swap3A_735] {strides = array<i32>} : memref<4x128x128xf32, #tpu.memory_space<vmem>>, vector<1x1x16xf32>,
        %swap3A_737 = vector.shape_cast %swap3A_736 : vector<1x1x16xf32> to vector<16xf32>
        %swap3A_738 = vector.shape_cast %add3A_255 : vector<16xf32> to vector<1x1x16xf32>
        tpu.vector_store %arg10[%swap3A_733, %swap3A_734, %swap3A_735], %swap3A_738 {add = true, strides = array<i32>} : memref<4x128x128xf32, #tpu.memory_space<vmem>>, vector<1x1x16xf32>,
        %add3A_739 = arith.constant 2 : i32
        %add3A_740 = arith.addi %mul3A_577, %add3A_739 : i32
        %swap3A_741 = arith.constant 1 : i32
        %swap3A_742 = arith.index_cast %swap3A_741 : i32 to index
        %swap3A_743 = arith.index_cast %add3A_740 : i32 to index
        %swap3A_744 = arith.constant 32 : index
        %swap3A_745 = tpu.vector_load %arg10[%swap3A_742, %swap3A_743, %swap3A_744] {strides = array<i32>} : memref<4x128x128xf32, #tpu.memory_space<vmem>>, vector<1x1x16xf32>,
        %swap3A_746 = vector.shape_cast %swap3A_745 : vector<1x1x16xf32> to vector<16xf32>
        %swap3A_747 = vector.shape_cast %add3A_264 : vector<16xf32> to vector<1x1x16xf32>
        tpu.vector_store %arg10[%swap3A_742, %swap3A_743, %swap3A_744], %swap3A_747 {add = true, strides = array<i32>} : memref<4x128x128xf32, #tpu.memory_space<vmem>>, vector<1x1x16xf32>,
        %add3A_748 = arith.constant 2 : i32
        %add3A_749 = arith.addi %mul3A_577, %add3A_748 : i32
        %swap3A_750 = arith.constant 1 : i32
        %swap3A_751 = arith.index_cast %swap3A_750 : i32 to index
        %swap3A_752 = arith.index_cast %add3A_749 : i32 to index
        %swap3A_753 = arith.constant 48 : index
        %swap3A_754 = tpu.vector_load %arg10[%swap3A_751, %swap3A_752, %swap3A_753] {strides = array<i32>} : memref<4x128x128xf32, #tpu.memory_space<vmem>>, vector<1x1x16xf32>,
        %swap3A_755 = vector.shape_cast %swap3A_754 : vector<1x1x16xf32> to vector<16xf32>
        %swap3A_756 = vector.shape_cast %add3A_273 : vector<16xf32> to vector<1x1x16xf32>
        tpu.vector_store %arg10[%swap3A_751, %swap3A_752, %swap3A_753], %swap3A_756 {add = true, strides = array<i32>} : memref<4x128x128xf32, #tpu.memory_space<vmem>>, vector<1x1x16xf32>,
        %add3A_757 = arith.constant 2 : i32
        %add3A_758 = arith.addi %mul3A_577, %add3A_757 : i32
        %swap3A_759 = arith.constant 1 : i32
        %swap3A_760 = arith.index_cast %swap3A_759 : i32 to index
        %swap3A_761 = arith.index_cast %add3A_758 : i32 to index
        %swap3A_762 = arith.constant 64 : index
        %swap3A_763 = tpu.vector_load %arg10[%swap3A_760, %swap3A_761, %swap3A_762] {strides = array<i32>} : memref<4x128x128xf32, #tpu.memory_space<vmem>>, vector<1x1x16xf32>,
        %swap3A_764 = vector.shape_cast %swap3A_763 : vector<1x1x16xf32> to vector<16xf32>
        %swap3A_765 = vector.shape_cast %add3A_282 : vector<16xf32> to vector<1x1x16xf32>
        tpu.vector_store %arg10[%swap3A_760, %swap3A_761, %swap3A_762], %swap3A_765 {add = true, strides = array<i32>} : memref<4x128x128xf32, #tpu.memory_space<vmem>>, vector<1x1x16xf32>,
        %add3A_766 = arith.constant 2 : i32
        %add3A_767 = arith.addi %mul3A_577, %add3A_766 : i32
        %swap3A_768 = arith.constant 1 : i32
        %swap3A_769 = arith.index_cast %swap3A_768 : i32 to index
        %swap3A_770 = arith.index_cast %add3A_767 : i32 to index
        %swap3A_771 = arith.constant 80 : index
        %swap3A_772 = tpu.vector_load %arg10[%swap3A_769, %swap3A_770, %swap3A_771] {strides = array<i32>} : memref<4x128x128xf32, #tpu.memory_space<vmem>>, vector<1x1x16xf32>,
        %swap3A_773 = vector.shape_cast %swap3A_772 : vector<1x1x16xf32> to vector<16xf32>
        %swap3A_774 = vector.shape_cast %add3A_291 : vector<16xf32> to vector<1x1x16xf32>
        tpu.vector_store %arg10[%swap3A_769, %swap3A_770, %swap3A_771], %swap3A_774 {add = true, strides = array<i32>} : memref<4x128x128xf32, #tpu.memory_space<vmem>>, vector<1x1x16xf32>,
        %add3A_775 = arith.constant 2 : i32
        %add3A_776 = arith.addi %mul3A_577, %add3A_775 : i32
        %swap3A_777 = arith.constant 1 : i32
        %swap3A_778 = arith.index_cast %swap3A_777 : i32 to index
        %swap3A_779 = arith.index_cast %add3A_776 : i32 to index
        %swap3A_780 = arith.constant 96 : index
        %swap3A_781 = tpu.vector_load %arg10[%swap3A_778, %swap3A_779, %swap3A_780] {strides = array<i32>} : memref<4x128x128xf32, #tpu.memory_space<vmem>>, vector<1x1x16xf32>,
        %swap3A_782 = vector.shape_cast %swap3A_781 : vector<1x1x16xf32> to vector<16xf32>
        %swap3A_783 = vector.shape_cast %add3A_300 : vector<16xf32> to vector<1x1x16xf32>
        tpu.vector_store %arg10[%swap3A_778, %swap3A_779, %swap3A_780], %swap3A_783 {add = true, strides = array<i32>} : memref<4x128x128xf32, #tpu.memory_space<vmem>>, vector<1x1x16xf32>,
        %add3A_784 = arith.constant 2 : i32
        %add3A_785 = arith.addi %mul3A_577, %add3A_784 : i32
        %swap3A_786 = arith.constant 1 : i32
        %swap3A_787 = arith.index_cast %swap3A_786 : i32 to index
        %swap3A_788 = arith.index_cast %add3A_785 : i32 to index
        %swap3A_789 = arith.constant 112 : index
        %swap3A_790 = tpu.vector_load %arg10[%swap3A_787, %swap3A_788, %swap3A_789] {strides = array<i32>} : memref<4x128x128xf32, #tpu.memory_space<vmem>>, vector<1x1x16xf32>,
        %swap3A_791 = vector.shape_cast %swap3A_790 : vector<1x1x16xf32> to vector<16xf32>
        %swap3A_792 = vector.shape_cast %add3A_309 : vector<16xf32> to vector<1x1x16xf32>
        tpu.vector_store %arg10[%swap3A_787, %swap3A_788, %swap3A_789], %swap3A_792 {add = true, strides = array<i32>} : memref<4x128x128xf32, #tpu.memory_space<vmem>>, vector<1x1x16xf32>,
        %add3A_793 = arith.constant 3 : i32
        %add3A_794 = arith.addi %mul3A_577, %add3A_793 : i32
        %swap3A_795 = arith.constant 1 : i32
        %swap3A_796 = arith.index_cast %swap3A_795 : i32 to index
        %swap3A_797 = arith.index_cast %add3A_794 : i32 to index
        %swap3A_798 = arith.constant 0 : index
        %swap3A_799 = tpu.vector_load %arg10[%swap3A_796, %swap3A_797, %swap3A_798] {strides = array<i32>} : memref<4x128x128xf32, #tpu.memory_space<vmem>>, vector<1x1x16xf32>,
        %swap3A_800 = vector.shape_cast %swap3A_799 : vector<1x1x16xf32> to vector<16xf32>
        %swap3A_801 = vector.shape_cast %add3A_246 : vector<16xf32> to vector<1x1x16xf32>
        tpu.vector_store %arg10[%swap3A_796, %swap3A_797, %swap3A_798], %swap3A_801 {add = true, strides = array<i32>} : memref<4x128x128xf32, #tpu.memory_space<vmem>>, vector<1x1x16xf32>,
        %add3A_802 = arith.constant 3 : i32
        %add3A_803 = arith.addi %mul3A_577, %add3A_802 : i32
        %swap3A_804 = arith.constant 1 : i32
        %swap3A_805 = arith.index_cast %swap3A_804 : i32 to index
        %swap3A_806 = arith.index_cast %add3A_803 : i32 to index
        %swap3A_807 = arith.constant 16 : index
        %swap3A_808 = tpu.vector_load %arg10[%swap3A_805, %swap3A_806, %swap3A_807] {strides = array<i32>} : memref<4x128x128xf32, #tpu.memory_space<vmem>>, vector<1x1x16xf32>,
        %swap3A_809 = vector.shape_cast %swap3A_808 : vector<1x1x16xf32> to vector<16xf32>
        %swap3A_810 = vector.shape_cast %add3A_255 : vector<16xf32> to vector<1x1x16xf32>
        tpu.vector_store %arg10[%swap3A_805, %swap3A_806, %swap3A_807], %swap3A_810 {add = true, strides = array<i32>} : memref<4x128x128xf32, #tpu.memory_space<vmem>>, vector<1x1x16xf32>,
        %add3A_811 = arith.constant 3 : i32
        %add3A_812 = arith.addi %mul3A_577, %add3A_811 : i32
        %swap3A_813 = arith.constant 1 : i32
        %swap3A_814 = arith.index_cast %swap3A_813 : i32 to index
        %swap3A_815 = arith.index_cast %add3A_812 : i32 to index
        %swap3A_816 = arith.constant 32 : index
        %swap3A_817 = tpu.vector_load %arg10[%swap3A_814, %swap3A_815, %swap3A_816] {strides = array<i32>} : memref<4x128x128xf32, #tpu.memory_space<vmem>>, vector<1x1x16xf32>,
        %swap3A_818 = vector.shape_cast %swap3A_817 : vector<1x1x16xf32> to vector<16xf32>
        %swap3A_819 = vector.shape_cast %add3A_264 : vector<16xf32> to vector<1x1x16xf32>
        tpu.vector_store %arg10[%swap3A_814, %swap3A_815, %swap3A_816], %swap3A_819 {add = true, strides = array<i32>} : memref<4x128x128xf32, #tpu.memory_space<vmem>>, vector<1x1x16xf32>,
        %add3A_820 = arith.constant 3 : i32
        %add3A_821 = arith.addi %mul3A_577, %add3A_820 : i32
        %swap3A_822 = arith.constant 1 : i32
        %swap3A_823 = arith.index_cast %swap3A_822 : i32 to index
        %swap3A_824 = arith.index_cast %add3A_821 : i32 to index
        %swap3A_825 = arith.constant 48 : index
        %swap3A_826 = tpu.vector_load %arg10[%swap3A_823, %swap3A_824, %swap3A_825] {strides = array<i32>} : memref<4x128x128xf32, #tpu.memory_space<vmem>>, vector<1x1x16xf32>,
        %swap3A_827 = vector.shape_cast %swap3A_826 : vector<1x1x16xf32> to vector<16xf32>
        %swap3A_828 = vector.shape_cast %add3A_273 : vector<16xf32> to vector<1x1x16xf32>
        tpu.vector_store %arg10[%swap3A_823, %swap3A_824, %swap3A_825], %swap3A_828 {add = true, strides = array<i32>} : memref<4x128x128xf32, #tpu.memory_space<vmem>>, vector<1x1x16xf32>,
        %add3A_829 = arith.constant 3 : i32
        %add3A_830 = arith.addi %mul3A_577, %add3A_829 : i32
        %swap3A_831 = arith.constant 1 : i32
        %swap3A_832 = arith.index_cast %swap3A_831 : i32 to index
        %swap3A_833 = arith.index_cast %add3A_830 : i32 to index
        %swap3A_834 = arith.constant 64 : index
        %swap3A_835 = tpu.vector_load %arg10[%swap3A_832, %swap3A_833, %swap3A_834] {strides = array<i32>} : memref<4x128x128xf32, #tpu.memory_space<vmem>>, vector<1x1x16xf32>,
        %swap3A_836 = vector.shape_cast %swap3A_835 : vector<1x1x16xf32> to vector<16xf32>
        %swap3A_837 = vector.shape_cast %add3A_282 : vector<16xf32> to vector<1x1x16xf32>
        tpu.vector_store %arg10[%swap3A_832, %swap3A_833, %swap3A_834], %swap3A_837 {add = true, strides = array<i32>} : memref<4x128x128xf32, #tpu.memory_space<vmem>>, vector<1x1x16xf32>,
        %add3A_838 = arith.constant 3 : i32
        %add3A_839 = arith.addi %mul3A_577, %add3A_838 : i32
        %swap3A_840 = arith.constant 1 : i32
        %swap3A_841 = arith.index_cast %swap3A_840 : i32 to index
        %swap3A_842 = arith.index_cast %add3A_839 : i32 to index
        %swap3A_843 = arith.constant 80 : index
        %swap3A_844 = tpu.vector_load %arg10[%swap3A_841, %swap3A_842, %swap3A_843] {strides = array<i32>} : memref<4x128x128xf32, #tpu.memory_space<vmem>>, vector<1x1x16xf32>,
        %swap3A_845 = vector.shape_cast %swap3A_844 : vector<1x1x16xf32> to vector<16xf32>
        %swap3A_846 = vector.shape_cast %add3A_291 : vector<16xf32> to vector<1x1x16xf32>
        tpu.vector_store %arg10[%swap3A_841, %swap3A_842, %swap3A_843], %swap3A_846 {add = true, strides = array<i32>} : memref<4x128x128xf32, #tpu.memory_space<vmem>>, vector<1x1x16xf32>,
        %add3A_847 = arith.constant 3 : i32
        %add3A_848 = arith.addi %mul3A_577, %add3A_847 : i32
        %swap3A_849 = arith.constant 1 : i32
        %swap3A_850 = arith.index_cast %swap3A_849 : i32 to index
        %swap3A_851 = arith.index_cast %add3A_848 : i32 to index
        %swap3A_852 = arith.constant 96 : index
        %swap3A_853 = tpu.vector_load %arg10[%swap3A_850, %swap3A_851, %swap3A_852] {strides = array<i32>} : memref<4x128x128xf32, #tpu.memory_space<vmem>>, vector<1x1x16xf32>,
        %swap3A_854 = vector.shape_cast %swap3A_853 : vector<1x1x16xf32> to vector<16xf32>
        %swap3A_855 = vector.shape_cast %add3A_300 : vector<16xf32> to vector<1x1x16xf32>
        tpu.vector_store %arg10[%swap3A_850, %swap3A_851, %swap3A_852], %swap3A_855 {add = true, strides = array<i32>} : memref<4x128x128xf32, #tpu.memory_space<vmem>>, vector<1x1x16xf32>,
        %add3A_856 = arith.constant 3 : i32
        %add3A_857 = arith.addi %mul3A_577, %add3A_856 : i32
        %swap3A_858 = arith.constant 1 : i32
        %swap3A_859 = arith.index_cast %swap3A_858 : i32 to index
        %swap3A_860 = arith.index_cast %add3A_857 : i32 to index
        %swap3A_861 = arith.constant 112 : index
        %swap3A_862 = tpu.vector_load %arg10[%swap3A_859, %swap3A_860, %swap3A_861] {strides = array<i32>} : memref<4x128x128xf32, #tpu.memory_space<vmem>>, vector<1x1x16xf32>,
        %swap3A_863 = vector.shape_cast %swap3A_862 : vector<1x1x16xf32> to vector<16xf32>
        %swap3A_864 = vector.shape_cast %add3A_309 : vector<16xf32> to vector<1x1x16xf32>
        tpu.vector_store %arg10[%swap3A_859, %swap3A_860, %swap3A_861], %swap3A_864 {add = true, strides = array<i32>} : memref<4x128x128xf32, #tpu.memory_space<vmem>>, vector<1x1x16xf32>,
        %add3A_865 = arith.constant 4 : i32
        %add3A_866 = arith.addi %mul3A_577, %add3A_865 : i32
        %swap3A_867 = arith.constant 1 : i32
        %swap3A_868 = arith.index_cast %swap3A_867 : i32 to index
        %swap3A_869 = arith.index_cast %add3A_866 : i32 to index
        %swap3A_870 = arith.constant 0 : index
        %swap3A_871 = tpu.vector_load %arg10[%swap3A_868, %swap3A_869, %swap3A_870] {strides = array<i32>} : memref<4x128x128xf32, #tpu.memory_space<vmem>>, vector<1x1x16xf32>,
        %swap3A_872 = vector.shape_cast %swap3A_871 : vector<1x1x16xf32> to vector<16xf32>
        %swap3A_873 = vector.shape_cast %add3A_246 : vector<16xf32> to vector<1x1x16xf32>
        tpu.vector_store %arg10[%swap3A_868, %swap3A_869, %swap3A_870], %swap3A_873 {add = true, strides = array<i32>} : memref<4x128x128xf32, #tpu.memory_space<vmem>>, vector<1x1x16xf32>,
        %add3A_874 = arith.constant 4 : i32
        %add3A_875 = arith.addi %mul3A_577, %add3A_874 : i32
        %swap3A_876 = arith.constant 1 : i32
        %swap3A_877 = arith.index_cast %swap3A_876 : i32 to index
        %swap3A_878 = arith.index_cast %add3A_875 : i32 to index
        %swap3A_879 = arith.constant 16 : index
        %swap3A_880 = tpu.vector_load %arg10[%swap3A_877, %swap3A_878, %swap3A_879] {strides = array<i32>} : memref<4x128x128xf32, #tpu.memory_space<vmem>>, vector<1x1x16xf32>,
        %swap3A_881 = vector.shape_cast %swap3A_880 : vector<1x1x16xf32> to vector<16xf32>
        %swap3A_882 = vector.shape_cast %add3A_255 : vector<16xf32> to vector<1x1x16xf32>
        tpu.vector_store %arg10[%swap3A_877, %swap3A_878, %swap3A_879], %swap3A_882 {add = true, strides = array<i32>} : memref<4x128x128xf32, #tpu.memory_space<vmem>>, vector<1x1x16xf32>,
        %add3A_883 = arith.constant 4 : i32
        %add3A_884 = arith.addi %mul3A_577, %add3A_883 : i32
        %swap3A_885 = arith.constant 1 : i32
        %swap3A_886 = arith.index_cast %swap3A_885 : i32 to index
        %swap3A_887 = arith.index_cast %add3A_884 : i32 to index
        %swap3A_888 = arith.constant 32 : index
        %swap3A_889 = tpu.vector_load %arg10[%swap3A_886, %swap3A_887, %swap3A_888] {strides = array<i32>} : memref<4x128x128xf32, #tpu.memory_space<vmem>>, vector<1x1x16xf32>,
        %swap3A_890 = vector.shape_cast %swap3A_889 : vector<1x1x16xf32> to vector<16xf32>
        %swap3A_891 = vector.shape_cast %add3A_264 : vector<16xf32> to vector<1x1x16xf32>
        tpu.vector_store %arg10[%swap3A_886, %swap3A_887, %swap3A_888], %swap3A_891 {add = true, strides = array<i32>} : memref<4x128x128xf32, #tpu.memory_space<vmem>>, vector<1x1x16xf32>,
        %add3A_892 = arith.constant 4 : i32
        %add3A_893 = arith.addi %mul3A_577, %add3A_892 : i32
        %swap3A_894 = arith.constant 1 : i32
        %swap3A_895 = arith.index_cast %swap3A_894 : i32 to index
        %swap3A_896 = arith.index_cast %add3A_893 : i32 to index
        %swap3A_897 = arith.constant 48 : index
        %swap3A_898 = tpu.vector_load %arg10[%swap3A_895, %swap3A_896, %swap3A_897] {strides = array<i32>} : memref<4x128x128xf32, #tpu.memory_space<vmem>>, vector<1x1x16xf32>,
        %swap3A_899 = vector.shape_cast %swap3A_898 : vector<1x1x16xf32> to vector<16xf32>
        %swap3A_900 = vector.shape_cast %add3A_273 : vector<16xf32> to vector<1x1x16xf32>
        tpu.vector_store %arg10[%swap3A_895, %swap3A_896, %swap3A_897], %swap3A_900 {add = true, strides = array<i32>} : memref<4x128x128xf32, #tpu.memory_space<vmem>>, vector<1x1x16xf32>,
        %add3A_901 = arith.constant 4 : i32
        %add3A_902 = arith.addi %mul3A_577, %add3A_901 : i32
        %swap3A_903 = arith.constant 1 : i32
        %swap3A_904 = arith.index_cast %swap3A_903 : i32 to index
        %swap3A_905 = arith.index_cast %add3A_902 : i32 to index
        %swap3A_906 = arith.constant 64 : index
        %swap3A_907 = tpu.vector_load %arg10[%swap3A_904, %swap3A_905, %swap3A_906] {strides = array<i32>} : memref<4x128x128xf32, #tpu.memory_space<vmem>>, vector<1x1x16xf32>,
        %swap3A_908 = vector.shape_cast %swap3A_907 : vector<1x1x16xf32> to vector<16xf32>
        %swap3A_909 = vector.shape_cast %add3A_282 : vector<16xf32> to vector<1x1x16xf32>
        tpu.vector_store %arg10[%swap3A_904, %swap3A_905, %swap3A_906], %swap3A_909 {add = true, strides = array<i32>} : memref<4x128x128xf32, #tpu.memory_space<vmem>>, vector<1x1x16xf32>,
        %add3A_910 = arith.constant 4 : i32
        %add3A_911 = arith.addi %mul3A_577, %add3A_910 : i32
        %swap3A_912 = arith.constant 1 : i32
        %swap3A_913 = arith.index_cast %swap3A_912 : i32 to index
        %swap3A_914 = arith.index_cast %add3A_911 : i32 to index
        %swap3A_915 = arith.constant 80 : index
        %swap3A_916 = tpu.vector_load %arg10[%swap3A_913, %swap3A_914, %swap3A_915] {strides = array<i32>} : memref<4x128x128xf32, #tpu.memory_space<vmem>>, vector<1x1x16xf32>,
        %swap3A_917 = vector.shape_cast %swap3A_916 : vector<1x1x16xf32> to vector<16xf32>
        %swap3A_918 = vector.shape_cast %add3A_291 : vector<16xf32> to vector<1x1x16xf32>
        tpu.vector_store %arg10[%swap3A_913, %swap3A_914, %swap3A_915], %swap3A_918 {add = true, strides = array<i32>} : memref<4x128x128xf32, #tpu.memory_space<vmem>>, vector<1x1x16xf32>,
        %add3A_919 = arith.constant 4 : i32
        %add3A_920 = arith.addi %mul3A_577, %add3A_919 : i32
        %swap3A_921 = arith.constant 1 : i32
        %swap3A_922 = arith.index_cast %swap3A_921 : i32 to index
        %swap3A_923 = arith.index_cast %add3A_920 : i32 to index
        %swap3A_924 = arith.constant 96 : index
        %swap3A_925 = tpu.vector_load %arg10[%swap3A_922, %swap3A_923, %swap3A_924] {strides = array<i32>} : memref<4x128x128xf32, #tpu.memory_space<vmem>>, vector<1x1x16xf32>,
        %swap3A_926 = vector.shape_cast %swap3A_925 : vector<1x1x16xf32> to vector<16xf32>
        %swap3A_927 = vector.shape_cast %add3A_300 : vector<16xf32> to vector<1x1x16xf32>
        tpu.vector_store %arg10[%swap3A_922, %swap3A_923, %swap3A_924], %swap3A_927 {add = true, strides = array<i32>} : memref<4x128x128xf32, #tpu.memory_space<vmem>>, vector<1x1x16xf32>,
        %add3A_928 = arith.constant 4 : i32
        %add3A_929 = arith.addi %mul3A_577, %add3A_928 : i32
        %swap3A_930 = arith.constant 1 : i32
        %swap3A_931 = arith.index_cast %swap3A_930 : i32 to index
        %swap3A_932 = arith.index_cast %add3A_929 : i32 to index
        %swap3A_933 = arith.constant 112 : index
        %swap3A_934 = tpu.vector_load %arg10[%swap3A_931, %swap3A_932, %swap3A_933] {strides = array<i32>} : memref<4x128x128xf32, #tpu.memory_space<vmem>>, vector<1x1x16xf32>,
        %swap3A_935 = vector.shape_cast %swap3A_934 : vector<1x1x16xf32> to vector<16xf32>
        %swap3A_936 = vector.shape_cast %add3A_309 : vector<16xf32> to vector<1x1x16xf32>
        tpu.vector_store %arg10[%swap3A_931, %swap3A_932, %swap3A_933], %swap3A_936 {add = true, strides = array<i32>} : memref<4x128x128xf32, #tpu.memory_space<vmem>>, vector<1x1x16xf32>,
        %add3A_937 = arith.constant 5 : i32
        %add3A_938 = arith.addi %mul3A_577, %add3A_937 : i32
        %swap3A_939 = arith.constant 1 : i32
        %swap3A_940 = arith.index_cast %swap3A_939 : i32 to index
        %swap3A_941 = arith.index_cast %add3A_938 : i32 to index
        %swap3A_942 = arith.constant 0 : index
        %swap3A_943 = tpu.vector_load %arg10[%swap3A_940, %swap3A_941, %swap3A_942] {strides = array<i32>} : memref<4x128x128xf32, #tpu.memory_space<vmem>>, vector<1x1x16xf32>,
        %swap3A_944 = vector.shape_cast %swap3A_943 : vector<1x1x16xf32> to vector<16xf32>
        %swap3A_945 = vector.shape_cast %add3A_246 : vector<16xf32> to vector<1x1x16xf32>
        tpu.vector_store %arg10[%swap3A_940, %swap3A_941, %swap3A_942], %swap3A_945 {add = true, strides = array<i32>} : memref<4x128x128xf32, #tpu.memory_space<vmem>>, vector<1x1x16xf32>,
        %add3A_946 = arith.constant 5 : i32
        %add3A_947 = arith.addi %mul3A_577, %add3A_946 : i32
        %swap3A_948 = arith.constant 1 : i32
        %swap3A_949 = arith.index_cast %swap3A_948 : i32 to index
        %swap3A_950 = arith.index_cast %add3A_947 : i32 to index
        %swap3A_951 = arith.constant 16 : index
        %swap3A_952 = tpu.vector_load %arg10[%swap3A_949, %swap3A_950, %swap3A_951] {strides = array<i32>} : memref<4x128x128xf32, #tpu.memory_space<vmem>>, vector<1x1x16xf32>,
        %swap3A_953 = vector.shape_cast %swap3A_952 : vector<1x1x16xf32> to vector<16xf32>
        %swap3A_954 = vector.shape_cast %add3A_255 : vector<16xf32> to vector<1x1x16xf32>
        tpu.vector_store %arg10[%swap3A_949, %swap3A_950, %swap3A_951], %swap3A_954 {add = true, strides = array<i32>} : memref<4x128x128xf32, #tpu.memory_space<vmem>>, vector<1x1x16xf32>,
        %add3A_955 = arith.constant 5 : i32
        %add3A_956 = arith.addi %mul3A_577, %add3A_955 : i32
        %swap3A_957 = arith.constant 1 : i32
        %swap3A_958 = arith.index_cast %swap3A_957 : i32 to index
        %swap3A_959 = arith.index_cast %add3A_956 : i32 to index
        %swap3A_960 = arith.constant 32 : index
        %swap3A_961 = tpu.vector_load %arg10[%swap3A_958, %swap3A_959, %swap3A_960] {strides = array<i32>} : memref<4x128x128xf32, #tpu.memory_space<vmem>>, vector<1x1x16xf32>,
        %swap3A_962 = vector.shape_cast %swap3A_961 : vector<1x1x16xf32> to vector<16xf32>
        %swap3A_963 = vector.shape_cast %add3A_264 : vector<16xf32> to vector<1x1x16xf32>
        tpu.vector_store %arg10[%swap3A_958, %swap3A_959, %swap3A_960], %swap3A_963 {add = true, strides = array<i32>} : memref<4x128x128xf32, #tpu.memory_space<vmem>>, vector<1x1x16xf32>,
        %add3A_964 = arith.constant 5 : i32
        %add3A_965 = arith.addi %mul3A_577, %add3A_964 : i32
        %swap3A_966 = arith.constant 1 : i32
        %swap3A_967 = arith.index_cast %swap3A_966 : i32 to index
        %swap3A_968 = arith.index_cast %add3A_965 : i32 to index
        %swap3A_969 = arith.constant 48 : index
        %swap3A_970 = tpu.vector_load %arg10[%swap3A_967, %swap3A_968, %swap3A_969] {strides = array<i32>} : memref<4x128x128xf32, #tpu.memory_space<vmem>>, vector<1x1x16xf32>,
        %swap3A_971 = vector.shape_cast %swap3A_970 : vector<1x1x16xf32> to vector<16xf32>
        %swap3A_972 = vector.shape_cast %add3A_273 : vector<16xf32> to vector<1x1x16xf32>
        tpu.vector_store %arg10[%swap3A_967, %swap3A_968, %swap3A_969], %swap3A_972 {add = true, strides = array<i32>} : memref<4x128x128xf32, #tpu.memory_space<vmem>>, vector<1x1x16xf32>,
        %add3A_973 = arith.constant 5 : i32
        %add3A_974 = arith.addi %mul3A_577, %add3A_973 : i32
        %swap3A_975 = arith.constant 1 : i32
        %swap3A_976 = arith.index_cast %swap3A_975 : i32 to index
        %swap3A_977 = arith.index_cast %add3A_974 : i32 to index
        %swap3A_978 = arith.constant 64 : index
        %swap3A_979 = tpu.vector_load %arg10[%swap3A_976, %swap3A_977, %swap3A_978] {strides = array<i32>} : memref<4x128x128xf32, #tpu.memory_space<vmem>>, vector<1x1x16xf32>,
        %swap3A_980 = vector.shape_cast %swap3A_979 : vector<1x1x16xf32> to vector<16xf32>
        %swap3A_981 = vector.shape_cast %add3A_282 : vector<16xf32> to vector<1x1x16xf32>
        tpu.vector_store %arg10[%swap3A_976, %swap3A_977, %swap3A_978], %swap3A_981 {add = true, strides = array<i32>} : memref<4x128x128xf32, #tpu.memory_space<vmem>>, vector<1x1x16xf32>,
        %add3A_982 = arith.constant 5 : i32
        %add3A_983 = arith.addi %mul3A_577, %add3A_982 : i32
        %swap3A_984 = arith.constant 1 : i32
        %swap3A_985 = arith.index_cast %swap3A_984 : i32 to index
        %swap3A_986 = arith.index_cast %add3A_983 : i32 to index
        %swap3A_987 = arith.constant 80 : index
        %swap3A_988 = tpu.vector_load %arg10[%swap3A_985, %swap3A_986, %swap3A_987] {strides = array<i32>} : memref<4x128x128xf32, #tpu.memory_space<vmem>>, vector<1x1x16xf32>,
        %swap3A_989 = vector.shape_cast %swap3A_988 : vector<1x1x16xf32> to vector<16xf32>
        %swap3A_990 = vector.shape_cast %add3A_291 : vector<16xf32> to vector<1x1x16xf32>
        tpu.vector_store %arg10[%swap3A_985, %swap3A_986, %swap3A_987], %swap3A_990 {add = true, strides = array<i32>} : memref<4x128x128xf32, #tpu.memory_space<vmem>>, vector<1x1x16xf32>,
        %add3A_991 = arith.constant 5 : i32
        %add3A_992 = arith.addi %mul3A_577, %add3A_991 : i32
        %swap3A_993 = arith.constant 1 : i32
        %swap3A_994 = arith.index_cast %swap3A_993 : i32 to index
        %swap3A_995 = arith.index_cast %add3A_992 : i32 to index
        %swap3A_996 = arith.constant 96 : index
        %swap3A_997 = tpu.vector_load %arg10[%swap3A_994, %swap3A_995, %swap3A_996] {strides = array<i32>} : memref<4x128x128xf32, #tpu.memory_space<vmem>>, vector<1x1x16xf32>,
        %swap3A_998 = vector.shape_cast %swap3A_997 : vector<1x1x16xf32> to vector<16xf32>
        %swap3A_999 = vector.shape_cast %add3A_300 : vector<16xf32> to vector<1x1x16xf32>
        tpu.vector_store %arg10[%swap3A_994, %swap3A_995, %swap3A_996], %swap3A_999 {add = true, strides = array<i32>} : memref<4x128x128xf32, #tpu.memory_space<vmem>>, vector<1x1x16xf32>,
        %add3A_1000 = arith.constant 5 : i32
        %add3A_1001 = arith.addi %mul3A_577, %add3A_1000 : i32
        %swap3A_1002 = arith.constant 1 : i32
        %swap3A_1003 = arith.index_cast %swap3A_1002 : i32 to index
        %swap3A_1004 = arith.index_cast %add3A_1001 : i32 to index
        %swap3A_1005 = arith.constant 112 : index
        %swap3A_1006 = tpu.vector_load %arg10[%swap3A_1003, %swap3A_1004, %swap3A_1005] {strides = array<i32>} : memref<4x128x128xf32, #tpu.memory_space<vmem>>, vector<1x1x16xf32>,
        %swap3A_1007 = vector.shape_cast %swap3A_1006 : vector<1x1x16xf32> to vector<16xf32>
        %swap3A_1008 = vector.shape_cast %add3A_309 : vector<16xf32> to vector<1x1x16xf32>
        tpu.vector_store %arg10[%swap3A_1003, %swap3A_1004, %swap3A_1005], %swap3A_1008 {add = true, strides = array<i32>} : memref<4x128x128xf32, #tpu.memory_space<vmem>>, vector<1x1x16xf32>,
        %add3A_1009 = arith.constant 6 : i32
        %add3A_1010 = arith.addi %mul3A_577, %add3A_1009 : i32
        %swap3A_1011 = arith.constant 1 : i32
        %swap3A_1012 = arith.index_cast %swap3A_1011 : i32 to index
        %swap3A_1013 = arith.index_cast %add3A_1010 : i32 to index
        %swap3A_1014 = arith.constant 0 : index
        %swap3A_1015 = tpu.vector_load %arg10[%swap3A_1012, %swap3A_1013, %swap3A_1014] {strides = array<i32>} : memref<4x128x128xf32, #tpu.memory_space<vmem>>, vector<1x1x16xf32>,
        %swap3A_1016 = vector.shape_cast %swap3A_1015 : vector<1x1x16xf32> to vector<16xf32>
        %swap3A_1017 = vector.shape_cast %add3A_246 : vector<16xf32> to vector<1x1x16xf32>
        tpu.vector_store %arg10[%swap3A_1012, %swap3A_1013, %swap3A_1014], %swap3A_1017 {add = true, strides = array<i32>} : memref<4x128x128xf32, #tpu.memory_space<vmem>>, vector<1x1x16xf32>,
        %add3A_1018 = arith.constant 6 : i32
        %add3A_1019 = arith.addi %mul3A_577, %add3A_1018 : i32
        %swap3A_1020 = arith.constant 1 : i32
        %swap3A_1021 = arith.index_cast %swap3A_1020 : i32 to index
        %swap3A_1022 = arith.index_cast %add3A_1019 : i32 to index
        %swap3A_1023 = arith.constant 16 : index
        %swap3A_1024 = tpu.vector_load %arg10[%swap3A_1021, %swap3A_1022, %swap3A_1023] {strides = array<i32>} : memref<4x128x128xf32, #tpu.memory_space<vmem>>, vector<1x1x16xf32>,
        %swap3A_1025 = vector.shape_cast %swap3A_1024 : vector<1x1x16xf32> to vector<16xf32>
        %swap3A_1026 = vector.shape_cast %add3A_255 : vector<16xf32> to vector<1x1x16xf32>
        tpu.vector_store %arg10[%swap3A_1021, %swap3A_1022, %swap3A_1023], %swap3A_1026 {add = true, strides = array<i32>} : memref<4x128x128xf32, #tpu.memory_space<vmem>>, vector<1x1x16xf32>,
        %add3A_1027 = arith.constant 6 : i32
        %add3A_1028 = arith.addi %mul3A_577, %add3A_1027 : i32
        %swap3A_1029 = arith.constant 1 : i32
        %swap3A_1030 = arith.index_cast %swap3A_1029 : i32 to index
        %swap3A_1031 = arith.index_cast %add3A_1028 : i32 to index
        %swap3A_1032 = arith.constant 32 : index
        %swap3A_1033 = tpu.vector_load %arg10[%swap3A_1030, %swap3A_1031, %swap3A_1032] {strides = array<i32>} : memref<4x128x128xf32, #tpu.memory_space<vmem>>, vector<1x1x16xf32>,
        %swap3A_1034 = vector.shape_cast %swap3A_1033 : vector<1x1x16xf32> to vector<16xf32>
        %swap3A_1035 = vector.shape_cast %add3A_264 : vector<16xf32> to vector<1x1x16xf32>
        tpu.vector_store %arg10[%swap3A_1030, %swap3A_1031, %swap3A_1032], %swap3A_1035 {add = true, strides = array<i32>} : memref<4x128x128xf32, #tpu.memory_space<vmem>>, vector<1x1x16xf32>,
        %add3A_1036 = arith.constant 6 : i32
        %add3A_1037 = arith.addi %mul3A_577, %add3A_1036 : i32
        %swap3A_1038 = arith.constant 1 : i32
        %swap3A_1039 = arith.index_cast %swap3A_1038 : i32 to index
        %swap3A_1040 = arith.index_cast %add3A_1037 : i32 to index
        %swap3A_1041 = arith.constant 48 : index
        %swap3A_1042 = tpu.vector_load %arg10[%swap3A_1039, %swap3A_1040, %swap3A_1041] {strides = array<i32>} : memref<4x128x128xf32, #tpu.memory_space<vmem>>, vector<1x1x16xf32>,
        %swap3A_1043 = vector.shape_cast %swap3A_1042 : vector<1x1x16xf32> to vector<16xf32>
        %swap3A_1044 = vector.shape_cast %add3A_273 : vector<16xf32> to vector<1x1x16xf32>
        tpu.vector_store %arg10[%swap3A_1039, %swap3A_1040, %swap3A_1041], %swap3A_1044 {add = true, strides = array<i32>} : memref<4x128x128xf32, #tpu.memory_space<vmem>>, vector<1x1x16xf32>,
        %add3A_1045 = arith.constant 6 : i32
        %add3A_1046 = arith.addi %mul3A_577, %add3A_1045 : i32
        %swap3A_1047 = arith.constant 1 : i32
        %swap3A_1048 = arith.index_cast %swap3A_1047 : i32 to index
        %swap3A_1049 = arith.index_cast %add3A_1046 : i32 to index
        %swap3A_1050 = arith.constant 64 : index
        %swap3A_1051 = tpu.vector_load %arg10[%swap3A_1048, %swap3A_1049, %swap3A_1050] {strides = array<i32>} : memref<4x128x128xf32, #tpu.memory_space<vmem>>, vector<1x1x16xf32>,
        %swap3A_1052 = vector.shape_cast %swap3A_1051 : vector<1x1x16xf32> to vector<16xf32>
        %swap3A_1053 = vector.shape_cast %add3A_282 : vector<16xf32> to vector<1x1x16xf32>
        tpu.vector_store %arg10[%swap3A_1048, %swap3A_1049, %swap3A_1050], %swap3A_1053 {add = true, strides = array<i32>} : memref<4x128x128xf32, #tpu.memory_space<vmem>>, vector<1x1x16xf32>,
        %add3A_1054 = arith.constant 6 : i32
        %add3A_1055 = arith.addi %mul3A_577, %add3A_1054 : i32
        %swap3A_1056 = arith.constant 1 : i32
        %swap3A_1057 = arith.index_cast %swap3A_1056 : i32 to index
        %swap3A_1058 = arith.index_cast %add3A_1055 : i32 to index
        %swap3A_1059 = arith.constant 80 : index
        %swap3A_1060 = tpu.vector_load %arg10[%swap3A_1057, %swap3A_1058, %swap3A_1059] {strides = array<i32>} : memref<4x128x128xf32, #tpu.memory_space<vmem>>, vector<1x1x16xf32>,
        %swap3A_1061 = vector.shape_cast %swap3A_1060 : vector<1x1x16xf32> to vector<16xf32>
        %swap3A_1062 = vector.shape_cast %add3A_291 : vector<16xf32> to vector<1x1x16xf32>
        tpu.vector_store %arg10[%swap3A_1057, %swap3A_1058, %swap3A_1059], %swap3A_1062 {add = true, strides = array<i32>} : memref<4x128x128xf32, #tpu.memory_space<vmem>>, vector<1x1x16xf32>,
        %add3A_1063 = arith.constant 6 : i32
        %add3A_1064 = arith.addi %mul3A_577, %add3A_1063 : i32
        %swap3A_1065 = arith.constant 1 : i32
        %swap3A_1066 = arith.index_cast %swap3A_1065 : i32 to index
        %swap3A_1067 = arith.index_cast %add3A_1064 : i32 to index
        %swap3A_1068 = arith.constant 96 : index
        %swap3A_1069 = tpu.vector_load %arg10[%swap3A_1066, %swap3A_1067, %swap3A_1068] {strides = array<i32>} : memref<4x128x128xf32, #tpu.memory_space<vmem>>, vector<1x1x16xf32>,
        %swap3A_1070 = vector.shape_cast %swap3A_1069 : vector<1x1x16xf32> to vector<16xf32>
        %swap3A_1071 = vector.shape_cast %add3A_300 : vector<16xf32> to vector<1x1x16xf32>
        tpu.vector_store %arg10[%swap3A_1066, %swap3A_1067, %swap3A_1068], %swap3A_1071 {add = true, strides = array<i32>} : memref<4x128x128xf32, #tpu.memory_space<vmem>>, vector<1x1x16xf32>,
        %add3A_1072 = arith.constant 6 : i32
        %add3A_1073 = arith.addi %mul3A_577, %add3A_1072 : i32
        %swap3A_1074 = arith.constant 1 : i32
        %swap3A_1075 = arith.index_cast %swap3A_1074 : i32 to index
        %swap3A_1076 = arith.index_cast %add3A_1073 : i32 to index
        %swap3A_1077 = arith.constant 112 : index
        %swap3A_1078 = tpu.vector_load %arg10[%swap3A_1075, %swap3A_1076, %swap3A_1077] {strides = array<i32>} : memref<4x128x128xf32, #tpu.memory_space<vmem>>, vector<1x1x16xf32>,
        %swap3A_1079 = vector.shape_cast %swap3A_1078 : vector<1x1x16xf32> to vector<16xf32>
        %swap3A_1080 = vector.shape_cast %add3A_309 : vector<16xf32> to vector<1x1x16xf32>
        tpu.vector_store %arg10[%swap3A_1075, %swap3A_1076, %swap3A_1077], %swap3A_1080 {add = true, strides = array<i32>} : memref<4x128x128xf32, #tpu.memory_space<vmem>>, vector<1x1x16xf32>,
        %add3A_1081 = arith.constant 7 : i32
        %add3A_1082 = arith.addi %mul3A_577, %add3A_1081 : i32
        %swap3A_1083 = arith.constant 1 : i32
        %swap3A_1084 = arith.index_cast %swap3A_1083 : i32 to index
        %swap3A_1085 = arith.index_cast %add3A_1082 : i32 to index
        %swap3A_1086 = arith.constant 0 : index
        %swap3A_1087 = tpu.vector_load %arg10[%swap3A_1084, %swap3A_1085, %swap3A_1086] {strides = array<i32>} : memref<4x128x128xf32, #tpu.memory_space<vmem>>, vector<1x1x16xf32>,
        %swap3A_1088 = vector.shape_cast %swap3A_1087 : vector<1x1x16xf32> to vector<16xf32>
        %swap3A_1089 = vector.shape_cast %add3A_246 : vector<16xf32> to vector<1x1x16xf32>
        tpu.vector_store %arg10[%swap3A_1084, %swap3A_1085, %swap3A_1086], %swap3A_1089 {add = true, strides = array<i32>} : memref<4x128x128xf32, #tpu.memory_space<vmem>>, vector<1x1x16xf32>,
        %add3A_1090 = arith.constant 7 : i32
        %add3A_1091 = arith.addi %mul3A_577, %add3A_1090 : i32
        %swap3A_1092 = arith.constant 1 : i32
        %swap3A_1093 = arith.index_cast %swap3A_1092 : i32 to index
        %swap3A_1094 = arith.index_cast %add3A_1091 : i32 to index
        %swap3A_1095 = arith.constant 16 : index
        %swap3A_1096 = tpu.vector_load %arg10[%swap3A_1093, %swap3A_1094, %swap3A_1095] {strides = array<i32>} : memref<4x128x128xf32, #tpu.memory_space<vmem>>, vector<1x1x16xf32>,
        %swap3A_1097 = vector.shape_cast %swap3A_1096 : vector<1x1x16xf32> to vector<16xf32>
        %swap3A_1098 = vector.shape_cast %add3A_255 : vector<16xf32> to vector<1x1x16xf32>
        tpu.vector_store %arg10[%swap3A_1093, %swap3A_1094, %swap3A_1095], %swap3A_1098 {add = true, strides = array<i32>} : memref<4x128x128xf32, #tpu.memory_space<vmem>>, vector<1x1x16xf32>,
        %add3A_1099 = arith.constant 7 : i32
        %add3A_1100 = arith.addi %mul3A_577, %add3A_1099 : i32
        %swap3A_1101 = arith.constant 1 : i32
        %swap3A_1102 = arith.index_cast %swap3A_1101 : i32 to index
        %swap3A_1103 = arith.index_cast %add3A_1100 : i32 to index
        %swap3A_1104 = arith.constant 32 : index
        %swap3A_1105 = tpu.vector_load %arg10[%swap3A_1102, %swap3A_1103, %swap3A_1104] {strides = array<i32>} : memref<4x128x128xf32, #tpu.memory_space<vmem>>, vector<1x1x16xf32>,
        %swap3A_1106 = vector.shape_cast %swap3A_1105 : vector<1x1x16xf32> to vector<16xf32>
        %swap3A_1107 = vector.shape_cast %add3A_264 : vector<16xf32> to vector<1x1x16xf32>
        tpu.vector_store %arg10[%swap3A_1102, %swap3A_1103, %swap3A_1104], %swap3A_1107 {add = true, strides = array<i32>} : memref<4x128x128xf32, #tpu.memory_space<vmem>>, vector<1x1x16xf32>,
        %add3A_1108 = arith.constant 7 : i32
        %add3A_1109 = arith.addi %mul3A_577, %add3A_1108 : i32
        %swap3A_1110 = arith.constant 1 : i32
        %swap3A_1111 = arith.index_cast %swap3A_1110 : i32 to index
        %swap3A_1112 = arith.index_cast %add3A_1109 : i32 to index
        %swap3A_1113 = arith.constant 48 : index
        %swap3A_1114 = tpu.vector_load %arg10[%swap3A_1111, %swap3A_1112, %swap3A_1113] {strides = array<i32>} : memref<4x128x128xf32, #tpu.memory_space<vmem>>, vector<1x1x16xf32>,
        %swap3A_1115 = vector.shape_cast %swap3A_1114 : vector<1x1x16xf32> to vector<16xf32>
        %swap3A_1116 = vector.shape_cast %add3A_273 : vector<16xf32> to vector<1x1x16xf32>
        tpu.vector_store %arg10[%swap3A_1111, %swap3A_1112, %swap3A_1113], %swap3A_1116 {add = true, strides = array<i32>} : memref<4x128x128xf32, #tpu.memory_space<vmem>>, vector<1x1x16xf32>,
        %add3A_1117 = arith.constant 7 : i32
        %add3A_1118 = arith.addi %mul3A_577, %add3A_1117 : i32
        %swap3A_1119 = arith.constant 1 : i32
        %swap3A_1120 = arith.index_cast %swap3A_1119 : i32 to index
        %swap3A_1121 = arith.index_cast %add3A_1118 : i32 to index
        %swap3A_1122 = arith.constant 64 : index
        %swap3A_1123 = tpu.vector_load %arg10[%swap3A_1120, %swap3A_1121, %swap3A_1122] {strides = array<i32>} : memref<4x128x128xf32, #tpu.memory_space<vmem>>, vector<1x1x16xf32>,
        %swap3A_1124 = vector.shape_cast %swap3A_1123 : vector<1x1x16xf32> to vector<16xf32>
        %swap3A_1125 = vector.shape_cast %add3A_282 : vector<16xf32> to vector<1x1x16xf32>
        tpu.vector_store %arg10[%swap3A_1120, %swap3A_1121, %swap3A_1122], %swap3A_1125 {add = true, strides = array<i32>} : memref<4x128x128xf32, #tpu.memory_space<vmem>>, vector<1x1x16xf32>,
        %add3A_1126 = arith.constant 7 : i32
        %add3A_1127 = arith.addi %mul3A_577, %add3A_1126 : i32
        %swap3A_1128 = arith.constant 1 : i32
        %swap3A_1129 = arith.index_cast %swap3A_1128 : i32 to index
        %swap3A_1130 = arith.index_cast %add3A_1127 : i32 to index
        %swap3A_1131 = arith.constant 80 : index
        %swap3A_1132 = tpu.vector_load %arg10[%swap3A_1129, %swap3A_1130, %swap3A_1131] {strides = array<i32>} : memref<4x128x128xf32, #tpu.memory_space<vmem>>, vector<1x1x16xf32>,
        %swap3A_1133 = vector.shape_cast %swap3A_1132 : vector<1x1x16xf32> to vector<16xf32>
        %swap3A_1134 = vector.shape_cast %add3A_291 : vector<16xf32> to vector<1x1x16xf32>
        tpu.vector_store %arg10[%swap3A_1129, %swap3A_1130, %swap3A_1131], %swap3A_1134 {add = true, strides = array<i32>} : memref<4x128x128xf32, #tpu.memory_space<vmem>>, vector<1x1x16xf32>,
        %add3A_1135 = arith.constant 7 : i32
        %add3A_1136 = arith.addi %mul3A_577, %add3A_1135 : i32
        %swap3A_1137 = arith.constant 1 : i32
        %swap3A_1138 = arith.index_cast %swap3A_1137 : i32 to index
        %swap3A_1139 = arith.index_cast %add3A_1136 : i32 to index
        %swap3A_1140 = arith.constant 96 : index
        %swap3A_1141 = tpu.vector_load %arg10[%swap3A_1138, %swap3A_1139, %swap3A_1140] {strides = array<i32>} : memref<4x128x128xf32, #tpu.memory_space<vmem>>, vector<1x1x16xf32>,
        %swap3A_1142 = vector.shape_cast %swap3A_1141 : vector<1x1x16xf32> to vector<16xf32>
        %swap3A_1143 = vector.shape_cast %add3A_300 : vector<16xf32> to vector<1x1x16xf32>
        tpu.vector_store %arg10[%swap3A_1138, %swap3A_1139, %swap3A_1140], %swap3A_1143 {add = true, strides = array<i32>} : memref<4x128x128xf32, #tpu.memory_space<vmem>>, vector<1x1x16xf32>,
        %add3A_1144 = arith.constant 7 : i32
        %add3A_1145 = arith.addi %mul3A_577, %add3A_1144 : i32
        %swap3A_1146 = arith.constant 1 : i32
        %swap3A_1147 = arith.index_cast %swap3A_1146 : i32 to index
        %swap3A_1148 = arith.index_cast %add3A_1145 : i32 to index
        %swap3A_1149 = arith.constant 112 : index
        %swap3A_1150 = tpu.vector_load %arg10[%swap3A_1147, %swap3A_1148, %swap3A_1149] {strides = array<i32>} : memref<4x128x128xf32, #tpu.memory_space<vmem>>, vector<1x1x16xf32>,
        %swap3A_1151 = vector.shape_cast %swap3A_1150 : vector<1x1x16xf32> to vector<16xf32>
        %swap3A_1152 = vector.shape_cast %add3A_309 : vector<16xf32> to vector<1x1x16xf32>
        tpu.vector_store %arg10[%swap3A_1147, %swap3A_1148, %swap3A_1149], %swap3A_1152 {add = true, strides = array<i32>} : memref<4x128x128xf32, #tpu.memory_space<vmem>>, vector<1x1x16xf32>,
      }
      %scan3A_315 = arith.constant 16 : i32
      %dma_start3A_316 = arith.constant 1 : i32
      %dma_start3A_317 = arith.constant 0 : i32
      %dma_start3A_318 = arith.constant 0 : i32
      %dma_start3A_319 = tpu.memref_slice %arg10[%dma_start3A_316, %dma_start3A_317, %dma_start3A_318] : memref<4x128x128xf32, #tpu.memory_space<vmem>> -> memref<1x128x128xf32, #tpu.memory_space<vmem>>
      %dma_start3A_320 = tpu.memref_squeeze %dma_start3A_319 : memref<1x128x128xf32, #tpu.memory_space<vmem>> -> memref<128x128xf32, #tpu.memory_space<vmem>>
      %dma_start3A_321 = arith.constant 0 : i32
      %dma_start3A_322 = tpu.memref_slice %arg6[%mul3A_2, %add3A_212, %dma_start3A_321] : memref<4096x200x128xf32, #tpu.memory_space<hbm>> -> memref<128x1x128xf32, #tpu.memory_space<hbm>>
      %dma_start3A_323 = tpu.memref_squeeze %dma_start3A_322 : memref<128x1x128xf32, #tpu.memory_space<hbm>> -> memref<128x128xf32, #tpu.memory_space<hbm>>
      %dma_start3A_324 = arith.constant 0 : i32
      %dma_start3A_325 = tpu.memref_slice %arg6[%mul3A_2, %add3A_212, %dma_start3A_324] : memref<4096x200x128xf32, #tpu.memory_space<hbm>> -> memref<128x1x128xf32, #tpu.memory_space<hbm>>
      %dma_start3A_326 = tpu.memref_squeeze %dma_start3A_325 : memref<128x1x128xf32, #tpu.memory_space<hbm>> -> memref<128x128xf32, #tpu.memory_space<hbm>>
      %dma_start3A_327 = arith.constant 0 : i32
      %dma_start3A_328 = arith.constant 0 : i32
      %dma_start3A_329 = tpu.memref_slice %arg10[%dma_start3A_316, %dma_start3A_327, %dma_start3A_328] : memref<4x128x128xf32, #tpu.memory_space<vmem>> -> memref<1x128x128xf32, #tpu.memory_space<vmem>>
      %dma_start3A_330 = tpu.memref_squeeze %dma_start3A_329 : memref<1x128x128xf32, #tpu.memory_space<vmem>> -> memref<128x128xf32, #tpu.memory_space<vmem>>
      tpu.enqueue_dma source(%dma_start3A_330 : memref<128x128xf32, #tpu.memory_space<vmem>>) target(%dma_start3A_326 : memref<128x128xf32, #tpu.memory_space<hbm>>) target_semaphore(%arg16 : memref<!tpu.dma_semaphore, #tpu.memory_space<semaphore_mem>>)
      %mul3A_331 = arith.constant 4 : i32
      %mul3A_332 = arith.muli %scan3A_94, %mul3A_331 : i32
      %add3A_333 = arith.constant 2 : i32
      %add3A_334 = arith.addi %mul3A_332, %add3A_333 : i32
      %add3A_335 = arith.constant 4 : i32
      %add3A_336 = arith.addi %add3A_334, %add3A_335 : i32
      %sub3A_337 = arith.constant 2 : i32
      %sub3A_338 = arith.subi %add3A_336, %sub3A_337 : i32
      %lt3A_339 = arith.constant 200 : i32
      %lt3A_340 = arith.cmpi slt, %sub3A_338, %lt3A_339 : i32
      %convert_element_type3A_341 = arith.extui %lt3A_340 : i1 to i32
      %cond3A_342 = arith.constant 0 : i32
      %cond3A_343 = arith.cmpi ne, %convert_element_type3A_341, %cond3A_342 : i32
      scf.if %cond3A_343 {
        %ge3A = arith.constant 2 : i32
        %ge3A_575 = arith.cmpi sge, %add3A_334, %ge3A : i32
        %convert_element_type3A_576 = arith.extui %ge3A_575 : i1 to i32
        %cond3A_577 = arith.constant 0 : i32
        %cond3A_578 = arith.cmpi ne, %convert_element_type3A_576, %cond3A_577 : i32
        scf.if %cond3A_578 {
          %sub3A_590 = arith.constant 2 : i32
          %sub3A_591 = arith.subi %add3A_334, %sub3A_590 : i32
          %dma_wait3A_592 = arith.constant 0 : i32
          %dma_wait3A_593 = arith.constant 0 : i32
          %dma_wait3A_594 = arith.constant 0 : i32
          %dma_wait3A_595 = tpu.memref_slice %arg10[%dma_wait3A_592, %dma_wait3A_593, %dma_wait3A_594] : memref<4x128x128xf32, #tpu.memory_space<vmem>> -> memref<1x128x128xf32, #tpu.memory_space<vmem>>
          %dma_wait3A_596 = tpu.memref_squeeze %dma_wait3A_595 : memref<1x128x128xf32, #tpu.memory_space<vmem>> -> memref<128x128xf32, #tpu.memory_space<vmem>>
          %dma_wait3A_597 = arith.constant 0 : i32
          %dma_wait3A_598 = tpu.memref_slice %arg6[%mul3A_2, %sub3A_591, %dma_wait3A_597] : memref<4096x200x128xf32, #tpu.memory_space<hbm>> -> memref<128x1x128xf32, #tpu.memory_space<hbm>>
          %dma_wait3A_599 = tpu.memref_squeeze %dma_wait3A_598 : memref<128x1x128xf32, #tpu.memory_space<hbm>> -> memref<128x128xf32, #tpu.memory_space<hbm>>
          %dma_wait3A_600 = arith.constant 0 : i32
          %dma_wait3A_601 = tpu.memref_slice %arg6[%mul3A_2, %sub3A_591, %dma_wait3A_600] : memref<4096x200x128xf32, #tpu.memory_space<hbm>> -> memref<128x1x128xf32, #tpu.memory_space<hbm>>
          %dma_wait3A_602 = tpu.memref_squeeze %dma_wait3A_601 : memref<128x1x128xf32, #tpu.memory_space<hbm>> -> memref<128x128xf32, #tpu.memory_space<hbm>>
          %dma_wait3A_603 = arith.constant 0 : i32
          %dma_wait3A_604 = arith.constant 0 : i32
          %dma_wait3A_605 = tpu.memref_slice %arg10[%dma_wait3A_592, %dma_wait3A_603, %dma_wait3A_604] : memref<4x128x128xf32, #tpu.memory_space<vmem>> -> memref<1x128x128xf32, #tpu.memory_space<vmem>>
          %dma_wait3A_606 = tpu.memref_squeeze %dma_wait3A_605 : memref<1x128x128xf32, #tpu.memory_space<vmem>> -> memref<128x128xf32, #tpu.memory_space<vmem>>
          tpu.wait_dma2 semaphore(%arg15 : memref<!tpu.dma_semaphore, #tpu.memory_space<semaphore_mem>>) src(%dma_wait3A_606 : memref<128x128xf32, #tpu.memory_space<vmem>>) dst(%dma_wait3A_602 : memref<128x128xf32, #tpu.memory_space<hbm>>)
        } else {
        }
        %dma_start3A_579 = arith.constant 0 : i32
        %dma_start3A_580 = arith.constant 0 : i32
        %dma_start3A_581 = arith.constant 0 : i32
        %dma_start3A_582 = tpu.memref_slice %arg10[%dma_start3A_579, %dma_start3A_580, %dma_start3A_581] : memref<4x128x128xf32, #tpu.memory_space<vmem>> -> memref<1x128x128xf32, #tpu.memory_space<vmem>>
        %dma_start3A_583 = tpu.memref_squeeze %dma_start3A_582 : memref<1x128x128xf32, #tpu.memory_space<vmem>> -> memref<128x128xf32, #tpu.memory_space<vmem>>
        %dma_start3A_584 = arith.constant 0 : i32
        %dma_start3A_585 = tpu.memref_slice %arg9[%sub3A_338, %dma_start3A_584] : memref<200x128xi32, #tpu.memory_space<vmem>> -> memref<1x128xi32, #tpu.memory_space<vmem>>
        %dma_start3A_586 = tpu.memref_squeeze %dma_start3A_585 : memref<1x128xi32, #tpu.memory_space<vmem>> -> memref<128xi32, #tpu.memory_space<vmem>>
        %dma_start3A_587 = arith.constant 0 : i32
        %dma_start3A_588 = arith.constant 0 : i32
        %dma_start3A_589 = tpu.memref_slice %arg3[%dma_start3A_587, %dma_start3A_588] : memref<100000x128xf32, #tpu.memory_space<hbm>> -> memref<100000x128xf32, #tpu.memory_space<hbm>>
        tpu.enqueue_indirect_dma source(%dma_start3A_589 : memref<100000x128xf32, #tpu.memory_space<hbm>>) target(%dma_start3A_583 : memref<128x128xf32, #tpu.memory_space<vmem>>) offsets(%dma_start3A_586 : memref<128xi32, #tpu.memory_space<vmem>>) semaphore(%arg11 : memref<!tpu.dma_semaphore, #tpu.memory_space<semaphore_mem>>)
      } else {
      }
      %dma_wait3A_344 = arith.constant 2 : i32
      %dma_wait3A_345 = arith.constant 0 : i32
      %dma_wait3A_346 = arith.constant 0 : i32
      %dma_wait3A_347 = tpu.memref_slice %arg10[%dma_wait3A_344, %dma_wait3A_345, %dma_wait3A_346] : memref<4x128x128xf32, #tpu.memory_space<vmem>> -> memref<1x128x128xf32, #tpu.memory_space<vmem>>
      %dma_wait3A_348 = tpu.memref_squeeze %dma_wait3A_347 : memref<1x128x128xf32, #tpu.memory_space<vmem>> -> memref<128x128xf32, #tpu.memory_space<vmem>>
      %dma_wait3A_349 = arith.constant 0 : i32
      %dma_wait3A_350 = tpu.memref_slice %arg9[%add3A_334, %dma_wait3A_349] : memref<200x128xi32, #tpu.memory_space<vmem>> -> memref<1x128xi32, #tpu.memory_space<vmem>>
      %dma_wait3A_351 = tpu.memref_squeeze %dma_wait3A_350 : memref<1x128xi32, #tpu.memory_space<vmem>> -> memref<128xi32, #tpu.memory_space<vmem>>
      %dma_wait3A_352 = arith.constant 0 : i32
      %dma_wait3A_353 = arith.constant 0 : i32
      %dma_wait3A_354 = tpu.memref_slice %arg3[%dma_wait3A_352, %dma_wait3A_353] : memref<100000x128xf32, #tpu.memory_space<hbm>> -> memref<100000x128xf32, #tpu.memory_space<hbm>>
      tpu.wait_indirect_dma semaphore(%arg13 : memref<!tpu.dma_semaphore, #tpu.memory_space<semaphore_mem>>) src(%dma_wait3A_354 : memref<100000x128xf32, #tpu.memory_space<hbm>>) dst(%dma_wait3A_348 : memref<128x128xf32, #tpu.memory_space<vmem>>)
      %gt3A_355 = arith.constant 100 : i32
      %gt3A_356 = arith.cmpi sgt, %add3A_334, %gt3A_355 : i32
      %jit3A_357 = arith.constant 1 : i32
      %jit3A_358 = arith.constant 0 : i32
      %select_n3A_359 = arith.select %gt3A_356, %jit3A_357, %jit3A_358 : i32
      %get3A_360 = arith.index_cast %add3A_334 : i32 to index
      %get3A_361 = arith.constant 0 : index
      %get3A_362 = tpu.vector_load %arg7[%get3A_360, %get3A_361] {strides = array<i32>} : memref<200x128xf32, #tpu.memory_space<vmem>>, vector<1x16xf32>,
      %get3A_363 = vector.shape_cast %get3A_362 : vector<1x16xf32> to vector<16xf32>
      %get3A_364 = arith.index_cast %select_n3A_359 : i32 to index
      %get3A_365 = arith.constant 0 : index
      %get3A_366 = tpu.vector_load %arg8[%get3A_364, %get3A_365] {strides = array<i32>} : memref<2x128xf32, #tpu.memory_space<vmem>>, vector<1x16xf32>,
      %get3A_367 = vector.shape_cast %get3A_366 : vector<1x16xf32> to vector<16xf32>
      %add3A_368 = arith.addf %get3A_363, %get3A_367 : vector<16xf32>
      %get3A_369 = arith.index_cast %add3A_334 : i32 to index
      %get3A_370 = arith.constant 16 : index
      %get3A_371 = tpu.vector_load %arg7[%get3A_369, %get3A_370] {strides = array<i32>} : memref<200x128xf32, #tpu.memory_space<vmem>>, vector<1x16xf32>,
      %get3A_372 = vector.shape_cast %get3A_371 : vector<1x16xf32> to vector<16xf32>
      %get3A_373 = arith.index_cast %select_n3A_359 : i32 to index
      %get3A_374 = arith.constant 16 : index
      %get3A_375 = tpu.vector_load %arg8[%get3A_373, %get3A_374] {strides = array<i32>} : memref<2x128xf32, #tpu.memory_space<vmem>>, vector<1x16xf32>,
      %get3A_376 = vector.shape_cast %get3A_375 : vector<1x16xf32> to vector<16xf32>
      %add3A_377 = arith.addf %get3A_372, %get3A_376 : vector<16xf32>
      %get3A_378 = arith.index_cast %add3A_334 : i32 to index
      %get3A_379 = arith.constant 32 : index
      %get3A_380 = tpu.vector_load %arg7[%get3A_378, %get3A_379] {strides = array<i32>} : memref<200x128xf32, #tpu.memory_space<vmem>>, vector<1x16xf32>,
      %get3A_381 = vector.shape_cast %get3A_380 : vector<1x16xf32> to vector<16xf32>
      %get3A_382 = arith.index_cast %select_n3A_359 : i32 to index
      %get3A_383 = arith.constant 32 : index
      %get3A_384 = tpu.vector_load %arg8[%get3A_382, %get3A_383] {strides = array<i32>} : memref<2x128xf32, #tpu.memory_space<vmem>>, vector<1x16xf32>,
      %get3A_385 = vector.shape_cast %get3A_384 : vector<1x16xf32> to vector<16xf32>
      %add3A_386 = arith.addf %get3A_381, %get3A_385 : vector<16xf32>
      %get3A_387 = arith.index_cast %add3A_334 : i32 to index
      %get3A_388 = arith.constant 48 : index
      %get3A_389 = tpu.vector_load %arg7[%get3A_387, %get3A_388] {strides = array<i32>} : memref<200x128xf32, #tpu.memory_space<vmem>>, vector<1x16xf32>,
      %get3A_390 = vector.shape_cast %get3A_389 : vector<1x16xf32> to vector<16xf32>
      %get3A_391 = arith.index_cast %select_n3A_359 : i32 to index
      %get3A_392 = arith.constant 48 : index
      %get3A_393 = tpu.vector_load %arg8[%get3A_391, %get3A_392] {strides = array<i32>} : memref<2x128xf32, #tpu.memory_space<vmem>>, vector<1x16xf32>,
      %get3A_394 = vector.shape_cast %get3A_393 : vector<1x16xf32> to vector<16xf32>
      %add3A_395 = arith.addf %get3A_390, %get3A_394 : vector<16xf32>
      %get3A_396 = arith.index_cast %add3A_334 : i32 to index
      %get3A_397 = arith.constant 64 : index
      %get3A_398 = tpu.vector_load %arg7[%get3A_396, %get3A_397] {strides = array<i32>} : memref<200x128xf32, #tpu.memory_space<vmem>>, vector<1x16xf32>,
      %get3A_399 = vector.shape_cast %get3A_398 : vector<1x16xf32> to vector<16xf32>
      %get3A_400 = arith.index_cast %select_n3A_359 : i32 to index
      %get3A_401 = arith.constant 64 : index
      %get3A_402 = tpu.vector_load %arg8[%get3A_400, %get3A_401] {strides = array<i32>} : memref<2x128xf32, #tpu.memory_space<vmem>>, vector<1x16xf32>,
      %get3A_403 = vector.shape_cast %get3A_402 : vector<1x16xf32> to vector<16xf32>
      %add3A_404 = arith.addf %get3A_399, %get3A_403 : vector<16xf32>
      %get3A_405 = arith.index_cast %add3A_334 : i32 to index
      %get3A_406 = arith.constant 80 : index
      %get3A_407 = tpu.vector_load %arg7[%get3A_405, %get3A_406] {strides = array<i32>} : memref<200x128xf32, #tpu.memory_space<vmem>>, vector<1x16xf32>,
      %get3A_408 = vector.shape_cast %get3A_407 : vector<1x16xf32> to vector<16xf32>
      %get3A_409 = arith.index_cast %select_n3A_359 : i32 to index
      %get3A_410 = arith.constant 80 : index
      %get3A_411 = tpu.vector_load %arg8[%get3A_409, %get3A_410] {strides = array<i32>} : memref<2x128xf32, #tpu.memory_space<vmem>>, vector<1x16xf32>,
      %get3A_412 = vector.shape_cast %get3A_411 : vector<1x16xf32> to vector<16xf32>
      %add3A_413 = arith.addf %get3A_408, %get3A_412 : vector<16xf32>
      %get3A_414 = arith.index_cast %add3A_334 : i32 to index
      %get3A_415 = arith.constant 96 : index
      %get3A_416 = tpu.vector_load %arg7[%get3A_414, %get3A_415] {strides = array<i32>} : memref<200x128xf32, #tpu.memory_space<vmem>>, vector<1x16xf32>,
      %get3A_417 = vector.shape_cast %get3A_416 : vector<1x16xf32> to vector<16xf32>
      %get3A_418 = arith.index_cast %select_n3A_359 : i32 to index
      %get3A_419 = arith.constant 96 : index
      %get3A_420 = tpu.vector_load %arg8[%get3A_418, %get3A_419] {strides = array<i32>} : memref<2x128xf32, #tpu.memory_space<vmem>>, vector<1x16xf32>,
      %get3A_421 = vector.shape_cast %get3A_420 : vector<1x16xf32> to vector<16xf32>
      %add3A_422 = arith.addf %get3A_417, %get3A_421 : vector<16xf32>
      %get3A_423 = arith.index_cast %add3A_334 : i32 to index
      %get3A_424 = arith.constant 112 : index
      %get3A_425 = tpu.vector_load %arg7[%get3A_423, %get3A_424] {strides = array<i32>} : memref<200x128xf32, #tpu.memory_space<vmem>>, vector<1x16xf32>,
      %get3A_426 = vector.shape_cast %get3A_425 : vector<1x16xf32> to vector<16xf32>
      %get3A_427 = arith.index_cast %select_n3A_359 : i32 to index
      %get3A_428 = arith.constant 112 : index
      %get3A_429 = tpu.vector_load %arg8[%get3A_427, %get3A_428] {strides = array<i32>} : memref<2x128xf32, #tpu.memory_space<vmem>>, vector<1x16xf32>,
      %get3A_430 = vector.shape_cast %get3A_429 : vector<1x16xf32> to vector<16xf32>
      %add3A_431 = arith.addf %get3A_426, %get3A_430 : vector<16xf32>
      %scan3A_432 = arith.constant 0 : i32
      %scan3A_433 = arith.constant 0 : i32
      %scan3A_434 = arith.constant 16 : i32
      %scan3A_435 = arith.addi %scan3A_433, %scan3A_434 : i32
      %scan3A_436 = arith.constant 1 : i32
      scf.for %scan3A_575 = %scan3A_433 to %scan3A_435 step %scan3A_436  : i32 {
        %mul3A_576 = arith.constant 8 : i32
        %mul3A_577 = arith.muli %scan3A_575, %mul3A_576 : i32
        %add3A_578 = arith.constant 0 : i32
        %add3A_579 = arith.addi %mul3A_577, %add3A_578 : i32
        %swap3A = arith.constant 2 : i32
        %swap3A_580 = arith.index_cast %swap3A : i32 to index
        %swap3A_581 = arith.index_cast %add3A_579 : i32 to index
        %swap3A_582 = arith.constant 0 : index
        %swap3A_583 = tpu.vector_load %arg10[%swap3A_580, %swap3A_581, %swap3A_582] {strides = array<i32>} : memref<4x128x128xf32, #tpu.memory_space<vmem>>, vector<1x1x16xf32>,
        %swap3A_584 = vector.shape_cast %swap3A_583 : vector<1x1x16xf32> to vector<16xf32>
        %swap3A_585 = vector.shape_cast %add3A_368 : vector<16xf32> to vector<1x1x16xf32>
        tpu.vector_store %arg10[%swap3A_580, %swap3A_581, %swap3A_582], %swap3A_585 {add = true, strides = array<i32>} : memref<4x128x128xf32, #tpu.memory_space<vmem>>, vector<1x1x16xf32>,
        %add3A_586 = arith.constant 0 : i32
        %add3A_587 = arith.addi %mul3A_577, %add3A_586 : i32
        %swap3A_588 = arith.constant 2 : i32
        %swap3A_589 = arith.index_cast %swap3A_588 : i32 to index
        %swap3A_590 = arith.index_cast %add3A_587 : i32 to index
        %swap3A_591 = arith.constant 16 : index
        %swap3A_592 = tpu.vector_load %arg10[%swap3A_589, %swap3A_590, %swap3A_591] {strides = array<i32>} : memref<4x128x128xf32, #tpu.memory_space<vmem>>, vector<1x1x16xf32>,
        %swap3A_593 = vector.shape_cast %swap3A_592 : vector<1x1x16xf32> to vector<16xf32>
        %swap3A_594 = vector.shape_cast %add3A_377 : vector<16xf32> to vector<1x1x16xf32>
        tpu.vector_store %arg10[%swap3A_589, %swap3A_590, %swap3A_591], %swap3A_594 {add = true, strides = array<i32>} : memref<4x128x128xf32, #tpu.memory_space<vmem>>, vector<1x1x16xf32>,
        %add3A_595 = arith.constant 0 : i32
        %add3A_596 = arith.addi %mul3A_577, %add3A_595 : i32
        %swap3A_597 = arith.constant 2 : i32
        %swap3A_598 = arith.index_cast %swap3A_597 : i32 to index
        %swap3A_599 = arith.index_cast %add3A_596 : i32 to index
        %swap3A_600 = arith.constant 32 : index
        %swap3A_601 = tpu.vector_load %arg10[%swap3A_598, %swap3A_599, %swap3A_600] {strides = array<i32>} : memref<4x128x128xf32, #tpu.memory_space<vmem>>, vector<1x1x16xf32>,
        %swap3A_602 = vector.shape_cast %swap3A_601 : vector<1x1x16xf32> to vector<16xf32>
        %swap3A_603 = vector.shape_cast %add3A_386 : vector<16xf32> to vector<1x1x16xf32>
        tpu.vector_store %arg10[%swap3A_598, %swap3A_599, %swap3A_600], %swap3A_603 {add = true, strides = array<i32>} : memref<4x128x128xf32, #tpu.memory_space<vmem>>, vector<1x1x16xf32>,
        %add3A_604 = arith.constant 0 : i32
        %add3A_605 = arith.addi %mul3A_577, %add3A_604 : i32
        %swap3A_606 = arith.constant 2 : i32
        %swap3A_607 = arith.index_cast %swap3A_606 : i32 to index
        %swap3A_608 = arith.index_cast %add3A_605 : i32 to index
        %swap3A_609 = arith.constant 48 : index
        %swap3A_610 = tpu.vector_load %arg10[%swap3A_607, %swap3A_608, %swap3A_609] {strides = array<i32>} : memref<4x128x128xf32, #tpu.memory_space<vmem>>, vector<1x1x16xf32>,
        %swap3A_611 = vector.shape_cast %swap3A_610 : vector<1x1x16xf32> to vector<16xf32>
        %swap3A_612 = vector.shape_cast %add3A_395 : vector<16xf32> to vector<1x1x16xf32>
        tpu.vector_store %arg10[%swap3A_607, %swap3A_608, %swap3A_609], %swap3A_612 {add = true, strides = array<i32>} : memref<4x128x128xf32, #tpu.memory_space<vmem>>, vector<1x1x16xf32>,
        %add3A_613 = arith.constant 0 : i32
        %add3A_614 = arith.addi %mul3A_577, %add3A_613 : i32
        %swap3A_615 = arith.constant 2 : i32
        %swap3A_616 = arith.index_cast %swap3A_615 : i32 to index
        %swap3A_617 = arith.index_cast %add3A_614 : i32 to index
        %swap3A_618 = arith.constant 64 : index
        %swap3A_619 = tpu.vector_load %arg10[%swap3A_616, %swap3A_617, %swap3A_618] {strides = array<i32>} : memref<4x128x128xf32, #tpu.memory_space<vmem>>, vector<1x1x16xf32>,
        %swap3A_620 = vector.shape_cast %swap3A_619 : vector<1x1x16xf32> to vector<16xf32>
        %swap3A_621 = vector.shape_cast %add3A_404 : vector<16xf32> to vector<1x1x16xf32>
        tpu.vector_store %arg10[%swap3A_616, %swap3A_617, %swap3A_618], %swap3A_621 {add = true, strides = array<i32>} : memref<4x128x128xf32, #tpu.memory_space<vmem>>, vector<1x1x16xf32>,
        %add3A_622 = arith.constant 0 : i32
        %add3A_623 = arith.addi %mul3A_577, %add3A_622 : i32
        %swap3A_624 = arith.constant 2 : i32
        %swap3A_625 = arith.index_cast %swap3A_624 : i32 to index
        %swap3A_626 = arith.index_cast %add3A_623 : i32 to index
        %swap3A_627 = arith.constant 80 : index
        %swap3A_628 = tpu.vector_load %arg10[%swap3A_625, %swap3A_626, %swap3A_627] {strides = array<i32>} : memref<4x128x128xf32, #tpu.memory_space<vmem>>, vector<1x1x16xf32>,
        %swap3A_629 = vector.shape_cast %swap3A_628 : vector<1x1x16xf32> to vector<16xf32>
        %swap3A_630 = vector.shape_cast %add3A_413 : vector<16xf32> to vector<1x1x16xf32>
        tpu.vector_store %arg10[%swap3A_625, %swap3A_626, %swap3A_627], %swap3A_630 {add = true, strides = array<i32>} : memref<4x128x128xf32, #tpu.memory_space<vmem>>, vector<1x1x16xf32>,
        %add3A_631 = arith.constant 0 : i32
        %add3A_632 = arith.addi %mul3A_577, %add3A_631 : i32
        %swap3A_633 = arith.constant 2 : i32
        %swap3A_634 = arith.index_cast %swap3A_633 : i32 to index
        %swap3A_635 = arith.index_cast %add3A_632 : i32 to index
        %swap3A_636 = arith.constant 96 : index
        %swap3A_637 = tpu.vector_load %arg10[%swap3A_634, %swap3A_635, %swap3A_636] {strides = array<i32>} : memref<4x128x128xf32, #tpu.memory_space<vmem>>, vector<1x1x16xf32>,
        %swap3A_638 = vector.shape_cast %swap3A_637 : vector<1x1x16xf32> to vector<16xf32>
        %swap3A_639 = vector.shape_cast %add3A_422 : vector<16xf32> to vector<1x1x16xf32>
        tpu.vector_store %arg10[%swap3A_634, %swap3A_635, %swap3A_636], %swap3A_639 {add = true, strides = array<i32>} : memref<4x128x128xf32, #tpu.memory_space<vmem>>, vector<1x1x16xf32>,
        %add3A_640 = arith.constant 0 : i32
        %add3A_641 = arith.addi %mul3A_577, %add3A_640 : i32
        %swap3A_642 = arith.constant 2 : i32
        %swap3A_643 = arith.index_cast %swap3A_642 : i32 to index
        %swap3A_644 = arith.index_cast %add3A_641 : i32 to index
        %swap3A_645 = arith.constant 112 : index
        %swap3A_646 = tpu.vector_load %arg10[%swap3A_643, %swap3A_644, %swap3A_645] {strides = array<i32>} : memref<4x128x128xf32, #tpu.memory_space<vmem>>, vector<1x1x16xf32>,
        %swap3A_647 = vector.shape_cast %swap3A_646 : vector<1x1x16xf32> to vector<16xf32>
        %swap3A_648 = vector.shape_cast %add3A_431 : vector<16xf32> to vector<1x1x16xf32>
        tpu.vector_store %arg10[%swap3A_643, %swap3A_644, %swap3A_645], %swap3A_648 {add = true, strides = array<i32>} : memref<4x128x128xf32, #tpu.memory_space<vmem>>, vector<1x1x16xf32>,
        %add3A_649 = arith.constant 1 : i32
        %add3A_650 = arith.addi %mul3A_577, %add3A_649 : i32
        %swap3A_651 = arith.constant 2 : i32
        %swap3A_652 = arith.index_cast %swap3A_651 : i32 to index
        %swap3A_653 = arith.index_cast %add3A_650 : i32 to index
        %swap3A_654 = arith.constant 0 : index
        %swap3A_655 = tpu.vector_load %arg10[%swap3A_652, %swap3A_653, %swap3A_654] {strides = array<i32>} : memref<4x128x128xf32, #tpu.memory_space<vmem>>, vector<1x1x16xf32>,
        %swap3A_656 = vector.shape_cast %swap3A_655 : vector<1x1x16xf32> to vector<16xf32>
        %swap3A_657 = vector.shape_cast %add3A_368 : vector<16xf32> to vector<1x1x16xf32>
        tpu.vector_store %arg10[%swap3A_652, %swap3A_653, %swap3A_654], %swap3A_657 {add = true, strides = array<i32>} : memref<4x128x128xf32, #tpu.memory_space<vmem>>, vector<1x1x16xf32>,
        %add3A_658 = arith.constant 1 : i32
        %add3A_659 = arith.addi %mul3A_577, %add3A_658 : i32
        %swap3A_660 = arith.constant 2 : i32
        %swap3A_661 = arith.index_cast %swap3A_660 : i32 to index
        %swap3A_662 = arith.index_cast %add3A_659 : i32 to index
        %swap3A_663 = arith.constant 16 : index
        %swap3A_664 = tpu.vector_load %arg10[%swap3A_661, %swap3A_662, %swap3A_663] {strides = array<i32>} : memref<4x128x128xf32, #tpu.memory_space<vmem>>, vector<1x1x16xf32>,
        %swap3A_665 = vector.shape_cast %swap3A_664 : vector<1x1x16xf32> to vector<16xf32>
        %swap3A_666 = vector.shape_cast %add3A_377 : vector<16xf32> to vector<1x1x16xf32>
        tpu.vector_store %arg10[%swap3A_661, %swap3A_662, %swap3A_663], %swap3A_666 {add = true, strides = array<i32>} : memref<4x128x128xf32, #tpu.memory_space<vmem>>, vector<1x1x16xf32>,
        %add3A_667 = arith.constant 1 : i32
        %add3A_668 = arith.addi %mul3A_577, %add3A_667 : i32
        %swap3A_669 = arith.constant 2 : i32
        %swap3A_670 = arith.index_cast %swap3A_669 : i32 to index
        %swap3A_671 = arith.index_cast %add3A_668 : i32 to index
        %swap3A_672 = arith.constant 32 : index
        %swap3A_673 = tpu.vector_load %arg10[%swap3A_670, %swap3A_671, %swap3A_672] {strides = array<i32>} : memref<4x128x128xf32, #tpu.memory_space<vmem>>, vector<1x1x16xf32>,
        %swap3A_674 = vector.shape_cast %swap3A_673 : vector<1x1x16xf32> to vector<16xf32>
        %swap3A_675 = vector.shape_cast %add3A_386 : vector<16xf32> to vector<1x1x16xf32>
        tpu.vector_store %arg10[%swap3A_670, %swap3A_671, %swap3A_672], %swap3A_675 {add = true, strides = array<i32>} : memref<4x128x128xf32, #tpu.memory_space<vmem>>, vector<1x1x16xf32>,
        %add3A_676 = arith.constant 1 : i32
        %add3A_677 = arith.addi %mul3A_577, %add3A_676 : i32
        %swap3A_678 = arith.constant 2 : i32
        %swap3A_679 = arith.index_cast %swap3A_678 : i32 to index
        %swap3A_680 = arith.index_cast %add3A_677 : i32 to index
        %swap3A_681 = arith.constant 48 : index
        %swap3A_682 = tpu.vector_load %arg10[%swap3A_679, %swap3A_680, %swap3A_681] {strides = array<i32>} : memref<4x128x128xf32, #tpu.memory_space<vmem>>, vector<1x1x16xf32>,
        %swap3A_683 = vector.shape_cast %swap3A_682 : vector<1x1x16xf32> to vector<16xf32>
        %swap3A_684 = vector.shape_cast %add3A_395 : vector<16xf32> to vector<1x1x16xf32>
        tpu.vector_store %arg10[%swap3A_679, %swap3A_680, %swap3A_681], %swap3A_684 {add = true, strides = array<i32>} : memref<4x128x128xf32, #tpu.memory_space<vmem>>, vector<1x1x16xf32>,
        %add3A_685 = arith.constant 1 : i32
        %add3A_686 = arith.addi %mul3A_577, %add3A_685 : i32
        %swap3A_687 = arith.constant 2 : i32
        %swap3A_688 = arith.index_cast %swap3A_687 : i32 to index
        %swap3A_689 = arith.index_cast %add3A_686 : i32 to index
        %swap3A_690 = arith.constant 64 : index
        %swap3A_691 = tpu.vector_load %arg10[%swap3A_688, %swap3A_689, %swap3A_690] {strides = array<i32>} : memref<4x128x128xf32, #tpu.memory_space<vmem>>, vector<1x1x16xf32>,
        %swap3A_692 = vector.shape_cast %swap3A_691 : vector<1x1x16xf32> to vector<16xf32>
        %swap3A_693 = vector.shape_cast %add3A_404 : vector<16xf32> to vector<1x1x16xf32>
        tpu.vector_store %arg10[%swap3A_688, %swap3A_689, %swap3A_690], %swap3A_693 {add = true, strides = array<i32>} : memref<4x128x128xf32, #tpu.memory_space<vmem>>, vector<1x1x16xf32>,
        %add3A_694 = arith.constant 1 : i32
        %add3A_695 = arith.addi %mul3A_577, %add3A_694 : i32
        %swap3A_696 = arith.constant 2 : i32
        %swap3A_697 = arith.index_cast %swap3A_696 : i32 to index
        %swap3A_698 = arith.index_cast %add3A_695 : i32 to index
        %swap3A_699 = arith.constant 80 : index
        %swap3A_700 = tpu.vector_load %arg10[%swap3A_697, %swap3A_698, %swap3A_699] {strides = array<i32>} : memref<4x128x128xf32, #tpu.memory_space<vmem>>, vector<1x1x16xf32>,
        %swap3A_701 = vector.shape_cast %swap3A_700 : vector<1x1x16xf32> to vector<16xf32>
        %swap3A_702 = vector.shape_cast %add3A_413 : vector<16xf32> to vector<1x1x16xf32>
        tpu.vector_store %arg10[%swap3A_697, %swap3A_698, %swap3A_699], %swap3A_702 {add = true, strides = array<i32>} : memref<4x128x128xf32, #tpu.memory_space<vmem>>, vector<1x1x16xf32>,
        %add3A_703 = arith.constant 1 : i32
        %add3A_704 = arith.addi %mul3A_577, %add3A_703 : i32
        %swap3A_705 = arith.constant 2 : i32
        %swap3A_706 = arith.index_cast %swap3A_705 : i32 to index
        %swap3A_707 = arith.index_cast %add3A_704 : i32 to index
        %swap3A_708 = arith.constant 96 : index
        %swap3A_709 = tpu.vector_load %arg10[%swap3A_706, %swap3A_707, %swap3A_708] {strides = array<i32>} : memref<4x128x128xf32, #tpu.memory_space<vmem>>, vector<1x1x16xf32>,
        %swap3A_710 = vector.shape_cast %swap3A_709 : vector<1x1x16xf32> to vector<16xf32>
        %swap3A_711 = vector.shape_cast %add3A_422 : vector<16xf32> to vector<1x1x16xf32>
        tpu.vector_store %arg10[%swap3A_706, %swap3A_707, %swap3A_708], %swap3A_711 {add = true, strides = array<i32>} : memref<4x128x128xf32, #tpu.memory_space<vmem>>, vector<1x1x16xf32>,
        %add3A_712 = arith.constant 1 : i32
        %add3A_713 = arith.addi %mul3A_577, %add3A_712 : i32
        %swap3A_714 = arith.constant 2 : i32
        %swap3A_715 = arith.index_cast %swap3A_714 : i32 to index
        %swap3A_716 = arith.index_cast %add3A_713 : i32 to index
        %swap3A_717 = arith.constant 112 : index
        %swap3A_718 = tpu.vector_load %arg10[%swap3A_715, %swap3A_716, %swap3A_717] {strides = array<i32>} : memref<4x128x128xf32, #tpu.memory_space<vmem>>, vector<1x1x16xf32>,
        %swap3A_719 = vector.shape_cast %swap3A_718 : vector<1x1x16xf32> to vector<16xf32>
        %swap3A_720 = vector.shape_cast %add3A_431 : vector<16xf32> to vector<1x1x16xf32>
        tpu.vector_store %arg10[%swap3A_715, %swap3A_716, %swap3A_717], %swap3A_720 {add = true, strides = array<i32>} : memref<4x128x128xf32, #tpu.memory_space<vmem>>, vector<1x1x16xf32>,
        %add3A_721 = arith.constant 2 : i32
        %add3A_722 = arith.addi %mul3A_577, %add3A_721 : i32
        %swap3A_723 = arith.constant 2 : i32
        %swap3A_724 = arith.index_cast %swap3A_723 : i32 to index
        %swap3A_725 = arith.index_cast %add3A_722 : i32 to index
        %swap3A_726 = arith.constant 0 : index
        %swap3A_727 = tpu.vector_load %arg10[%swap3A_724, %swap3A_725, %swap3A_726] {strides = array<i32>} : memref<4x128x128xf32, #tpu.memory_space<vmem>>, vector<1x1x16xf32>,
        %swap3A_728 = vector.shape_cast %swap3A_727 : vector<1x1x16xf32> to vector<16xf32>
        %swap3A_729 = vector.shape_cast %add3A_368 : vector<16xf32> to vector<1x1x16xf32>
        tpu.vector_store %arg10[%swap3A_724, %swap3A_725, %swap3A_726], %swap3A_729 {add = true, strides = array<i32>} : memref<4x128x128xf32, #tpu.memory_space<vmem>>, vector<1x1x16xf32>,
        %add3A_730 = arith.constant 2 : i32
        %add3A_731 = arith.addi %mul3A_577, %add3A_730 : i32
        %swap3A_732 = arith.constant 2 : i32
        %swap3A_733 = arith.index_cast %swap3A_732 : i32 to index
        %swap3A_734 = arith.index_cast %add3A_731 : i32 to index
        %swap3A_735 = arith.constant 16 : index
        %swap3A_736 = tpu.vector_load %arg10[%swap3A_733, %swap3A_734, %swap3A_735] {strides = array<i32>} : memref<4x128x128xf32, #tpu.memory_space<vmem>>, vector<1x1x16xf32>,
        %swap3A_737 = vector.shape_cast %swap3A_736 : vector<1x1x16xf32> to vector<16xf32>
        %swap3A_738 = vector.shape_cast %add3A_377 : vector<16xf32> to vector<1x1x16xf32>
        tpu.vector_store %arg10[%swap3A_733, %swap3A_734, %swap3A_735], %swap3A_738 {add = true, strides = array<i32>} : memref<4x128x128xf32, #tpu.memory_space<vmem>>, vector<1x1x16xf32>,
        %add3A_739 = arith.constant 2 : i32
        %add3A_740 = arith.addi %mul3A_577, %add3A_739 : i32
        %swap3A_741 = arith.constant 2 : i32
        %swap3A_742 = arith.index_cast %swap3A_741 : i32 to index
        %swap3A_743 = arith.index_cast %add3A_740 : i32 to index
        %swap3A_744 = arith.constant 32 : index
        %swap3A_745 = tpu.vector_load %arg10[%swap3A_742, %swap3A_743, %swap3A_744] {strides = array<i32>} : memref<4x128x128xf32, #tpu.memory_space<vmem>>, vector<1x1x16xf32>,
        %swap3A_746 = vector.shape_cast %swap3A_745 : vector<1x1x16xf32> to vector<16xf32>
        %swap3A_747 = vector.shape_cast %add3A_386 : vector<16xf32> to vector<1x1x16xf32>
        tpu.vector_store %arg10[%swap3A_742, %swap3A_743, %swap3A_744], %swap3A_747 {add = true, strides = array<i32>} : memref<4x128x128xf32, #tpu.memory_space<vmem>>, vector<1x1x16xf32>,
        %add3A_748 = arith.constant 2 : i32
        %add3A_749 = arith.addi %mul3A_577, %add3A_748 : i32
        %swap3A_750 = arith.constant 2 : i32
        %swap3A_751 = arith.index_cast %swap3A_750 : i32 to index
        %swap3A_752 = arith.index_cast %add3A_749 : i32 to index
        %swap3A_753 = arith.constant 48 : index
        %swap3A_754 = tpu.vector_load %arg10[%swap3A_751, %swap3A_752, %swap3A_753] {strides = array<i32>} : memref<4x128x128xf32, #tpu.memory_space<vmem>>, vector<1x1x16xf32>,
        %swap3A_755 = vector.shape_cast %swap3A_754 : vector<1x1x16xf32> to vector<16xf32>
        %swap3A_756 = vector.shape_cast %add3A_395 : vector<16xf32> to vector<1x1x16xf32>
        tpu.vector_store %arg10[%swap3A_751, %swap3A_752, %swap3A_753], %swap3A_756 {add = true, strides = array<i32>} : memref<4x128x128xf32, #tpu.memory_space<vmem>>, vector<1x1x16xf32>,
        %add3A_757 = arith.constant 2 : i32
        %add3A_758 = arith.addi %mul3A_577, %add3A_757 : i32
        %swap3A_759 = arith.constant 2 : i32
        %swap3A_760 = arith.index_cast %swap3A_759 : i32 to index
        %swap3A_761 = arith.index_cast %add3A_758 : i32 to index
        %swap3A_762 = arith.constant 64 : index
        %swap3A_763 = tpu.vector_load %arg10[%swap3A_760, %swap3A_761, %swap3A_762] {strides = array<i32>} : memref<4x128x128xf32, #tpu.memory_space<vmem>>, vector<1x1x16xf32>,
        %swap3A_764 = vector.shape_cast %swap3A_763 : vector<1x1x16xf32> to vector<16xf32>
        %swap3A_765 = vector.shape_cast %add3A_404 : vector<16xf32> to vector<1x1x16xf32>
        tpu.vector_store %arg10[%swap3A_760, %swap3A_761, %swap3A_762], %swap3A_765 {add = true, strides = array<i32>} : memref<4x128x128xf32, #tpu.memory_space<vmem>>, vector<1x1x16xf32>,
        %add3A_766 = arith.constant 2 : i32
        %add3A_767 = arith.addi %mul3A_577, %add3A_766 : i32
        %swap3A_768 = arith.constant 2 : i32
        %swap3A_769 = arith.index_cast %swap3A_768 : i32 to index
        %swap3A_770 = arith.index_cast %add3A_767 : i32 to index
        %swap3A_771 = arith.constant 80 : index
        %swap3A_772 = tpu.vector_load %arg10[%swap3A_769, %swap3A_770, %swap3A_771] {strides = array<i32>} : memref<4x128x128xf32, #tpu.memory_space<vmem>>, vector<1x1x16xf32>,
        %swap3A_773 = vector.shape_cast %swap3A_772 : vector<1x1x16xf32> to vector<16xf32>
        %swap3A_774 = vector.shape_cast %add3A_413 : vector<16xf32> to vector<1x1x16xf32>
        tpu.vector_store %arg10[%swap3A_769, %swap3A_770, %swap3A_771], %swap3A_774 {add = true, strides = array<i32>} : memref<4x128x128xf32, #tpu.memory_space<vmem>>, vector<1x1x16xf32>,
        %add3A_775 = arith.constant 2 : i32
        %add3A_776 = arith.addi %mul3A_577, %add3A_775 : i32
        %swap3A_777 = arith.constant 2 : i32
        %swap3A_778 = arith.index_cast %swap3A_777 : i32 to index
        %swap3A_779 = arith.index_cast %add3A_776 : i32 to index
        %swap3A_780 = arith.constant 96 : index
        %swap3A_781 = tpu.vector_load %arg10[%swap3A_778, %swap3A_779, %swap3A_780] {strides = array<i32>} : memref<4x128x128xf32, #tpu.memory_space<vmem>>, vector<1x1x16xf32>,
        %swap3A_782 = vector.shape_cast %swap3A_781 : vector<1x1x16xf32> to vector<16xf32>
        %swap3A_783 = vector.shape_cast %add3A_422 : vector<16xf32> to vector<1x1x16xf32>
        tpu.vector_store %arg10[%swap3A_778, %swap3A_779, %swap3A_780], %swap3A_783 {add = true, strides = array<i32>} : memref<4x128x128xf32, #tpu.memory_space<vmem>>, vector<1x1x16xf32>,
        %add3A_784 = arith.constant 2 : i32
        %add3A_785 = arith.addi %mul3A_577, %add3A_784 : i32
        %swap3A_786 = arith.constant 2 : i32
        %swap3A_787 = arith.index_cast %swap3A_786 : i32 to index
        %swap3A_788 = arith.index_cast %add3A_785 : i32 to index
        %swap3A_789 = arith.constant 112 : index
        %swap3A_790 = tpu.vector_load %arg10[%swap3A_787, %swap3A_788, %swap3A_789] {strides = array<i32>} : memref<4x128x128xf32, #tpu.memory_space<vmem>>, vector<1x1x16xf32>,
        %swap3A_791 = vector.shape_cast %swap3A_790 : vector<1x1x16xf32> to vector<16xf32>
        %swap3A_792 = vector.shape_cast %add3A_431 : vector<16xf32> to vector<1x1x16xf32>
        tpu.vector_store %arg10[%swap3A_787, %swap3A_788, %swap3A_789], %swap3A_792 {add = true, strides = array<i32>} : memref<4x128x128xf32, #tpu.memory_space<vmem>>, vector<1x1x16xf32>,
        %add3A_793 = arith.constant 3 : i32
        %add3A_794 = arith.addi %mul3A_577, %add3A_793 : i32
        %swap3A_795 = arith.constant 2 : i32
        %swap3A_796 = arith.index_cast %swap3A_795 : i32 to index
        %swap3A_797 = arith.index_cast %add3A_794 : i32 to index
        %swap3A_798 = arith.constant 0 : index
        %swap3A_799 = tpu.vector_load %arg10[%swap3A_796, %swap3A_797, %swap3A_798] {strides = array<i32>} : memref<4x128x128xf32, #tpu.memory_space<vmem>>, vector<1x1x16xf32>,
        %swap3A_800 = vector.shape_cast %swap3A_799 : vector<1x1x16xf32> to vector<16xf32>
        %swap3A_801 = vector.shape_cast %add3A_368 : vector<16xf32> to vector<1x1x16xf32>
        tpu.vector_store %arg10[%swap3A_796, %swap3A_797, %swap3A_798], %swap3A_801 {add = true, strides = array<i32>} : memref<4x128x128xf32, #tpu.memory_space<vmem>>, vector<1x1x16xf32>,
        %add3A_802 = arith.constant 3 : i32
        %add3A_803 = arith.addi %mul3A_577, %add3A_802 : i32
        %swap3A_804 = arith.constant 2 : i32
        %swap3A_805 = arith.index_cast %swap3A_804 : i32 to index
        %swap3A_806 = arith.index_cast %add3A_803 : i32 to index
        %swap3A_807 = arith.constant 16 : index
        %swap3A_808 = tpu.vector_load %arg10[%swap3A_805, %swap3A_806, %swap3A_807] {strides = array<i32>} : memref<4x128x128xf32, #tpu.memory_space<vmem>>, vector<1x1x16xf32>,
        %swap3A_809 = vector.shape_cast %swap3A_808 : vector<1x1x16xf32> to vector<16xf32>
        %swap3A_810 = vector.shape_cast %add3A_377 : vector<16xf32> to vector<1x1x16xf32>
        tpu.vector_store %arg10[%swap3A_805, %swap3A_806, %swap3A_807], %swap3A_810 {add = true, strides = array<i32>} : memref<4x128x128xf32, #tpu.memory_space<vmem>>, vector<1x1x16xf32>,
        %add3A_811 = arith.constant 3 : i32
        %add3A_812 = arith.addi %mul3A_577, %add3A_811 : i32
        %swap3A_813 = arith.constant 2 : i32
        %swap3A_814 = arith.index_cast %swap3A_813 : i32 to index
        %swap3A_815 = arith.index_cast %add3A_812 : i32 to index
        %swap3A_816 = arith.constant 32 : index
        %swap3A_817 = tpu.vector_load %arg10[%swap3A_814, %swap3A_815, %swap3A_816] {strides = array<i32>} : memref<4x128x128xf32, #tpu.memory_space<vmem>>, vector<1x1x16xf32>,
        %swap3A_818 = vector.shape_cast %swap3A_817 : vector<1x1x16xf32> to vector<16xf32>
        %swap3A_819 = vector.shape_cast %add3A_386 : vector<16xf32> to vector<1x1x16xf32>
        tpu.vector_store %arg10[%swap3A_814, %swap3A_815, %swap3A_816], %swap3A_819 {add = true, strides = array<i32>} : memref<4x128x128xf32, #tpu.memory_space<vmem>>, vector<1x1x16xf32>,
        %add3A_820 = arith.constant 3 : i32
        %add3A_821 = arith.addi %mul3A_577, %add3A_820 : i32
        %swap3A_822 = arith.constant 2 : i32
        %swap3A_823 = arith.index_cast %swap3A_822 : i32 to index
        %swap3A_824 = arith.index_cast %add3A_821 : i32 to index
        %swap3A_825 = arith.constant 48 : index
        %swap3A_826 = tpu.vector_load %arg10[%swap3A_823, %swap3A_824, %swap3A_825] {strides = array<i32>} : memref<4x128x128xf32, #tpu.memory_space<vmem>>, vector<1x1x16xf32>,
        %swap3A_827 = vector.shape_cast %swap3A_826 : vector<1x1x16xf32> to vector<16xf32>
        %swap3A_828 = vector.shape_cast %add3A_395 : vector<16xf32> to vector<1x1x16xf32>
        tpu.vector_store %arg10[%swap3A_823, %swap3A_824, %swap3A_825], %swap3A_828 {add = true, strides = array<i32>} : memref<4x128x128xf32, #tpu.memory_space<vmem>>, vector<1x1x16xf32>,
        %add3A_829 = arith.constant 3 : i32
        %add3A_830 = arith.addi %mul3A_577, %add3A_829 : i32
        %swap3A_831 = arith.constant 2 : i32
        %swap3A_832 = arith.index_cast %swap3A_831 : i32 to index
        %swap3A_833 = arith.index_cast %add3A_830 : i32 to index
        %swap3A_834 = arith.constant 64 : index
        %swap3A_835 = tpu.vector_load %arg10[%swap3A_832, %swap3A_833, %swap3A_834] {strides = array<i32>} : memref<4x128x128xf32, #tpu.memory_space<vmem>>, vector<1x1x16xf32>,
        %swap3A_836 = vector.shape_cast %swap3A_835 : vector<1x1x16xf32> to vector<16xf32>
        %swap3A_837 = vector.shape_cast %add3A_404 : vector<16xf32> to vector<1x1x16xf32>
        tpu.vector_store %arg10[%swap3A_832, %swap3A_833, %swap3A_834], %swap3A_837 {add = true, strides = array<i32>} : memref<4x128x128xf32, #tpu.memory_space<vmem>>, vector<1x1x16xf32>,
        %add3A_838 = arith.constant 3 : i32
        %add3A_839 = arith.addi %mul3A_577, %add3A_838 : i32
        %swap3A_840 = arith.constant 2 : i32
        %swap3A_841 = arith.index_cast %swap3A_840 : i32 to index
        %swap3A_842 = arith.index_cast %add3A_839 : i32 to index
        %swap3A_843 = arith.constant 80 : index
        %swap3A_844 = tpu.vector_load %arg10[%swap3A_841, %swap3A_842, %swap3A_843] {strides = array<i32>} : memref<4x128x128xf32, #tpu.memory_space<vmem>>, vector<1x1x16xf32>,
        %swap3A_845 = vector.shape_cast %swap3A_844 : vector<1x1x16xf32> to vector<16xf32>
        %swap3A_846 = vector.shape_cast %add3A_413 : vector<16xf32> to vector<1x1x16xf32>
        tpu.vector_store %arg10[%swap3A_841, %swap3A_842, %swap3A_843], %swap3A_846 {add = true, strides = array<i32>} : memref<4x128x128xf32, #tpu.memory_space<vmem>>, vector<1x1x16xf32>,
        %add3A_847 = arith.constant 3 : i32
        %add3A_848 = arith.addi %mul3A_577, %add3A_847 : i32
        %swap3A_849 = arith.constant 2 : i32
        %swap3A_850 = arith.index_cast %swap3A_849 : i32 to index
        %swap3A_851 = arith.index_cast %add3A_848 : i32 to index
        %swap3A_852 = arith.constant 96 : index
        %swap3A_853 = tpu.vector_load %arg10[%swap3A_850, %swap3A_851, %swap3A_852] {strides = array<i32>} : memref<4x128x128xf32, #tpu.memory_space<vmem>>, vector<1x1x16xf32>,
        %swap3A_854 = vector.shape_cast %swap3A_853 : vector<1x1x16xf32> to vector<16xf32>
        %swap3A_855 = vector.shape_cast %add3A_422 : vector<16xf32> to vector<1x1x16xf32>
        tpu.vector_store %arg10[%swap3A_850, %swap3A_851, %swap3A_852], %swap3A_855 {add = true, strides = array<i32>} : memref<4x128x128xf32, #tpu.memory_space<vmem>>, vector<1x1x16xf32>,
        %add3A_856 = arith.constant 3 : i32
        %add3A_857 = arith.addi %mul3A_577, %add3A_856 : i32
        %swap3A_858 = arith.constant 2 : i32
        %swap3A_859 = arith.index_cast %swap3A_858 : i32 to index
        %swap3A_860 = arith.index_cast %add3A_857 : i32 to index
        %swap3A_861 = arith.constant 112 : index
        %swap3A_862 = tpu.vector_load %arg10[%swap3A_859, %swap3A_860, %swap3A_861] {strides = array<i32>} : memref<4x128x128xf32, #tpu.memory_space<vmem>>, vector<1x1x16xf32>,
        %swap3A_863 = vector.shape_cast %swap3A_862 : vector<1x1x16xf32> to vector<16xf32>
        %swap3A_864 = vector.shape_cast %add3A_431 : vector<16xf32> to vector<1x1x16xf32>
        tpu.vector_store %arg10[%swap3A_859, %swap3A_860, %swap3A_861], %swap3A_864 {add = true, strides = array<i32>} : memref<4x128x128xf32, #tpu.memory_space<vmem>>, vector<1x1x16xf32>,
        %add3A_865 = arith.constant 4 : i32
        %add3A_866 = arith.addi %mul3A_577, %add3A_865 : i32
        %swap3A_867 = arith.constant 2 : i32
        %swap3A_868 = arith.index_cast %swap3A_867 : i32 to index
        %swap3A_869 = arith.index_cast %add3A_866 : i32 to index
        %swap3A_870 = arith.constant 0 : index
        %swap3A_871 = tpu.vector_load %arg10[%swap3A_868, %swap3A_869, %swap3A_870] {strides = array<i32>} : memref<4x128x128xf32, #tpu.memory_space<vmem>>, vector<1x1x16xf32>,
        %swap3A_872 = vector.shape_cast %swap3A_871 : vector<1x1x16xf32> to vector<16xf32>
        %swap3A_873 = vector.shape_cast %add3A_368 : vector<16xf32> to vector<1x1x16xf32>
        tpu.vector_store %arg10[%swap3A_868, %swap3A_869, %swap3A_870], %swap3A_873 {add = true, strides = array<i32>} : memref<4x128x128xf32, #tpu.memory_space<vmem>>, vector<1x1x16xf32>,
        %add3A_874 = arith.constant 4 : i32
        %add3A_875 = arith.addi %mul3A_577, %add3A_874 : i32
        %swap3A_876 = arith.constant 2 : i32
        %swap3A_877 = arith.index_cast %swap3A_876 : i32 to index
        %swap3A_878 = arith.index_cast %add3A_875 : i32 to index
        %swap3A_879 = arith.constant 16 : index
        %swap3A_880 = tpu.vector_load %arg10[%swap3A_877, %swap3A_878, %swap3A_879] {strides = array<i32>} : memref<4x128x128xf32, #tpu.memory_space<vmem>>, vector<1x1x16xf32>,
        %swap3A_881 = vector.shape_cast %swap3A_880 : vector<1x1x16xf32> to vector<16xf32>
        %swap3A_882 = vector.shape_cast %add3A_377 : vector<16xf32> to vector<1x1x16xf32>
        tpu.vector_store %arg10[%swap3A_877, %swap3A_878, %swap3A_879], %swap3A_882 {add = true, strides = array<i32>} : memref<4x128x128xf32, #tpu.memory_space<vmem>>, vector<1x1x16xf32>,
        %add3A_883 = arith.constant 4 : i32
        %add3A_884 = arith.addi %mul3A_577, %add3A_883 : i32
        %swap3A_885 = arith.constant 2 : i32
        %swap3A_886 = arith.index_cast %swap3A_885 : i32 to index
        %swap3A_887 = arith.index_cast %add3A_884 : i32 to index
        %swap3A_888 = arith.constant 32 : index
        %swap3A_889 = tpu.vector_load %arg10[%swap3A_886, %swap3A_887, %swap3A_888] {strides = array<i32>} : memref<4x128x128xf32, #tpu.memory_space<vmem>>, vector<1x1x16xf32>,
        %swap3A_890 = vector.shape_cast %swap3A_889 : vector<1x1x16xf32> to vector<16xf32>
        %swap3A_891 = vector.shape_cast %add3A_386 : vector<16xf32> to vector<1x1x16xf32>
        tpu.vector_store %arg10[%swap3A_886, %swap3A_887, %swap3A_888], %swap3A_891 {add = true, strides = array<i32>} : memref<4x128x128xf32, #tpu.memory_space<vmem>>, vector<1x1x16xf32>,
        %add3A_892 = arith.constant 4 : i32
        %add3A_893 = arith.addi %mul3A_577, %add3A_892 : i32
        %swap3A_894 = arith.constant 2 : i32
        %swap3A_895 = arith.index_cast %swap3A_894 : i32 to index
        %swap3A_896 = arith.index_cast %add3A_893 : i32 to index
        %swap3A_897 = arith.constant 48 : index
        %swap3A_898 = tpu.vector_load %arg10[%swap3A_895, %swap3A_896, %swap3A_897] {strides = array<i32>} : memref<4x128x128xf32, #tpu.memory_space<vmem>>, vector<1x1x16xf32>,
        %swap3A_899 = vector.shape_cast %swap3A_898 : vector<1x1x16xf32> to vector<16xf32>
        %swap3A_900 = vector.shape_cast %add3A_395 : vector<16xf32> to vector<1x1x16xf32>
        tpu.vector_store %arg10[%swap3A_895, %swap3A_896, %swap3A_897], %swap3A_900 {add = true, strides = array<i32>} : memref<4x128x128xf32, #tpu.memory_space<vmem>>, vector<1x1x16xf32>,
        %add3A_901 = arith.constant 4 : i32
        %add3A_902 = arith.addi %mul3A_577, %add3A_901 : i32
        %swap3A_903 = arith.constant 2 : i32
        %swap3A_904 = arith.index_cast %swap3A_903 : i32 to index
        %swap3A_905 = arith.index_cast %add3A_902 : i32 to index
        %swap3A_906 = arith.constant 64 : index
        %swap3A_907 = tpu.vector_load %arg10[%swap3A_904, %swap3A_905, %swap3A_906] {strides = array<i32>} : memref<4x128x128xf32, #tpu.memory_space<vmem>>, vector<1x1x16xf32>,
        %swap3A_908 = vector.shape_cast %swap3A_907 : vector<1x1x16xf32> to vector<16xf32>
        %swap3A_909 = vector.shape_cast %add3A_404 : vector<16xf32> to vector<1x1x16xf32>
        tpu.vector_store %arg10[%swap3A_904, %swap3A_905, %swap3A_906], %swap3A_909 {add = true, strides = array<i32>} : memref<4x128x128xf32, #tpu.memory_space<vmem>>, vector<1x1x16xf32>,
        %add3A_910 = arith.constant 4 : i32
        %add3A_911 = arith.addi %mul3A_577, %add3A_910 : i32
        %swap3A_912 = arith.constant 2 : i32
        %swap3A_913 = arith.index_cast %swap3A_912 : i32 to index
        %swap3A_914 = arith.index_cast %add3A_911 : i32 to index
        %swap3A_915 = arith.constant 80 : index
        %swap3A_916 = tpu.vector_load %arg10[%swap3A_913, %swap3A_914, %swap3A_915] {strides = array<i32>} : memref<4x128x128xf32, #tpu.memory_space<vmem>>, vector<1x1x16xf32>,
        %swap3A_917 = vector.shape_cast %swap3A_916 : vector<1x1x16xf32> to vector<16xf32>
        %swap3A_918 = vector.shape_cast %add3A_413 : vector<16xf32> to vector<1x1x16xf32>
        tpu.vector_store %arg10[%swap3A_913, %swap3A_914, %swap3A_915], %swap3A_918 {add = true, strides = array<i32>} : memref<4x128x128xf32, #tpu.memory_space<vmem>>, vector<1x1x16xf32>,
        %add3A_919 = arith.constant 4 : i32
        %add3A_920 = arith.addi %mul3A_577, %add3A_919 : i32
        %swap3A_921 = arith.constant 2 : i32
        %swap3A_922 = arith.index_cast %swap3A_921 : i32 to index
        %swap3A_923 = arith.index_cast %add3A_920 : i32 to index
        %swap3A_924 = arith.constant 96 : index
        %swap3A_925 = tpu.vector_load %arg10[%swap3A_922, %swap3A_923, %swap3A_924] {strides = array<i32>} : memref<4x128x128xf32, #tpu.memory_space<vmem>>, vector<1x1x16xf32>,
        %swap3A_926 = vector.shape_cast %swap3A_925 : vector<1x1x16xf32> to vector<16xf32>
        %swap3A_927 = vector.shape_cast %add3A_422 : vector<16xf32> to vector<1x1x16xf32>
        tpu.vector_store %arg10[%swap3A_922, %swap3A_923, %swap3A_924], %swap3A_927 {add = true, strides = array<i32>} : memref<4x128x128xf32, #tpu.memory_space<vmem>>, vector<1x1x16xf32>,
        %add3A_928 = arith.constant 4 : i32
        %add3A_929 = arith.addi %mul3A_577, %add3A_928 : i32
        %swap3A_930 = arith.constant 2 : i32
        %swap3A_931 = arith.index_cast %swap3A_930 : i32 to index
        %swap3A_932 = arith.index_cast %add3A_929 : i32 to index
        %swap3A_933 = arith.constant 112 : index
        %swap3A_934 = tpu.vector_load %arg10[%swap3A_931, %swap3A_932, %swap3A_933] {strides = array<i32>} : memref<4x128x128xf32, #tpu.memory_space<vmem>>, vector<1x1x16xf32>,
        %swap3A_935 = vector.shape_cast %swap3A_934 : vector<1x1x16xf32> to vector<16xf32>
        %swap3A_936 = vector.shape_cast %add3A_431 : vector<16xf32> to vector<1x1x16xf32>
        tpu.vector_store %arg10[%swap3A_931, %swap3A_932, %swap3A_933], %swap3A_936 {add = true, strides = array<i32>} : memref<4x128x128xf32, #tpu.memory_space<vmem>>, vector<1x1x16xf32>,
        %add3A_937 = arith.constant 5 : i32
        %add3A_938 = arith.addi %mul3A_577, %add3A_937 : i32
        %swap3A_939 = arith.constant 2 : i32
        %swap3A_940 = arith.index_cast %swap3A_939 : i32 to index
        %swap3A_941 = arith.index_cast %add3A_938 : i32 to index
        %swap3A_942 = arith.constant 0 : index
        %swap3A_943 = tpu.vector_load %arg10[%swap3A_940, %swap3A_941, %swap3A_942] {strides = array<i32>} : memref<4x128x128xf32, #tpu.memory_space<vmem>>, vector<1x1x16xf32>,
        %swap3A_944 = vector.shape_cast %swap3A_943 : vector<1x1x16xf32> to vector<16xf32>
        %swap3A_945 = vector.shape_cast %add3A_368 : vector<16xf32> to vector<1x1x16xf32>
        tpu.vector_store %arg10[%swap3A_940, %swap3A_941, %swap3A_942], %swap3A_945 {add = true, strides = array<i32>} : memref<4x128x128xf32, #tpu.memory_space<vmem>>, vector<1x1x16xf32>,
        %add3A_946 = arith.constant 5 : i32
        %add3A_947 = arith.addi %mul3A_577, %add3A_946 : i32
        %swap3A_948 = arith.constant 2 : i32
        %swap3A_949 = arith.index_cast %swap3A_948 : i32 to index
        %swap3A_950 = arith.index_cast %add3A_947 : i32 to index
        %swap3A_951 = arith.constant 16 : index
        %swap3A_952 = tpu.vector_load %arg10[%swap3A_949, %swap3A_950, %swap3A_951] {strides = array<i32>} : memref<4x128x128xf32, #tpu.memory_space<vmem>>, vector<1x1x16xf32>,
        %swap3A_953 = vector.shape_cast %swap3A_952 : vector<1x1x16xf32> to vector<16xf32>
        %swap3A_954 = vector.shape_cast %add3A_377 : vector<16xf32> to vector<1x1x16xf32>
        tpu.vector_store %arg10[%swap3A_949, %swap3A_950, %swap3A_951], %swap3A_954 {add = true, strides = array<i32>} : memref<4x128x128xf32, #tpu.memory_space<vmem>>, vector<1x1x16xf32>,
        %add3A_955 = arith.constant 5 : i32
        %add3A_956 = arith.addi %mul3A_577, %add3A_955 : i32
        %swap3A_957 = arith.constant 2 : i32
        %swap3A_958 = arith.index_cast %swap3A_957 : i32 to index
        %swap3A_959 = arith.index_cast %add3A_956 : i32 to index
        %swap3A_960 = arith.constant 32 : index
        %swap3A_961 = tpu.vector_load %arg10[%swap3A_958, %swap3A_959, %swap3A_960] {strides = array<i32>} : memref<4x128x128xf32, #tpu.memory_space<vmem>>, vector<1x1x16xf32>,
        %swap3A_962 = vector.shape_cast %swap3A_961 : vector<1x1x16xf32> to vector<16xf32>
        %swap3A_963 = vector.shape_cast %add3A_386 : vector<16xf32> to vector<1x1x16xf32>
        tpu.vector_store %arg10[%swap3A_958, %swap3A_959, %swap3A_960], %swap3A_963 {add = true, strides = array<i32>} : memref<4x128x128xf32, #tpu.memory_space<vmem>>, vector<1x1x16xf32>,
        %add3A_964 = arith.constant 5 : i32
        %add3A_965 = arith.addi %mul3A_577, %add3A_964 : i32
        %swap3A_966 = arith.constant 2 : i32
        %swap3A_967 = arith.index_cast %swap3A_966 : i32 to index
        %swap3A_968 = arith.index_cast %add3A_965 : i32 to index
        %swap3A_969 = arith.constant 48 : index
        %swap3A_970 = tpu.vector_load %arg10[%swap3A_967, %swap3A_968, %swap3A_969] {strides = array<i32>} : memref<4x128x128xf32, #tpu.memory_space<vmem>>, vector<1x1x16xf32>,
        %swap3A_971 = vector.shape_cast %swap3A_970 : vector<1x1x16xf32> to vector<16xf32>
        %swap3A_972 = vector.shape_cast %add3A_395 : vector<16xf32> to vector<1x1x16xf32>
        tpu.vector_store %arg10[%swap3A_967, %swap3A_968, %swap3A_969], %swap3A_972 {add = true, strides = array<i32>} : memref<4x128x128xf32, #tpu.memory_space<vmem>>, vector<1x1x16xf32>,
        %add3A_973 = arith.constant 5 : i32
        %add3A_974 = arith.addi %mul3A_577, %add3A_973 : i32
        %swap3A_975 = arith.constant 2 : i32
        %swap3A_976 = arith.index_cast %swap3A_975 : i32 to index
        %swap3A_977 = arith.index_cast %add3A_974 : i32 to index
        %swap3A_978 = arith.constant 64 : index
        %swap3A_979 = tpu.vector_load %arg10[%swap3A_976, %swap3A_977, %swap3A_978] {strides = array<i32>} : memref<4x128x128xf32, #tpu.memory_space<vmem>>, vector<1x1x16xf32>,
        %swap3A_980 = vector.shape_cast %swap3A_979 : vector<1x1x16xf32> to vector<16xf32>
        %swap3A_981 = vector.shape_cast %add3A_404 : vector<16xf32> to vector<1x1x16xf32>
        tpu.vector_store %arg10[%swap3A_976, %swap3A_977, %swap3A_978], %swap3A_981 {add = true, strides = array<i32>} : memref<4x128x128xf32, #tpu.memory_space<vmem>>, vector<1x1x16xf32>,
        %add3A_982 = arith.constant 5 : i32
        %add3A_983 = arith.addi %mul3A_577, %add3A_982 : i32
        %swap3A_984 = arith.constant 2 : i32
        %swap3A_985 = arith.index_cast %swap3A_984 : i32 to index
        %swap3A_986 = arith.index_cast %add3A_983 : i32 to index
        %swap3A_987 = arith.constant 80 : index
        %swap3A_988 = tpu.vector_load %arg10[%swap3A_985, %swap3A_986, %swap3A_987] {strides = array<i32>} : memref<4x128x128xf32, #tpu.memory_space<vmem>>, vector<1x1x16xf32>,
        %swap3A_989 = vector.shape_cast %swap3A_988 : vector<1x1x16xf32> to vector<16xf32>
        %swap3A_990 = vector.shape_cast %add3A_413 : vector<16xf32> to vector<1x1x16xf32>
        tpu.vector_store %arg10[%swap3A_985, %swap3A_986, %swap3A_987], %swap3A_990 {add = true, strides = array<i32>} : memref<4x128x128xf32, #tpu.memory_space<vmem>>, vector<1x1x16xf32>,
        %add3A_991 = arith.constant 5 : i32
        %add3A_992 = arith.addi %mul3A_577, %add3A_991 : i32
        %swap3A_993 = arith.constant 2 : i32
        %swap3A_994 = arith.index_cast %swap3A_993 : i32 to index
        %swap3A_995 = arith.index_cast %add3A_992 : i32 to index
        %swap3A_996 = arith.constant 96 : index
        %swap3A_997 = tpu.vector_load %arg10[%swap3A_994, %swap3A_995, %swap3A_996] {strides = array<i32>} : memref<4x128x128xf32, #tpu.memory_space<vmem>>, vector<1x1x16xf32>,
        %swap3A_998 = vector.shape_cast %swap3A_997 : vector<1x1x16xf32> to vector<16xf32>
        %swap3A_999 = vector.shape_cast %add3A_422 : vector<16xf32> to vector<1x1x16xf32>
        tpu.vector_store %arg10[%swap3A_994, %swap3A_995, %swap3A_996], %swap3A_999 {add = true, strides = array<i32>} : memref<4x128x128xf32, #tpu.memory_space<vmem>>, vector<1x1x16xf32>,
        %add3A_1000 = arith.constant 5 : i32
        %add3A_1001 = arith.addi %mul3A_577, %add3A_1000 : i32
        %swap3A_1002 = arith.constant 2 : i32
        %swap3A_1003 = arith.index_cast %swap3A_1002 : i32 to index
        %swap3A_1004 = arith.index_cast %add3A_1001 : i32 to index
        %swap3A_1005 = arith.constant 112 : index
        %swap3A_1006 = tpu.vector_load %arg10[%swap3A_1003, %swap3A_1004, %swap3A_1005] {strides = array<i32>} : memref<4x128x128xf32, #tpu.memory_space<vmem>>, vector<1x1x16xf32>,
        %swap3A_1007 = vector.shape_cast %swap3A_1006 : vector<1x1x16xf32> to vector<16xf32>
        %swap3A_1008 = vector.shape_cast %add3A_431 : vector<16xf32> to vector<1x1x16xf32>
        tpu.vector_store %arg10[%swap3A_1003, %swap3A_1004, %swap3A_1005], %swap3A_1008 {add = true, strides = array<i32>} : memref<4x128x128xf32, #tpu.memory_space<vmem>>, vector<1x1x16xf32>,
        %add3A_1009 = arith.constant 6 : i32
        %add3A_1010 = arith.addi %mul3A_577, %add3A_1009 : i32
        %swap3A_1011 = arith.constant 2 : i32
        %swap3A_1012 = arith.index_cast %swap3A_1011 : i32 to index
        %swap3A_1013 = arith.index_cast %add3A_1010 : i32 to index
        %swap3A_1014 = arith.constant 0 : index
        %swap3A_1015 = tpu.vector_load %arg10[%swap3A_1012, %swap3A_1013, %swap3A_1014] {strides = array<i32>} : memref<4x128x128xf32, #tpu.memory_space<vmem>>, vector<1x1x16xf32>,
        %swap3A_1016 = vector.shape_cast %swap3A_1015 : vector<1x1x16xf32> to vector<16xf32>
        %swap3A_1017 = vector.shape_cast %add3A_368 : vector<16xf32> to vector<1x1x16xf32>
        tpu.vector_store %arg10[%swap3A_1012, %swap3A_1013, %swap3A_1014], %swap3A_1017 {add = true, strides = array<i32>} : memref<4x128x128xf32, #tpu.memory_space<vmem>>, vector<1x1x16xf32>,
        %add3A_1018 = arith.constant 6 : i32
        %add3A_1019 = arith.addi %mul3A_577, %add3A_1018 : i32
        %swap3A_1020 = arith.constant 2 : i32
        %swap3A_1021 = arith.index_cast %swap3A_1020 : i32 to index
        %swap3A_1022 = arith.index_cast %add3A_1019 : i32 to index
        %swap3A_1023 = arith.constant 16 : index
        %swap3A_1024 = tpu.vector_load %arg10[%swap3A_1021, %swap3A_1022, %swap3A_1023] {strides = array<i32>} : memref<4x128x128xf32, #tpu.memory_space<vmem>>, vector<1x1x16xf32>,
        %swap3A_1025 = vector.shape_cast %swap3A_1024 : vector<1x1x16xf32> to vector<16xf32>
        %swap3A_1026 = vector.shape_cast %add3A_377 : vector<16xf32> to vector<1x1x16xf32>
        tpu.vector_store %arg10[%swap3A_1021, %swap3A_1022, %swap3A_1023], %swap3A_1026 {add = true, strides = array<i32>} : memref<4x128x128xf32, #tpu.memory_space<vmem>>, vector<1x1x16xf32>,
        %add3A_1027 = arith.constant 6 : i32
        %add3A_1028 = arith.addi %mul3A_577, %add3A_1027 : i32
        %swap3A_1029 = arith.constant 2 : i32
        %swap3A_1030 = arith.index_cast %swap3A_1029 : i32 to index
        %swap3A_1031 = arith.index_cast %add3A_1028 : i32 to index
        %swap3A_1032 = arith.constant 32 : index
        %swap3A_1033 = tpu.vector_load %arg10[%swap3A_1030, %swap3A_1031, %swap3A_1032] {strides = array<i32>} : memref<4x128x128xf32, #tpu.memory_space<vmem>>, vector<1x1x16xf32>,
        %swap3A_1034 = vector.shape_cast %swap3A_1033 : vector<1x1x16xf32> to vector<16xf32>
        %swap3A_1035 = vector.shape_cast %add3A_386 : vector<16xf32> to vector<1x1x16xf32>
        tpu.vector_store %arg10[%swap3A_1030, %swap3A_1031, %swap3A_1032], %swap3A_1035 {add = true, strides = array<i32>} : memref<4x128x128xf32, #tpu.memory_space<vmem>>, vector<1x1x16xf32>,
        %add3A_1036 = arith.constant 6 : i32
        %add3A_1037 = arith.addi %mul3A_577, %add3A_1036 : i32
        %swap3A_1038 = arith.constant 2 : i32
        %swap3A_1039 = arith.index_cast %swap3A_1038 : i32 to index
        %swap3A_1040 = arith.index_cast %add3A_1037 : i32 to index
        %swap3A_1041 = arith.constant 48 : index
        %swap3A_1042 = tpu.vector_load %arg10[%swap3A_1039, %swap3A_1040, %swap3A_1041] {strides = array<i32>} : memref<4x128x128xf32, #tpu.memory_space<vmem>>, vector<1x1x16xf32>,
        %swap3A_1043 = vector.shape_cast %swap3A_1042 : vector<1x1x16xf32> to vector<16xf32>
        %swap3A_1044 = vector.shape_cast %add3A_395 : vector<16xf32> to vector<1x1x16xf32>
        tpu.vector_store %arg10[%swap3A_1039, %swap3A_1040, %swap3A_1041], %swap3A_1044 {add = true, strides = array<i32>} : memref<4x128x128xf32, #tpu.memory_space<vmem>>, vector<1x1x16xf32>,
        %add3A_1045 = arith.constant 6 : i32
        %add3A_1046 = arith.addi %mul3A_577, %add3A_1045 : i32
        %swap3A_1047 = arith.constant 2 : i32
        %swap3A_1048 = arith.index_cast %swap3A_1047 : i32 to index
        %swap3A_1049 = arith.index_cast %add3A_1046 : i32 to index
        %swap3A_1050 = arith.constant 64 : index
        %swap3A_1051 = tpu.vector_load %arg10[%swap3A_1048, %swap3A_1049, %swap3A_1050] {strides = array<i32>} : memref<4x128x128xf32, #tpu.memory_space<vmem>>, vector<1x1x16xf32>,
        %swap3A_1052 = vector.shape_cast %swap3A_1051 : vector<1x1x16xf32> to vector<16xf32>
        %swap3A_1053 = vector.shape_cast %add3A_404 : vector<16xf32> to vector<1x1x16xf32>
        tpu.vector_store %arg10[%swap3A_1048, %swap3A_1049, %swap3A_1050], %swap3A_1053 {add = true, strides = array<i32>} : memref<4x128x128xf32, #tpu.memory_space<vmem>>, vector<1x1x16xf32>,
        %add3A_1054 = arith.constant 6 : i32
        %add3A_1055 = arith.addi %mul3A_577, %add3A_1054 : i32
        %swap3A_1056 = arith.constant 2 : i32
        %swap3A_1057 = arith.index_cast %swap3A_1056 : i32 to index
        %swap3A_1058 = arith.index_cast %add3A_1055 : i32 to index
        %swap3A_1059 = arith.constant 80 : index
        %swap3A_1060 = tpu.vector_load %arg10[%swap3A_1057, %swap3A_1058, %swap3A_1059] {strides = array<i32>} : memref<4x128x128xf32, #tpu.memory_space<vmem>>, vector<1x1x16xf32>,
        %swap3A_1061 = vector.shape_cast %swap3A_1060 : vector<1x1x16xf32> to vector<16xf32>
        %swap3A_1062 = vector.shape_cast %add3A_413 : vector<16xf32> to vector<1x1x16xf32>
        tpu.vector_store %arg10[%swap3A_1057, %swap3A_1058, %swap3A_1059], %swap3A_1062 {add = true, strides = array<i32>} : memref<4x128x128xf32, #tpu.memory_space<vmem>>, vector<1x1x16xf32>,
        %add3A_1063 = arith.constant 6 : i32
        %add3A_1064 = arith.addi %mul3A_577, %add3A_1063 : i32
        %swap3A_1065 = arith.constant 2 : i32
        %swap3A_1066 = arith.index_cast %swap3A_1065 : i32 to index
        %swap3A_1067 = arith.index_cast %add3A_1064 : i32 to index
        %swap3A_1068 = arith.constant 96 : index
        %swap3A_1069 = tpu.vector_load %arg10[%swap3A_1066, %swap3A_1067, %swap3A_1068] {strides = array<i32>} : memref<4x128x128xf32, #tpu.memory_space<vmem>>, vector<1x1x16xf32>,
        %swap3A_1070 = vector.shape_cast %swap3A_1069 : vector<1x1x16xf32> to vector<16xf32>
        %swap3A_1071 = vector.shape_cast %add3A_422 : vector<16xf32> to vector<1x1x16xf32>
        tpu.vector_store %arg10[%swap3A_1066, %swap3A_1067, %swap3A_1068], %swap3A_1071 {add = true, strides = array<i32>} : memref<4x128x128xf32, #tpu.memory_space<vmem>>, vector<1x1x16xf32>,
        %add3A_1072 = arith.constant 6 : i32
        %add3A_1073 = arith.addi %mul3A_577, %add3A_1072 : i32
        %swap3A_1074 = arith.constant 2 : i32
        %swap3A_1075 = arith.index_cast %swap3A_1074 : i32 to index
        %swap3A_1076 = arith.index_cast %add3A_1073 : i32 to index
        %swap3A_1077 = arith.constant 112 : index
        %swap3A_1078 = tpu.vector_load %arg10[%swap3A_1075, %swap3A_1076, %swap3A_1077] {strides = array<i32>} : memref<4x128x128xf32, #tpu.memory_space<vmem>>, vector<1x1x16xf32>,
        %swap3A_1079 = vector.shape_cast %swap3A_1078 : vector<1x1x16xf32> to vector<16xf32>
        %swap3A_1080 = vector.shape_cast %add3A_431 : vector<16xf32> to vector<1x1x16xf32>
        tpu.vector_store %arg10[%swap3A_1075, %swap3A_1076, %swap3A_1077], %swap3A_1080 {add = true, strides = array<i32>} : memref<4x128x128xf32, #tpu.memory_space<vmem>>, vector<1x1x16xf32>,
        %add3A_1081 = arith.constant 7 : i32
        %add3A_1082 = arith.addi %mul3A_577, %add3A_1081 : i32
        %swap3A_1083 = arith.constant 2 : i32
        %swap3A_1084 = arith.index_cast %swap3A_1083 : i32 to index
        %swap3A_1085 = arith.index_cast %add3A_1082 : i32 to index
        %swap3A_1086 = arith.constant 0 : index
        %swap3A_1087 = tpu.vector_load %arg10[%swap3A_1084, %swap3A_1085, %swap3A_1086] {strides = array<i32>} : memref<4x128x128xf32, #tpu.memory_space<vmem>>, vector<1x1x16xf32>,
        %swap3A_1088 = vector.shape_cast %swap3A_1087 : vector<1x1x16xf32> to vector<16xf32>
        %swap3A_1089 = vector.shape_cast %add3A_368 : vector<16xf32> to vector<1x1x16xf32>
        tpu.vector_store %arg10[%swap3A_1084, %swap3A_1085, %swap3A_1086], %swap3A_1089 {add = true, strides = array<i32>} : memref<4x128x128xf32, #tpu.memory_space<vmem>>, vector<1x1x16xf32>,
        %add3A_1090 = arith.constant 7 : i32
        %add3A_1091 = arith.addi %mul3A_577, %add3A_1090 : i32
        %swap3A_1092 = arith.constant 2 : i32
        %swap3A_1093 = arith.index_cast %swap3A_1092 : i32 to index
        %swap3A_1094 = arith.index_cast %add3A_1091 : i32 to index
        %swap3A_1095 = arith.constant 16 : index
        %swap3A_1096 = tpu.vector_load %arg10[%swap3A_1093, %swap3A_1094, %swap3A_1095] {strides = array<i32>} : memref<4x128x128xf32, #tpu.memory_space<vmem>>, vector<1x1x16xf32>,
        %swap3A_1097 = vector.shape_cast %swap3A_1096 : vector<1x1x16xf32> to vector<16xf32>
        %swap3A_1098 = vector.shape_cast %add3A_377 : vector<16xf32> to vector<1x1x16xf32>
        tpu.vector_store %arg10[%swap3A_1093, %swap3A_1094, %swap3A_1095], %swap3A_1098 {add = true, strides = array<i32>} : memref<4x128x128xf32, #tpu.memory_space<vmem>>, vector<1x1x16xf32>,
        %add3A_1099 = arith.constant 7 : i32
        %add3A_1100 = arith.addi %mul3A_577, %add3A_1099 : i32
        %swap3A_1101 = arith.constant 2 : i32
        %swap3A_1102 = arith.index_cast %swap3A_1101 : i32 to index
        %swap3A_1103 = arith.index_cast %add3A_1100 : i32 to index
        %swap3A_1104 = arith.constant 32 : index
        %swap3A_1105 = tpu.vector_load %arg10[%swap3A_1102, %swap3A_1103, %swap3A_1104] {strides = array<i32>} : memref<4x128x128xf32, #tpu.memory_space<vmem>>, vector<1x1x16xf32>,
        %swap3A_1106 = vector.shape_cast %swap3A_1105 : vector<1x1x16xf32> to vector<16xf32>
        %swap3A_1107 = vector.shape_cast %add3A_386 : vector<16xf32> to vector<1x1x16xf32>
        tpu.vector_store %arg10[%swap3A_1102, %swap3A_1103, %swap3A_1104], %swap3A_1107 {add = true, strides = array<i32>} : memref<4x128x128xf32, #tpu.memory_space<vmem>>, vector<1x1x16xf32>,
        %add3A_1108 = arith.constant 7 : i32
        %add3A_1109 = arith.addi %mul3A_577, %add3A_1108 : i32
        %swap3A_1110 = arith.constant 2 : i32
        %swap3A_1111 = arith.index_cast %swap3A_1110 : i32 to index
        %swap3A_1112 = arith.index_cast %add3A_1109 : i32 to index
        %swap3A_1113 = arith.constant 48 : index
        %swap3A_1114 = tpu.vector_load %arg10[%swap3A_1111, %swap3A_1112, %swap3A_1113] {strides = array<i32>} : memref<4x128x128xf32, #tpu.memory_space<vmem>>, vector<1x1x16xf32>,
        %swap3A_1115 = vector.shape_cast %swap3A_1114 : vector<1x1x16xf32> to vector<16xf32>
        %swap3A_1116 = vector.shape_cast %add3A_395 : vector<16xf32> to vector<1x1x16xf32>
        tpu.vector_store %arg10[%swap3A_1111, %swap3A_1112, %swap3A_1113], %swap3A_1116 {add = true, strides = array<i32>} : memref<4x128x128xf32, #tpu.memory_space<vmem>>, vector<1x1x16xf32>,
        %add3A_1117 = arith.constant 7 : i32
        %add3A_1118 = arith.addi %mul3A_577, %add3A_1117 : i32
        %swap3A_1119 = arith.constant 2 : i32
        %swap3A_1120 = arith.index_cast %swap3A_1119 : i32 to index
        %swap3A_1121 = arith.index_cast %add3A_1118 : i32 to index
        %swap3A_1122 = arith.constant 64 : index
        %swap3A_1123 = tpu.vector_load %arg10[%swap3A_1120, %swap3A_1121, %swap3A_1122] {strides = array<i32>} : memref<4x128x128xf32, #tpu.memory_space<vmem>>, vector<1x1x16xf32>,
        %swap3A_1124 = vector.shape_cast %swap3A_1123 : vector<1x1x16xf32> to vector<16xf32>
        %swap3A_1125 = vector.shape_cast %add3A_404 : vector<16xf32> to vector<1x1x16xf32>
        tpu.vector_store %arg10[%swap3A_1120, %swap3A_1121, %swap3A_1122], %swap3A_1125 {add = true, strides = array<i32>} : memref<4x128x128xf32, #tpu.memory_space<vmem>>, vector<1x1x16xf32>,
        %add3A_1126 = arith.constant 7 : i32
        %add3A_1127 = arith.addi %mul3A_577, %add3A_1126 : i32
        %swap3A_1128 = arith.constant 2 : i32
        %swap3A_1129 = arith.index_cast %swap3A_1128 : i32 to index
        %swap3A_1130 = arith.index_cast %add3A_1127 : i32 to index
        %swap3A_1131 = arith.constant 80 : index
        %swap3A_1132 = tpu.vector_load %arg10[%swap3A_1129, %swap3A_1130, %swap3A_1131] {strides = array<i32>} : memref<4x128x128xf32, #tpu.memory_space<vmem>>, vector<1x1x16xf32>,
        %swap3A_1133 = vector.shape_cast %swap3A_1132 : vector<1x1x16xf32> to vector<16xf32>
        %swap3A_1134 = vector.shape_cast %add3A_413 : vector<16xf32> to vector<1x1x16xf32>
        tpu.vector_store %arg10[%swap3A_1129, %swap3A_1130, %swap3A_1131], %swap3A_1134 {add = true, strides = array<i32>} : memref<4x128x128xf32, #tpu.memory_space<vmem>>, vector<1x1x16xf32>,
        %add3A_1135 = arith.constant 7 : i32
        %add3A_1136 = arith.addi %mul3A_577, %add3A_1135 : i32
        %swap3A_1137 = arith.constant 2 : i32
        %swap3A_1138 = arith.index_cast %swap3A_1137 : i32 to index
        %swap3A_1139 = arith.index_cast %add3A_1136 : i32 to index
        %swap3A_1140 = arith.constant 96 : index
        %swap3A_1141 = tpu.vector_load %arg10[%swap3A_1138, %swap3A_1139, %swap3A_1140] {strides = array<i32>} : memref<4x128x128xf32, #tpu.memory_space<vmem>>, vector<1x1x16xf32>,
        %swap3A_1142 = vector.shape_cast %swap3A_1141 : vector<1x1x16xf32> to vector<16xf32>
        %swap3A_1143 = vector.shape_cast %add3A_422 : vector<16xf32> to vector<1x1x16xf32>
        tpu.vector_store %arg10[%swap3A_1138, %swap3A_1139, %swap3A_1140], %swap3A_1143 {add = true, strides = array<i32>} : memref<4x128x128xf32, #tpu.memory_space<vmem>>, vector<1x1x16xf32>,
        %add3A_1144 = arith.constant 7 : i32
        %add3A_1145 = arith.addi %mul3A_577, %add3A_1144 : i32
        %swap3A_1146 = arith.constant 2 : i32
        %swap3A_1147 = arith.index_cast %swap3A_1146 : i32 to index
        %swap3A_1148 = arith.index_cast %add3A_1145 : i32 to index
        %swap3A_1149 = arith.constant 112 : index
        %swap3A_1150 = tpu.vector_load %arg10[%swap3A_1147, %swap3A_1148, %swap3A_1149] {strides = array<i32>} : memref<4x128x128xf32, #tpu.memory_space<vmem>>, vector<1x1x16xf32>,
        %swap3A_1151 = vector.shape_cast %swap3A_1150 : vector<1x1x16xf32> to vector<16xf32>
        %swap3A_1152 = vector.shape_cast %add3A_431 : vector<16xf32> to vector<1x1x16xf32>
        tpu.vector_store %arg10[%swap3A_1147, %swap3A_1148, %swap3A_1149], %swap3A_1152 {add = true, strides = array<i32>} : memref<4x128x128xf32, #tpu.memory_space<vmem>>, vector<1x1x16xf32>,
      }
      %scan3A_437 = arith.constant 16 : i32
      %dma_start3A_438 = arith.constant 2 : i32
      %dma_start3A_439 = arith.constant 0 : i32
      %dma_start3A_440 = arith.constant 0 : i32
      %dma_start3A_441 = tpu.memref_slice %arg10[%dma_start3A_438, %dma_start3A_439, %dma_start3A_440] : memref<4x128x128xf32, #tpu.memory_space<vmem>> -> memref<1x128x128xf32, #tpu.memory_space<vmem>>
      %dma_start3A_442 = tpu.memref_squeeze %dma_start3A_441 : memref<1x128x128xf32, #tpu.memory_space<vmem>> -> memref<128x128xf32, #tpu.memory_space<vmem>>
      %dma_start3A_443 = arith.constant 0 : i32
      %dma_start3A_444 = tpu.memref_slice %arg6[%mul3A_2, %add3A_334, %dma_start3A_443] : memref<4096x200x128xf32, #tpu.memory_space<hbm>> -> memref<128x1x128xf32, #tpu.memory_space<hbm>>
      %dma_start3A_445 = tpu.memref_squeeze %dma_start3A_444 : memref<128x1x128xf32, #tpu.memory_space<hbm>> -> memref<128x128xf32, #tpu.memory_space<hbm>>
      %dma_start3A_446 = arith.constant 0 : i32
      %dma_start3A_447 = tpu.memref_slice %arg6[%mul3A_2, %add3A_334, %dma_start3A_446] : memref<4096x200x128xf32, #tpu.memory_space<hbm>> -> memref<128x1x128xf32, #tpu.memory_space<hbm>>
      %dma_start3A_448 = tpu.memref_squeeze %dma_start3A_447 : memref<128x1x128xf32, #tpu.memory_space<hbm>> -> memref<128x128xf32, #tpu.memory_space<hbm>>
      %dma_start3A_449 = arith.constant 0 : i32
      %dma_start3A_450 = arith.constant 0 : i32
      %dma_start3A_451 = tpu.memref_slice %arg10[%dma_start3A_438, %dma_start3A_449, %dma_start3A_450] : memref<4x128x128xf32, #tpu.memory_space<vmem>> -> memref<1x128x128xf32, #tpu.memory_space<vmem>>
      %dma_start3A_452 = tpu.memref_squeeze %dma_start3A_451 : memref<1x128x128xf32, #tpu.memory_space<vmem>> -> memref<128x128xf32, #tpu.memory_space<vmem>>
      tpu.enqueue_dma source(%dma_start3A_452 : memref<128x128xf32, #tpu.memory_space<vmem>>) target(%dma_start3A_448 : memref<128x128xf32, #tpu.memory_space<hbm>>) target_semaphore(%arg17 : memref<!tpu.dma_semaphore, #tpu.memory_space<semaphore_mem>>)
      %mul3A_453 = arith.constant 4 : i32
      %mul3A_454 = arith.muli %scan3A_94, %mul3A_453 : i32
      %add3A_455 = arith.constant 3 : i32
      %add3A_456 = arith.addi %mul3A_454, %add3A_455 : i32
      %add3A_457 = arith.constant 4 : i32
      %add3A_458 = arith.addi %add3A_456, %add3A_457 : i32
      %sub3A_459 = arith.constant 2 : i32
      %sub3A_460 = arith.subi %add3A_458, %sub3A_459 : i32
      %lt3A_461 = arith.constant 200 : i32
      %lt3A_462 = arith.cmpi slt, %sub3A_460, %lt3A_461 : i32
      %convert_element_type3A_463 = arith.extui %lt3A_462 : i1 to i32
      %cond3A_464 = arith.constant 0 : i32
      %cond3A_465 = arith.cmpi ne, %convert_element_type3A_463, %cond3A_464 : i32
      scf.if %cond3A_465 {
        %ge3A = arith.constant 2 : i32
        %ge3A_575 = arith.cmpi sge, %add3A_456, %ge3A : i32
        %convert_element_type3A_576 = arith.extui %ge3A_575 : i1 to i32
        %cond3A_577 = arith.constant 0 : i32
        %cond3A_578 = arith.cmpi ne, %convert_element_type3A_576, %cond3A_577 : i32
        scf.if %cond3A_578 {
          %sub3A_590 = arith.constant 2 : i32
          %sub3A_591 = arith.subi %add3A_456, %sub3A_590 : i32
          %dma_wait3A_592 = arith.constant 1 : i32
          %dma_wait3A_593 = arith.constant 0 : i32
          %dma_wait3A_594 = arith.constant 0 : i32
          %dma_wait3A_595 = tpu.memref_slice %arg10[%dma_wait3A_592, %dma_wait3A_593, %dma_wait3A_594] : memref<4x128x128xf32, #tpu.memory_space<vmem>> -> memref<1x128x128xf32, #tpu.memory_space<vmem>>
          %dma_wait3A_596 = tpu.memref_squeeze %dma_wait3A_595 : memref<1x128x128xf32, #tpu.memory_space<vmem>> -> memref<128x128xf32, #tpu.memory_space<vmem>>
          %dma_wait3A_597 = arith.constant 0 : i32
          %dma_wait3A_598 = tpu.memref_slice %arg6[%mul3A_2, %sub3A_591, %dma_wait3A_597] : memref<4096x200x128xf32, #tpu.memory_space<hbm>> -> memref<128x1x128xf32, #tpu.memory_space<hbm>>
          %dma_wait3A_599 = tpu.memref_squeeze %dma_wait3A_598 : memref<128x1x128xf32, #tpu.memory_space<hbm>> -> memref<128x128xf32, #tpu.memory_space<hbm>>
          %dma_wait3A_600 = arith.constant 0 : i32
          %dma_wait3A_601 = tpu.memref_slice %arg6[%mul3A_2, %sub3A_591, %dma_wait3A_600] : memref<4096x200x128xf32, #tpu.memory_space<hbm>> -> memref<128x1x128xf32, #tpu.memory_space<hbm>>
          %dma_wait3A_602 = tpu.memref_squeeze %dma_wait3A_601 : memref<128x1x128xf32, #tpu.memory_space<hbm>> -> memref<128x128xf32, #tpu.memory_space<hbm>>
          %dma_wait3A_603 = arith.constant 0 : i32
          %dma_wait3A_604 = arith.constant 0 : i32
          %dma_wait3A_605 = tpu.memref_slice %arg10[%dma_wait3A_592, %dma_wait3A_603, %dma_wait3A_604] : memref<4x128x128xf32, #tpu.memory_space<vmem>> -> memref<1x128x128xf32, #tpu.memory_space<vmem>>
          %dma_wait3A_606 = tpu.memref_squeeze %dma_wait3A_605 : memref<1x128x128xf32, #tpu.memory_space<vmem>> -> memref<128x128xf32, #tpu.memory_space<vmem>>
          tpu.wait_dma2 semaphore(%arg16 : memref<!tpu.dma_semaphore, #tpu.memory_space<semaphore_mem>>) src(%dma_wait3A_606 : memref<128x128xf32, #tpu.memory_space<vmem>>) dst(%dma_wait3A_602 : memref<128x128xf32, #tpu.memory_space<hbm>>)
        } else {
        }
        %dma_start3A_579 = arith.constant 1 : i32
        %dma_start3A_580 = arith.constant 0 : i32
        %dma_start3A_581 = arith.constant 0 : i32
        %dma_start3A_582 = tpu.memref_slice %arg10[%dma_start3A_579, %dma_start3A_580, %dma_start3A_581] : memref<4x128x128xf32, #tpu.memory_space<vmem>> -> memref<1x128x128xf32, #tpu.memory_space<vmem>>
        %dma_start3A_583 = tpu.memref_squeeze %dma_start3A_582 : memref<1x128x128xf32, #tpu.memory_space<vmem>> -> memref<128x128xf32, #tpu.memory_space<vmem>>
        %dma_start3A_584 = arith.constant 0 : i32
        %dma_start3A_585 = tpu.memref_slice %arg9[%sub3A_460, %dma_start3A_584] : memref<200x128xi32, #tpu.memory_space<vmem>> -> memref<1x128xi32, #tpu.memory_space<vmem>>
        %dma_start3A_586 = tpu.memref_squeeze %dma_start3A_585 : memref<1x128xi32, #tpu.memory_space<vmem>> -> memref<128xi32, #tpu.memory_space<vmem>>
        %dma_start3A_587 = arith.constant 0 : i32
        %dma_start3A_588 = arith.constant 0 : i32
        %dma_start3A_589 = tpu.memref_slice %arg3[%dma_start3A_587, %dma_start3A_588] : memref<100000x128xf32, #tpu.memory_space<hbm>> -> memref<100000x128xf32, #tpu.memory_space<hbm>>
        tpu.enqueue_indirect_dma source(%dma_start3A_589 : memref<100000x128xf32, #tpu.memory_space<hbm>>) target(%dma_start3A_583 : memref<128x128xf32, #tpu.memory_space<vmem>>) offsets(%dma_start3A_586 : memref<128xi32, #tpu.memory_space<vmem>>) semaphore(%arg12 : memref<!tpu.dma_semaphore, #tpu.memory_space<semaphore_mem>>)
      } else {
      }
      %dma_wait3A_466 = arith.constant 3 : i32
      %dma_wait3A_467 = arith.constant 0 : i32
      %dma_wait3A_468 = arith.constant 0 : i32
      %dma_wait3A_469 = tpu.memref_slice %arg10[%dma_wait3A_466, %dma_wait3A_467, %dma_wait3A_468] : memref<4x128x128xf32, #tpu.memory_space<vmem>> -> memref<1x128x128xf32, #tpu.memory_space<vmem>>
      %dma_wait3A_470 = tpu.memref_squeeze %dma_wait3A_469 : memref<1x128x128xf32, #tpu.memory_space<vmem>> -> memref<128x128xf32, #tpu.memory_space<vmem>>
      %dma_wait3A_471 = arith.constant 0 : i32
      %dma_wait3A_472 = tpu.memref_slice %arg9[%add3A_456, %dma_wait3A_471] : memref<200x128xi32, #tpu.memory_space<vmem>> -> memref<1x128xi32, #tpu.memory_space<vmem>>
      %dma_wait3A_473 = tpu.memref_squeeze %dma_wait3A_472 : memref<1x128xi32, #tpu.memory_space<vmem>> -> memref<128xi32, #tpu.memory_space<vmem>>
      %dma_wait3A_474 = arith.constant 0 : i32
      %dma_wait3A_475 = arith.constant 0 : i32
      %dma_wait3A_476 = tpu.memref_slice %arg3[%dma_wait3A_474, %dma_wait3A_475] : memref<100000x128xf32, #tpu.memory_space<hbm>> -> memref<100000x128xf32, #tpu.memory_space<hbm>>
      tpu.wait_indirect_dma semaphore(%arg14 : memref<!tpu.dma_semaphore, #tpu.memory_space<semaphore_mem>>) src(%dma_wait3A_476 : memref<100000x128xf32, #tpu.memory_space<hbm>>) dst(%dma_wait3A_470 : memref<128x128xf32, #tpu.memory_space<vmem>>)
      %gt3A_477 = arith.constant 100 : i32
      %gt3A_478 = arith.cmpi sgt, %add3A_456, %gt3A_477 : i32
      %jit3A_479 = arith.constant 1 : i32
      %jit3A_480 = arith.constant 0 : i32
      %select_n3A_481 = arith.select %gt3A_478, %jit3A_479, %jit3A_480 : i32
      %get3A_482 = arith.index_cast %add3A_456 : i32 to index
      %get3A_483 = arith.constant 0 : index
      %get3A_484 = tpu.vector_load %arg7[%get3A_482, %get3A_483] {strides = array<i32>} : memref<200x128xf32, #tpu.memory_space<vmem>>, vector<1x16xf32>,
      %get3A_485 = vector.shape_cast %get3A_484 : vector<1x16xf32> to vector<16xf32>
      %get3A_486 = arith.index_cast %select_n3A_481 : i32 to index
      %get3A_487 = arith.constant 0 : index
      %get3A_488 = tpu.vector_load %arg8[%get3A_486, %get3A_487] {strides = array<i32>} : memref<2x128xf32, #tpu.memory_space<vmem>>, vector<1x16xf32>,
      %get3A_489 = vector.shape_cast %get3A_488 : vector<1x16xf32> to vector<16xf32>
      %add3A_490 = arith.addf %get3A_485, %get3A_489 : vector<16xf32>
      %get3A_491 = arith.index_cast %add3A_456 : i32 to index
      %get3A_492 = arith.constant 16 : index
      %get3A_493 = tpu.vector_load %arg7[%get3A_491, %get3A_492] {strides = array<i32>} : memref<200x128xf32, #tpu.memory_space<vmem>>, vector<1x16xf32>,
      %get3A_494 = vector.shape_cast %get3A_493 : vector<1x16xf32> to vector<16xf32>
      %get3A_495 = arith.index_cast %select_n3A_481 : i32 to index
      %get3A_496 = arith.constant 16 : index
      %get3A_497 = tpu.vector_load %arg8[%get3A_495, %get3A_496] {strides = array<i32>} : memref<2x128xf32, #tpu.memory_space<vmem>>, vector<1x16xf32>,
      %get3A_498 = vector.shape_cast %get3A_497 : vector<1x16xf32> to vector<16xf32>
      %add3A_499 = arith.addf %get3A_494, %get3A_498 : vector<16xf32>
      %get3A_500 = arith.index_cast %add3A_456 : i32 to index
      %get3A_501 = arith.constant 32 : index
      %get3A_502 = tpu.vector_load %arg7[%get3A_500, %get3A_501] {strides = array<i32>} : memref<200x128xf32, #tpu.memory_space<vmem>>, vector<1x16xf32>,
      %get3A_503 = vector.shape_cast %get3A_502 : vector<1x16xf32> to vector<16xf32>
      %get3A_504 = arith.index_cast %select_n3A_481 : i32 to index
      %get3A_505 = arith.constant 32 : index
      %get3A_506 = tpu.vector_load %arg8[%get3A_504, %get3A_505] {strides = array<i32>} : memref<2x128xf32, #tpu.memory_space<vmem>>, vector<1x16xf32>,
      %get3A_507 = vector.shape_cast %get3A_506 : vector<1x16xf32> to vector<16xf32>
      %add3A_508 = arith.addf %get3A_503, %get3A_507 : vector<16xf32>
      %get3A_509 = arith.index_cast %add3A_456 : i32 to index
      %get3A_510 = arith.constant 48 : index
      %get3A_511 = tpu.vector_load %arg7[%get3A_509, %get3A_510] {strides = array<i32>} : memref<200x128xf32, #tpu.memory_space<vmem>>, vector<1x16xf32>,
      %get3A_512 = vector.shape_cast %get3A_511 : vector<1x16xf32> to vector<16xf32>
      %get3A_513 = arith.index_cast %select_n3A_481 : i32 to index
      %get3A_514 = arith.constant 48 : index
      %get3A_515 = tpu.vector_load %arg8[%get3A_513, %get3A_514] {strides = array<i32>} : memref<2x128xf32, #tpu.memory_space<vmem>>, vector<1x16xf32>,
      %get3A_516 = vector.shape_cast %get3A_515 : vector<1x16xf32> to vector<16xf32>
      %add3A_517 = arith.addf %get3A_512, %get3A_516 : vector<16xf32>
      %get3A_518 = arith.index_cast %add3A_456 : i32 to index
      %get3A_519 = arith.constant 64 : index
      %get3A_520 = tpu.vector_load %arg7[%get3A_518, %get3A_519] {strides = array<i32>} : memref<200x128xf32, #tpu.memory_space<vmem>>, vector<1x16xf32>,
      %get3A_521 = vector.shape_cast %get3A_520 : vector<1x16xf32> to vector<16xf32>
      %get3A_522 = arith.index_cast %select_n3A_481 : i32 to index
      %get3A_523 = arith.constant 64 : index
      %get3A_524 = tpu.vector_load %arg8[%get3A_522, %get3A_523] {strides = array<i32>} : memref<2x128xf32, #tpu.memory_space<vmem>>, vector<1x16xf32>,
      %get3A_525 = vector.shape_cast %get3A_524 : vector<1x16xf32> to vector<16xf32>
      %add3A_526 = arith.addf %get3A_521, %get3A_525 : vector<16xf32>
      %get3A_527 = arith.index_cast %add3A_456 : i32 to index
      %get3A_528 = arith.constant 80 : index
      %get3A_529 = tpu.vector_load %arg7[%get3A_527, %get3A_528] {strides = array<i32>} : memref<200x128xf32, #tpu.memory_space<vmem>>, vector<1x16xf32>,
      %get3A_530 = vector.shape_cast %get3A_529 : vector<1x16xf32> to vector<16xf32>
      %get3A_531 = arith.index_cast %select_n3A_481 : i32 to index
      %get3A_532 = arith.constant 80 : index
      %get3A_533 = tpu.vector_load %arg8[%get3A_531, %get3A_532] {strides = array<i32>} : memref<2x128xf32, #tpu.memory_space<vmem>>, vector<1x16xf32>,
      %get3A_534 = vector.shape_cast %get3A_533 : vector<1x16xf32> to vector<16xf32>
      %add3A_535 = arith.addf %get3A_530, %get3A_534 : vector<16xf32>
      %get3A_536 = arith.index_cast %add3A_456 : i32 to index
      %get3A_537 = arith.constant 96 : index
      %get3A_538 = tpu.vector_load %arg7[%get3A_536, %get3A_537] {strides = array<i32>} : memref<200x128xf32, #tpu.memory_space<vmem>>, vector<1x16xf32>,
      %get3A_539 = vector.shape_cast %get3A_538 : vector<1x16xf32> to vector<16xf32>
      %get3A_540 = arith.index_cast %select_n3A_481 : i32 to index
      %get3A_541 = arith.constant 96 : index
      %get3A_542 = tpu.vector_load %arg8[%get3A_540, %get3A_541] {strides = array<i32>} : memref<2x128xf32, #tpu.memory_space<vmem>>, vector<1x16xf32>,
      %get3A_543 = vector.shape_cast %get3A_542 : vector<1x16xf32> to vector<16xf32>
      %add3A_544 = arith.addf %get3A_539, %get3A_543 : vector<16xf32>
      %get3A_545 = arith.index_cast %add3A_456 : i32 to index
      %get3A_546 = arith.constant 112 : index
      %get3A_547 = tpu.vector_load %arg7[%get3A_545, %get3A_546] {strides = array<i32>} : memref<200x128xf32, #tpu.memory_space<vmem>>, vector<1x16xf32>,
      %get3A_548 = vector.shape_cast %get3A_547 : vector<1x16xf32> to vector<16xf32>
      %get3A_549 = arith.index_cast %select_n3A_481 : i32 to index
      %get3A_550 = arith.constant 112 : index
      %get3A_551 = tpu.vector_load %arg8[%get3A_549, %get3A_550] {strides = array<i32>} : memref<2x128xf32, #tpu.memory_space<vmem>>, vector<1x16xf32>,
      %get3A_552 = vector.shape_cast %get3A_551 : vector<1x16xf32> to vector<16xf32>
      %add3A_553 = arith.addf %get3A_548, %get3A_552 : vector<16xf32>
      %scan3A_554 = arith.constant 0 : i32
      %scan3A_555 = arith.constant 0 : i32
      %scan3A_556 = arith.constant 16 : i32
      %scan3A_557 = arith.addi %scan3A_555, %scan3A_556 : i32
      %scan3A_558 = arith.constant 1 : i32
      scf.for %scan3A_575 = %scan3A_555 to %scan3A_557 step %scan3A_558  : i32 {
        %mul3A_576 = arith.constant 8 : i32
        %mul3A_577 = arith.muli %scan3A_575, %mul3A_576 : i32
        %add3A_578 = arith.constant 0 : i32
        %add3A_579 = arith.addi %mul3A_577, %add3A_578 : i32
        %swap3A = arith.constant 3 : i32
        %swap3A_580 = arith.index_cast %swap3A : i32 to index
        %swap3A_581 = arith.index_cast %add3A_579 : i32 to index
        %swap3A_582 = arith.constant 0 : index
        %swap3A_583 = tpu.vector_load %arg10[%swap3A_580, %swap3A_581, %swap3A_582] {strides = array<i32>} : memref<4x128x128xf32, #tpu.memory_space<vmem>>, vector<1x1x16xf32>,
        %swap3A_584 = vector.shape_cast %swap3A_583 : vector<1x1x16xf32> to vector<16xf32>
        %swap3A_585 = vector.shape_cast %add3A_490 : vector<16xf32> to vector<1x1x16xf32>
        tpu.vector_store %arg10[%swap3A_580, %swap3A_581, %swap3A_582], %swap3A_585 {add = true, strides = array<i32>} : memref<4x128x128xf32, #tpu.memory_space<vmem>>, vector<1x1x16xf32>,
        %add3A_586 = arith.constant 0 : i32
        %add3A_587 = arith.addi %mul3A_577, %add3A_586 : i32
        %swap3A_588 = arith.constant 3 : i32
        %swap3A_589 = arith.index_cast %swap3A_588 : i32 to index
        %swap3A_590 = arith.index_cast %add3A_587 : i32 to index
        %swap3A_591 = arith.constant 16 : index
        %swap3A_592 = tpu.vector_load %arg10[%swap3A_589, %swap3A_590, %swap3A_591] {strides = array<i32>} : memref<4x128x128xf32, #tpu.memory_space<vmem>>, vector<1x1x16xf32>,
        %swap3A_593 = vector.shape_cast %swap3A_592 : vector<1x1x16xf32> to vector<16xf32>
        %swap3A_594 = vector.shape_cast %add3A_499 : vector<16xf32> to vector<1x1x16xf32>
        tpu.vector_store %arg10[%swap3A_589, %swap3A_590, %swap3A_591], %swap3A_594 {add = true, strides = array<i32>} : memref<4x128x128xf32, #tpu.memory_space<vmem>>, vector<1x1x16xf32>,
        %add3A_595 = arith.constant 0 : i32
        %add3A_596 = arith.addi %mul3A_577, %add3A_595 : i32
        %swap3A_597 = arith.constant 3 : i32
        %swap3A_598 = arith.index_cast %swap3A_597 : i32 to index
        %swap3A_599 = arith.index_cast %add3A_596 : i32 to index
        %swap3A_600 = arith.constant 32 : index
        %swap3A_601 = tpu.vector_load %arg10[%swap3A_598, %swap3A_599, %swap3A_600] {strides = array<i32>} : memref<4x128x128xf32, #tpu.memory_space<vmem>>, vector<1x1x16xf32>,
        %swap3A_602 = vector.shape_cast %swap3A_601 : vector<1x1x16xf32> to vector<16xf32>
        %swap3A_603 = vector.shape_cast %add3A_508 : vector<16xf32> to vector<1x1x16xf32>
        tpu.vector_store %arg10[%swap3A_598, %swap3A_599, %swap3A_600], %swap3A_603 {add = true, strides = array<i32>} : memref<4x128x128xf32, #tpu.memory_space<vmem>>, vector<1x1x16xf32>,
        %add3A_604 = arith.constant 0 : i32
        %add3A_605 = arith.addi %mul3A_577, %add3A_604 : i32
        %swap3A_606 = arith.constant 3 : i32
        %swap3A_607 = arith.index_cast %swap3A_606 : i32 to index
        %swap3A_608 = arith.index_cast %add3A_605 : i32 to index
        %swap3A_609 = arith.constant 48 : index
        %swap3A_610 = tpu.vector_load %arg10[%swap3A_607, %swap3A_608, %swap3A_609] {strides = array<i32>} : memref<4x128x128xf32, #tpu.memory_space<vmem>>, vector<1x1x16xf32>,
        %swap3A_611 = vector.shape_cast %swap3A_610 : vector<1x1x16xf32> to vector<16xf32>
        %swap3A_612 = vector.shape_cast %add3A_517 : vector<16xf32> to vector<1x1x16xf32>
        tpu.vector_store %arg10[%swap3A_607, %swap3A_608, %swap3A_609], %swap3A_612 {add = true, strides = array<i32>} : memref<4x128x128xf32, #tpu.memory_space<vmem>>, vector<1x1x16xf32>,
        %add3A_613 = arith.constant 0 : i32
        %add3A_614 = arith.addi %mul3A_577, %add3A_613 : i32
        %swap3A_615 = arith.constant 3 : i32
        %swap3A_616 = arith.index_cast %swap3A_615 : i32 to index
        %swap3A_617 = arith.index_cast %add3A_614 : i32 to index
        %swap3A_618 = arith.constant 64 : index
        %swap3A_619 = tpu.vector_load %arg10[%swap3A_616, %swap3A_617, %swap3A_618] {strides = array<i32>} : memref<4x128x128xf32, #tpu.memory_space<vmem>>, vector<1x1x16xf32>,
        %swap3A_620 = vector.shape_cast %swap3A_619 : vector<1x1x16xf32> to vector<16xf32>
        %swap3A_621 = vector.shape_cast %add3A_526 : vector<16xf32> to vector<1x1x16xf32>
        tpu.vector_store %arg10[%swap3A_616, %swap3A_617, %swap3A_618], %swap3A_621 {add = true, strides = array<i32>} : memref<4x128x128xf32, #tpu.memory_space<vmem>>, vector<1x1x16xf32>,
        %add3A_622 = arith.constant 0 : i32
        %add3A_623 = arith.addi %mul3A_577, %add3A_622 : i32
        %swap3A_624 = arith.constant 3 : i32
        %swap3A_625 = arith.index_cast %swap3A_624 : i32 to index
        %swap3A_626 = arith.index_cast %add3A_623 : i32 to index
        %swap3A_627 = arith.constant 80 : index
        %swap3A_628 = tpu.vector_load %arg10[%swap3A_625, %swap3A_626, %swap3A_627] {strides = array<i32>} : memref<4x128x128xf32, #tpu.memory_space<vmem>>, vector<1x1x16xf32>,
        %swap3A_629 = vector.shape_cast %swap3A_628 : vector<1x1x16xf32> to vector<16xf32>
        %swap3A_630 = vector.shape_cast %add3A_535 : vector<16xf32> to vector<1x1x16xf32>
        tpu.vector_store %arg10[%swap3A_625, %swap3A_626, %swap3A_627], %swap3A_630 {add = true, strides = array<i32>} : memref<4x128x128xf32, #tpu.memory_space<vmem>>, vector<1x1x16xf32>,
        %add3A_631 = arith.constant 0 : i32
        %add3A_632 = arith.addi %mul3A_577, %add3A_631 : i32
        %swap3A_633 = arith.constant 3 : i32
        %swap3A_634 = arith.index_cast %swap3A_633 : i32 to index
        %swap3A_635 = arith.index_cast %add3A_632 : i32 to index
        %swap3A_636 = arith.constant 96 : index
        %swap3A_637 = tpu.vector_load %arg10[%swap3A_634, %swap3A_635, %swap3A_636] {strides = array<i32>} : memref<4x128x128xf32, #tpu.memory_space<vmem>>, vector<1x1x16xf32>,
        %swap3A_638 = vector.shape_cast %swap3A_637 : vector<1x1x16xf32> to vector<16xf32>
        %swap3A_639 = vector.shape_cast %add3A_544 : vector<16xf32> to vector<1x1x16xf32>
        tpu.vector_store %arg10[%swap3A_634, %swap3A_635, %swap3A_636], %swap3A_639 {add = true, strides = array<i32>} : memref<4x128x128xf32, #tpu.memory_space<vmem>>, vector<1x1x16xf32>,
        %add3A_640 = arith.constant 0 : i32
        %add3A_641 = arith.addi %mul3A_577, %add3A_640 : i32
        %swap3A_642 = arith.constant 3 : i32
        %swap3A_643 = arith.index_cast %swap3A_642 : i32 to index
        %swap3A_644 = arith.index_cast %add3A_641 : i32 to index
        %swap3A_645 = arith.constant 112 : index
        %swap3A_646 = tpu.vector_load %arg10[%swap3A_643, %swap3A_644, %swap3A_645] {strides = array<i32>} : memref<4x128x128xf32, #tpu.memory_space<vmem>>, vector<1x1x16xf32>,
        %swap3A_647 = vector.shape_cast %swap3A_646 : vector<1x1x16xf32> to vector<16xf32>
        %swap3A_648 = vector.shape_cast %add3A_553 : vector<16xf32> to vector<1x1x16xf32>
        tpu.vector_store %arg10[%swap3A_643, %swap3A_644, %swap3A_645], %swap3A_648 {add = true, strides = array<i32>} : memref<4x128x128xf32, #tpu.memory_space<vmem>>, vector<1x1x16xf32>,
        %add3A_649 = arith.constant 1 : i32
        %add3A_650 = arith.addi %mul3A_577, %add3A_649 : i32
        %swap3A_651 = arith.constant 3 : i32
        %swap3A_652 = arith.index_cast %swap3A_651 : i32 to index
        %swap3A_653 = arith.index_cast %add3A_650 : i32 to index
        %swap3A_654 = arith.constant 0 : index
        %swap3A_655 = tpu.vector_load %arg10[%swap3A_652, %swap3A_653, %swap3A_654] {strides = array<i32>} : memref<4x128x128xf32, #tpu.memory_space<vmem>>, vector<1x1x16xf32>,
        %swap3A_656 = vector.shape_cast %swap3A_655 : vector<1x1x16xf32> to vector<16xf32>
        %swap3A_657 = vector.shape_cast %add3A_490 : vector<16xf32> to vector<1x1x16xf32>
        tpu.vector_store %arg10[%swap3A_652, %swap3A_653, %swap3A_654], %swap3A_657 {add = true, strides = array<i32>} : memref<4x128x128xf32, #tpu.memory_space<vmem>>, vector<1x1x16xf32>,
        %add3A_658 = arith.constant 1 : i32
        %add3A_659 = arith.addi %mul3A_577, %add3A_658 : i32
        %swap3A_660 = arith.constant 3 : i32
        %swap3A_661 = arith.index_cast %swap3A_660 : i32 to index
        %swap3A_662 = arith.index_cast %add3A_659 : i32 to index
        %swap3A_663 = arith.constant 16 : index
        %swap3A_664 = tpu.vector_load %arg10[%swap3A_661, %swap3A_662, %swap3A_663] {strides = array<i32>} : memref<4x128x128xf32, #tpu.memory_space<vmem>>, vector<1x1x16xf32>,
        %swap3A_665 = vector.shape_cast %swap3A_664 : vector<1x1x16xf32> to vector<16xf32>
        %swap3A_666 = vector.shape_cast %add3A_499 : vector<16xf32> to vector<1x1x16xf32>
        tpu.vector_store %arg10[%swap3A_661, %swap3A_662, %swap3A_663], %swap3A_666 {add = true, strides = array<i32>} : memref<4x128x128xf32, #tpu.memory_space<vmem>>, vector<1x1x16xf32>,
        %add3A_667 = arith.constant 1 : i32
        %add3A_668 = arith.addi %mul3A_577, %add3A_667 : i32
        %swap3A_669 = arith.constant 3 : i32
        %swap3A_670 = arith.index_cast %swap3A_669 : i32 to index
        %swap3A_671 = arith.index_cast %add3A_668 : i32 to index
        %swap3A_672 = arith.constant 32 : index
        %swap3A_673 = tpu.vector_load %arg10[%swap3A_670, %swap3A_671, %swap3A_672] {strides = array<i32>} : memref<4x128x128xf32, #tpu.memory_space<vmem>>, vector<1x1x16xf32>,
        %swap3A_674 = vector.shape_cast %swap3A_673 : vector<1x1x16xf32> to vector<16xf32>
        %swap3A_675 = vector.shape_cast %add3A_508 : vector<16xf32> to vector<1x1x16xf32>
        tpu.vector_store %arg10[%swap3A_670, %swap3A_671, %swap3A_672], %swap3A_675 {add = true, strides = array<i32>} : memref<4x128x128xf32, #tpu.memory_space<vmem>>, vector<1x1x16xf32>,
        %add3A_676 = arith.constant 1 : i32
        %add3A_677 = arith.addi %mul3A_577, %add3A_676 : i32
        %swap3A_678 = arith.constant 3 : i32
        %swap3A_679 = arith.index_cast %swap3A_678 : i32 to index
        %swap3A_680 = arith.index_cast %add3A_677 : i32 to index
        %swap3A_681 = arith.constant 48 : index
        %swap3A_682 = tpu.vector_load %arg10[%swap3A_679, %swap3A_680, %swap3A_681] {strides = array<i32>} : memref<4x128x128xf32, #tpu.memory_space<vmem>>, vector<1x1x16xf32>,
        %swap3A_683 = vector.shape_cast %swap3A_682 : vector<1x1x16xf32> to vector<16xf32>
        %swap3A_684 = vector.shape_cast %add3A_517 : vector<16xf32> to vector<1x1x16xf32>
        tpu.vector_store %arg10[%swap3A_679, %swap3A_680, %swap3A_681], %swap3A_684 {add = true, strides = array<i32>} : memref<4x128x128xf32, #tpu.memory_space<vmem>>, vector<1x1x16xf32>,
        %add3A_685 = arith.constant 1 : i32
        %add3A_686 = arith.addi %mul3A_577, %add3A_685 : i32
        %swap3A_687 = arith.constant 3 : i32
        %swap3A_688 = arith.index_cast %swap3A_687 : i32 to index
        %swap3A_689 = arith.index_cast %add3A_686 : i32 to index
        %swap3A_690 = arith.constant 64 : index
        %swap3A_691 = tpu.vector_load %arg10[%swap3A_688, %swap3A_689, %swap3A_690] {strides = array<i32>} : memref<4x128x128xf32, #tpu.memory_space<vmem>>, vector<1x1x16xf32>,
        %swap3A_692 = vector.shape_cast %swap3A_691 : vector<1x1x16xf32> to vector<16xf32>
        %swap3A_693 = vector.shape_cast %add3A_526 : vector<16xf32> to vector<1x1x16xf32>
        tpu.vector_store %arg10[%swap3A_688, %swap3A_689, %swap3A_690], %swap3A_693 {add = true, strides = array<i32>} : memref<4x128x128xf32, #tpu.memory_space<vmem>>, vector<1x1x16xf32>,
        %add3A_694 = arith.constant 1 : i32
        %add3A_695 = arith.addi %mul3A_577, %add3A_694 : i32
        %swap3A_696 = arith.constant 3 : i32
        %swap3A_697 = arith.index_cast %swap3A_696 : i32 to index
        %swap3A_698 = arith.index_cast %add3A_695 : i32 to index
        %swap3A_699 = arith.constant 80 : index
        %swap3A_700 = tpu.vector_load %arg10[%swap3A_697, %swap3A_698, %swap3A_699] {strides = array<i32>} : memref<4x128x128xf32, #tpu.memory_space<vmem>>, vector<1x1x16xf32>,
        %swap3A_701 = vector.shape_cast %swap3A_700 : vector<1x1x16xf32> to vector<16xf32>
        %swap3A_702 = vector.shape_cast %add3A_535 : vector<16xf32> to vector<1x1x16xf32>
        tpu.vector_store %arg10[%swap3A_697, %swap3A_698, %swap3A_699], %swap3A_702 {add = true, strides = array<i32>} : memref<4x128x128xf32, #tpu.memory_space<vmem>>, vector<1x1x16xf32>,
        %add3A_703 = arith.constant 1 : i32
        %add3A_704 = arith.addi %mul3A_577, %add3A_703 : i32
        %swap3A_705 = arith.constant 3 : i32
        %swap3A_706 = arith.index_cast %swap3A_705 : i32 to index
        %swap3A_707 = arith.index_cast %add3A_704 : i32 to index
        %swap3A_708 = arith.constant 96 : index
        %swap3A_709 = tpu.vector_load %arg10[%swap3A_706, %swap3A_707, %swap3A_708] {strides = array<i32>} : memref<4x128x128xf32, #tpu.memory_space<vmem>>, vector<1x1x16xf32>,
        %swap3A_710 = vector.shape_cast %swap3A_709 : vector<1x1x16xf32> to vector<16xf32>
        %swap3A_711 = vector.shape_cast %add3A_544 : vector<16xf32> to vector<1x1x16xf32>
        tpu.vector_store %arg10[%swap3A_706, %swap3A_707, %swap3A_708], %swap3A_711 {add = true, strides = array<i32>} : memref<4x128x128xf32, #tpu.memory_space<vmem>>, vector<1x1x16xf32>,
        %add3A_712 = arith.constant 1 : i32
        %add3A_713 = arith.addi %mul3A_577, %add3A_712 : i32
        %swap3A_714 = arith.constant 3 : i32
        %swap3A_715 = arith.index_cast %swap3A_714 : i32 to index
        %swap3A_716 = arith.index_cast %add3A_713 : i32 to index
        %swap3A_717 = arith.constant 112 : index
        %swap3A_718 = tpu.vector_load %arg10[%swap3A_715, %swap3A_716, %swap3A_717] {strides = array<i32>} : memref<4x128x128xf32, #tpu.memory_space<vmem>>, vector<1x1x16xf32>,
        %swap3A_719 = vector.shape_cast %swap3A_718 : vector<1x1x16xf32> to vector<16xf32>
        %swap3A_720 = vector.shape_cast %add3A_553 : vector<16xf32> to vector<1x1x16xf32>
        tpu.vector_store %arg10[%swap3A_715, %swap3A_716, %swap3A_717], %swap3A_720 {add = true, strides = array<i32>} : memref<4x128x128xf32, #tpu.memory_space<vmem>>, vector<1x1x16xf32>,
        %add3A_721 = arith.constant 2 : i32
        %add3A_722 = arith.addi %mul3A_577, %add3A_721 : i32
        %swap3A_723 = arith.constant 3 : i32
        %swap3A_724 = arith.index_cast %swap3A_723 : i32 to index
        %swap3A_725 = arith.index_cast %add3A_722 : i32 to index
        %swap3A_726 = arith.constant 0 : index
        %swap3A_727 = tpu.vector_load %arg10[%swap3A_724, %swap3A_725, %swap3A_726] {strides = array<i32>} : memref<4x128x128xf32, #tpu.memory_space<vmem>>, vector<1x1x16xf32>,
        %swap3A_728 = vector.shape_cast %swap3A_727 : vector<1x1x16xf32> to vector<16xf32>
        %swap3A_729 = vector.shape_cast %add3A_490 : vector<16xf32> to vector<1x1x16xf32>
        tpu.vector_store %arg10[%swap3A_724, %swap3A_725, %swap3A_726], %swap3A_729 {add = true, strides = array<i32>} : memref<4x128x128xf32, #tpu.memory_space<vmem>>, vector<1x1x16xf32>,
        %add3A_730 = arith.constant 2 : i32
        %add3A_731 = arith.addi %mul3A_577, %add3A_730 : i32
        %swap3A_732 = arith.constant 3 : i32
        %swap3A_733 = arith.index_cast %swap3A_732 : i32 to index
        %swap3A_734 = arith.index_cast %add3A_731 : i32 to index
        %swap3A_735 = arith.constant 16 : index
        %swap3A_736 = tpu.vector_load %arg10[%swap3A_733, %swap3A_734, %swap3A_735] {strides = array<i32>} : memref<4x128x128xf32, #tpu.memory_space<vmem>>, vector<1x1x16xf32>,
        %swap3A_737 = vector.shape_cast %swap3A_736 : vector<1x1x16xf32> to vector<16xf32>
        %swap3A_738 = vector.shape_cast %add3A_499 : vector<16xf32> to vector<1x1x16xf32>
        tpu.vector_store %arg10[%swap3A_733, %swap3A_734, %swap3A_735], %swap3A_738 {add = true, strides = array<i32>} : memref<4x128x128xf32, #tpu.memory_space<vmem>>, vector<1x1x16xf32>,
        %add3A_739 = arith.constant 2 : i32
        %add3A_740 = arith.addi %mul3A_577, %add3A_739 : i32
        %swap3A_741 = arith.constant 3 : i32
        %swap3A_742 = arith.index_cast %swap3A_741 : i32 to index
        %swap3A_743 = arith.index_cast %add3A_740 : i32 to index
        %swap3A_744 = arith.constant 32 : index
        %swap3A_745 = tpu.vector_load %arg10[%swap3A_742, %swap3A_743, %swap3A_744] {strides = array<i32>} : memref<4x128x128xf32, #tpu.memory_space<vmem>>, vector<1x1x16xf32>,
        %swap3A_746 = vector.shape_cast %swap3A_745 : vector<1x1x16xf32> to vector<16xf32>
        %swap3A_747 = vector.shape_cast %add3A_508 : vector<16xf32> to vector<1x1x16xf32>
        tpu.vector_store %arg10[%swap3A_742, %swap3A_743, %swap3A_744], %swap3A_747 {add = true, strides = array<i32>} : memref<4x128x128xf32, #tpu.memory_space<vmem>>, vector<1x1x16xf32>,
        %add3A_748 = arith.constant 2 : i32
        %add3A_749 = arith.addi %mul3A_577, %add3A_748 : i32
        %swap3A_750 = arith.constant 3 : i32
        %swap3A_751 = arith.index_cast %swap3A_750 : i32 to index
        %swap3A_752 = arith.index_cast %add3A_749 : i32 to index
        %swap3A_753 = arith.constant 48 : index
        %swap3A_754 = tpu.vector_load %arg10[%swap3A_751, %swap3A_752, %swap3A_753] {strides = array<i32>} : memref<4x128x128xf32, #tpu.memory_space<vmem>>, vector<1x1x16xf32>,
        %swap3A_755 = vector.shape_cast %swap3A_754 : vector<1x1x16xf32> to vector<16xf32>
        %swap3A_756 = vector.shape_cast %add3A_517 : vector<16xf32> to vector<1x1x16xf32>
        tpu.vector_store %arg10[%swap3A_751, %swap3A_752, %swap3A_753], %swap3A_756 {add = true, strides = array<i32>} : memref<4x128x128xf32, #tpu.memory_space<vmem>>, vector<1x1x16xf32>,
        %add3A_757 = arith.constant 2 : i32
        %add3A_758 = arith.addi %mul3A_577, %add3A_757 : i32
        %swap3A_759 = arith.constant 3 : i32
        %swap3A_760 = arith.index_cast %swap3A_759 : i32 to index
        %swap3A_761 = arith.index_cast %add3A_758 : i32 to index
        %swap3A_762 = arith.constant 64 : index
        %swap3A_763 = tpu.vector_load %arg10[%swap3A_760, %swap3A_761, %swap3A_762] {strides = array<i32>} : memref<4x128x128xf32, #tpu.memory_space<vmem>>, vector<1x1x16xf32>,
        %swap3A_764 = vector.shape_cast %swap3A_763 : vector<1x1x16xf32> to vector<16xf32>
        %swap3A_765 = vector.shape_cast %add3A_526 : vector<16xf32> to vector<1x1x16xf32>
        tpu.vector_store %arg10[%swap3A_760, %swap3A_761, %swap3A_762], %swap3A_765 {add = true, strides = array<i32>} : memref<4x128x128xf32, #tpu.memory_space<vmem>>, vector<1x1x16xf32>,
        %add3A_766 = arith.constant 2 : i32
        %add3A_767 = arith.addi %mul3A_577, %add3A_766 : i32
        %swap3A_768 = arith.constant 3 : i32
        %swap3A_769 = arith.index_cast %swap3A_768 : i32 to index
        %swap3A_770 = arith.index_cast %add3A_767 : i32 to index
        %swap3A_771 = arith.constant 80 : index
        %swap3A_772 = tpu.vector_load %arg10[%swap3A_769, %swap3A_770, %swap3A_771] {strides = array<i32>} : memref<4x128x128xf32, #tpu.memory_space<vmem>>, vector<1x1x16xf32>,
        %swap3A_773 = vector.shape_cast %swap3A_772 : vector<1x1x16xf32> to vector<16xf32>
        %swap3A_774 = vector.shape_cast %add3A_535 : vector<16xf32> to vector<1x1x16xf32>
        tpu.vector_store %arg10[%swap3A_769, %swap3A_770, %swap3A_771], %swap3A_774 {add = true, strides = array<i32>} : memref<4x128x128xf32, #tpu.memory_space<vmem>>, vector<1x1x16xf32>,
        %add3A_775 = arith.constant 2 : i32
        %add3A_776 = arith.addi %mul3A_577, %add3A_775 : i32
        %swap3A_777 = arith.constant 3 : i32
        %swap3A_778 = arith.index_cast %swap3A_777 : i32 to index
        %swap3A_779 = arith.index_cast %add3A_776 : i32 to index
        %swap3A_780 = arith.constant 96 : index
        %swap3A_781 = tpu.vector_load %arg10[%swap3A_778, %swap3A_779, %swap3A_780] {strides = array<i32>} : memref<4x128x128xf32, #tpu.memory_space<vmem>>, vector<1x1x16xf32>,
        %swap3A_782 = vector.shape_cast %swap3A_781 : vector<1x1x16xf32> to vector<16xf32>
        %swap3A_783 = vector.shape_cast %add3A_544 : vector<16xf32> to vector<1x1x16xf32>
        tpu.vector_store %arg10[%swap3A_778, %swap3A_779, %swap3A_780], %swap3A_783 {add = true, strides = array<i32>} : memref<4x128x128xf32, #tpu.memory_space<vmem>>, vector<1x1x16xf32>,
        %add3A_784 = arith.constant 2 : i32
        %add3A_785 = arith.addi %mul3A_577, %add3A_784 : i32
        %swap3A_786 = arith.constant 3 : i32
        %swap3A_787 = arith.index_cast %swap3A_786 : i32 to index
        %swap3A_788 = arith.index_cast %add3A_785 : i32 to index
        %swap3A_789 = arith.constant 112 : index
        %swap3A_790 = tpu.vector_load %arg10[%swap3A_787, %swap3A_788, %swap3A_789] {strides = array<i32>} : memref<4x128x128xf32, #tpu.memory_space<vmem>>, vector<1x1x16xf32>,
        %swap3A_791 = vector.shape_cast %swap3A_790 : vector<1x1x16xf32> to vector<16xf32>
        %swap3A_792 = vector.shape_cast %add3A_553 : vector<16xf32> to vector<1x1x16xf32>
        tpu.vector_store %arg10[%swap3A_787, %swap3A_788, %swap3A_789], %swap3A_792 {add = true, strides = array<i32>} : memref<4x128x128xf32, #tpu.memory_space<vmem>>, vector<1x1x16xf32>,
        %add3A_793 = arith.constant 3 : i32
        %add3A_794 = arith.addi %mul3A_577, %add3A_793 : i32
        %swap3A_795 = arith.constant 3 : i32
        %swap3A_796 = arith.index_cast %swap3A_795 : i32 to index
        %swap3A_797 = arith.index_cast %add3A_794 : i32 to index
        %swap3A_798 = arith.constant 0 : index
        %swap3A_799 = tpu.vector_load %arg10[%swap3A_796, %swap3A_797, %swap3A_798] {strides = array<i32>} : memref<4x128x128xf32, #tpu.memory_space<vmem>>, vector<1x1x16xf32>,
        %swap3A_800 = vector.shape_cast %swap3A_799 : vector<1x1x16xf32> to vector<16xf32>
        %swap3A_801 = vector.shape_cast %add3A_490 : vector<16xf32> to vector<1x1x16xf32>
        tpu.vector_store %arg10[%swap3A_796, %swap3A_797, %swap3A_798], %swap3A_801 {add = true, strides = array<i32>} : memref<4x128x128xf32, #tpu.memory_space<vmem>>, vector<1x1x16xf32>,
        %add3A_802 = arith.constant 3 : i32
        %add3A_803 = arith.addi %mul3A_577, %add3A_802 : i32
        %swap3A_804 = arith.constant 3 : i32
        %swap3A_805 = arith.index_cast %swap3A_804 : i32 to index
        %swap3A_806 = arith.index_cast %add3A_803 : i32 to index
        %swap3A_807 = arith.constant 16 : index
        %swap3A_808 = tpu.vector_load %arg10[%swap3A_805, %swap3A_806, %swap3A_807] {strides = array<i32>} : memref<4x128x128xf32, #tpu.memory_space<vmem>>, vector<1x1x16xf32>,
        %swap3A_809 = vector.shape_cast %swap3A_808 : vector<1x1x16xf32> to vector<16xf32>
        %swap3A_810 = vector.shape_cast %add3A_499 : vector<16xf32> to vector<1x1x16xf32>
        tpu.vector_store %arg10[%swap3A_805, %swap3A_806, %swap3A_807], %swap3A_810 {add = true, strides = array<i32>} : memref<4x128x128xf32, #tpu.memory_space<vmem>>, vector<1x1x16xf32>,
        %add3A_811 = arith.constant 3 : i32
        %add3A_812 = arith.addi %mul3A_577, %add3A_811 : i32
        %swap3A_813 = arith.constant 3 : i32
        %swap3A_814 = arith.index_cast %swap3A_813 : i32 to index
        %swap3A_815 = arith.index_cast %add3A_812 : i32 to index
        %swap3A_816 = arith.constant 32 : index
        %swap3A_817 = tpu.vector_load %arg10[%swap3A_814, %swap3A_815, %swap3A_816] {strides = array<i32>} : memref<4x128x128xf32, #tpu.memory_space<vmem>>, vector<1x1x16xf32>,
        %swap3A_818 = vector.shape_cast %swap3A_817 : vector<1x1x16xf32> to vector<16xf32>
        %swap3A_819 = vector.shape_cast %add3A_508 : vector<16xf32> to vector<1x1x16xf32>
        tpu.vector_store %arg10[%swap3A_814, %swap3A_815, %swap3A_816], %swap3A_819 {add = true, strides = array<i32>} : memref<4x128x128xf32, #tpu.memory_space<vmem>>, vector<1x1x16xf32>,
        %add3A_820 = arith.constant 3 : i32
        %add3A_821 = arith.addi %mul3A_577, %add3A_820 : i32
        %swap3A_822 = arith.constant 3 : i32
        %swap3A_823 = arith.index_cast %swap3A_822 : i32 to index
        %swap3A_824 = arith.index_cast %add3A_821 : i32 to index
        %swap3A_825 = arith.constant 48 : index
        %swap3A_826 = tpu.vector_load %arg10[%swap3A_823, %swap3A_824, %swap3A_825] {strides = array<i32>} : memref<4x128x128xf32, #tpu.memory_space<vmem>>, vector<1x1x16xf32>,
        %swap3A_827 = vector.shape_cast %swap3A_826 : vector<1x1x16xf32> to vector<16xf32>
        %swap3A_828 = vector.shape_cast %add3A_517 : vector<16xf32> to vector<1x1x16xf32>
        tpu.vector_store %arg10[%swap3A_823, %swap3A_824, %swap3A_825], %swap3A_828 {add = true, strides = array<i32>} : memref<4x128x128xf32, #tpu.memory_space<vmem>>, vector<1x1x16xf32>,
        %add3A_829 = arith.constant 3 : i32
        %add3A_830 = arith.addi %mul3A_577, %add3A_829 : i32
        %swap3A_831 = arith.constant 3 : i32
        %swap3A_832 = arith.index_cast %swap3A_831 : i32 to index
        %swap3A_833 = arith.index_cast %add3A_830 : i32 to index
        %swap3A_834 = arith.constant 64 : index
        %swap3A_835 = tpu.vector_load %arg10[%swap3A_832, %swap3A_833, %swap3A_834] {strides = array<i32>} : memref<4x128x128xf32, #tpu.memory_space<vmem>>, vector<1x1x16xf32>,
        %swap3A_836 = vector.shape_cast %swap3A_835 : vector<1x1x16xf32> to vector<16xf32>
        %swap3A_837 = vector.shape_cast %add3A_526 : vector<16xf32> to vector<1x1x16xf32>
        tpu.vector_store %arg10[%swap3A_832, %swap3A_833, %swap3A_834], %swap3A_837 {add = true, strides = array<i32>} : memref<4x128x128xf32, #tpu.memory_space<vmem>>, vector<1x1x16xf32>,
        %add3A_838 = arith.constant 3 : i32
        %add3A_839 = arith.addi %mul3A_577, %add3A_838 : i32
        %swap3A_840 = arith.constant 3 : i32
        %swap3A_841 = arith.index_cast %swap3A_840 : i32 to index
        %swap3A_842 = arith.index_cast %add3A_839 : i32 to index
        %swap3A_843 = arith.constant 80 : index
        %swap3A_844 = tpu.vector_load %arg10[%swap3A_841, %swap3A_842, %swap3A_843] {strides = array<i32>} : memref<4x128x128xf32, #tpu.memory_space<vmem>>, vector<1x1x16xf32>,
        %swap3A_845 = vector.shape_cast %swap3A_844 : vector<1x1x16xf32> to vector<16xf32>
        %swap3A_846 = vector.shape_cast %add3A_535 : vector<16xf32> to vector<1x1x16xf32>
        tpu.vector_store %arg10[%swap3A_841, %swap3A_842, %swap3A_843], %swap3A_846 {add = true, strides = array<i32>} : memref<4x128x128xf32, #tpu.memory_space<vmem>>, vector<1x1x16xf32>,
        %add3A_847 = arith.constant 3 : i32
        %add3A_848 = arith.addi %mul3A_577, %add3A_847 : i32
        %swap3A_849 = arith.constant 3 : i32
        %swap3A_850 = arith.index_cast %swap3A_849 : i32 to index
        %swap3A_851 = arith.index_cast %add3A_848 : i32 to index
        %swap3A_852 = arith.constant 96 : index
        %swap3A_853 = tpu.vector_load %arg10[%swap3A_850, %swap3A_851, %swap3A_852] {strides = array<i32>} : memref<4x128x128xf32, #tpu.memory_space<vmem>>, vector<1x1x16xf32>,
        %swap3A_854 = vector.shape_cast %swap3A_853 : vector<1x1x16xf32> to vector<16xf32>
        %swap3A_855 = vector.shape_cast %add3A_544 : vector<16xf32> to vector<1x1x16xf32>
        tpu.vector_store %arg10[%swap3A_850, %swap3A_851, %swap3A_852], %swap3A_855 {add = true, strides = array<i32>} : memref<4x128x128xf32, #tpu.memory_space<vmem>>, vector<1x1x16xf32>,
        %add3A_856 = arith.constant 3 : i32
        %add3A_857 = arith.addi %mul3A_577, %add3A_856 : i32
        %swap3A_858 = arith.constant 3 : i32
        %swap3A_859 = arith.index_cast %swap3A_858 : i32 to index
        %swap3A_860 = arith.index_cast %add3A_857 : i32 to index
        %swap3A_861 = arith.constant 112 : index
        %swap3A_862 = tpu.vector_load %arg10[%swap3A_859, %swap3A_860, %swap3A_861] {strides = array<i32>} : memref<4x128x128xf32, #tpu.memory_space<vmem>>, vector<1x1x16xf32>,
        %swap3A_863 = vector.shape_cast %swap3A_862 : vector<1x1x16xf32> to vector<16xf32>
        %swap3A_864 = vector.shape_cast %add3A_553 : vector<16xf32> to vector<1x1x16xf32>
        tpu.vector_store %arg10[%swap3A_859, %swap3A_860, %swap3A_861], %swap3A_864 {add = true, strides = array<i32>} : memref<4x128x128xf32, #tpu.memory_space<vmem>>, vector<1x1x16xf32>,
        %add3A_865 = arith.constant 4 : i32
        %add3A_866 = arith.addi %mul3A_577, %add3A_865 : i32
        %swap3A_867 = arith.constant 3 : i32
        %swap3A_868 = arith.index_cast %swap3A_867 : i32 to index
        %swap3A_869 = arith.index_cast %add3A_866 : i32 to index
        %swap3A_870 = arith.constant 0 : index
        %swap3A_871 = tpu.vector_load %arg10[%swap3A_868, %swap3A_869, %swap3A_870] {strides = array<i32>} : memref<4x128x128xf32, #tpu.memory_space<vmem>>, vector<1x1x16xf32>,
        %swap3A_872 = vector.shape_cast %swap3A_871 : vector<1x1x16xf32> to vector<16xf32>
        %swap3A_873 = vector.shape_cast %add3A_490 : vector<16xf32> to vector<1x1x16xf32>
        tpu.vector_store %arg10[%swap3A_868, %swap3A_869, %swap3A_870], %swap3A_873 {add = true, strides = array<i32>} : memref<4x128x128xf32, #tpu.memory_space<vmem>>, vector<1x1x16xf32>,
        %add3A_874 = arith.constant 4 : i32
        %add3A_875 = arith.addi %mul3A_577, %add3A_874 : i32
        %swap3A_876 = arith.constant 3 : i32
        %swap3A_877 = arith.index_cast %swap3A_876 : i32 to index
        %swap3A_878 = arith.index_cast %add3A_875 : i32 to index
        %swap3A_879 = arith.constant 16 : index
        %swap3A_880 = tpu.vector_load %arg10[%swap3A_877, %swap3A_878, %swap3A_879] {strides = array<i32>} : memref<4x128x128xf32, #tpu.memory_space<vmem>>, vector<1x1x16xf32>,
        %swap3A_881 = vector.shape_cast %swap3A_880 : vector<1x1x16xf32> to vector<16xf32>
        %swap3A_882 = vector.shape_cast %add3A_499 : vector<16xf32> to vector<1x1x16xf32>
        tpu.vector_store %arg10[%swap3A_877, %swap3A_878, %swap3A_879], %swap3A_882 {add = true, strides = array<i32>} : memref<4x128x128xf32, #tpu.memory_space<vmem>>, vector<1x1x16xf32>,
        %add3A_883 = arith.constant 4 : i32
        %add3A_884 = arith.addi %mul3A_577, %add3A_883 : i32
        %swap3A_885 = arith.constant 3 : i32
        %swap3A_886 = arith.index_cast %swap3A_885 : i32 to index
        %swap3A_887 = arith.index_cast %add3A_884 : i32 to index
        %swap3A_888 = arith.constant 32 : index
        %swap3A_889 = tpu.vector_load %arg10[%swap3A_886, %swap3A_887, %swap3A_888] {strides = array<i32>} : memref<4x128x128xf32, #tpu.memory_space<vmem>>, vector<1x1x16xf32>,
        %swap3A_890 = vector.shape_cast %swap3A_889 : vector<1x1x16xf32> to vector<16xf32>
        %swap3A_891 = vector.shape_cast %add3A_508 : vector<16xf32> to vector<1x1x16xf32>
        tpu.vector_store %arg10[%swap3A_886, %swap3A_887, %swap3A_888], %swap3A_891 {add = true, strides = array<i32>} : memref<4x128x128xf32, #tpu.memory_space<vmem>>, vector<1x1x16xf32>,
        %add3A_892 = arith.constant 4 : i32
        %add3A_893 = arith.addi %mul3A_577, %add3A_892 : i32
        %swap3A_894 = arith.constant 3 : i32
        %swap3A_895 = arith.index_cast %swap3A_894 : i32 to index
        %swap3A_896 = arith.index_cast %add3A_893 : i32 to index
        %swap3A_897 = arith.constant 48 : index
        %swap3A_898 = tpu.vector_load %arg10[%swap3A_895, %swap3A_896, %swap3A_897] {strides = array<i32>} : memref<4x128x128xf32, #tpu.memory_space<vmem>>, vector<1x1x16xf32>,
        %swap3A_899 = vector.shape_cast %swap3A_898 : vector<1x1x16xf32> to vector<16xf32>
        %swap3A_900 = vector.shape_cast %add3A_517 : vector<16xf32> to vector<1x1x16xf32>
        tpu.vector_store %arg10[%swap3A_895, %swap3A_896, %swap3A_897], %swap3A_900 {add = true, strides = array<i32>} : memref<4x128x128xf32, #tpu.memory_space<vmem>>, vector<1x1x16xf32>,
        %add3A_901 = arith.constant 4 : i32
        %add3A_902 = arith.addi %mul3A_577, %add3A_901 : i32
        %swap3A_903 = arith.constant 3 : i32
        %swap3A_904 = arith.index_cast %swap3A_903 : i32 to index
        %swap3A_905 = arith.index_cast %add3A_902 : i32 to index
        %swap3A_906 = arith.constant 64 : index
        %swap3A_907 = tpu.vector_load %arg10[%swap3A_904, %swap3A_905, %swap3A_906] {strides = array<i32>} : memref<4x128x128xf32, #tpu.memory_space<vmem>>, vector<1x1x16xf32>,
        %swap3A_908 = vector.shape_cast %swap3A_907 : vector<1x1x16xf32> to vector<16xf32>
        %swap3A_909 = vector.shape_cast %add3A_526 : vector<16xf32> to vector<1x1x16xf32>
        tpu.vector_store %arg10[%swap3A_904, %swap3A_905, %swap3A_906], %swap3A_909 {add = true, strides = array<i32>} : memref<4x128x128xf32, #tpu.memory_space<vmem>>, vector<1x1x16xf32>,
        %add3A_910 = arith.constant 4 : i32
        %add3A_911 = arith.addi %mul3A_577, %add3A_910 : i32
        %swap3A_912 = arith.constant 3 : i32
        %swap3A_913 = arith.index_cast %swap3A_912 : i32 to index
        %swap3A_914 = arith.index_cast %add3A_911 : i32 to index
        %swap3A_915 = arith.constant 80 : index
        %swap3A_916 = tpu.vector_load %arg10[%swap3A_913, %swap3A_914, %swap3A_915] {strides = array<i32>} : memref<4x128x128xf32, #tpu.memory_space<vmem>>, vector<1x1x16xf32>,
        %swap3A_917 = vector.shape_cast %swap3A_916 : vector<1x1x16xf32> to vector<16xf32>
        %swap3A_918 = vector.shape_cast %add3A_535 : vector<16xf32> to vector<1x1x16xf32>
        tpu.vector_store %arg10[%swap3A_913, %swap3A_914, %swap3A_915], %swap3A_918 {add = true, strides = array<i32>} : memref<4x128x128xf32, #tpu.memory_space<vmem>>, vector<1x1x16xf32>,
        %add3A_919 = arith.constant 4 : i32
        %add3A_920 = arith.addi %mul3A_577, %add3A_919 : i32
        %swap3A_921 = arith.constant 3 : i32
        %swap3A_922 = arith.index_cast %swap3A_921 : i32 to index
        %swap3A_923 = arith.index_cast %add3A_920 : i32 to index
        %swap3A_924 = arith.constant 96 : index
        %swap3A_925 = tpu.vector_load %arg10[%swap3A_922, %swap3A_923, %swap3A_924] {strides = array<i32>} : memref<4x128x128xf32, #tpu.memory_space<vmem>>, vector<1x1x16xf32>,
        %swap3A_926 = vector.shape_cast %swap3A_925 : vector<1x1x16xf32> to vector<16xf32>
        %swap3A_927 = vector.shape_cast %add3A_544 : vector<16xf32> to vector<1x1x16xf32>
        tpu.vector_store %arg10[%swap3A_922, %swap3A_923, %swap3A_924], %swap3A_927 {add = true, strides = array<i32>} : memref<4x128x128xf32, #tpu.memory_space<vmem>>, vector<1x1x16xf32>,
        %add3A_928 = arith.constant 4 : i32
        %add3A_929 = arith.addi %mul3A_577, %add3A_928 : i32
        %swap3A_930 = arith.constant 3 : i32
        %swap3A_931 = arith.index_cast %swap3A_930 : i32 to index
        %swap3A_932 = arith.index_cast %add3A_929 : i32 to index
        %swap3A_933 = arith.constant 112 : index
        %swap3A_934 = tpu.vector_load %arg10[%swap3A_931, %swap3A_932, %swap3A_933] {strides = array<i32>} : memref<4x128x128xf32, #tpu.memory_space<vmem>>, vector<1x1x16xf32>,
        %swap3A_935 = vector.shape_cast %swap3A_934 : vector<1x1x16xf32> to vector<16xf32>
        %swap3A_936 = vector.shape_cast %add3A_553 : vector<16xf32> to vector<1x1x16xf32>
        tpu.vector_store %arg10[%swap3A_931, %swap3A_932, %swap3A_933], %swap3A_936 {add = true, strides = array<i32>} : memref<4x128x128xf32, #tpu.memory_space<vmem>>, vector<1x1x16xf32>,
        %add3A_937 = arith.constant 5 : i32
        %add3A_938 = arith.addi %mul3A_577, %add3A_937 : i32
        %swap3A_939 = arith.constant 3 : i32
        %swap3A_940 = arith.index_cast %swap3A_939 : i32 to index
        %swap3A_941 = arith.index_cast %add3A_938 : i32 to index
        %swap3A_942 = arith.constant 0 : index
        %swap3A_943 = tpu.vector_load %arg10[%swap3A_940, %swap3A_941, %swap3A_942] {strides = array<i32>} : memref<4x128x128xf32, #tpu.memory_space<vmem>>, vector<1x1x16xf32>,
        %swap3A_944 = vector.shape_cast %swap3A_943 : vector<1x1x16xf32> to vector<16xf32>
        %swap3A_945 = vector.shape_cast %add3A_490 : vector<16xf32> to vector<1x1x16xf32>
        tpu.vector_store %arg10[%swap3A_940, %swap3A_941, %swap3A_942], %swap3A_945 {add = true, strides = array<i32>} : memref<4x128x128xf32, #tpu.memory_space<vmem>>, vector<1x1x16xf32>,
        %add3A_946 = arith.constant 5 : i32
        %add3A_947 = arith.addi %mul3A_577, %add3A_946 : i32
        %swap3A_948 = arith.constant 3 : i32
        %swap3A_949 = arith.index_cast %swap3A_948 : i32 to index
        %swap3A_950 = arith.index_cast %add3A_947 : i32 to index
        %swap3A_951 = arith.constant 16 : index
        %swap3A_952 = tpu.vector_load %arg10[%swap3A_949, %swap3A_950, %swap3A_951] {strides = array<i32>} : memref<4x128x128xf32, #tpu.memory_space<vmem>>, vector<1x1x16xf32>,
        %swap3A_953 = vector.shape_cast %swap3A_952 : vector<1x1x16xf32> to vector<16xf32>
        %swap3A_954 = vector.shape_cast %add3A_499 : vector<16xf32> to vector<1x1x16xf32>
        tpu.vector_store %arg10[%swap3A_949, %swap3A_950, %swap3A_951], %swap3A_954 {add = true, strides = array<i32>} : memref<4x128x128xf32, #tpu.memory_space<vmem>>, vector<1x1x16xf32>,
        %add3A_955 = arith.constant 5 : i32
        %add3A_956 = arith.addi %mul3A_577, %add3A_955 : i32
        %swap3A_957 = arith.constant 3 : i32
        %swap3A_958 = arith.index_cast %swap3A_957 : i32 to index
        %swap3A_959 = arith.index_cast %add3A_956 : i32 to index
        %swap3A_960 = arith.constant 32 : index
        %swap3A_961 = tpu.vector_load %arg10[%swap3A_958, %swap3A_959, %swap3A_960] {strides = array<i32>} : memref<4x128x128xf32, #tpu.memory_space<vmem>>, vector<1x1x16xf32>,
        %swap3A_962 = vector.shape_cast %swap3A_961 : vector<1x1x16xf32> to vector<16xf32>
        %swap3A_963 = vector.shape_cast %add3A_508 : vector<16xf32> to vector<1x1x16xf32>
        tpu.vector_store %arg10[%swap3A_958, %swap3A_959, %swap3A_960], %swap3A_963 {add = true, strides = array<i32>} : memref<4x128x128xf32, #tpu.memory_space<vmem>>, vector<1x1x16xf32>,
        %add3A_964 = arith.constant 5 : i32
        %add3A_965 = arith.addi %mul3A_577, %add3A_964 : i32
        %swap3A_966 = arith.constant 3 : i32
        %swap3A_967 = arith.index_cast %swap3A_966 : i32 to index
        %swap3A_968 = arith.index_cast %add3A_965 : i32 to index
        %swap3A_969 = arith.constant 48 : index
        %swap3A_970 = tpu.vector_load %arg10[%swap3A_967, %swap3A_968, %swap3A_969] {strides = array<i32>} : memref<4x128x128xf32, #tpu.memory_space<vmem>>, vector<1x1x16xf32>,
        %swap3A_971 = vector.shape_cast %swap3A_970 : vector<1x1x16xf32> to vector<16xf32>
        %swap3A_972 = vector.shape_cast %add3A_517 : vector<16xf32> to vector<1x1x16xf32>
        tpu.vector_store %arg10[%swap3A_967, %swap3A_968, %swap3A_969], %swap3A_972 {add = true, strides = array<i32>} : memref<4x128x128xf32, #tpu.memory_space<vmem>>, vector<1x1x16xf32>,
        %add3A_973 = arith.constant 5 : i32
        %add3A_974 = arith.addi %mul3A_577, %add3A_973 : i32
        %swap3A_975 = arith.constant 3 : i32
        %swap3A_976 = arith.index_cast %swap3A_975 : i32 to index
        %swap3A_977 = arith.index_cast %add3A_974 : i32 to index
        %swap3A_978 = arith.constant 64 : index
        %swap3A_979 = tpu.vector_load %arg10[%swap3A_976, %swap3A_977, %swap3A_978] {strides = array<i32>} : memref<4x128x128xf32, #tpu.memory_space<vmem>>, vector<1x1x16xf32>,
        %swap3A_980 = vector.shape_cast %swap3A_979 : vector<1x1x16xf32> to vector<16xf32>
        %swap3A_981 = vector.shape_cast %add3A_526 : vector<16xf32> to vector<1x1x16xf32>
        tpu.vector_store %arg10[%swap3A_976, %swap3A_977, %swap3A_978], %swap3A_981 {add = true, strides = array<i32>} : memref<4x128x128xf32, #tpu.memory_space<vmem>>, vector<1x1x16xf32>,
        %add3A_982 = arith.constant 5 : i32
        %add3A_983 = arith.addi %mul3A_577, %add3A_982 : i32
        %swap3A_984 = arith.constant 3 : i32
        %swap3A_985 = arith.index_cast %swap3A_984 : i32 to index
        %swap3A_986 = arith.index_cast %add3A_983 : i32 to index
        %swap3A_987 = arith.constant 80 : index
        %swap3A_988 = tpu.vector_load %arg10[%swap3A_985, %swap3A_986, %swap3A_987] {strides = array<i32>} : memref<4x128x128xf32, #tpu.memory_space<vmem>>, vector<1x1x16xf32>,
        %swap3A_989 = vector.shape_cast %swap3A_988 : vector<1x1x16xf32> to vector<16xf32>
        %swap3A_990 = vector.shape_cast %add3A_535 : vector<16xf32> to vector<1x1x16xf32>
        tpu.vector_store %arg10[%swap3A_985, %swap3A_986, %swap3A_987], %swap3A_990 {add = true, strides = array<i32>} : memref<4x128x128xf32, #tpu.memory_space<vmem>>, vector<1x1x16xf32>,
        %add3A_991 = arith.constant 5 : i32
        %add3A_992 = arith.addi %mul3A_577, %add3A_991 : i32
        %swap3A_993 = arith.constant 3 : i32
        %swap3A_994 = arith.index_cast %swap3A_993 : i32 to index
        %swap3A_995 = arith.index_cast %add3A_992 : i32 to index
        %swap3A_996 = arith.constant 96 : index
        %swap3A_997 = tpu.vector_load %arg10[%swap3A_994, %swap3A_995, %swap3A_996] {strides = array<i32>} : memref<4x128x128xf32, #tpu.memory_space<vmem>>, vector<1x1x16xf32>,
        %swap3A_998 = vector.shape_cast %swap3A_997 : vector<1x1x16xf32> to vector<16xf32>
        %swap3A_999 = vector.shape_cast %add3A_544 : vector<16xf32> to vector<1x1x16xf32>
        tpu.vector_store %arg10[%swap3A_994, %swap3A_995, %swap3A_996], %swap3A_999 {add = true, strides = array<i32>} : memref<4x128x128xf32, #tpu.memory_space<vmem>>, vector<1x1x16xf32>,
        %add3A_1000 = arith.constant 5 : i32
        %add3A_1001 = arith.addi %mul3A_577, %add3A_1000 : i32
        %swap3A_1002 = arith.constant 3 : i32
        %swap3A_1003 = arith.index_cast %swap3A_1002 : i32 to index
        %swap3A_1004 = arith.index_cast %add3A_1001 : i32 to index
        %swap3A_1005 = arith.constant 112 : index
        %swap3A_1006 = tpu.vector_load %arg10[%swap3A_1003, %swap3A_1004, %swap3A_1005] {strides = array<i32>} : memref<4x128x128xf32, #tpu.memory_space<vmem>>, vector<1x1x16xf32>,
        %swap3A_1007 = vector.shape_cast %swap3A_1006 : vector<1x1x16xf32> to vector<16xf32>
        %swap3A_1008 = vector.shape_cast %add3A_553 : vector<16xf32> to vector<1x1x16xf32>
        tpu.vector_store %arg10[%swap3A_1003, %swap3A_1004, %swap3A_1005], %swap3A_1008 {add = true, strides = array<i32>} : memref<4x128x128xf32, #tpu.memory_space<vmem>>, vector<1x1x16xf32>,
        %add3A_1009 = arith.constant 6 : i32
        %add3A_1010 = arith.addi %mul3A_577, %add3A_1009 : i32
        %swap3A_1011 = arith.constant 3 : i32
        %swap3A_1012 = arith.index_cast %swap3A_1011 : i32 to index
        %swap3A_1013 = arith.index_cast %add3A_1010 : i32 to index
        %swap3A_1014 = arith.constant 0 : index
        %swap3A_1015 = tpu.vector_load %arg10[%swap3A_1012, %swap3A_1013, %swap3A_1014] {strides = array<i32>} : memref<4x128x128xf32, #tpu.memory_space<vmem>>, vector<1x1x16xf32>,
        %swap3A_1016 = vector.shape_cast %swap3A_1015 : vector<1x1x16xf32> to vector<16xf32>
        %swap3A_1017 = vector.shape_cast %add3A_490 : vector<16xf32> to vector<1x1x16xf32>
        tpu.vector_store %arg10[%swap3A_1012, %swap3A_1013, %swap3A_1014], %swap3A_1017 {add = true, strides = array<i32>} : memref<4x128x128xf32, #tpu.memory_space<vmem>>, vector<1x1x16xf32>,
        %add3A_1018 = arith.constant 6 : i32
        %add3A_1019 = arith.addi %mul3A_577, %add3A_1018 : i32
        %swap3A_1020 = arith.constant 3 : i32
        %swap3A_1021 = arith.index_cast %swap3A_1020 : i32 to index
        %swap3A_1022 = arith.index_cast %add3A_1019 : i32 to index
        %swap3A_1023 = arith.constant 16 : index
        %swap3A_1024 = tpu.vector_load %arg10[%swap3A_1021, %swap3A_1022, %swap3A_1023] {strides = array<i32>} : memref<4x128x128xf32, #tpu.memory_space<vmem>>, vector<1x1x16xf32>,
        %swap3A_1025 = vector.shape_cast %swap3A_1024 : vector<1x1x16xf32> to vector<16xf32>
        %swap3A_1026 = vector.shape_cast %add3A_499 : vector<16xf32> to vector<1x1x16xf32>
        tpu.vector_store %arg10[%swap3A_1021, %swap3A_1022, %swap3A_1023], %swap3A_1026 {add = true, strides = array<i32>} : memref<4x128x128xf32, #tpu.memory_space<vmem>>, vector<1x1x16xf32>,
        %add3A_1027 = arith.constant 6 : i32
        %add3A_1028 = arith.addi %mul3A_577, %add3A_1027 : i32
        %swap3A_1029 = arith.constant 3 : i32
        %swap3A_1030 = arith.index_cast %swap3A_1029 : i32 to index
        %swap3A_1031 = arith.index_cast %add3A_1028 : i32 to index
        %swap3A_1032 = arith.constant 32 : index
        %swap3A_1033 = tpu.vector_load %arg10[%swap3A_1030, %swap3A_1031, %swap3A_1032] {strides = array<i32>} : memref<4x128x128xf32, #tpu.memory_space<vmem>>, vector<1x1x16xf32>,
        %swap3A_1034 = vector.shape_cast %swap3A_1033 : vector<1x1x16xf32> to vector<16xf32>
        %swap3A_1035 = vector.shape_cast %add3A_508 : vector<16xf32> to vector<1x1x16xf32>
        tpu.vector_store %arg10[%swap3A_1030, %swap3A_1031, %swap3A_1032], %swap3A_1035 {add = true, strides = array<i32>} : memref<4x128x128xf32, #tpu.memory_space<vmem>>, vector<1x1x16xf32>,
        %add3A_1036 = arith.constant 6 : i32
        %add3A_1037 = arith.addi %mul3A_577, %add3A_1036 : i32
        %swap3A_1038 = arith.constant 3 : i32
        %swap3A_1039 = arith.index_cast %swap3A_1038 : i32 to index
        %swap3A_1040 = arith.index_cast %add3A_1037 : i32 to index
        %swap3A_1041 = arith.constant 48 : index
        %swap3A_1042 = tpu.vector_load %arg10[%swap3A_1039, %swap3A_1040, %swap3A_1041] {strides = array<i32>} : memref<4x128x128xf32, #tpu.memory_space<vmem>>, vector<1x1x16xf32>,
        %swap3A_1043 = vector.shape_cast %swap3A_1042 : vector<1x1x16xf32> to vector<16xf32>
        %swap3A_1044 = vector.shape_cast %add3A_517 : vector<16xf32> to vector<1x1x16xf32>
        tpu.vector_store %arg10[%swap3A_1039, %swap3A_1040, %swap3A_1041], %swap3A_1044 {add = true, strides = array<i32>} : memref<4x128x128xf32, #tpu.memory_space<vmem>>, vector<1x1x16xf32>,
        %add3A_1045 = arith.constant 6 : i32
        %add3A_1046 = arith.addi %mul3A_577, %add3A_1045 : i32
        %swap3A_1047 = arith.constant 3 : i32
        %swap3A_1048 = arith.index_cast %swap3A_1047 : i32 to index
        %swap3A_1049 = arith.index_cast %add3A_1046 : i32 to index
        %swap3A_1050 = arith.constant 64 : index
        %swap3A_1051 = tpu.vector_load %arg10[%swap3A_1048, %swap3A_1049, %swap3A_1050] {strides = array<i32>} : memref<4x128x128xf32, #tpu.memory_space<vmem>>, vector<1x1x16xf32>,
        %swap3A_1052 = vector.shape_cast %swap3A_1051 : vector<1x1x16xf32> to vector<16xf32>
        %swap3A_1053 = vector.shape_cast %add3A_526 : vector<16xf32> to vector<1x1x16xf32>
        tpu.vector_store %arg10[%swap3A_1048, %swap3A_1049, %swap3A_1050], %swap3A_1053 {add = true, strides = array<i32>} : memref<4x128x128xf32, #tpu.memory_space<vmem>>, vector<1x1x16xf32>,
        %add3A_1054 = arith.constant 6 : i32
        %add3A_1055 = arith.addi %mul3A_577, %add3A_1054 : i32
        %swap3A_1056 = arith.constant 3 : i32
        %swap3A_1057 = arith.index_cast %swap3A_1056 : i32 to index
        %swap3A_1058 = arith.index_cast %add3A_1055 : i32 to index
        %swap3A_1059 = arith.constant 80 : index
        %swap3A_1060 = tpu.vector_load %arg10[%swap3A_1057, %swap3A_1058, %swap3A_1059] {strides = array<i32>} : memref<4x128x128xf32, #tpu.memory_space<vmem>>, vector<1x1x16xf32>,
        %swap3A_1061 = vector.shape_cast %swap3A_1060 : vector<1x1x16xf32> to vector<16xf32>
        %swap3A_1062 = vector.shape_cast %add3A_535 : vector<16xf32> to vector<1x1x16xf32>
        tpu.vector_store %arg10[%swap3A_1057, %swap3A_1058, %swap3A_1059], %swap3A_1062 {add = true, strides = array<i32>} : memref<4x128x128xf32, #tpu.memory_space<vmem>>, vector<1x1x16xf32>,
        %add3A_1063 = arith.constant 6 : i32
        %add3A_1064 = arith.addi %mul3A_577, %add3A_1063 : i32
        %swap3A_1065 = arith.constant 3 : i32
        %swap3A_1066 = arith.index_cast %swap3A_1065 : i32 to index
        %swap3A_1067 = arith.index_cast %add3A_1064 : i32 to index
        %swap3A_1068 = arith.constant 96 : index
        %swap3A_1069 = tpu.vector_load %arg10[%swap3A_1066, %swap3A_1067, %swap3A_1068] {strides = array<i32>} : memref<4x128x128xf32, #tpu.memory_space<vmem>>, vector<1x1x16xf32>,
        %swap3A_1070 = vector.shape_cast %swap3A_1069 : vector<1x1x16xf32> to vector<16xf32>
        %swap3A_1071 = vector.shape_cast %add3A_544 : vector<16xf32> to vector<1x1x16xf32>
        tpu.vector_store %arg10[%swap3A_1066, %swap3A_1067, %swap3A_1068], %swap3A_1071 {add = true, strides = array<i32>} : memref<4x128x128xf32, #tpu.memory_space<vmem>>, vector<1x1x16xf32>,
        %add3A_1072 = arith.constant 6 : i32
        %add3A_1073 = arith.addi %mul3A_577, %add3A_1072 : i32
        %swap3A_1074 = arith.constant 3 : i32
        %swap3A_1075 = arith.index_cast %swap3A_1074 : i32 to index
        %swap3A_1076 = arith.index_cast %add3A_1073 : i32 to index
        %swap3A_1077 = arith.constant 112 : index
        %swap3A_1078 = tpu.vector_load %arg10[%swap3A_1075, %swap3A_1076, %swap3A_1077] {strides = array<i32>} : memref<4x128x128xf32, #tpu.memory_space<vmem>>, vector<1x1x16xf32>,
        %swap3A_1079 = vector.shape_cast %swap3A_1078 : vector<1x1x16xf32> to vector<16xf32>
        %swap3A_1080 = vector.shape_cast %add3A_553 : vector<16xf32> to vector<1x1x16xf32>
        tpu.vector_store %arg10[%swap3A_1075, %swap3A_1076, %swap3A_1077], %swap3A_1080 {add = true, strides = array<i32>} : memref<4x128x128xf32, #tpu.memory_space<vmem>>, vector<1x1x16xf32>,
        %add3A_1081 = arith.constant 7 : i32
        %add3A_1082 = arith.addi %mul3A_577, %add3A_1081 : i32
        %swap3A_1083 = arith.constant 3 : i32
        %swap3A_1084 = arith.index_cast %swap3A_1083 : i32 to index
        %swap3A_1085 = arith.index_cast %add3A_1082 : i32 to index
        %swap3A_1086 = arith.constant 0 : index
        %swap3A_1087 = tpu.vector_load %arg10[%swap3A_1084, %swap3A_1085, %swap3A_1086] {strides = array<i32>} : memref<4x128x128xf32, #tpu.memory_space<vmem>>, vector<1x1x16xf32>,
        %swap3A_1088 = vector.shape_cast %swap3A_1087 : vector<1x1x16xf32> to vector<16xf32>
        %swap3A_1089 = vector.shape_cast %add3A_490 : vector<16xf32> to vector<1x1x16xf32>
        tpu.vector_store %arg10[%swap3A_1084, %swap3A_1085, %swap3A_1086], %swap3A_1089 {add = true, strides = array<i32>} : memref<4x128x128xf32, #tpu.memory_space<vmem>>, vector<1x1x16xf32>,
        %add3A_1090 = arith.constant 7 : i32
        %add3A_1091 = arith.addi %mul3A_577, %add3A_1090 : i32
        %swap3A_1092 = arith.constant 3 : i32
        %swap3A_1093 = arith.index_cast %swap3A_1092 : i32 to index
        %swap3A_1094 = arith.index_cast %add3A_1091 : i32 to index
        %swap3A_1095 = arith.constant 16 : index
        %swap3A_1096 = tpu.vector_load %arg10[%swap3A_1093, %swap3A_1094, %swap3A_1095] {strides = array<i32>} : memref<4x128x128xf32, #tpu.memory_space<vmem>>, vector<1x1x16xf32>,
        %swap3A_1097 = vector.shape_cast %swap3A_1096 : vector<1x1x16xf32> to vector<16xf32>
        %swap3A_1098 = vector.shape_cast %add3A_499 : vector<16xf32> to vector<1x1x16xf32>
        tpu.vector_store %arg10[%swap3A_1093, %swap3A_1094, %swap3A_1095], %swap3A_1098 {add = true, strides = array<i32>} : memref<4x128x128xf32, #tpu.memory_space<vmem>>, vector<1x1x16xf32>,
        %add3A_1099 = arith.constant 7 : i32
        %add3A_1100 = arith.addi %mul3A_577, %add3A_1099 : i32
        %swap3A_1101 = arith.constant 3 : i32
        %swap3A_1102 = arith.index_cast %swap3A_1101 : i32 to index
        %swap3A_1103 = arith.index_cast %add3A_1100 : i32 to index
        %swap3A_1104 = arith.constant 32 : index
        %swap3A_1105 = tpu.vector_load %arg10[%swap3A_1102, %swap3A_1103, %swap3A_1104] {strides = array<i32>} : memref<4x128x128xf32, #tpu.memory_space<vmem>>, vector<1x1x16xf32>,
        %swap3A_1106 = vector.shape_cast %swap3A_1105 : vector<1x1x16xf32> to vector<16xf32>
        %swap3A_1107 = vector.shape_cast %add3A_508 : vector<16xf32> to vector<1x1x16xf32>
        tpu.vector_store %arg10[%swap3A_1102, %swap3A_1103, %swap3A_1104], %swap3A_1107 {add = true, strides = array<i32>} : memref<4x128x128xf32, #tpu.memory_space<vmem>>, vector<1x1x16xf32>,
        %add3A_1108 = arith.constant 7 : i32
        %add3A_1109 = arith.addi %mul3A_577, %add3A_1108 : i32
        %swap3A_1110 = arith.constant 3 : i32
        %swap3A_1111 = arith.index_cast %swap3A_1110 : i32 to index
        %swap3A_1112 = arith.index_cast %add3A_1109 : i32 to index
        %swap3A_1113 = arith.constant 48 : index
        %swap3A_1114 = tpu.vector_load %arg10[%swap3A_1111, %swap3A_1112, %swap3A_1113] {strides = array<i32>} : memref<4x128x128xf32, #tpu.memory_space<vmem>>, vector<1x1x16xf32>,
        %swap3A_1115 = vector.shape_cast %swap3A_1114 : vector<1x1x16xf32> to vector<16xf32>
        %swap3A_1116 = vector.shape_cast %add3A_517 : vector<16xf32> to vector<1x1x16xf32>
        tpu.vector_store %arg10[%swap3A_1111, %swap3A_1112, %swap3A_1113], %swap3A_1116 {add = true, strides = array<i32>} : memref<4x128x128xf32, #tpu.memory_space<vmem>>, vector<1x1x16xf32>,
        %add3A_1117 = arith.constant 7 : i32
        %add3A_1118 = arith.addi %mul3A_577, %add3A_1117 : i32
        %swap3A_1119 = arith.constant 3 : i32
        %swap3A_1120 = arith.index_cast %swap3A_1119 : i32 to index
        %swap3A_1121 = arith.index_cast %add3A_1118 : i32 to index
        %swap3A_1122 = arith.constant 64 : index
        %swap3A_1123 = tpu.vector_load %arg10[%swap3A_1120, %swap3A_1121, %swap3A_1122] {strides = array<i32>} : memref<4x128x128xf32, #tpu.memory_space<vmem>>, vector<1x1x16xf32>,
        %swap3A_1124 = vector.shape_cast %swap3A_1123 : vector<1x1x16xf32> to vector<16xf32>
        %swap3A_1125 = vector.shape_cast %add3A_526 : vector<16xf32> to vector<1x1x16xf32>
        tpu.vector_store %arg10[%swap3A_1120, %swap3A_1121, %swap3A_1122], %swap3A_1125 {add = true, strides = array<i32>} : memref<4x128x128xf32, #tpu.memory_space<vmem>>, vector<1x1x16xf32>,
        %add3A_1126 = arith.constant 7 : i32
        %add3A_1127 = arith.addi %mul3A_577, %add3A_1126 : i32
        %swap3A_1128 = arith.constant 3 : i32
        %swap3A_1129 = arith.index_cast %swap3A_1128 : i32 to index
        %swap3A_1130 = arith.index_cast %add3A_1127 : i32 to index
        %swap3A_1131 = arith.constant 80 : index
        %swap3A_1132 = tpu.vector_load %arg10[%swap3A_1129, %swap3A_1130, %swap3A_1131] {strides = array<i32>} : memref<4x128x128xf32, #tpu.memory_space<vmem>>, vector<1x1x16xf32>,
        %swap3A_1133 = vector.shape_cast %swap3A_1132 : vector<1x1x16xf32> to vector<16xf32>
        %swap3A_1134 = vector.shape_cast %add3A_535 : vector<16xf32> to vector<1x1x16xf32>
        tpu.vector_store %arg10[%swap3A_1129, %swap3A_1130, %swap3A_1131], %swap3A_1134 {add = true, strides = array<i32>} : memref<4x128x128xf32, #tpu.memory_space<vmem>>, vector<1x1x16xf32>,
        %add3A_1135 = arith.constant 7 : i32
        %add3A_1136 = arith.addi %mul3A_577, %add3A_1135 : i32
        %swap3A_1137 = arith.constant 3 : i32
        %swap3A_1138 = arith.index_cast %swap3A_1137 : i32 to index
        %swap3A_1139 = arith.index_cast %add3A_1136 : i32 to index
        %swap3A_1140 = arith.constant 96 : index
        %swap3A_1141 = tpu.vector_load %arg10[%swap3A_1138, %swap3A_1139, %swap3A_1140] {strides = array<i32>} : memref<4x128x128xf32, #tpu.memory_space<vmem>>, vector<1x1x16xf32>,
        %swap3A_1142 = vector.shape_cast %swap3A_1141 : vector<1x1x16xf32> to vector<16xf32>
        %swap3A_1143 = vector.shape_cast %add3A_544 : vector<16xf32> to vector<1x1x16xf32>
        tpu.vector_store %arg10[%swap3A_1138, %swap3A_1139, %swap3A_1140], %swap3A_1143 {add = true, strides = array<i32>} : memref<4x128x128xf32, #tpu.memory_space<vmem>>, vector<1x1x16xf32>,
        %add3A_1144 = arith.constant 7 : i32
        %add3A_1145 = arith.addi %mul3A_577, %add3A_1144 : i32
        %swap3A_1146 = arith.constant 3 : i32
        %swap3A_1147 = arith.index_cast %swap3A_1146 : i32 to index
        %swap3A_1148 = arith.index_cast %add3A_1145 : i32 to index
        %swap3A_1149 = arith.constant 112 : index
        %swap3A_1150 = tpu.vector_load %arg10[%swap3A_1147, %swap3A_1148, %swap3A_1149] {strides = array<i32>} : memref<4x128x128xf32, #tpu.memory_space<vmem>>, vector<1x1x16xf32>,
        %swap3A_1151 = vector.shape_cast %swap3A_1150 : vector<1x1x16xf32> to vector<16xf32>
        %swap3A_1152 = vector.shape_cast %add3A_553 : vector<16xf32> to vector<1x1x16xf32>
        tpu.vector_store %arg10[%swap3A_1147, %swap3A_1148, %swap3A_1149], %swap3A_1152 {add = true, strides = array<i32>} : memref<4x128x128xf32, #tpu.memory_space<vmem>>, vector<1x1x16xf32>,
      }
      %scan3A_559 = arith.constant 16 : i32
      %dma_start3A_560 = arith.constant 3 : i32
      %dma_start3A_561 = arith.constant 0 : i32
      %dma_start3A_562 = arith.constant 0 : i32
      %dma_start3A_563 = tpu.memref_slice %arg10[%dma_start3A_560, %dma_start3A_561, %dma_start3A_562] : memref<4x128x128xf32, #tpu.memory_space<vmem>> -> memref<1x128x128xf32, #tpu.memory_space<vmem>>
      %dma_start3A_564 = tpu.memref_squeeze %dma_start3A_563 : memref<1x128x128xf32, #tpu.memory_space<vmem>> -> memref<128x128xf32, #tpu.memory_space<vmem>>
      %dma_start3A_565 = arith.constant 0 : i32
      %dma_start3A_566 = tpu.memref_slice %arg6[%mul3A_2, %add3A_456, %dma_start3A_565] : memref<4096x200x128xf32, #tpu.memory_space<hbm>> -> memref<128x1x128xf32, #tpu.memory_space<hbm>>
      %dma_start3A_567 = tpu.memref_squeeze %dma_start3A_566 : memref<128x1x128xf32, #tpu.memory_space<hbm>> -> memref<128x128xf32, #tpu.memory_space<hbm>>
      %dma_start3A_568 = arith.constant 0 : i32
      %dma_start3A_569 = tpu.memref_slice %arg6[%mul3A_2, %add3A_456, %dma_start3A_568] : memref<4096x200x128xf32, #tpu.memory_space<hbm>> -> memref<128x1x128xf32, #tpu.memory_space<hbm>>
      %dma_start3A_570 = tpu.memref_squeeze %dma_start3A_569 : memref<128x1x128xf32, #tpu.memory_space<hbm>> -> memref<128x128xf32, #tpu.memory_space<hbm>>
      %dma_start3A_571 = arith.constant 0 : i32
      %dma_start3A_572 = arith.constant 0 : i32
      %dma_start3A_573 = tpu.memref_slice %arg10[%dma_start3A_560, %dma_start3A_571, %dma_start3A_572] : memref<4x128x128xf32, #tpu.memory_space<vmem>> -> memref<1x128x128xf32, #tpu.memory_space<vmem>>
      %dma_start3A_574 = tpu.memref_squeeze %dma_start3A_573 : memref<1x128x128xf32, #tpu.memory_space<vmem>> -> memref<128x128xf32, #tpu.memory_space<vmem>>
      tpu.enqueue_dma source(%dma_start3A_574 : memref<128x128xf32, #tpu.memory_space<vmem>>) target(%dma_start3A_570 : memref<128x128xf32, #tpu.memory_space<hbm>>) target_semaphore(%arg18 : memref<!tpu.dma_semaphore, #tpu.memory_space<semaphore_mem>>)
    }
    %scan3A_30 = arith.constant 50 : i32
    %dma_wait3A = arith.constant 0 : i32
    %dma_wait3A_31 = arith.constant 196 : i32
    %dma_wait3A_32 = arith.constant 0 : i32
    %dma_wait3A_33 = arith.constant 0 : i32
    %dma_wait3A_34 = tpu.memref_slice %arg10[%dma_wait3A, %dma_wait3A_32, %dma_wait3A_33] : memref<4x128x128xf32, #tpu.memory_space<vmem>> -> memref<1x128x128xf32, #tpu.memory_space<vmem>>
    %dma_wait3A_35 = tpu.memref_squeeze %dma_wait3A_34 : memref<1x128x128xf32, #tpu.memory_space<vmem>> -> memref<128x128xf32, #tpu.memory_space<vmem>>
    %dma_wait3A_36 = arith.constant 0 : i32
    %dma_wait3A_37 = tpu.memref_slice %arg6[%mul3A_2, %dma_wait3A_31, %dma_wait3A_36] : memref<4096x200x128xf32, #tpu.memory_space<hbm>> -> memref<128x1x128xf32, #tpu.memory_space<hbm>>
    %dma_wait3A_38 = tpu.memref_squeeze %dma_wait3A_37 : memref<128x1x128xf32, #tpu.memory_space<hbm>> -> memref<128x128xf32, #tpu.memory_space<hbm>>
    %dma_wait3A_39 = arith.constant 0 : i32
    %dma_wait3A_40 = tpu.memref_slice %arg6[%mul3A_2, %dma_wait3A_31, %dma_wait3A_39] : memref<4096x200x128xf32, #tpu.memory_space<hbm>> -> memref<128x1x128xf32, #tpu.memory_space<hbm>>
    %dma_wait3A_41 = tpu.memref_squeeze %dma_wait3A_40 : memref<128x1x128xf32, #tpu.memory_space<hbm>> -> memref<128x128xf32, #tpu.memory_space<hbm>>
    %dma_wait3A_42 = arith.constant 0 : i32
    %dma_wait3A_43 = arith.constant 0 : i32
    %dma_wait3A_44 = tpu.memref_slice %arg10[%dma_wait3A, %dma_wait3A_42, %dma_wait3A_43] : memref<4x128x128xf32, #tpu.memory_space<vmem>> -> memref<1x128x128xf32, #tpu.memory_space<vmem>>
    %dma_wait3A_45 = tpu.memref_squeeze %dma_wait3A_44 : memref<1x128x128xf32, #tpu.memory_space<vmem>> -> memref<128x128xf32, #tpu.memory_space<vmem>>
    tpu.wait_dma2 semaphore(%arg15 : memref<!tpu.dma_semaphore, #tpu.memory_space<semaphore_mem>>) src(%dma_wait3A_45 : memref<128x128xf32, #tpu.memory_space<vmem>>) dst(%dma_wait3A_41 : memref<128x128xf32, #tpu.memory_space<hbm>>)
    %dma_wait3A_46 = arith.constant 1 : i32
    %dma_wait3A_47 = arith.constant 197 : i32
    %dma_wait3A_48 = arith.constant 0 : i32
    %dma_wait3A_49 = arith.constant 0 : i32
    %dma_wait3A_50 = tpu.memref_slice %arg10[%dma_wait3A_46, %dma_wait3A_48, %dma_wait3A_49] : memref<4x128x128xf32, #tpu.memory_space<vmem>> -> memref<1x128x128xf32, #tpu.memory_space<vmem>>
    %dma_wait3A_51 = tpu.memref_squeeze %dma_wait3A_50 : memref<1x128x128xf32, #tpu.memory_space<vmem>> -> memref<128x128xf32, #tpu.memory_space<vmem>>
    %dma_wait3A_52 = arith.constant 0 : i32
    %dma_wait3A_53 = tpu.memref_slice %arg6[%mul3A_2, %dma_wait3A_47, %dma_wait3A_52] : memref<4096x200x128xf32, #tpu.memory_space<hbm>> -> memref<128x1x128xf32, #tpu.memory_space<hbm>>
    %dma_wait3A_54 = tpu.memref_squeeze %dma_wait3A_53 : memref<128x1x128xf32, #tpu.memory_space<hbm>> -> memref<128x128xf32, #tpu.memory_space<hbm>>
    %dma_wait3A_55 = arith.constant 0 : i32
    %dma_wait3A_56 = tpu.memref_slice %arg6[%mul3A_2, %dma_wait3A_47, %dma_wait3A_55] : memref<4096x200x128xf32, #tpu.memory_space<hbm>> -> memref<128x1x128xf32, #tpu.memory_space<hbm>>
    %dma_wait3A_57 = tpu.memref_squeeze %dma_wait3A_56 : memref<128x1x128xf32, #tpu.memory_space<hbm>> -> memref<128x128xf32, #tpu.memory_space<hbm>>
    %dma_wait3A_58 = arith.constant 0 : i32
    %dma_wait3A_59 = arith.constant 0 : i32
    %dma_wait3A_60 = tpu.memref_slice %arg10[%dma_wait3A_46, %dma_wait3A_58, %dma_wait3A_59] : memref<4x128x128xf32, #tpu.memory_space<vmem>> -> memref<1x128x128xf32, #tpu.memory_space<vmem>>
    %dma_wait3A_61 = tpu.memref_squeeze %dma_wait3A_60 : memref<1x128x128xf32, #tpu.memory_space<vmem>> -> memref<128x128xf32, #tpu.memory_space<vmem>>
    tpu.wait_dma2 semaphore(%arg16 : memref<!tpu.dma_semaphore, #tpu.memory_space<semaphore_mem>>) src(%dma_wait3A_61 : memref<128x128xf32, #tpu.memory_space<vmem>>) dst(%dma_wait3A_57 : memref<128x128xf32, #tpu.memory_space<hbm>>)
    %dma_wait3A_62 = arith.constant 2 : i32
    %dma_wait3A_63 = arith.constant 198 : i32
    %dma_wait3A_64 = arith.constant 0 : i32
    %dma_wait3A_65 = arith.constant 0 : i32
    %dma_wait3A_66 = tpu.memref_slice %arg10[%dma_wait3A_62, %dma_wait3A_64, %dma_wait3A_65] : memref<4x128x128xf32, #tpu.memory_space<vmem>> -> memref<1x128x128xf32, #tpu.memory_space<vmem>>
    %dma_wait3A_67 = tpu.memref_squeeze %dma_wait3A_66 : memref<1x128x128xf32, #tpu.memory_space<vmem>> -> memref<128x128xf32, #tpu.memory_space<vmem>>
    %dma_wait3A_68 = arith.constant 0 : i32
    %dma_wait3A_69 = tpu.memref_slice %arg6[%mul3A_2, %dma_wait3A_63, %dma_wait3A_68] : memref<4096x200x128xf32, #tpu.memory_space<hbm>> -> memref<128x1x128xf32, #tpu.memory_space<hbm>>
    %dma_wait3A_70 = tpu.memref_squeeze %dma_wait3A_69 : memref<128x1x128xf32, #tpu.memory_space<hbm>> -> memref<128x128xf32, #tpu.memory_space<hbm>>
    %dma_wait3A_71 = arith.constant 0 : i32
    %dma_wait3A_72 = tpu.memref_slice %arg6[%mul3A_2, %dma_wait3A_63, %dma_wait3A_71] : memref<4096x200x128xf32, #tpu.memory_space<hbm>> -> memref<128x1x128xf32, #tpu.memory_space<hbm>>
    %dma_wait3A_73 = tpu.memref_squeeze %dma_wait3A_72 : memref<128x1x128xf32, #tpu.memory_space<hbm>> -> memref<128x128xf32, #tpu.memory_space<hbm>>
    %dma_wait3A_74 = arith.constant 0 : i32
    %dma_wait3A_75 = arith.constant 0 : i32
    %dma_wait3A_76 = tpu.memref_slice %arg10[%dma_wait3A_62, %dma_wait3A_74, %dma_wait3A_75] : memref<4x128x128xf32, #tpu.memory_space<vmem>> -> memref<1x128x128xf32, #tpu.memory_space<vmem>>
    %dma_wait3A_77 = tpu.memref_squeeze %dma_wait3A_76 : memref<1x128x128xf32, #tpu.memory_space<vmem>> -> memref<128x128xf32, #tpu.memory_space<vmem>>
    tpu.wait_dma2 semaphore(%arg17 : memref<!tpu.dma_semaphore, #tpu.memory_space<semaphore_mem>>) src(%dma_wait3A_77 : memref<128x128xf32, #tpu.memory_space<vmem>>) dst(%dma_wait3A_73 : memref<128x128xf32, #tpu.memory_space<hbm>>)
    %dma_wait3A_78 = arith.constant 3 : i32
    %dma_wait3A_79 = arith.constant 199 : i32
    %dma_wait3A_80 = arith.constant 0 : i32
    %dma_wait3A_81 = arith.constant 0 : i32
    %dma_wait3A_82 = tpu.memref_slice %arg10[%dma_wait3A_78, %dma_wait3A_80, %dma_wait3A_81] : memref<4x128x128xf32, #tpu.memory_space<vmem>> -> memref<1x128x128xf32, #tpu.memory_space<vmem>>
    %dma_wait3A_83 = tpu.memref_squeeze %dma_wait3A_82 : memref<1x128x128xf32, #tpu.memory_space<vmem>> -> memref<128x128xf32, #tpu.memory_space<vmem>>
    %dma_wait3A_84 = arith.constant 0 : i32
    %dma_wait3A_85 = tpu.memref_slice %arg6[%mul3A_2, %dma_wait3A_79, %dma_wait3A_84] : memref<4096x200x128xf32, #tpu.memory_space<hbm>> -> memref<128x1x128xf32, #tpu.memory_space<hbm>>
    %dma_wait3A_86 = tpu.memref_squeeze %dma_wait3A_85 : memref<128x1x128xf32, #tpu.memory_space<hbm>> -> memref<128x128xf32, #tpu.memory_space<hbm>>
    %dma_wait3A_87 = arith.constant 0 : i32
    %dma_wait3A_88 = tpu.memref_slice %arg6[%mul3A_2, %dma_wait3A_79, %dma_wait3A_87] : memref<4096x200x128xf32, #tpu.memory_space<hbm>> -> memref<128x1x128xf32, #tpu.memory_space<hbm>>
    %dma_wait3A_89 = tpu.memref_squeeze %dma_wait3A_88 : memref<128x1x128xf32, #tpu.memory_space<hbm>> -> memref<128x128xf32, #tpu.memory_space<hbm>>
    %dma_wait3A_90 = arith.constant 0 : i32
    %dma_wait3A_91 = arith.constant 0 : i32
    %dma_wait3A_92 = tpu.memref_slice %arg10[%dma_wait3A_78, %dma_wait3A_90, %dma_wait3A_91] : memref<4x128x128xf32, #tpu.memory_space<vmem>> -> memref<1x128x128xf32, #tpu.memory_space<vmem>>
    %dma_wait3A_93 = tpu.memref_squeeze %dma_wait3A_92 : memref<1x128x128xf32, #tpu.memory_space<vmem>> -> memref<128x128xf32, #tpu.memory_space<vmem>>
    tpu.wait_dma2 semaphore(%arg18 : memref<!tpu.dma_semaphore, #tpu.memory_space<semaphore_mem>>) src(%dma_wait3A_93 : memref<128x128xf32, #tpu.memory_space<vmem>>) dst(%dma_wait3A_89 : memref<128x128xf32, #tpu.memory_space<hbm>>)
    return
  }
}

</mosaic_0001>

<sc_bundles>
// kernel: _sc_joint_embedding.3.cloned.1.call-start
scs
__scs_entry_jumppad:
0x0: {  	(pc) =	sbr.rel $0x88, $3  }
0x1: {  	(tag) =	ssettag $0x0;
	lr =	simm.s32 $0x1  }
0x2: {  	[smem:$0x3F9D] =	sst lr;
	_ =	strace $0xD0000000  }
0x3: {  	_ = 	snop  }
0x4: {  	_ = 	snop  }
0x5: {  	_ = 	snop  }
0x6: {  	_ = 	snop  }
0x7: {  	_ = 	snop  }
__scs_overlays_trampoline_lowered:
0x8: {  	[smem:$0x3FAC] =	sst s0  }
0x9: {  	[smem:$0x3FAD] =	sst s1  }
0xa: {  	[smem:$0x3FAE] =	sst s2  }
0xb: {  	[smem:$0x3FAF] =	sst s3  }
0xc: {  	[smem:$0x3FB0] =	sst s4  }
0xd: {  	[smem:$0x3FB1] =	sst s5  }
0xe: {  	[smem:$0x3FB2] =	sst s6  }
0xf: {  	[smem:$0x3FB3] =	sst s7  }
0x10: {  	[smem:$0x3FB4] =	sst s8  }
0x11: {  	[smem:$0x3FB5] =	sst s9;
	s0 =	simm.s32 @!p0 $0x0  }
0x12: {  	s1 =	sld [smem:$0x3F9B];
	s0 =	simm.s32 @p0 $0x1  }
0x13: {  	[smem:$0x3FB6] =	sst s0;
	s0 =	simm.s32 @!p1 $0x0  }
0x14: {  	s2 =	sld [smem:$0x3F9A];
	s0 =	simm.s32 @p1 $0x1  }
0x15: {  	[smem:$0x3FB7] =	sst s0;
	s0 =	simm.s32 @!p2 $0x0  }
0x16: {  	s3 =	sld [smem:$0x3FDB];
	s0 =	simm.s32 @p2 $0x1  }
0x17: {  	s4 =	simm.s32 $0x1BF5;
	[smem:$0x3FB9] =	sst s0  }
0x18: {  	s0 =	sld [smem:$0x3F9C];
	_ =	swait.ge [sflag:s4], $0x0  }
0x19: {  	s7 =	sld [smem:$0x3F9D]  }
0x1a: {  	s8 =	sadd.s32 $0xFFFFE003, lr  }
0x1b: {  	s9 =	sadd.s32 $0xFFFFFEF7, lr;
	s5 =	simm.s32 $0xFFFFFFFF;
	p2 =	slt.u32 s8, $0xFFFFF086  }
0x1c: {  	p1 =	slt.u32 s9, $0xF7A;
	s5 =	simm.s32 @!p2 $0x0  }
0x1d: {  	s5 =	simm.s32 @p1 $0x1;
	p0 =	seq.s32 s7, s2  }
0x1e: {  	s7 =	smul.u32 @!p0 $0xF7A, s2;
	p2 =	seq.s32 @!p0 s5, $0x0  }
0x1f: {  	s9 =	smul.u32 $0xF7A, s1;
	s8 =	simm.s32 @!p0 $0x1BF5;
	p2 =	por !p2, p0  }
0x20: {  	[sflag:s8] =	ssyncset.s32 @!p0 $0xFFFFF086;
	s6 =	sadd.s32 @!p0 s3, s7;
	s7 =	simm.s32 @!p0 $0x108  }
0x21: {  	s3 =	sadd.s32 s3, s9;
	s6 =	sadd.s32 @!p0 $0x88, s6;
	s7 =	simm.s32 @p2 $0x1082  }
0x22: {  	[simem:s7], [sflag:s8] =	dma.local @!p0 [hbm:s6], $0xF7A  }
0x23: {  	s9 =	sor.u32 $0xD0000000, s2;
	s6 =	simm.s32 $0x108;
	_ =	swait.ge @!p0 [sflag:s8], $0x0  }
0x24: {  	s3 =	sadd.s32 $0x88, s3;
	s6 =	simm.s32 @!p1 $0x1082;
	[sflag:s4] =	ssyncset.s32 $0xFFFFF086  }
0x25: {  	[simem:s6], [sflag:s4] =	dma.local [hbm:s3], $0xF7A  }
0x26: {  	[smem:$0x3F9D] =	sst s1;
	(tag) =	ssettag s2;
	_ =	strace s9  }
0x27: {  	s1 =	sld [smem:$0x3FAD]  }
0x28: {  	s2 =	sld [smem:$0x3FAE]  }
0x29: {  	s4 =	sld [smem:$0x3FB0]  }
0x2a: {  	p0 =	seq.s32 s5, $0x0;
	s5 =	sld [smem:$0x3FB1]  }
0x2b: {  	s6 =	sld [smem:$0x3FB2]  }
0x2c: {  	s7 =	sld [smem:$0x3FB3]  }
0x2d: {  	s3 =	simm.s32 $0x108;
	s8 =	sld [smem:$0x3FB4]  }
0x2e: {  	s3 =	simm.s32 @!p0 $0x1082;
	s9 =	sld [smem:$0x3FB5]  }
0x2f: {  	lr =	sadd.s32 s0, s3;
	s0 =	sld [smem:$0x3FAC]  }
0x30: {  	s3 =	sld [smem:$0x3FAF]  }
0x31: {  	[smem:$0x3FB8] =	sst s10  }
0x32: {  	s10 =	sld [smem:$0x3FB6];
	_ =	sdelay $0x3  }
0x33: {  	p0 =	seq.s32 s10, $0x1;
	s10 =	sld [smem:$0x3FB8];
	_ =	sdelay $0x3  }
0x34: {  	[smem:$0x3FB8] =	sst s10  }
0x35: {  	s10 =	sld [smem:$0x3FB7];
	_ =	sdelay $0x3  }
0x36: {  	p1 =	seq.s32 s10, $0x1;
	s10 =	sld [smem:$0x3FB8];
	_ =	sdelay $0x3  }
0x37: {  	[smem:$0x3FB8] =	sst s10  }
0x38: {  	s10 =	sld [smem:$0x3FB9]  }
0x39: {  	_ = 	snop;
	(pc) =	sbr.ind lr, $3  }
0x3a: {  	_ = 	snop  }
0x3b: {  	_ = 	snop  }
0x3c: {  	p2 =	seq.s32 s10, $0x1;
	s10 =	sld [smem:$0x3FB8]  }
0x3d: {  	_ =	shalt  }
0x3e: {  	_ =	shalt  }
0x3f: {  	_ =	shalt  }
0x40: {  	_ =	shalt  }
0x41: {  	_ =	shalt  }
0x42: {  	_ =	shalt  }
0x43: {  	_ =	shalt  }
0x44: {  	_ =	shalt  }
0x45: {  	_ =	shalt  }
0x46: {  	_ =	shalt  }
0x47: {  	_ =	shalt  }
0x48: {  	_ =	shalt  }
0x49: {  	_ =	shalt  }
0x4a: {  	_ =	shalt  }
0x4b: {  	_ =	shalt  }
0x4c: {  	_ =	shalt  }
0x4d: {  	_ =	shalt  }
0x4e: {  	_ =	shalt  }
0x4f: {  	_ =	shalt  }
0x50: {  	_ =	shalt  }
0x51: {  	_ =	shalt  }
0x52: {  	_ =	shalt  }
0x53: {  	_ =	shalt  }
0x54: {  	_ =	shalt  }
0x55: {  	_ =	shalt  }
0x56: {  	_ =	shalt  }
0x57: {  	_ =	shalt  }
0x58: {  	_ =	shalt  }
0x59: {  	_ =	shalt  }
0x5a: {  	_ =	shalt  }
0x5b: {  	_ =	shalt  }
0x5c: {  	_ =	shalt  }
0x5d: {  	_ =	shalt  }
0x5e: {  	_ =	shalt  }
0x5f: {  	_ =	shalt  }
0x60: {  	_ =	shalt  }
0x61: {  	_ =	shalt  }
0x62: {  	_ =	shalt  }
0x63: {  	_ =	shalt  }
0x64: {  	_ =	shalt  }
0x65: {  	_ =	shalt  }
0x66: {  	_ =	shalt  }
0x67: {  	_ =	shalt  }
0x68: {  	_ =	shalt  }
0x69: {  	_ =	shalt  }
0x6a: {  	_ =	shalt  }
0x6b: {  	_ =	shalt  }
0x6c: {  	_ =	shalt  }
0x6d: {  	_ =	shalt  }
0x6e: {  	_ =	shalt  }
0x6f: {  	_ =	shalt  }
0x70: {  	_ =	shalt  }
0x71: {  	_ =	shalt  }
0x72: {  	_ =	shalt  }
0x73: {  	_ =	shalt  }
0x74: {  	_ =	shalt  }
0x75: {  	_ =	shalt  }
0x76: {  	_ =	shalt  }
0x77: {  	_ =	shalt  }
0x78: {  	_ =	shalt  }
0x79: {  	_ =	shalt  }
0x7a: {  	_ =	shalt  }
0x7b: {  	_ =	shalt  }
0x7c: {  	_ =	shalt  }
0x7d: {  	_ =	shalt  }
0x7e: {  	_ =	shalt  }
0x7f: {  	_ =	shalt  }
0x80: {  	_ =	shalt  }
0x81: {  	_ =	shalt  }
0x82: {  	_ =	shalt  }
0x83: {  	_ =	shalt  }
0x84: {  	_ =	shalt  }
0x85: {  	_ =	shalt  }
0x86: {  	_ =	shalt  }
0x87: {  	_ =	shalt  }
.Lfunc_end0:
.L_simem_size_0:
called_computation_lowered:
.L_overlay_start_0:
0x88: {  	s2 =	sld [smem:$0x3FD9]  }
0x89: {  	s3 =	sld [smem:$0x3FFE];
	_ =	sdelay $0x1  }
0x8a: {  	s1 =	srdreg.scid  }
0x8b: {  	s0 =	sand.u32 $0x1, s1  }
0x8c: {  	s18 =	sshll.u32 s0, $0xA;
	s2 =	sadd.s32 s3, s2  }
0x8d: {  	s2 =	sadd.s32 s2, s18  }
0x8e: {  	[smem:$0x3FC4] =	sst s2  }
0x8f: {  	_ = 	snop  }
0x90: {  	s2 =	sld [smem:$0x3FC9]  }
0x91: {  	s19 =	sld [smem:$0x3FC8]  }
0x92: {  	s4 =	sld [smem:$0x3FC7]  }
0x93: {  	s5 =	sld [smem:$0x3FC6]  }
0x94: {  	s6 =	sld [smem:$0x3FD0];
	(tm) =	ssettm $0x1  }
0x95: {  	s7 =	sld [smem:$0x3FFB];
	_ =	sdelay $0x3  }
0x96: {  	_ =	strace s7  }
0x97: {  	s7 =	sld [smem:$0x3FFC];
	_ =	sdelay $0x3  }
0x98: {  	_ =	strace s7  }
0x99: {  	s7 =	sld [smem:$0x3FFD];
	_ =	sdelay $0x3  }
0x9a: {  	_ =	strace s7  }
0x9b: {  	_ =	strace $0x8FFFFFFF  }
0x9c: {  	s20 =	sld [smem:$0x3FDB];
	_ =	sdelay $0x1  }
0x9d: {  	s8 =	simm.s32 $_scs_section_size  }
0x9e: {  	s9 =	simm.s32 $_size__tile_overlayer_lowered;
	s10 =	simm.s32 $_tile_overlayer_lowered  }
0x9f: {  	s23 =	simm.s32 $0x1BFF;
	s22 =	sshll.u32 s10, $0x1;
	s7 =	sadd.s32 s8, s20  }
0xa0: {  	s11 =	simm.s32 $0x0;
	s21 =	sshll.u32 s9, $0x1;
	s9 =	sadd.s32 s22, s7  }
0xa1: {  	[timem:s11], [sflag:s23] =	dma.local [hbm:s9], s21  }
0xa2: {  	_ =	swait.ge [sflag:s23], s21  }
0xa3: {  	s8 =	ssub.s32 $0x0, s21;
	[sflag:s23] =	ssyncset.done $0x0  }
0xa4: {  	[sflag:s23] =	ssyncadd.s32 s8;
	_ =	sdelay $0x1  }
0xa5: {  	s24 =	simm.s32 $0x1B8B  }
0xa6: {  	_ =	swait.ge [sflag:s24], $0x1  }
0xa7: {  	[sflag:s24] =	ssyncset.done $0x0  }
0xa8: {  	s25 =	simm.s32 $0x1B8E;
	[sflag:s24] =	ssyncadd.s32 $0xFFFFFFFF  }
0xa9: {  	s26 =	simm.s32 $execute0_lowered;
	[smem:$0x3FD2] =	sst s25  }
0xaa: {  	s8 =	sshll.u32 s26, $0x1;
	_ =	strace $0x80000046;
	[dreg:$0x1] =	wrdreg $0xFFFFFFFF  }
0xab: {  	s28 =	simm.s32 $_size_execute0_lowered;
	s7 =	sadd.s32 s7, s8;
	[dreg:$0x0] =	wrdreg $0x0  }
0xac: {  	s8 =	sshll.u32 s28, $0x1;
	[dreg:$0x2] =	wrdreg s7  }
0xad: {  	[dreg:$0x3] =	wrdreg s8  }
0xae: {  	[dreg:$0x4] =	wrdreg $0xC0  }
0xaf: {  	_ =	task [dreg:s11], $0x5FFFF  }
0xb0: {  	[dreg:$0x1] =	wrdreg $0xFFFFFFFF  }
0xb1: {  	[dreg:$0x0] =	wrdreg $0x60  }
0xb2: {  	[dreg:$0x2] =	wrdreg s2  }
0xb3: {  	[dreg:$0x3] =	wrdreg s19  }
0xb4: {  	[dreg:$0x4] =	wrdreg s4  }
0xb5: {  	[dreg:$0x5] =	wrdreg s5  }
0xb6: {  	[dreg:$0x6] =	wrdreg s6  }
0xb7: {  	[dreg:$0x7] =	wrdreg $0x9  }
0xb8: {  	_ =	task.clear_ibuf [dreg:s11], $0x8FFFF;
	_ =	strace $0x90000046  }
0xb9: {  	s29 =	simm.s32 $0x9;
	_ =	strace $0x80000048  }
0xba: {  	_ =	swait.ge [sflag:s29], $0x1  }
0xbb: {  	[sflag:s29] =	ssyncadd.s32 $0xFFFFFFFF  }
0xbc: {  	_ =	strace $0x90000048  }
0xbd: {  	_ =	sfence  }
0xbe: {  	s30 =	sld [smem:$0x0];
	_ =	sdelay $0x2  }
0xbf: {  	s31 =	sshll.u32 s1, $0xD;
	s1 =	sshrl.u32 s1, $0x2  }
0xc0: {  	s3 =	sand.u32 $0x4000, s31;
	s1 =	sadd.s32 s1, s30  }
0xc1: {  	s0 =	sor.u32 s3, s0;
	s1 =	sshll.u32 s1, $0x11  }
0xc2: {  	s0 =	sor.u32 s1, s0  }
0xc3: {  	s0 =	sadd.s32 $0x8F2B, s0  }
0xc4: {  	[sflag:s0] =	ssyncadd.remote.s32 $0x1  }
0xc5: {  	_ =	sfence.sel $0xFFFF  }
0xc6: {  	[dreg:$0x0] =	wrdreg $0xFFFFFFFF;
	(pc) =	sbr.abs _section_cstart, $3  }
0xc7: {  	[dreg:$0x1] =	wrdreg $0xFFFFFFFF  }
0xc8: {  	_ =	task.clear_ibuf [dreg:s11], $0x2FFFF;
	_ =	strace $0x9FFFFFFF  }
0xc9: {  	(tm) =	ssettm $0x7FFFFFFF  }
tec
execute0_lowered:
.L_overlay_start_1:
0x0: {  	(tag) =	ssettag $0x1  }
0x1: {  	s0 =	rddreg [dreg:$0x0]  }
0x2: {  	s1 =	rddreg [dreg:$0x1]  }
0x3: {  	s5 =	rddreg [dreg:$0x4];
	s2 =	srdreg.scid  }
0x4: {  	s3 =	stileid.u32;
	s4 =	simm.s32 $0x0;
	s13 =	simm.s32 $0x9  }
0x5: {  	s14 =	simm.s32 $0x6400;
	s15 =	simm.s32 $0x80;
	s16 =	simm.s32 $0xC900  }
0x6: {  	s18 =	simm.s32 $0x10900;
	s19 =	simm.s32 $0x14900;
	s20 =	simm.s32 $0x1  }
0x7: {  	s21 =	simm.s32 $0x18900;
	s22 =	simm.s32 $0x2;
	s23 =	simm.s32 $0x3  }
0x8: {  	s24 =	simm.s32 $0x4;
	s25 =	simm.s32 $0x5;
	s28 =	simm.s32 $0x7  }
0x9: {  	s29 =	simm.s32 $0x8;
	s30 =	simm.s32 $0x0;
	s2 =	sand.u32 $0x1, s2  }
0xa: {  	s3 =	sshll.u32 s3, $0x1;
	[smem:$0x7FF] =	sst s4;
	s26 =	ssub.s32 $0x2, s2  }
0xb: {  	s2 =	sor.u32 s2, s3;
	_ =	strace $0x80000047;
	s31 =	sshrl.u32 s26, $0x1  }
0xc: {  	s7 =	sshll.u32 s2, $0x7;
	s8 =	smul.u32 $0x320000, s2;
	s3 =	ssub.s32 s26, s31  }
0xd: {  	s7 =	sadd.s32 s0, s7;
	s26 =	simm.s32 $0x6;
	s9 =	smax.u32 s3, $0x1  }
.LBB2_1:
0xe: {  	s0 =	simm.s32 $0x400;
	s2 =	simm.s32 $0x8000;
	s3 =	simm.s32 $0x6500  }
0xf: {  	[tilespmem:s3], [sflag:$0x9] =	stream.strided.gather [hbm4b:s7+s0], $0x6400, s2, s0, $0x38;
	[tilespmem:$0x1C900] =	vst v63  }
0x10: {  	_ =	swait.ge [sflag:s13], $0x6400  }
0x11: {  	[sflag:s13] =	ssyncset.done $0x0  }
0x12: {  	[sflag:s13] =	ssyncadd.s32 $0xFFFF9C00  }
0x13: {  	s11 =	simm.s32 $0x0;
	s10 =	rddreg [dreg:$0x3]  }
0x14: {  	[tilespmem:s11], [sflag:$0x9] =	stream.linear.gather [hbm4b:s10+s11], $0x6400, $0x38;
	[tilespmem:$0x1C900] =	vst v63  }
0x15: {  	_ =	swait.ge [sflag:s13], $0x6400  }
0x16: {  	[sflag:s13] =	ssyncset.done $0x0  }
0x17: {  	[sflag:s13] =	ssyncadd.s32 $0xFFFF9C00  }
0x18: {  	s12 =	rddreg [dreg:$0x2]  }
0x19: {  	[tilespmem:s14], [sflag:$0x9] =	stream.linear.gather [hbm4b:s12+s11], $0x100, $0x38;
	[tilespmem:$0x1C900] =	vst v63  }
0x1a: {  	_ =	swait.ge [sflag:s13], $0x100  }
0x1b: {  	[sflag:s13] =	ssyncset.done $0x0  }
0x1c: {  	[sflag:s13] =	ssyncadd.s32 $0xFFFFFF00  }
0x1d: {  	[tilespmem:s16], [sflag:$0x1] =	stream.indirect.gather [hbm4b:s1+s15], $0x80, s3, s15, $0xb8;
	[tilespmem:$0x1C900] =	vst v63  }
0x1e: {  	s17 =	simm.s32 $0x6580;
	s31 =	simm.s32 $0x0  }
0x1f: {  	[tilespmem:s18], [sflag:$0x2] =	stream.indirect.gather [hbm4b:s1+s15], $0x80, s17, s15, $0xb8;
	[tilespmem:$0x1C900] =	vst v63  }
.LBB2_2:
0x20: {  	s3 =	sshll.u32 s31, $0x2;
	p0 =	seq.s32 s31, $0x0  }
0x21: {  	s0 =	sor.u32 $0x2, s3;
	s2 =	simm.s32 @!p0 $0x7  }
0x22: {  	_ =	swait.ge @!p0 [sflag:s2], $0x4000;
	s0 =	sshll.u32 s0, $0x7  }
0x23: {  	[sflag:s2] =	ssyncset.done @!p0 $0x0;
	s4 =	sand.u32 $0x3FFFFF80, s0  }
0x24: {  	[sflag:s2] =	ssyncadd.s32 @!p0 $0xFFFFC000;
	s17 =	sadd.s32 $0x6500, s4  }
0x25: {  	[tilespmem:s19], [sflag:$0x3] =	stream.indirect.gather [hbm4b:s1+s15], $0x80, s17, s15, $0xb8;
	[tilespmem:$0x1C900] =	vst v63  }
0x26: {  	_ =	swait.ge [sflag:s20], $0x4000  }
0x27: {  	p1 =	sgt.u32 s31, $0x19;
	[sflag:s20] =	ssyncset.done $0x0  }
0x28: {  	s2 =	sshll.u32 s31, $0x9;
	s4 =	simm.s32 $0x80;
	[sflag:s20] =	ssyncadd.s32 $0xFFFFC000  }
0x29: {  	s4 =	simm.s32 @!p1 $0x0;
	v0 =	vld [tilespmem:s2+$0x0]  }
0x2a: {  	v1 =	vld [tilespmem:s4+$0x6400]  }
0x2b: {  	v3 =	vld [tilespmem:s2+$0x10]  }
0x2c: {  	v4 =	vld [tilespmem:s4+$0x6410]  }
0x2d: {  	v5 =	vld [tilespmem:s2+$0x20]  }
0x2e: {  	v6 =	vld [tilespmem:s4+$0x6420]  }
0x2f: {  	v7 =	vld [tilespmem:s2+$0x30]  }
0x30: {  	v8 =	vld [tilespmem:s4+$0x6430]  }
0x31: {  	v9 =	vld [tilespmem:s2+$0x40]  }
0x32: {  	v10 =	vld [tilespmem:s4+$0x6440]  }
0x33: {  	v11 =	vld [tilespmem:s2+$0x50]  }
0x34: {  	v12 =	vld [tilespmem:s4+$0x6450]  }
0x35: {  	v13 =	vld [tilespmem:s2+$0x60]  }
0x36: {  	v15 =	vld [tilespmem:s2+$0x70]  }
0x37: {  	v16 =	vld [tilespmem:s4+$0x6470]  }
0x38: {  	v14 =	vld [tilespmem:s4+$0x6460];
	_ =	sdelay $0x1  }
0x39: {  	v2 =	vadd.f32 v1, v0;
	v3 =	vadd.f32 v4, v3  }
0x3a: {  	v4 =	vadd.f32 v6, v5;
	v5 =	vadd.f32 v8, v7  }
0x3b: {  	v6 =	vadd.f32 v10, v9;
	v7 =	vadd.f32 v16, v15  }
0x3c: {  	s10 =	simm.s32 $0x1000;
	s4 =	simm.s32 $0x0;
	v1 =	vadd.f32 v12, v11;
	v0 =	vadd.f32 v14, v13  }
.LBB2_3:
0x3d: {  	p1 =	sne.s32 s10, $0xF000;
	[tilespmem:s4+$0xCCF0] =	vst.add.f32.msk $0xffff, v7  }
0x3e: {  	[tilespmem:s4+$0xC900] =	vst.add.f32.msk $0xffff, v2  }
0x3f: {  	[tilespmem:s4+$0xC910] =	vst.add.f32.msk $0xffff, v3  }
0x40: {  	[tilespmem:s4+$0xC920] =	vst.add.f32.msk $0xffff, v4  }
0x41: {  	[tilespmem:s4+$0xC930] =	vst.add.f32.msk $0xffff, v5  }
0x42: {  	[tilespmem:s4+$0xC940] =	vst.add.f32.msk $0xffff, v6  }
0x43: {  	[tilespmem:s4+$0xC950] =	vst.add.f32.msk $0xffff, v1  }
0x44: {  	[tilespmem:s4+$0xC960] =	vst.add.f32.msk $0xffff, v0  }
0x45: {  	[tilespmem:s4+$0xC970] =	vst.add.f32.msk $0xffff, v7  }
0x46: {  	[tilespmem:s4+$0xC980] =	vst.add.f32.msk $0xffff, v2  }
0x47: {  	[tilespmem:s4+$0xC990] =	vst.add.f32.msk $0xffff, v3  }
0x48: {  	[tilespmem:s4+$0xC9A0] =	vst.add.f32.msk $0xffff, v4  }
0x49: {  	[tilespmem:s4+$0xC9B0] =	vst.add.f32.msk $0xffff, v5  }
0x4a: {  	[tilespmem:s4+$0xC9C0] =	vst.add.f32.msk $0xffff, v6  }
0x4b: {  	[tilespmem:s4+$0xC9D0] =	vst.add.f32.msk $0xffff, v1  }
0x4c: {  	[tilespmem:s4+$0xC9E0] =	vst.add.f32.msk $0xffff, v0  }
0x4d: {  	[tilespmem:s4+$0xC9F0] =	vst.add.f32.msk $0xffff, v7  }
0x4e: {  	[tilespmem:s4+$0xCA00] =	vst.add.f32.msk $0xffff, v2  }
0x4f: {  	[tilespmem:s4+$0xCA10] =	vst.add.f32.msk $0xffff, v3  }
0x50: {  	[tilespmem:s4+$0xCA20] =	vst.add.f32.msk $0xffff, v4  }
0x51: {  	[tilespmem:s4+$0xCA30] =	vst.add.f32.msk $0xffff, v5  }
0x52: {  	[tilespmem:s4+$0xCA40] =	vst.add.f32.msk $0xffff, v6  }
0x53: {  	[tilespmem:s4+$0xCA50] =	vst.add.f32.msk $0xffff, v1  }
0x54: {  	[tilespmem:s4+$0xCA60] =	vst.add.f32.msk $0xffff, v0  }
0x55: {  	[tilespmem:s4+$0xCA70] =	vst.add.f32.msk $0xffff, v7  }
0x56: {  	[tilespmem:s4+$0xCA80] =	vst.add.f32.msk $0xffff, v2  }
0x57: {  	[tilespmem:s4+$0xCA90] =	vst.add.f32.msk $0xffff, v3  }
0x58: {  	[tilespmem:s4+$0xCAA0] =	vst.add.f32.msk $0xffff, v4  }
0x59: {  	[tilespmem:s4+$0xCAB0] =	vst.add.f32.msk $0xffff, v5  }
0x5a: {  	[tilespmem:s4+$0xCAC0] =	vst.add.f32.msk $0xffff, v6  }
0x5b: {  	[tilespmem:s4+$0xCAD0] =	vst.add.f32.msk $0xffff, v1  }
0x5c: {  	[tilespmem:s4+$0xCAE0] =	vst.add.f32.msk $0xffff, v0  }
0x5d: {  	[tilespmem:s4+$0xCAF0] =	vst.add.f32.msk $0xffff, v7  }
0x5e: {  	[tilespmem:s4+$0xCB00] =	vst.add.f32.msk $0xffff, v2  }
0x5f: {  	[tilespmem:s4+$0xCB10] =	vst.add.f32.msk $0xffff, v3  }
0x60: {  	[tilespmem:s4+$0xCB20] =	vst.add.f32.msk $0xffff, v4  }
0x61: {  	[tilespmem:s4+$0xCB30] =	vst.add.f32.msk $0xffff, v5  }
0x62: {  	[tilespmem:s4+$0xCB40] =	vst.add.f32.msk $0xffff, v6  }
0x63: {  	[tilespmem:s4+$0xCB50] =	vst.add.f32.msk $0xffff, v1  }
0x64: {  	[tilespmem:s4+$0xCB60] =	vst.add.f32.msk $0xffff, v0  }
0x65: {  	[tilespmem:s4+$0xCB70] =	vst.add.f32.msk $0xffff, v7  }
0x66: {  	[tilespmem:s4+$0xCB80] =	vst.add.f32.msk $0xffff, v2  }
0x67: {  	[tilespmem:s4+$0xCB90] =	vst.add.f32.msk $0xffff, v3  }
0x68: {  	[tilespmem:s4+$0xCBA0] =	vst.add.f32.msk $0xffff, v4  }
0x69: {  	[tilespmem:s4+$0xCBB0] =	vst.add.f32.msk $0xffff, v5  }
0x6a: {  	[tilespmem:s4+$0xCBC0] =	vst.add.f32.msk $0xffff, v6  }
0x6b: {  	[tilespmem:s4+$0xCBD0] =	vst.add.f32.msk $0xffff, v1  }
0x6c: {  	[tilespmem:s4+$0xCBE0] =	vst.add.f32.msk $0xffff, v0  }
0x6d: {  	[tilespmem:s4+$0xCBF0] =	vst.add.f32.msk $0xffff, v7  }
0x6e: {  	[tilespmem:s4+$0xCC00] =	vst.add.f32.msk $0xffff, v2  }
0x6f: {  	[tilespmem:s4+$0xCC10] =	vst.add.f32.msk $0xffff, v3  }
0x70: {  	[tilespmem:s4+$0xCC20] =	vst.add.f32.msk $0xffff, v4  }
0x71: {  	[tilespmem:s4+$0xCC30] =	vst.add.f32.msk $0xffff, v5  }
0x72: {  	[tilespmem:s4+$0xCC40] =	vst.add.f32.msk $0xffff, v6  }
0x73: {  	[tilespmem:s4+$0xCC50] =	vst.add.f32.msk $0xffff, v1  }
0x74: {  	[tilespmem:s4+$0xCC60] =	vst.add.f32.msk $0xffff, v0  }
0x75: {  	[tilespmem:s4+$0xCC70] =	vst.add.f32.msk $0xffff, v7  }
0x76: {  	[tilespmem:s4+$0xCC80] =	vst.add.f32.msk $0xffff, v2  }
0x77: {  	[tilespmem:s4+$0xCC90] =	vst.add.f32.msk $0xffff, v3  }
.Ltmp0:
0x78: {  	[tilespmem:s4+$0xCCA0] =	vst.add.f32.msk $0xffff, v4;
	(pc) =	sbr.rel @p1 .LBB2_3-.Ltmp0, $4  }
0x79: {  	[tilespmem:s4+$0xCCB0] =	vst.add.f32.msk $0xffff, v5  }
0x7a: {  	[tilespmem:s4+$0xCCC0] =	vst.add.f32.msk $0xffff, v6  }
0x7b: {  	[tilespmem:s4+$0xCCD0] =	vst.add.f32.msk $0xffff, v1  }
0x7c: {  	[tilespmem:s4+$0xCCE0] =	vst.add.f32.msk $0xffff, v0;
	s4 =	sshra.s32 s10, $0x2;
	s10 =	sadd.s32 $0x1000, s10  }
0x7d: {  	[tilespmem:s4+$0xCCF0] =	vst.add.f32.msk $0xffff, v7  }
0x7e: {  	[tilespmem:s4+$0xC900] =	vst.add.f32.msk $0xffff, v2  }
0x7f: {  	[tilespmem:s4+$0xC910] =	vst.add.f32.msk $0xffff, v3  }
0x80: {  	[tilespmem:s4+$0xC920] =	vst.add.f32.msk $0xffff, v4  }
0x81: {  	[tilespmem:s4+$0xC930] =	vst.add.f32.msk $0xffff, v5  }
0x82: {  	[tilespmem:s4+$0xC940] =	vst.add.f32.msk $0xffff, v6  }
0x83: {  	[tilespmem:s4+$0xC950] =	vst.add.f32.msk $0xffff, v1  }
0x84: {  	[tilespmem:s4+$0xC960] =	vst.add.f32.msk $0xffff, v0  }
0x85: {  	[tilespmem:s4+$0xC970] =	vst.add.f32.msk $0xffff, v7  }
0x86: {  	[tilespmem:s4+$0xC980] =	vst.add.f32.msk $0xffff, v2  }
0x87: {  	[tilespmem:s4+$0xC990] =	vst.add.f32.msk $0xffff, v3  }
0x88: {  	[tilespmem:s4+$0xC9A0] =	vst.add.f32.msk $0xffff, v4  }
0x89: {  	[tilespmem:s4+$0xC9B0] =	vst.add.f32.msk $0xffff, v5  }
0x8a: {  	[tilespmem:s4+$0xC9C0] =	vst.add.f32.msk $0xffff, v6  }
0x8b: {  	[tilespmem:s4+$0xC9D0] =	vst.add.f32.msk $0xffff, v1  }
0x8c: {  	[tilespmem:s4+$0xC9E0] =	vst.add.f32.msk $0xffff, v0  }
0x8d: {  	[tilespmem:s4+$0xC9F0] =	vst.add.f32.msk $0xffff, v7  }
0x8e: {  	[tilespmem:s4+$0xCA00] =	vst.add.f32.msk $0xffff, v2  }
0x8f: {  	[tilespmem:s4+$0xCA10] =	vst.add.f32.msk $0xffff, v3  }
0x90: {  	[tilespmem:s4+$0xCA20] =	vst.add.f32.msk $0xffff, v4  }
0x91: {  	[tilespmem:s4+$0xCA30] =	vst.add.f32.msk $0xffff, v5  }
0x92: {  	[tilespmem:s4+$0xCA40] =	vst.add.f32.msk $0xffff, v6  }
0x93: {  	[tilespmem:s4+$0xCA50] =	vst.add.f32.msk $0xffff, v1  }
0x94: {  	[tilespmem:s4+$0xCA60] =	vst.add.f32.msk $0xffff, v0  }
0x95: {  	[tilespmem:s4+$0xCA70] =	vst.add.f32.msk $0xffff, v7  }
0x96: {  	[tilespmem:s4+$0xCA80] =	vst.add.f32.msk $0xffff, v2  }
0x97: {  	[tilespmem:s4+$0xCA90] =	vst.add.f32.msk $0xffff, v3  }
0x98: {  	[tilespmem:s4+$0xCAA0] =	vst.add.f32.msk $0xffff, v4  }
0x99: {  	[tilespmem:s4+$0xCAB0] =	vst.add.f32.msk $0xffff, v5  }
0x9a: {  	[tilespmem:s4+$0xCAC0] =	vst.add.f32.msk $0xffff, v6  }
0x9b: {  	[tilespmem:s4+$0xCAD0] =	vst.add.f32.msk $0xffff, v1  }
0x9c: {  	[tilespmem:s4+$0xCAE0] =	vst.add.f32.msk $0xffff, v0  }
0x9d: {  	[tilespmem:s4+$0xCAF0] =	vst.add.f32.msk $0xffff, v7  }
0x9e: {  	[tilespmem:s4+$0xCB00] =	vst.add.f32.msk $0xffff, v2  }
0x9f: {  	[tilespmem:s4+$0xCB10] =	vst.add.f32.msk $0xffff, v3  }
0xa0: {  	[tilespmem:s4+$0xCB20] =	vst.add.f32.msk $0xffff, v4  }
0xa1: {  	[tilespmem:s4+$0xCB30] =	vst.add.f32.msk $0xffff, v5  }
0xa2: {  	[tilespmem:s4+$0xCB40] =	vst.add.f32.msk $0xffff, v6  }
0xa3: {  	[tilespmem:s4+$0xCB50] =	vst.add.f32.msk $0xffff, v1  }
0xa4: {  	[tilespmem:s4+$0xCB60] =	vst.add.f32.msk $0xffff, v0  }
0xa5: {  	[tilespmem:s4+$0xCB70] =	vst.add.f32.msk $0xffff, v7  }
0xa6: {  	[tilespmem:s4+$0xCB80] =	vst.add.f32.msk $0xffff, v2  }
0xa7: {  	[tilespmem:s4+$0xCB90] =	vst.add.f32.msk $0xffff, v3  }
0xa8: {  	[tilespmem:s4+$0xCBA0] =	vst.add.f32.msk $0xffff, v4  }
0xa9: {  	[tilespmem:s4+$0xCBB0] =	vst.add.f32.msk $0xffff, v5  }
0xaa: {  	[tilespmem:s4+$0xCBC0] =	vst.add.f32.msk $0xffff, v6  }
0xab: {  	[tilespmem:s4+$0xCBD0] =	vst.add.f32.msk $0xffff, v1  }
0xac: {  	[tilespmem:s4+$0xCBE0] =	vst.add.f32.msk $0xffff, v0  }
0xad: {  	[tilespmem:s4+$0xCBF0] =	vst.add.f32.msk $0xffff, v7  }
0xae: {  	[tilespmem:s4+$0xCC00] =	vst.add.f32.msk $0xffff, v2  }
0xaf: {  	[tilespmem:s4+$0xCC10] =	vst.add.f32.msk $0xffff, v3  }
0xb0: {  	[tilespmem:s4+$0xCC20] =	vst.add.f32.msk $0xffff, v4  }
0xb1: {  	[tilespmem:s4+$0xCC30] =	vst.add.f32.msk $0xffff, v5  }
0xb2: {  	[tilespmem:s4+$0xCC40] =	vst.add.f32.msk $0xffff, v6  }
0xb3: {  	[tilespmem:s4+$0xCC50] =	vst.add.f32.msk $0xffff, v1  }
0xb4: {  	[tilespmem:s4+$0xCC60] =	vst.add.f32.msk $0xffff, v0  }
0xb5: {  	[tilespmem:s4+$0xCC70] =	vst.add.f32.msk $0xffff, v7  }
0xb6: {  	[tilespmem:s4+$0xCC80] =	vst.add.f32.msk $0xffff, v2  }
0xb7: {  	[tilespmem:s4+$0xCC90] =	vst.add.f32.msk $0xffff, v3  }
0xb8: {  	[tilespmem:s4+$0xCCA0] =	vst.add.f32.msk $0xffff, v4  }
0xb9: {  	[tilespmem:s4+$0xCCB0] =	vst.add.f32.msk $0xffff, v5  }
0xba: {  	[tilespmem:s4+$0xCCC0] =	vst.add.f32.msk $0xffff, v6;
	s10 =	sor.u32 s8, s2  }
0xbb: {  	[tilespmem:s4+$0xCCD0] =	vst.add.f32.msk $0xffff, v1;
	s10 =	sshrl.u32 s10, $0x3  }
0xbc: {  	[tilespmem:s4+$0xCCE0] =	vst.add.f32.msk $0xffff, v0;
	s4 =	sor.u32 $0x3, s3;
	s12 =	sadd.s32 s5, s10;
	s10 =	simm.s32 @!p0 $0x8  }
0xbd: {  	[hbm4b:s12+s15] =	stream.strided.scatter [tilespmem:s16], [sflag:$0x5], $0x4000, s14, s15, $0x38;
	[tilespmem:$0x1C900] =	vst v63  }
0xbe: {  	s3 =	sshll.u32 s4, $0x7;
	_ =	swait.ge @!p0 [sflag:s10], $0x4000  }
0xbf: {  	s11 =	sand.u32 $0x3FFFFF80, s3;
	[sflag:s10] =	ssyncset.done @!p0 $0x0  }
0xc0: {  	s17 =	sadd.s32 $0x6500, s11;
	[sflag:s10] =	ssyncadd.s32 @!p0 $0xFFFFC000  }
0xc1: {  	[tilespmem:s21], [sflag:$0x4] =	stream.indirect.gather [hbm4b:s1+s15], $0x80, s17, s15, $0xb8;
	[tilespmem:$0x1C900] =	vst v63  }
0xc2: {  	_ =	swait.ge [sflag:s22], $0x4000  }
0xc3: {  	s11 =	sor.u32 $0x80, s2;
	[sflag:s22] =	ssyncset.done $0x0  }
0xc4: {  	p0 =	sgt.u32 s31, $0x18;
	s10 =	simm.s32 $0x80;
	[sflag:s22] =	ssyncadd.s32 $0xFFFFC000  }
0xc5: {  	s10 =	simm.s32 @!p0 $0x0;
	v0 =	vld [tilespmem:s11+$0x0]  }
0xc6: {  	v1 =	vld [tilespmem:s10+$0x6400]  }
0xc7: {  	v2 =	vld [tilespmem:s2+$0x90]  }
0xc8: {  	v3 =	vld [tilespmem:s10+$0x6410]  }
0xc9: {  	v6 =	vld [tilespmem:s2+$0xA0]  }
0xca: {  	v7 =	vld [tilespmem:s10+$0x6420]  }
0xcb: {  	v8 =	vld [tilespmem:s2+$0xB0]  }
0xcc: {  	v9 =	vld [tilespmem:s10+$0x6430]  }
0xcd: {  	v10 =	vld [tilespmem:s2+$0xC0]  }
0xce: {  	v11 =	vld [tilespmem:s10+$0x6440]  }
0xcf: {  	v12 =	vld [tilespmem:s2+$0xD0]  }
0xd0: {  	v13 =	vld [tilespmem:s10+$0x6450]  }
0xd1: {  	v14 =	vld [tilespmem:s2+$0xE0]  }
0xd2: {  	v16 =	vld [tilespmem:s2+$0xF0]  }
0xd3: {  	v17 =	vld [tilespmem:s10+$0x6470]  }
0xd4: {  	v15 =	vld [tilespmem:s10+$0x6460];
	_ =	sdelay $0x1  }
0xd5: {  	v4 =	vadd.f32 v1, v0;
	v5 =	vadd.f32 v3, v2  }
0xd6: {  	v6 =	vadd.f32 v7, v6;
	v3 =	vadd.f32 v9, v8  }
0xd7: {  	v2 =	vadd.f32 v11, v10;
	v7 =	vadd.f32 v17, v16  }
0xd8: {  	s12 =	simm.s32 $0x1000;
	s17 =	simm.s32 $0x0;
	s2 =	sand.u32 $0x7C00, s2;
	v1 =	vadd.f32 v13, v12;
	v0 =	vadd.f32 v15, v14  }
.LBB2_5:
0xd9: {  	p0 =	sne.s32 s12, $0xF000;
	[tilespmem:s17+$0x10CF0] =	vst.add.f32.msk $0xffff, v7  }
0xda: {  	[tilespmem:s17+$0x10900] =	vst.add.f32.msk $0xffff, v4  }
0xdb: {  	[tilespmem:s17+$0x10910] =	vst.add.f32.msk $0xffff, v5  }
0xdc: {  	[tilespmem:s17+$0x10920] =	vst.add.f32.msk $0xffff, v6  }
0xdd: {  	[tilespmem:s17+$0x10930] =	vst.add.f32.msk $0xffff, v3  }
0xde: {  	[tilespmem:s17+$0x10940] =	vst.add.f32.msk $0xffff, v2  }
0xdf: {  	[tilespmem:s17+$0x10950] =	vst.add.f32.msk $0xffff, v1  }
0xe0: {  	[tilespmem:s17+$0x10960] =	vst.add.f32.msk $0xffff, v0  }
0xe1: {  	[tilespmem:s17+$0x10970] =	vst.add.f32.msk $0xffff, v7  }
0xe2: {  	[tilespmem:s17+$0x10980] =	vst.add.f32.msk $0xffff, v4  }
0xe3: {  	[tilespmem:s17+$0x10990] =	vst.add.f32.msk $0xffff, v5  }
0xe4: {  	[tilespmem:s17+$0x109A0] =	vst.add.f32.msk $0xffff, v6  }
0xe5: {  	[tilespmem:s17+$0x109B0] =	vst.add.f32.msk $0xffff, v3  }
0xe6: {  	[tilespmem:s17+$0x109C0] =	vst.add.f32.msk $0xffff, v2  }
0xe7: {  	[tilespmem:s17+$0x109D0] =	vst.add.f32.msk $0xffff, v1  }
0xe8: {  	[tilespmem:s17+$0x109E0] =	vst.add.f32.msk $0xffff, v0  }
0xe9: {  	[tilespmem:s17+$0x109F0] =	vst.add.f32.msk $0xffff, v7  }
0xea: {  	[tilespmem:s17+$0x10A00] =	vst.add.f32.msk $0xffff, v4  }
0xeb: {  	[tilespmem:s17+$0x10A10] =	vst.add.f32.msk $0xffff, v5  }
0xec: {  	[tilespmem:s17+$0x10A20] =	vst.add.f32.msk $0xffff, v6  }
0xed: {  	[tilespmem:s17+$0x10A30] =	vst.add.f32.msk $0xffff, v3  }
0xee: {  	[tilespmem:s17+$0x10A40] =	vst.add.f32.msk $0xffff, v2  }
0xef: {  	[tilespmem:s17+$0x10A50] =	vst.add.f32.msk $0xffff, v1  }
0xf0: {  	[tilespmem:s17+$0x10A60] =	vst.add.f32.msk $0xffff, v0  }
0xf1: {  	[tilespmem:s17+$0x10A70] =	vst.add.f32.msk $0xffff, v7  }
0xf2: {  	[tilespmem:s17+$0x10A80] =	vst.add.f32.msk $0xffff, v4  }
0xf3: {  	[tilespmem:s17+$0x10A90] =	vst.add.f32.msk $0xffff, v5  }
0xf4: {  	[tilespmem:s17+$0x10AA0] =	vst.add.f32.msk $0xffff, v6  }
0xf5: {  	[tilespmem:s17+$0x10AB0] =	vst.add.f32.msk $0xffff, v3  }
0xf6: {  	[tilespmem:s17+$0x10AC0] =	vst.add.f32.msk $0xffff, v2  }
0xf7: {  	[tilespmem:s17+$0x10AD0] =	vst.add.f32.msk $0xffff, v1  }
0xf8: {  	[tilespmem:s17+$0x10AE0] =	vst.add.f32.msk $0xffff, v0  }
0xf9: {  	[tilespmem:s17+$0x10AF0] =	vst.add.f32.msk $0xffff, v7  }
0xfa: {  	[tilespmem:s17+$0x10B00] =	vst.add.f32.msk $0xffff, v4  }
0xfb: {  	[tilespmem:s17+$0x10B10] =	vst.add.f32.msk $0xffff, v5  }
0xfc: {  	[tilespmem:s17+$0x10B20] =	vst.add.f32.msk $0xffff, v6  }
0xfd: {  	[tilespmem:s17+$0x10B30] =	vst.add.f32.msk $0xffff, v3  }
0xfe: {  	[tilespmem:s17+$0x10B40] =	vst.add.f32.msk $0xffff, v2  }
0xff: {  	[tilespmem:s17+$0x10B50] =	vst.add.f32.msk $0xffff, v1  }
0x100: {  	[tilespmem:s17+$0x10B60] =	vst.add.f32.msk $0xffff, v0  }
0x101: {  	[tilespmem:s17+$0x10B70] =	vst.add.f32.msk $0xffff, v7  }
0x102: {  	[tilespmem:s17+$0x10B80] =	vst.add.f32.msk $0xffff, v4  }
0x103: {  	[tilespmem:s17+$0x10B90] =	vst.add.f32.msk $0xffff, v5  }
0x104: {  	[tilespmem:s17+$0x10BA0] =	vst.add.f32.msk $0xffff, v6  }
0x105: {  	[tilespmem:s17+$0x10BB0] =	vst.add.f32.msk $0xffff, v3  }
0x106: {  	[tilespmem:s17+$0x10BC0] =	vst.add.f32.msk $0xffff, v2  }
0x107: {  	[tilespmem:s17+$0x10BD0] =	vst.add.f32.msk $0xffff, v1  }
0x108: {  	[tilespmem:s17+$0x10BE0] =	vst.add.f32.msk $0xffff, v0  }
0x109: {  	[tilespmem:s17+$0x10BF0] =	vst.add.f32.msk $0xffff, v7  }
0x10a: {  	[tilespmem:s17+$0x10C00] =	vst.add.f32.msk $0xffff, v4  }
0x10b: {  	[tilespmem:s17+$0x10C10] =	vst.add.f32.msk $0xffff, v5  }
0x10c: {  	[tilespmem:s17+$0x10C20] =	vst.add.f32.msk $0xffff, v6  }
0x10d: {  	[tilespmem:s17+$0x10C30] =	vst.add.f32.msk $0xffff, v3  }
0x10e: {  	[tilespmem:s17+$0x10C40] =	vst.add.f32.msk $0xffff, v2  }
0x10f: {  	[tilespmem:s17+$0x10C50] =	vst.add.f32.msk $0xffff, v1  }
0x110: {  	[tilespmem:s17+$0x10C60] =	vst.add.f32.msk $0xffff, v0  }
0x111: {  	[tilespmem:s17+$0x10C70] =	vst.add.f32.msk $0xffff, v7  }
0x112: {  	[tilespmem:s17+$0x10C80] =	vst.add.f32.msk $0xffff, v4  }
0x113: {  	[tilespmem:s17+$0x10C90] =	vst.add.f32.msk $0xffff, v5  }
.Ltmp1:
0x114: {  	[tilespmem:s17+$0x10CA0] =	vst.add.f32.msk $0xffff, v6;
	(pc) =	sbr.rel @p0 .LBB2_5-.Ltmp1, $4  }
0x115: {  	[tilespmem:s17+$0x10CB0] =	vst.add.f32.msk $0xffff, v3  }
0x116: {  	[tilespmem:s17+$0x10CC0] =	vst.add.f32.msk $0xffff, v2  }
0x117: {  	[tilespmem:s17+$0x10CD0] =	vst.add.f32.msk $0xffff, v1  }
0x118: {  	[tilespmem:s17+$0x10CE0] =	vst.add.f32.msk $0xffff, v0;
	s17 =	sshra.s32 s12, $0x2;
	s12 =	sadd.s32 $0x1000, s12  }
0x119: {  	[tilespmem:s17+$0x10CF0] =	vst.add.f32.msk $0xffff, v7  }
0x11a: {  	[tilespmem:s17+$0x10900] =	vst.add.f32.msk $0xffff, v4  }
0x11b: {  	[tilespmem:s17+$0x10910] =	vst.add.f32.msk $0xffff, v5  }
0x11c: {  	[tilespmem:s17+$0x10920] =	vst.add.f32.msk $0xffff, v6  }
0x11d: {  	[tilespmem:s17+$0x10930] =	vst.add.f32.msk $0xffff, v3  }
0x11e: {  	[tilespmem:s17+$0x10940] =	vst.add.f32.msk $0xffff, v2  }
0x11f: {  	[tilespmem:s17+$0x10950] =	vst.add.f32.msk $0xffff, v1  }
0x120: {  	[tilespmem:s17+$0x10960] =	vst.add.f32.msk $0xffff, v0  }
0x121: {  	[tilespmem:s17+$0x10970] =	vst.add.f32.msk $0xffff, v7  }
0x122: {  	[tilespmem:s17+$0x10980] =	vst.add.f32.msk $0xffff, v4  }
0x123: {  	[tilespmem:s17+$0x10990] =	vst.add.f32.msk $0xffff, v5  }
0x124: {  	[tilespmem:s17+$0x109A0] =	vst.add.f32.msk $0xffff, v6  }
0x125: {  	[tilespmem:s17+$0x109B0] =	vst.add.f32.msk $0xffff, v3  }
0x126: {  	[tilespmem:s17+$0x109C0] =	vst.add.f32.msk $0xffff, v2  }
0x127: {  	[tilespmem:s17+$0x109D0] =	vst.add.f32.msk $0xffff, v1  }
0x128: {  	[tilespmem:s17+$0x109E0] =	vst.add.f32.msk $0xffff, v0  }
0x129: {  	[tilespmem:s17+$0x109F0] =	vst.add.f32.msk $0xffff, v7  }
0x12a: {  	[tilespmem:s17+$0x10A00] =	vst.add.f32.msk $0xffff, v4  }
0x12b: {  	[tilespmem:s17+$0x10A10] =	vst.add.f32.msk $0xffff, v5  }
0x12c: {  	[tilespmem:s17+$0x10A20] =	vst.add.f32.msk $0xffff, v6  }
0x12d: {  	[tilespmem:s17+$0x10A30] =	vst.add.f32.msk $0xffff, v3  }
0x12e: {  	[tilespmem:s17+$0x10A40] =	vst.add.f32.msk $0xffff, v2  }
0x12f: {  	[tilespmem:s17+$0x10A50] =	vst.add.f32.msk $0xffff, v1  }
0x130: {  	[tilespmem:s17+$0x10A60] =	vst.add.f32.msk $0xffff, v0  }
0x131: {  	[tilespmem:s17+$0x10A70] =	vst.add.f32.msk $0xffff, v7  }
0x132: {  	[tilespmem:s17+$0x10A80] =	vst.add.f32.msk $0xffff, v4  }
0x133: {  	[tilespmem:s17+$0x10A90] =	vst.add.f32.msk $0xffff, v5  }
0x134: {  	[tilespmem:s17+$0x10AA0] =	vst.add.f32.msk $0xffff, v6  }
0x135: {  	[tilespmem:s17+$0x10AB0] =	vst.add.f32.msk $0xffff, v3  }
0x136: {  	[tilespmem:s17+$0x10AC0] =	vst.add.f32.msk $0xffff, v2  }
0x137: {  	[tilespmem:s17+$0x10AD0] =	vst.add.f32.msk $0xffff, v1  }
0x138: {  	[tilespmem:s17+$0x10AE0] =	vst.add.f32.msk $0xffff, v0  }
0x139: {  	[tilespmem:s17+$0x10AF0] =	vst.add.f32.msk $0xffff, v7  }
0x13a: {  	[tilespmem:s17+$0x10B00] =	vst.add.f32.msk $0xffff, v4  }
0x13b: {  	[tilespmem:s17+$0x10B10] =	vst.add.f32.msk $0xffff, v5  }
0x13c: {  	[tilespmem:s17+$0x10B20] =	vst.add.f32.msk $0xffff, v6  }
0x13d: {  	[tilespmem:s17+$0x10B30] =	vst.add.f32.msk $0xffff, v3  }
0x13e: {  	[tilespmem:s17+$0x10B40] =	vst.add.f32.msk $0xffff, v2  }
0x13f: {  	[tilespmem:s17+$0x10B50] =	vst.add.f32.msk $0xffff, v1  }
0x140: {  	[tilespmem:s17+$0x10B60] =	vst.add.f32.msk $0xffff, v0  }
0x141: {  	[tilespmem:s17+$0x10B70] =	vst.add.f32.msk $0xffff, v7  }
0x142: {  	[tilespmem:s17+$0x10B80] =	vst.add.f32.msk $0xffff, v4  }
0x143: {  	[tilespmem:s17+$0x10B90] =	vst.add.f32.msk $0xffff, v5  }
0x144: {  	[tilespmem:s17+$0x10BA0] =	vst.add.f32.msk $0xffff, v6  }
0x145: {  	[tilespmem:s17+$0x10BB0] =	vst.add.f32.msk $0xffff, v3  }
0x146: {  	[tilespmem:s17+$0x10BC0] =	vst.add.f32.msk $0xffff, v2  }
0x147: {  	[tilespmem:s17+$0x10BD0] =	vst.add.f32.msk $0xffff, v1  }
0x148: {  	[tilespmem:s17+$0x10BE0] =	vst.add.f32.msk $0xffff, v0  }
0x149: {  	[tilespmem:s17+$0x10BF0] =	vst.add.f32.msk $0xffff, v7  }
0x14a: {  	[tilespmem:s17+$0x10C00] =	vst.add.f32.msk $0xffff, v4  }
0x14b: {  	[tilespmem:s17+$0x10C10] =	vst.add.f32.msk $0xffff, v5  }
0x14c: {  	[tilespmem:s17+$0x10C20] =	vst.add.f32.msk $0xffff, v6  }
0x14d: {  	[tilespmem:s17+$0x10C30] =	vst.add.f32.msk $0xffff, v3  }
0x14e: {  	[tilespmem:s17+$0x10C40] =	vst.add.f32.msk $0xffff, v2  }
0x14f: {  	[tilespmem:s17+$0x10C50] =	vst.add.f32.msk $0xffff, v1  }
0x150: {  	[tilespmem:s17+$0x10C60] =	vst.add.f32.msk $0xffff, v0  }
0x151: {  	[tilespmem:s17+$0x10C70] =	vst.add.f32.msk $0xffff, v7  }
0x152: {  	[tilespmem:s17+$0x10C80] =	vst.add.f32.msk $0xffff, v4  }
0x153: {  	[tilespmem:s17+$0x10C90] =	vst.add.f32.msk $0xffff, v5  }
0x154: {  	[tilespmem:s17+$0x10CA0] =	vst.add.f32.msk $0xffff, v6;
	s11 =	sand.u32 $0x280, s11  }
0x155: {  	[tilespmem:s17+$0x10CB0] =	vst.add.f32.msk $0xffff, v3;
	s11 =	sor.u32 s11, s8  }
0x156: {  	[tilespmem:s17+$0x10CC0] =	vst.add.f32.msk $0xffff, v2;
	s11 =	sor.u32 s2, s11  }
0x157: {  	[tilespmem:s17+$0x10CD0] =	vst.add.f32.msk $0xffff, v1;
	s11 =	sshrl.u32 s11, $0x3  }
0x158: {  	[tilespmem:s17+$0x10CE0] =	vst.add.f32.msk $0xffff, v0;
	p0 =	seq.s32 s31, $0x31;
	s11 =	sadd.s32 s5, s11  }
0x159: {  	[hbm4b:s11+s15] =	stream.strided.scatter [tilespmem:s18], [sflag:$0x6], $0x4000, s14, s15, $0x38;
	[tilespmem:$0x1C900] =	vst v63  }
0x15a: {  	s11 =	simm.s32 @!p0 $0x5  }
0x15b: {  	_ =	swait.ge @!p0 [sflag:s11], $0x4000  }
0x15c: {  	s12 =	sshll.u32 @!p0 s31, $0x9;
	[sflag:s11] =	ssyncset.done @!p0 $0x0  }
0x15d: {  	[sflag:s11] =	ssyncadd.s32 @!p0 $0xFFFFC000;
	s11 =	sand.u32 @!p0 $0x3FFFFE00, s12  }
0x15e: {  	s17 =	simm.s32 @!p0 $0x80;
	s6 =	simm.s32 @!p0 $0xC900;
	s12 =	sadd.s32 @!p0 $0x6700, s11  }
0x15f: {  	[tilespmem:s6], [sflag:$0x1] =	stream.indirect.gather @!p0 [hbm4b:s1+s17], $0x80, s12, s17, $0xb8;
	[tilespmem:$0x1C900] =	vst v63  }
0x160: {  	_ =	swait.ge [sflag:s23], $0x4000  }
0x161: {  	[sflag:s23] =	ssyncset.done $0x0  }
0x162: {  	[sflag:s23] =	ssyncadd.s32 $0xFFFFC000  }
0x163: {  	v0 =	vld [tilespmem:s0+$0x0]  }
0x164: {  	v1 =	vld [tilespmem:s10+$0x6400]  }
0x165: {  	v2 =	vld [tilespmem:s0+$0x10]  }
0x166: {  	v3 =	vld [tilespmem:s10+$0x6410]  }
0x167: {  	v6 =	vld [tilespmem:s0+$0x20]  }
0x168: {  	v7 =	vld [tilespmem:s10+$0x6420]  }
0x169: {  	v8 =	vld [tilespmem:s0+$0x30]  }
0x16a: {  	v9 =	vld [tilespmem:s10+$0x6430]  }
0x16b: {  	v10 =	vld [tilespmem:s0+$0x40]  }
0x16c: {  	v11 =	vld [tilespmem:s10+$0x6440]  }
0x16d: {  	v12 =	vld [tilespmem:s0+$0x50]  }
0x16e: {  	v13 =	vld [tilespmem:s10+$0x6450]  }
0x16f: {  	v14 =	vld [tilespmem:s0+$0x60]  }
0x170: {  	v16 =	vld [tilespmem:s0+$0x70]  }
0x171: {  	v17 =	vld [tilespmem:s10+$0x6470]  }
0x172: {  	v15 =	vld [tilespmem:s10+$0x6460];
	_ =	sdelay $0x1  }
0x173: {  	v4 =	vadd.f32 v1, v0;
	v5 =	vadd.f32 v3, v2  }
0x174: {  	v6 =	vadd.f32 v7, v6;
	v3 =	vadd.f32 v9, v8  }
0x175: {  	v2 =	vadd.f32 v11, v10;
	v7 =	vadd.f32 v17, v16  }
0x176: {  	s12 =	simm.s32 $0x1000;
	s10 =	simm.s32 $0x0;
	v1 =	vadd.f32 v13, v12;
	v0 =	vadd.f32 v15, v14  }
.LBB2_7:
0x177: {  	p1 =	sne.s32 s12, $0xF000;
	[tilespmem:s10+$0x14CF0] =	vst.add.f32.msk $0xffff, v7  }
0x178: {  	[tilespmem:s10+$0x14900] =	vst.add.f32.msk $0xffff, v4  }
0x179: {  	[tilespmem:s10+$0x14910] =	vst.add.f32.msk $0xffff, v5  }
0x17a: {  	[tilespmem:s10+$0x14920] =	vst.add.f32.msk $0xffff, v6  }
0x17b: {  	[tilespmem:s10+$0x14930] =	vst.add.f32.msk $0xffff, v3  }
0x17c: {  	[tilespmem:s10+$0x14940] =	vst.add.f32.msk $0xffff, v2  }
0x17d: {  	[tilespmem:s10+$0x14950] =	vst.add.f32.msk $0xffff, v1  }
0x17e: {  	[tilespmem:s10+$0x14960] =	vst.add.f32.msk $0xffff, v0  }
0x17f: {  	[tilespmem:s10+$0x14970] =	vst.add.f32.msk $0xffff, v7  }
0x180: {  	[tilespmem:s10+$0x14980] =	vst.add.f32.msk $0xffff, v4  }
0x181: {  	[tilespmem:s10+$0x14990] =	vst.add.f32.msk $0xffff, v5  }
0x182: {  	[tilespmem:s10+$0x149A0] =	vst.add.f32.msk $0xffff, v6  }
0x183: {  	[tilespmem:s10+$0x149B0] =	vst.add.f32.msk $0xffff, v3  }
0x184: {  	[tilespmem:s10+$0x149C0] =	vst.add.f32.msk $0xffff, v2  }
0x185: {  	[tilespmem:s10+$0x149D0] =	vst.add.f32.msk $0xffff, v1  }
0x186: {  	[tilespmem:s10+$0x149E0] =	vst.add.f32.msk $0xffff, v0  }
0x187: {  	[tilespmem:s10+$0x149F0] =	vst.add.f32.msk $0xffff, v7  }
0x188: {  	[tilespmem:s10+$0x14A00] =	vst.add.f32.msk $0xffff, v4  }
0x189: {  	[tilespmem:s10+$0x14A10] =	vst.add.f32.msk $0xffff, v5  }
0x18a: {  	[tilespmem:s10+$0x14A20] =	vst.add.f32.msk $0xffff, v6  }
0x18b: {  	[tilespmem:s10+$0x14A30] =	vst.add.f32.msk $0xffff, v3  }
0x18c: {  	[tilespmem:s10+$0x14A40] =	vst.add.f32.msk $0xffff, v2  }
0x18d: {  	[tilespmem:s10+$0x14A50] =	vst.add.f32.msk $0xffff, v1  }
0x18e: {  	[tilespmem:s10+$0x14A60] =	vst.add.f32.msk $0xffff, v0  }
0x18f: {  	[tilespmem:s10+$0x14A70] =	vst.add.f32.msk $0xffff, v7  }
0x190: {  	[tilespmem:s10+$0x14A80] =	vst.add.f32.msk $0xffff, v4  }
0x191: {  	[tilespmem:s10+$0x14A90] =	vst.add.f32.msk $0xffff, v5  }
0x192: {  	[tilespmem:s10+$0x14AA0] =	vst.add.f32.msk $0xffff, v6  }
0x193: {  	[tilespmem:s10+$0x14AB0] =	vst.add.f32.msk $0xffff, v3  }
0x194: {  	[tilespmem:s10+$0x14AC0] =	vst.add.f32.msk $0xffff, v2  }
0x195: {  	[tilespmem:s10+$0x14AD0] =	vst.add.f32.msk $0xffff, v1  }
0x196: {  	[tilespmem:s10+$0x14AE0] =	vst.add.f32.msk $0xffff, v0  }
0x197: {  	[tilespmem:s10+$0x14AF0] =	vst.add.f32.msk $0xffff, v7  }
0x198: {  	[tilespmem:s10+$0x14B00] =	vst.add.f32.msk $0xffff, v4  }
0x199: {  	[tilespmem:s10+$0x14B10] =	vst.add.f32.msk $0xffff, v5  }
0x19a: {  	[tilespmem:s10+$0x14B20] =	vst.add.f32.msk $0xffff, v6  }
0x19b: {  	[tilespmem:s10+$0x14B30] =	vst.add.f32.msk $0xffff, v3  }
0x19c: {  	[tilespmem:s10+$0x14B40] =	vst.add.f32.msk $0xffff, v2  }
0x19d: {  	[tilespmem:s10+$0x14B50] =	vst.add.f32.msk $0xffff, v1  }
0x19e: {  	[tilespmem:s10+$0x14B60] =	vst.add.f32.msk $0xffff, v0  }
0x19f: {  	[tilespmem:s10+$0x14B70] =	vst.add.f32.msk $0xffff, v7  }
0x1a0: {  	[tilespmem:s10+$0x14B80] =	vst.add.f32.msk $0xffff, v4  }
0x1a1: {  	[tilespmem:s10+$0x14B90] =	vst.add.f32.msk $0xffff, v5  }
0x1a2: {  	[tilespmem:s10+$0x14BA0] =	vst.add.f32.msk $0xffff, v6  }
0x1a3: {  	[tilespmem:s10+$0x14BB0] =	vst.add.f32.msk $0xffff, v3  }
0x1a4: {  	[tilespmem:s10+$0x14BC0] =	vst.add.f32.msk $0xffff, v2  }
0x1a5: {  	[tilespmem:s10+$0x14BD0] =	vst.add.f32.msk $0xffff, v1  }
0x1a6: {  	[tilespmem:s10+$0x14BE0] =	vst.add.f32.msk $0xffff, v0  }
0x1a7: {  	[tilespmem:s10+$0x14BF0] =	vst.add.f32.msk $0xffff, v7  }
0x1a8: {  	[tilespmem:s10+$0x14C00] =	vst.add.f32.msk $0xffff, v4  }
0x1a9: {  	[tilespmem:s10+$0x14C10] =	vst.add.f32.msk $0xffff, v5  }
0x1aa: {  	[tilespmem:s10+$0x14C20] =	vst.add.f32.msk $0xffff, v6  }
0x1ab: {  	[tilespmem:s10+$0x14C30] =	vst.add.f32.msk $0xffff, v3  }
0x1ac: {  	[tilespmem:s10+$0x14C40] =	vst.add.f32.msk $0xffff, v2  }
0x1ad: {  	[tilespmem:s10+$0x14C50] =	vst.add.f32.msk $0xffff, v1  }
0x1ae: {  	[tilespmem:s10+$0x14C60] =	vst.add.f32.msk $0xffff, v0  }
0x1af: {  	[tilespmem:s10+$0x14C70] =	vst.add.f32.msk $0xffff, v7  }
0x1b0: {  	[tilespmem:s10+$0x14C80] =	vst.add.f32.msk $0xffff, v4  }
0x1b1: {  	[tilespmem:s10+$0x14C90] =	vst.add.f32.msk $0xffff, v5  }
.Ltmp2:
0x1b2: {  	[tilespmem:s10+$0x14CA0] =	vst.add.f32.msk $0xffff, v6;
	(pc) =	sbr.rel @p1 .LBB2_7-.Ltmp2, $4  }
0x1b3: {  	[tilespmem:s10+$0x14CB0] =	vst.add.f32.msk $0xffff, v3  }
0x1b4: {  	[tilespmem:s10+$0x14CC0] =	vst.add.f32.msk $0xffff, v2  }
0x1b5: {  	[tilespmem:s10+$0x14CD0] =	vst.add.f32.msk $0xffff, v1  }
0x1b6: {  	[tilespmem:s10+$0x14CE0] =	vst.add.f32.msk $0xffff, v0;
	s10 =	sshra.s32 s12, $0x2;
	s12 =	sadd.s32 $0x1000, s12  }
0x1b7: {  	[tilespmem:s10+$0x14CF0] =	vst.add.f32.msk $0xffff, v7  }
0x1b8: {  	[tilespmem:s10+$0x14900] =	vst.add.f32.msk $0xffff, v4  }
0x1b9: {  	[tilespmem:s10+$0x14910] =	vst.add.f32.msk $0xffff, v5  }
0x1ba: {  	[tilespmem:s10+$0x14920] =	vst.add.f32.msk $0xffff, v6  }
0x1bb: {  	[tilespmem:s10+$0x14930] =	vst.add.f32.msk $0xffff, v3  }
0x1bc: {  	[tilespmem:s10+$0x14940] =	vst.add.f32.msk $0xffff, v2  }
0x1bd: {  	[tilespmem:s10+$0x14950] =	vst.add.f32.msk $0xffff, v1  }
0x1be: {  	[tilespmem:s10+$0x14960] =	vst.add.f32.msk $0xffff, v0  }
0x1bf: {  	[tilespmem:s10+$0x14970] =	vst.add.f32.msk $0xffff, v7  }
0x1c0: {  	[tilespmem:s10+$0x14980] =	vst.add.f32.msk $0xffff, v4  }
0x1c1: {  	[tilespmem:s10+$0x14990] =	vst.add.f32.msk $0xffff, v5  }
0x1c2: {  	[tilespmem:s10+$0x149A0] =	vst.add.f32.msk $0xffff, v6  }
0x1c3: {  	[tilespmem:s10+$0x149B0] =	vst.add.f32.msk $0xffff, v3  }
0x1c4: {  	[tilespmem:s10+$0x149C0] =	vst.add.f32.msk $0xffff, v2  }
0x1c5: {  	[tilespmem:s10+$0x149D0] =	vst.add.f32.msk $0xffff, v1  }
0x1c6: {  	[tilespmem:s10+$0x149E0] =	vst.add.f32.msk $0xffff, v0  }
0x1c7: {  	[tilespmem:s10+$0x149F0] =	vst.add.f32.msk $0xffff, v7  }
0x1c8: {  	[tilespmem:s10+$0x14A00] =	vst.add.f32.msk $0xffff, v4  }
0x1c9: {  	[tilespmem:s10+$0x14A10] =	vst.add.f32.msk $0xffff, v5  }
0x1ca: {  	[tilespmem:s10+$0x14A20] =	vst.add.f32.msk $0xffff, v6  }
0x1cb: {  	[tilespmem:s10+$0x14A30] =	vst.add.f32.msk $0xffff, v3  }
0x1cc: {  	[tilespmem:s10+$0x14A40] =	vst.add.f32.msk $0xffff, v2  }
0x1cd: {  	[tilespmem:s10+$0x14A50] =	vst.add.f32.msk $0xffff, v1  }
0x1ce: {  	[tilespmem:s10+$0x14A60] =	vst.add.f32.msk $0xffff, v0  }
0x1cf: {  	[tilespmem:s10+$0x14A70] =	vst.add.f32.msk $0xffff, v7  }
0x1d0: {  	[tilespmem:s10+$0x14A80] =	vst.add.f32.msk $0xffff, v4  }
0x1d1: {  	[tilespmem:s10+$0x14A90] =	vst.add.f32.msk $0xffff, v5  }
0x1d2: {  	[tilespmem:s10+$0x14AA0] =	vst.add.f32.msk $0xffff, v6  }
0x1d3: {  	[tilespmem:s10+$0x14AB0] =	vst.add.f32.msk $0xffff, v3  }
0x1d4: {  	[tilespmem:s10+$0x14AC0] =	vst.add.f32.msk $0xffff, v2  }
0x1d5: {  	[tilespmem:s10+$0x14AD0] =	vst.add.f32.msk $0xffff, v1  }
0x1d6: {  	[tilespmem:s10+$0x14AE0] =	vst.add.f32.msk $0xffff, v0  }
0x1d7: {  	[tilespmem:s10+$0x14AF0] =	vst.add.f32.msk $0xffff, v7  }
0x1d8: {  	[tilespmem:s10+$0x14B00] =	vst.add.f32.msk $0xffff, v4  }
0x1d9: {  	[tilespmem:s10+$0x14B10] =	vst.add.f32.msk $0xffff, v5  }
0x1da: {  	[tilespmem:s10+$0x14B20] =	vst.add.f32.msk $0xffff, v6  }
0x1db: {  	[tilespmem:s10+$0x14B30] =	vst.add.f32.msk $0xffff, v3  }
0x1dc: {  	[tilespmem:s10+$0x14B40] =	vst.add.f32.msk $0xffff, v2  }
0x1dd: {  	[tilespmem:s10+$0x14B50] =	vst.add.f32.msk $0xffff, v1  }
0x1de: {  	[tilespmem:s10+$0x14B60] =	vst.add.f32.msk $0xffff, v0  }
0x1df: {  	[tilespmem:s10+$0x14B70] =	vst.add.f32.msk $0xffff, v7  }
0x1e0: {  	[tilespmem:s10+$0x14B80] =	vst.add.f32.msk $0xffff, v4  }
0x1e1: {  	[tilespmem:s10+$0x14B90] =	vst.add.f32.msk $0xffff, v5  }
0x1e2: {  	[tilespmem:s10+$0x14BA0] =	vst.add.f32.msk $0xffff, v6  }
0x1e3: {  	[tilespmem:s10+$0x14BB0] =	vst.add.f32.msk $0xffff, v3  }
0x1e4: {  	[tilespmem:s10+$0x14BC0] =	vst.add.f32.msk $0xffff, v2  }
0x1e5: {  	[tilespmem:s10+$0x14BD0] =	vst.add.f32.msk $0xffff, v1  }
0x1e6: {  	[tilespmem:s10+$0x14BE0] =	vst.add.f32.msk $0xffff, v0  }
0x1e7: {  	[tilespmem:s10+$0x14BF0] =	vst.add.f32.msk $0xffff, v7  }
0x1e8: {  	[tilespmem:s10+$0x14C00] =	vst.add.f32.msk $0xffff, v4  }
0x1e9: {  	[tilespmem:s10+$0x14C10] =	vst.add.f32.msk $0xffff, v5  }
0x1ea: {  	[tilespmem:s10+$0x14C20] =	vst.add.f32.msk $0xffff, v6  }
0x1eb: {  	[tilespmem:s10+$0x14C30] =	vst.add.f32.msk $0xffff, v3  }
0x1ec: {  	[tilespmem:s10+$0x14C40] =	vst.add.f32.msk $0xffff, v2  }
0x1ed: {  	[tilespmem:s10+$0x14C50] =	vst.add.f32.msk $0xffff, v1  }
0x1ee: {  	[tilespmem:s10+$0x14C60] =	vst.add.f32.msk $0xffff, v0  }
0x1ef: {  	[tilespmem:s10+$0x14C70] =	vst.add.f32.msk $0xffff, v7  }
0x1f0: {  	[tilespmem:s10+$0x14C80] =	vst.add.f32.msk $0xffff, v4  }
0x1f1: {  	[tilespmem:s10+$0x14C90] =	vst.add.f32.msk $0xffff, v5  }
0x1f2: {  	[tilespmem:s10+$0x14CA0] =	vst.add.f32.msk $0xffff, v6;
	s0 =	sand.u32 $0x300, s0  }
0x1f3: {  	[tilespmem:s10+$0x14CB0] =	vst.add.f32.msk $0xffff, v3;
	s0 =	sor.u32 s0, s8  }
0x1f4: {  	[tilespmem:s10+$0x14CC0] =	vst.add.f32.msk $0xffff, v2;
	s0 =	sor.u32 s2, s0  }
0x1f5: {  	[tilespmem:s10+$0x14CD0] =	vst.add.f32.msk $0xffff, v1;
	s0 =	sshrl.u32 s0, $0x3  }
0x1f6: {  	[tilespmem:s10+$0x14CE0] =	vst.add.f32.msk $0xffff, v0;
	s0 =	sadd.s32 s5, s0  }
0x1f7: {  	[hbm4b:s0+s15] =	stream.strided.scatter [tilespmem:s19], [sflag:$0x7], $0x4000, s14, s15, $0x38;
	[tilespmem:$0x1C900] =	vst v63  }
0x1f8: {  	s0 =	simm.s32 @!p0 $0x6  }
0x1f9: {  	_ =	swait.ge @!p0 [sflag:s0], $0x4000  }
0x1fa: {  	s6 =	simm.s32 @!p0 $0x80;
	[sflag:s0] =	ssyncset.done @!p0 $0x0  }
0x1fb: {  	s10 =	simm.s32 @!p0 $0x10900;
	[sflag:s0] =	ssyncadd.s32 @!p0 $0xFFFFC000;
	s0 =	sadd.s32 @!p0 $0x6780, s11  }
0x1fc: {  	[tilespmem:s10], [sflag:$0x2] =	stream.indirect.gather @!p0 [hbm4b:s1+s6], $0x80, s0, s6, $0xb8;
	[tilespmem:$0x1C900] =	vst v63  }
0x1fd: {  	_ =	swait.ge [sflag:s24], $0x4000  }
0x1fe: {  	[sflag:s24] =	ssyncset.done $0x0  }
0x1ff: {  	p0 =	sgt.u32 s4, $0x64;
	s0 =	simm.s32 $0x80;
	[sflag:s24] =	ssyncadd.s32 $0xFFFFC000  }
0x200: {  	s0 =	simm.s32 @!p0 $0x0;
	v0 =	vld [tilespmem:s3+$0x0]  }
0x201: {  	v1 =	vld [tilespmem:s0+$0x6400]  }
0x202: {  	v2 =	vld [tilespmem:s3+$0x10]  }
0x203: {  	v3 =	vld [tilespmem:s0+$0x6410]  }
0x204: {  	v6 =	vld [tilespmem:s3+$0x20]  }
0x205: {  	v7 =	vld [tilespmem:s0+$0x6420]  }
0x206: {  	v8 =	vld [tilespmem:s3+$0x30]  }
0x207: {  	v9 =	vld [tilespmem:s0+$0x6430]  }
0x208: {  	v10 =	vld [tilespmem:s3+$0x40]  }
0x209: {  	v11 =	vld [tilespmem:s0+$0x6440]  }
0x20a: {  	v12 =	vld [tilespmem:s3+$0x50]  }
0x20b: {  	v13 =	vld [tilespmem:s0+$0x6450]  }
0x20c: {  	v14 =	vld [tilespmem:s3+$0x60]  }
0x20d: {  	v16 =	vld [tilespmem:s3+$0x70]  }
0x20e: {  	v17 =	vld [tilespmem:s0+$0x6470]  }
0x20f: {  	v15 =	vld [tilespmem:s0+$0x6460];
	_ =	sdelay $0x1  }
0x210: {  	v4 =	vadd.f32 v1, v0;
	v5 =	vadd.f32 v3, v2  }
0x211: {  	v6 =	vadd.f32 v7, v6;
	v3 =	vadd.f32 v9, v8  }
0x212: {  	v2 =	vadd.f32 v11, v10;
	v7 =	vadd.f32 v17, v16  }
0x213: {  	s4 =	simm.s32 $0x1000;
	s0 =	simm.s32 $0x0;
	v1 =	vadd.f32 v13, v12;
	v0 =	vadd.f32 v15, v14  }
.LBB2_9:
0x214: {  	p0 =	sne.s32 s4, $0xF000;
	[tilespmem:s0+$0x18CF0] =	vst.add.f32.msk $0xffff, v7  }
0x215: {  	[tilespmem:s0+$0x18900] =	vst.add.f32.msk $0xffff, v4  }
0x216: {  	[tilespmem:s0+$0x18910] =	vst.add.f32.msk $0xffff, v5  }
0x217: {  	[tilespmem:s0+$0x18920] =	vst.add.f32.msk $0xffff, v6  }
0x218: {  	[tilespmem:s0+$0x18930] =	vst.add.f32.msk $0xffff, v3  }
0x219: {  	[tilespmem:s0+$0x18940] =	vst.add.f32.msk $0xffff, v2  }
0x21a: {  	[tilespmem:s0+$0x18950] =	vst.add.f32.msk $0xffff, v1  }
0x21b: {  	[tilespmem:s0+$0x18960] =	vst.add.f32.msk $0xffff, v0  }
0x21c: {  	[tilespmem:s0+$0x18970] =	vst.add.f32.msk $0xffff, v7  }
0x21d: {  	[tilespmem:s0+$0x18980] =	vst.add.f32.msk $0xffff, v4  }
0x21e: {  	[tilespmem:s0+$0x18990] =	vst.add.f32.msk $0xffff, v5  }
0x21f: {  	[tilespmem:s0+$0x189A0] =	vst.add.f32.msk $0xffff, v6  }
0x220: {  	[tilespmem:s0+$0x189B0] =	vst.add.f32.msk $0xffff, v3  }
0x221: {  	[tilespmem:s0+$0x189C0] =	vst.add.f32.msk $0xffff, v2  }
0x222: {  	[tilespmem:s0+$0x189D0] =	vst.add.f32.msk $0xffff, v1  }
0x223: {  	[tilespmem:s0+$0x189E0] =	vst.add.f32.msk $0xffff, v0  }
0x224: {  	[tilespmem:s0+$0x189F0] =	vst.add.f32.msk $0xffff, v7  }
0x225: {  	[tilespmem:s0+$0x18A00] =	vst.add.f32.msk $0xffff, v4  }
0x226: {  	[tilespmem:s0+$0x18A10] =	vst.add.f32.msk $0xffff, v5  }
0x227: {  	[tilespmem:s0+$0x18A20] =	vst.add.f32.msk $0xffff, v6  }
0x228: {  	[tilespmem:s0+$0x18A30] =	vst.add.f32.msk $0xffff, v3  }
0x229: {  	[tilespmem:s0+$0x18A40] =	vst.add.f32.msk $0xffff, v2  }
0x22a: {  	[tilespmem:s0+$0x18A50] =	vst.add.f32.msk $0xffff, v1  }
0x22b: {  	[tilespmem:s0+$0x18A60] =	vst.add.f32.msk $0xffff, v0  }
0x22c: {  	[tilespmem:s0+$0x18A70] =	vst.add.f32.msk $0xffff, v7  }
0x22d: {  	[tilespmem:s0+$0x18A80] =	vst.add.f32.msk $0xffff, v4  }
0x22e: {  	[tilespmem:s0+$0x18A90] =	vst.add.f32.msk $0xffff, v5  }
0x22f: {  	[tilespmem:s0+$0x18AA0] =	vst.add.f32.msk $0xffff, v6  }
0x230: {  	[tilespmem:s0+$0x18AB0] =	vst.add.f32.msk $0xffff, v3  }
0x231: {  	[tilespmem:s0+$0x18AC0] =	vst.add.f32.msk $0xffff, v2  }
0x232: {  	[tilespmem:s0+$0x18AD0] =	vst.add.f32.msk $0xffff, v1  }
0x233: {  	[tilespmem:s0+$0x18AE0] =	vst.add.f32.msk $0xffff, v0  }
0x234: {  	[tilespmem:s0+$0x18AF0] =	vst.add.f32.msk $0xffff, v7  }
0x235: {  	[tilespmem:s0+$0x18B00] =	vst.add.f32.msk $0xffff, v4  }
0x236: {  	[tilespmem:s0+$0x18B10] =	vst.add.f32.msk $0xffff, v5  }
0x237: {  	[tilespmem:s0+$0x18B20] =	vst.add.f32.msk $0xffff, v6  }
0x238: {  	[tilespmem:s0+$0x18B30] =	vst.add.f32.msk $0xffff, v3  }
0x239: {  	[tilespmem:s0+$0x18B40] =	vst.add.f32.msk $0xffff, v2  }
0x23a: {  	[tilespmem:s0+$0x18B50] =	vst.add.f32.msk $0xffff, v1  }
0x23b: {  	[tilespmem:s0+$0x18B60] =	vst.add.f32.msk $0xffff, v0  }
0x23c: {  	[tilespmem:s0+$0x18B70] =	vst.add.f32.msk $0xffff, v7  }
0x23d: {  	[tilespmem:s0+$0x18B80] =	vst.add.f32.msk $0xffff, v4  }
0x23e: {  	[tilespmem:s0+$0x18B90] =	vst.add.f32.msk $0xffff, v5  }
0x23f: {  	[tilespmem:s0+$0x18BA0] =	vst.add.f32.msk $0xffff, v6  }
0x240: {  	[tilespmem:s0+$0x18BB0] =	vst.add.f32.msk $0xffff, v3  }
0x241: {  	[tilespmem:s0+$0x18BC0] =	vst.add.f32.msk $0xffff, v2  }
0x242: {  	[tilespmem:s0+$0x18BD0] =	vst.add.f32.msk $0xffff, v1  }
0x243: {  	[tilespmem:s0+$0x18BE0] =	vst.add.f32.msk $0xffff, v0  }
0x244: {  	[tilespmem:s0+$0x18BF0] =	vst.add.f32.msk $0xffff, v7  }
0x245: {  	[tilespmem:s0+$0x18C00] =	vst.add.f32.msk $0xffff, v4  }
0x246: {  	[tilespmem:s0+$0x18C10] =	vst.add.f32.msk $0xffff, v5  }
0x247: {  	[tilespmem:s0+$0x18C20] =	vst.add.f32.msk $0xffff, v6  }
0x248: {  	[tilespmem:s0+$0x18C30] =	vst.add.f32.msk $0xffff, v3  }
0x249: {  	[tilespmem:s0+$0x18C40] =	vst.add.f32.msk $0xffff, v2  }
0x24a: {  	[tilespmem:s0+$0x18C50] =	vst.add.f32.msk $0xffff, v1  }
0x24b: {  	[tilespmem:s0+$0x18C60] =	vst.add.f32.msk $0xffff, v0  }
0x24c: {  	[tilespmem:s0+$0x18C70] =	vst.add.f32.msk $0xffff, v7  }
0x24d: {  	[tilespmem:s0+$0x18C80] =	vst.add.f32.msk $0xffff, v4  }
0x24e: {  	[tilespmem:s0+$0x18C90] =	vst.add.f32.msk $0xffff, v5  }
.Ltmp3:
0x24f: {  	[tilespmem:s0+$0x18CA0] =	vst.add.f32.msk $0xffff, v6;
	(pc) =	sbr.rel @p0 .LBB2_9-.Ltmp3, $4  }
0x250: {  	[tilespmem:s0+$0x18CB0] =	vst.add.f32.msk $0xffff, v3  }
0x251: {  	[tilespmem:s0+$0x18CC0] =	vst.add.f32.msk $0xffff, v2  }
0x252: {  	[tilespmem:s0+$0x18CD0] =	vst.add.f32.msk $0xffff, v1  }
0x253: {  	[tilespmem:s0+$0x18CE0] =	vst.add.f32.msk $0xffff, v0;
	s0 =	sshra.s32 s4, $0x2;
	s4 =	sadd.s32 $0x1000, s4  }
0x254: {  	[tilespmem:s0+$0x18CF0] =	vst.add.f32.msk $0xffff, v7  }
0x255: {  	[tilespmem:s0+$0x18900] =	vst.add.f32.msk $0xffff, v4  }
0x256: {  	[tilespmem:s0+$0x18910] =	vst.add.f32.msk $0xffff, v5  }
0x257: {  	[tilespmem:s0+$0x18920] =	vst.add.f32.msk $0xffff, v6  }
0x258: {  	[tilespmem:s0+$0x18930] =	vst.add.f32.msk $0xffff, v3  }
0x259: {  	[tilespmem:s0+$0x18940] =	vst.add.f32.msk $0xffff, v2  }
0x25a: {  	[tilespmem:s0+$0x18950] =	vst.add.f32.msk $0xffff, v1  }
0x25b: {  	[tilespmem:s0+$0x18960] =	vst.add.f32.msk $0xffff, v0  }
0x25c: {  	[tilespmem:s0+$0x18970] =	vst.add.f32.msk $0xffff, v7  }
0x25d: {  	[tilespmem:s0+$0x18980] =	vst.add.f32.msk $0xffff, v4  }
0x25e: {  	[tilespmem:s0+$0x18990] =	vst.add.f32.msk $0xffff, v5  }
0x25f: {  	[tilespmem:s0+$0x189A0] =	vst.add.f32.msk $0xffff, v6  }
0x260: {  	[tilespmem:s0+$0x189B0] =	vst.add.f32.msk $0xffff, v3  }
0x261: {  	[tilespmem:s0+$0x189C0] =	vst.add.f32.msk $0xffff, v2  }
0x262: {  	[tilespmem:s0+$0x189D0] =	vst.add.f32.msk $0xffff, v1  }
0x263: {  	[tilespmem:s0+$0x189E0] =	vst.add.f32.msk $0xffff, v0  }
0x264: {  	[tilespmem:s0+$0x189F0] =	vst.add.f32.msk $0xffff, v7  }
0x265: {  	[tilespmem:s0+$0x18A00] =	vst.add.f32.msk $0xffff, v4  }
0x266: {  	[tilespmem:s0+$0x18A10] =	vst.add.f32.msk $0xffff, v5  }
0x267: {  	[tilespmem:s0+$0x18A20] =	vst.add.f32.msk $0xffff, v6  }
0x268: {  	[tilespmem:s0+$0x18A30] =	vst.add.f32.msk $0xffff, v3  }
0x269: {  	[tilespmem:s0+$0x18A40] =	vst.add.f32.msk $0xffff, v2  }
0x26a: {  	[tilespmem:s0+$0x18A50] =	vst.add.f32.msk $0xffff, v1  }
0x26b: {  	[tilespmem:s0+$0x18A60] =	vst.add.f32.msk $0xffff, v0  }
0x26c: {  	[tilespmem:s0+$0x18A70] =	vst.add.f32.msk $0xffff, v7  }
0x26d: {  	[tilespmem:s0+$0x18A80] =	vst.add.f32.msk $0xffff, v4  }
0x26e: {  	[tilespmem:s0+$0x18A90] =	vst.add.f32.msk $0xffff, v5  }
0x26f: {  	[tilespmem:s0+$0x18AA0] =	vst.add.f32.msk $0xffff, v6  }
0x270: {  	[tilespmem:s0+$0x18AB0] =	vst.add.f32.msk $0xffff, v3  }
0x271: {  	[tilespmem:s0+$0x18AC0] =	vst.add.f32.msk $0xffff, v2  }
0x272: {  	[tilespmem:s0+$0x18AD0] =	vst.add.f32.msk $0xffff, v1  }
0x273: {  	[tilespmem:s0+$0x18AE0] =	vst.add.f32.msk $0xffff, v0  }
0x274: {  	[tilespmem:s0+$0x18AF0] =	vst.add.f32.msk $0xffff, v7  }
0x275: {  	[tilespmem:s0+$0x18B00] =	vst.add.f32.msk $0xffff, v4  }
0x276: {  	[tilespmem:s0+$0x18B10] =	vst.add.f32.msk $0xffff, v5  }
0x277: {  	[tilespmem:s0+$0x18B20] =	vst.add.f32.msk $0xffff, v6  }
0x278: {  	[tilespmem:s0+$0x18B30] =	vst.add.f32.msk $0xffff, v3  }
0x279: {  	[tilespmem:s0+$0x18B40] =	vst.add.f32.msk $0xffff, v2  }
0x27a: {  	[tilespmem:s0+$0x18B50] =	vst.add.f32.msk $0xffff, v1  }
0x27b: {  	[tilespmem:s0+$0x18B60] =	vst.add.f32.msk $0xffff, v0  }
0x27c: {  	[tilespmem:s0+$0x18B70] =	vst.add.f32.msk $0xffff, v7  }
0x27d: {  	[tilespmem:s0+$0x18B80] =	vst.add.f32.msk $0xffff, v4  }
0x27e: {  	[tilespmem:s0+$0x18B90] =	vst.add.f32.msk $0xffff, v5  }
0x27f: {  	[tilespmem:s0+$0x18BA0] =	vst.add.f32.msk $0xffff, v6  }
0x280: {  	[tilespmem:s0+$0x18BB0] =	vst.add.f32.msk $0xffff, v3  }
0x281: {  	[tilespmem:s0+$0x18BC0] =	vst.add.f32.msk $0xffff, v2  }
0x282: {  	[tilespmem:s0+$0x18BD0] =	vst.add.f32.msk $0xffff, v1  }
0x283: {  	[tilespmem:s0+$0x18BE0] =	vst.add.f32.msk $0xffff, v0  }
0x284: {  	[tilespmem:s0+$0x18BF0] =	vst.add.f32.msk $0xffff, v7  }
0x285: {  	[tilespmem:s0+$0x18C00] =	vst.add.f32.msk $0xffff, v4  }
0x286: {  	[tilespmem:s0+$0x18C10] =	vst.add.f32.msk $0xffff, v5  }
0x287: {  	[tilespmem:s0+$0x18C20] =	vst.add.f32.msk $0xffff, v6  }
0x288: {  	[tilespmem:s0+$0x18C30] =	vst.add.f32.msk $0xffff, v3  }
0x289: {  	[tilespmem:s0+$0x18C40] =	vst.add.f32.msk $0xffff, v2  }
0x28a: {  	[tilespmem:s0+$0x18C50] =	vst.add.f32.msk $0xffff, v1  }
0x28b: {  	[tilespmem:s0+$0x18C60] =	vst.add.f32.msk $0xffff, v0  }
0x28c: {  	[tilespmem:s0+$0x18C70] =	vst.add.f32.msk $0xffff, v7  }
0x28d: {  	[tilespmem:s0+$0x18C80] =	vst.add.f32.msk $0xffff, v4  }
0x28e: {  	[tilespmem:s0+$0x18C90] =	vst.add.f32.msk $0xffff, v5;
	s31 =	sadd.s32 $0x1, s31  }
0x28f: {  	[tilespmem:s0+$0x18CA0] =	vst.add.f32.msk $0xffff, v6;
	s3 =	sand.u32 $0x380, s3;
	p0 =	sne.s32 s31, $0x32  }
.Ltmp4:
0x290: {  	[tilespmem:s0+$0x18CB0] =	vst.add.f32.msk $0xffff, v3;
	s3 =	sor.u32 s3, s8;
	(pc) =	sbr.rel @p0 .LBB2_2-.Ltmp4, $4  }
0x291: {  	[tilespmem:s0+$0x18CC0] =	vst.add.f32.msk $0xffff, v2;
	s2 =	sor.u32 s2, s3  }
0x292: {  	[tilespmem:s0+$0x18CD0] =	vst.add.f32.msk $0xffff, v1;
	s2 =	sshrl.u32 s2, $0x3  }
0x293: {  	[tilespmem:s0+$0x18CE0] =	vst.add.f32.msk $0xffff, v0;
	s17 =	sadd.s32 s5, s2  }
0x294: {  	[hbm4b:s17+s15] =	stream.strided.scatter [tilespmem:s21], [sflag:$0x8], $0x4000, s14, s15, $0x38;
	[tilespmem:$0x1C900] =	vst v63  }
0x295: {  	_ =	swait.ge [sflag:s25], $0x4000  }
0x296: {  	[sflag:s25] =	ssyncset.done $0x0  }
0x297: {  	[sflag:s25] =	ssyncadd.s32 $0xFFFFC000  }
0x298: {  	_ =	swait.ge [sflag:s26], $0x4000  }
0x299: {  	[sflag:s26] =	ssyncset.done $0x0  }
0x29a: {  	s30 =	sadd.s32 $0x1, s30;
	[sflag:s26] =	ssyncadd.s32 $0xFFFFC000  }
0x29b: {  	p0 =	sne.s32 s30, s9;
	_ =	swait.ge [sflag:s28], $0x4000  }
.Ltmp5:
0x29c: {  	[sflag:s28] =	ssyncset.done $0x0;
	(pc) =	sbr.rel @p0 .LBB2_1-.Ltmp5, $4  }
0x29d: {  	[sflag:s28] =	ssyncadd.s32 $0xFFFFC000  }
0x29e: {  	_ =	swait.ge [sflag:s29], $0x4000  }
0x29f: {  	[sflag:s29] =	ssyncset.done $0x0  }
0x2a0: {  	[sflag:s29] =	ssyncadd.s32 $0xFFFFC000  }
0x2a1: {  	_ =	sfence.sel $0x180000  }
0x2a2: {  	[bflag:$0x0] =	sbarrier.arrive $0xFFFF  }
0x2a3: {  	_ =	strace $0x90000047  }
0x2a4: {  	s0 =	stileid.u32;
	[bflag:$0x2] =	sbarrier.arrive $0xFFFF  }
0x2a5: {  	p0 =	sne.s32 s0, $0x0;
	s0 =	rddreg [dreg:$0x5]  }
0x2a6: {  	s0 =	sadd.s32 @!p0 $0x100000, s0  }
0x2a7: {  	[sflag:s0] =	ssyncadd.tile.s32 @!p0 $0x1;
	_ =	shalt  }
.Lfunc_end2:
_tile_overlayer_lowered:
.L_overlay_start_2:
0x2a8: {  	(tag) =	ssettag $0x2  }
0x2a9: {  	s0 =	rddreg [dreg:$0x0];
	s2 =	stileid.u32  }
0x2aa: {  	s1 =	rddreg [dreg:$0x1];
	p0 =	sne.s32 s2, $0x0  }
0x2ab: {  	s3 =	rddreg [dreg:$0x2];
	[bflag:$0x3] =	sbarrier.arrive $0xFFFF;
	s2 =	simm.s32 @!p0 $0x1C09  }
0x2ac: {  	[timem:s3], [sflag:s2] =	dma.local @!p0 [hbm:s0], s1  }
0x2ad: {  	s0 =	simm.s32 @!p0 $0x9  }
0x2ae: {  	_ =	swait.ge @!p0 [sflag:s0], s1  }
0x2af: {  	s1 =	ssub.s32 @!p0 $0x0, s1;
	[sflag:s0] =	ssyncset.done @!p0 $0x0  }
0x2b0: {  	[sflag:s0] =	ssyncadd.s32 @!p0 s1  }
0x2b1: {  	[bflag:$0x3] =	sbarrier.arrive $0xFFFF  }
0x2b2: {  	_ =	shalt  }

</sc_bundles>
